<compile_context>
chip_gen: v7x
topology: tpu7x:2x2x1
jax: 0.10.2.dev20260603
libtpu: 0.0.44.dev20260713+nightly
codegen_flags: <defaults>
</compile_context>

<pallas_src>
import functools

import jax
import jax.numpy as jnp
import numpy as np
from jax import lax
from jax.experimental import pallas as pl
from jax.experimental.pallas import tpu as pltpu
from jax.experimental.pallas import tpu_sc as plsc

OUT_H = 56
OUT_W = 56
NUM_WORKERS = 32
NUM_CORES = 2
LANES = 16
KP = 32
ROWK = OUT_H * KP
G = 128 // KP

UPL = ((192, 28, 1568), (384, 14, 784), (768, 7, 400))
P1_OFF = (0, 1568, 2352)
P1_TOT = 2752
CK = 8
MROWS = (21504, 43008, 86016)
CBLK = 32
NCB = 1440 // CBLK


def _lin_base(n_in: int, n_out: int):
    src = (np.arange(n_out, dtype=np.float64) + 0.5) * (n_in / n_out) - 0.5
    i0 = np.clip(np.floor(src).astype(np.int64), 0, n_in - 2)
    w1 = np.clip(src - i0, 0.0, 1.0)
    return i0, w1


@functools.lru_cache(maxsize=None)
def _tables_r5():
    t1i = np.zeros((P1_TOT,), np.int32)
    t1w = np.zeros((P1_TOT,), np.float32)
    tdr = np.zeros((P1_TOT,), np.int32)
    tdk = np.zeros((P1_TOT,), np.int32)
    wms = []
    for li, (_, n, p1p) in enumerate(UPL):
        i0, w1 = _lin_base(n, OUT_H)
        p = np.arange(56 * n)
        ho, w = p // n, p % n
        sl = slice(P1_OFF[li], P1_OFF[li] + 56 * n)
        t1i[sl] = (i0[ho] * n + w).astype(np.int32)
        t1w[sl] = w1[ho].astype(np.float32)
        tdr[sl] = ho.astype(np.int32)
        tdk[sl] = w.astype(np.int32)
        pad = slice(P1_OFF[li] + 56 * n, P1_OFF[li] + p1p)
        tdr[pad] = 0
        tdk[pad] = KP - 1
        w1d = np.zeros((KP, OUT_W), np.float32)
        for wo in range(OUT_W):
            w1d[i0[wo], wo] += 1.0 - w1[wo]
            w1d[i0[wo] + 1, wo] += w1[wo]
        wm = np.zeros((G, 128, OUT_W), np.float32)
        for j in range(G):
            wm[j, j * KP:(j + 1) * KP, :] = w1d
        wms.append(jnp.asarray(wm))
    return (jnp.asarray(t1i), jnp.asarray(t1w), jnp.asarray(tdr),
            jnp.asarray(tdk), wms)


def _sc_body(x1h, x2h, x3h, t1ih, t1wh, tdrh, tdkh, m1h, m2h, m3h,
             t1i_v, t1w_v, tdr_v, tdk_v,
             vin1a, vin1b, vin2a, vin2b, vin3a, vin3b,
             vma, vmb_,
             sem_i0, sem_i1, sem_o0, sem_o1):
    wid = lax.axis_index("s") * NUM_CORES + lax.axis_index("c")

    pltpu.sync_copy(t1ih, t1i_v)
    pltpu.sync_copy(t1wh, t1w_v)
    pltpu.sync_copy(tdrh, tdr_v)
    pltpu.sync_copy(tdkh, tdk_v)

    zero = jnp.zeros((LANES,), jnp.float32)
    for vm in (vma, vmb_):
        def zbody(i, carry, vm=vm):
            r = i // 2
            vm[r, pl.ds((i % 2) * LANES, LANES)] = zero
            return carry

        lax.fori_loop(0, 448 * 2, zbody, 0)

    for li, (xh, mh, vbufs, (C, n, p1p)) in enumerate(
            zip((x1h, x2h, x3h), (m1h, m2h, m3h),
                ((vin1a, vin1b), (vin2a, vin2b), (vin3a, vin3b)), UPL)):
        vin0, vin1 = vbufs
        n2 = n * n
        tpb = C // CK
        ntasks = 8 * tpb // NUM_WORKERS
        g1 = p1p // LANES
        toff = P1_OFF[li]

        def task_pos(t):
            u = wid * ntasks + t
            b = u // tpb
            cs = (u % tpb) * CK
            gc = b * C + cs
            return gc * n2, (gc // 32) * 448, ((gc % 32) // 8) * KP

        def issue_in(t, vinb, sem):
            ioff, _, _ = task_pos(t)
            pltpu.async_copy(xh.at[pl.ds(ioff, CK * n2)], vinb, sem)

        def wait_in(t, vinb, sem):
            ioff, _, _ = task_pos(t)
            pltpu.make_async_copy(xh.at[pl.ds(ioff, CK * n2)], vinb,
                                  sem).wait()

        def compute(vinb, vm):
            def p1_body(g, carry):
                o = g * LANES
                i0 = t1i_v[pl.ds(toff + o, LANES)]
                w1 = t1w_v[pl.ds(toff + o, LANES)]
                dr = tdr_v[pl.ds(toff + o, LANES)]
                dk = tdk_v[pl.ds(toff + o, LANES)]
                w0 = 1.0 - w1
                for c in range(CK):
                    iv0 = i0 + c * n2
                    m = (plsc.load_gather(vinb, [iv0]) * w0
                         + plsc.load_gather(vinb, [iv0 + n]) * w1)
                    plsc.store_scatter(vm, [dr + c * OUT_H, dk], m)
                return carry

            lax.fori_loop(0, g1, p1_body, 0)

        def issue_out(t, vm, sem):
            _, r0, k0 = task_pos(t)
            pltpu.async_copy(vm, mh.at[pl.ds(r0, 448), pl.ds(k0, KP)], sem)

        def drain_out(vm, sem):
            pltpu.make_async_copy(mh.at[pl.ds(0, 448), pl.ds(0, KP)], vm,
                                  sem).wait()

        issue_in(0, vin0, sem_i0)

        def pair_body(t2, carry):
            for par, vinb, vm, sem_i, sem_i_nxt, vin_nxt, sem_o in (
                    (0, vin0, vma, sem_i0, sem_i1, vin1, sem_o0),
                    (1, vin1, vmb_, sem_i1, sem_i0, vin0, sem_o1)):
                t = t2 * 2 + par
                wait_in(t, vinb, sem_i)

                @pl.when(t + 1 < ntasks)
                def _():
                    issue_in(t + 1, vin_nxt, sem_i_nxt)

                @pl.when(t2 > 0)
                def _():
                    drain_out(vm, sem_o)

                compute(vinb, vm)
                issue_out(t, vm, sem_o)
            return carry

        lax.fori_loop(0, ntasks // 2, pair_body, 0)
        drain_out(vma, sem_o0)
        drain_out(vmb_, sem_o1)


def _tc_body(w1_ref, w2_ref, w3_ref, x0_ref, m1_ref, m2_ref, m3_ref, o_ref):
    cb = pl.program_id(1)

    @pl.when(cb < 3)
    def _():
        o_ref[...] = x0_ref[...]

    def expand(m_ref, w_ref):
        m = m_ref[...]
        for j in range(G):
            r = jax.lax.dot_general(m, w_ref[j], (((1,), (0,)), ((), ())),
                                    preferred_element_type=jnp.float32)
            o_ref[:, pl.ds(j * 8, 8)] = r.reshape(1, 8, OUT_H, OUT_W)

    @pl.when(jnp.logical_and(cb >= 3, cb < 9))
    def _():
        expand(m1_ref, w1_ref)

    @pl.when(jnp.logical_and(cb >= 9, cb < 21))
    def _():
        expand(m2_ref, w2_ref)

    @pl.when(cb >= 21)
    def _():
        expand(m3_ref, w3_ref)


@jax.jit
def _hypercolumns(x0, x1f, x2f, x3f, t1i, t1w, tdr, tdk, w1, w2, w3):
    mesh = plsc.VectorSubcoreMesh(core_axis_name="c", subcore_axis_name="s")
    mids = pl.kernel(
        _sc_body,
        out_type=(jax.ShapeDtypeStruct((MROWS[0], 128), jnp.float32),
                  jax.ShapeDtypeStruct((MROWS[1], 128), jnp.float32),
                  jax.ShapeDtypeStruct((MROWS[2], 128), jnp.float32)),
        mesh=mesh,
        compiler_params=pltpu.CompilerParams(use_tc_tiling_on_sc=False,
                                             needs_layout_passes=False),
        scratch_types=[
            pltpu.VMEM((P1_TOT,), jnp.int32),
            pltpu.VMEM((P1_TOT,), jnp.float32),
            pltpu.VMEM((P1_TOT,), jnp.int32),
            pltpu.VMEM((P1_TOT,), jnp.int32),
            pltpu.VMEM((CK * 28 * 28,), jnp.float32),
            pltpu.VMEM((CK * 28 * 28,), jnp.float32),
            pltpu.VMEM((CK * 14 * 14,), jnp.float32),
            pltpu.VMEM((CK * 14 * 14,), jnp.float32),
            pltpu.VMEM((CK * 7 * 7,), jnp.float32),
            pltpu.VMEM((CK * 7 * 7,), jnp.float32),
            pltpu.VMEM((448, KP), jnp.float32),
            pltpu.VMEM((448, KP), jnp.float32),
            pltpu.SemaphoreType.DMA,
            pltpu.SemaphoreType.DMA,
            pltpu.SemaphoreType.DMA,
            pltpu.SemaphoreType.DMA,
        ],
    )(x1f, x2f, x3f, t1i, t1w, tdr, tdk)
    m1, m2, m3 = mids
    out = pl.pallas_call(
        _tc_body,
        out_shape=jax.ShapeDtypeStruct((8, 1440, OUT_H, OUT_W), jnp.float32),
        grid=(8, NCB),
        in_specs=[
            pl.BlockSpec((G, 128, OUT_W), lambda b, cb: (0, 0, 0)),
            pl.BlockSpec((G, 128, OUT_W), lambda b, cb: (0, 0, 0)),
            pl.BlockSpec((G, 128, OUT_W), lambda b, cb: (0, 0, 0)),
            pl.BlockSpec((1, CBLK, OUT_H, OUT_W),
                         lambda b, cb: (b, jnp.minimum(cb, 2), 0, 0)),
            pl.BlockSpec((448, 128),
                         lambda b, cb: (b * 6 + jnp.clip(cb - 3, 0, 5), 0)),
            pl.BlockSpec((448, 128),
                         lambda b, cb: (b * 12 + jnp.clip(cb - 9, 0, 11), 0)),
            pl.BlockSpec((448, 128),
                         lambda b, cb: (b * 24 + jnp.clip(cb - 21, 0, 23), 0)),
        ],
        out_specs=pl.BlockSpec((1, CBLK, OUT_H, OUT_W),
                               lambda b, cb: (b, cb, 0, 0)),
    )(w1, w2, w3, x0, m1, m2, m3)
    return out


def kernel(x0, x1, x2, x3):
    t1i, t1w, tdr, tdk, (w1, w2, w3) = _tables_r5()
    return _hypercolumns(x0, x1.reshape(-1), x2.reshape(-1), x3.reshape(-1),
                         t1i, t1w, tdr, tdk, w1, w2, w3)

# --- scband reference (transcript-rebuilt; emitter-appended) ---
"""Pipeline reference for scband-hypercolumns-2860448219292 (READ-ONLY COPY).

The authoritative reference and input builder live on the scoring server;
editing this copy changes nothing except your own understanding.
"""

import jax, jax.numpy as jnp
import numpy as np

OUT_SIZE = (56, 56)

def setup_inputs(seed: int = 0) -> dict:
    key = jax.random.key(seed)
    k0, k1, k2, k3 = jax.random.split(key, 4)
    x0 = jax.random.normal(k0, (8, 96, 56, 56), dtype=jnp.float32)
    x1 = jax.random.normal(k1, (8, 192, 28, 28), dtype=jnp.float32)
    x2 = jax.random.normal(k2, (8, 384, 14, 14), dtype=jnp.float32)
    x3 = jax.random.normal(k3, (8, 768, 7, 7), dtype=jnp.float32)
    return {"x0": x0, "x1": x1, "x2": x2, "x3": x3}

def _resize_bilinear(x, out_size):
    # matches torch F.interpolate(mode='bilinear', align_corners=False)
    b, c = x.shape[0], x.shape[1]
    return jax.image.resize(x, (b, c, out_size[0], out_size[1]), method="bilinear")

def reference(x0, x1, x2, x3) -> jnp.ndarray:
    # Hypercolumns with full=True: interpolate every layer to out_size and concat on channels
    hyperlist = [x0, x1, x2, x3]
    resized = [_resize_bilinear(layer, OUT_SIZE) for layer in hyperlist]
    hypercols = jnp.concatenate(resized, axis=1)
    return hypercols

if __name__ == "__main__":
    import jax
    _d = setup_inputs()
    print(jax.jit(kernel)(*tuple(_d.values())))

</pallas_src>

<mosaic_0001>
#map = affine_map<(d0, d1) -> (0)>
#map1 = affine_map<(d0, d1) -> (0, 0)>
module attributes {stable_mosaic.version = 14 : i64} {
  func.func @_sc_body(%arg0: i32, %arg1: i32, %arg2: memref<1204224xf32, #tpu.memory_space<hbm>>, %arg3: memref<602112xf32, #tpu.memory_space<hbm>>, %arg4: memref<301056xf32, #tpu.memory_space<hbm>>, %arg5: memref<2752xi32, #tpu.memory_space<hbm>>, %arg6: memref<2752xf32, #tpu.memory_space<hbm>>, %arg7: memref<2752xi32, #tpu.memory_space<hbm>>, %arg8: memref<2752xi32, #tpu.memory_space<hbm>>, %arg9: memref<21504x128xf32, #tpu.memory_space<hbm>>, %arg10: memref<43008x128xf32, #tpu.memory_space<hbm>>, %arg11: memref<86016x128xf32, #tpu.memory_space<hbm>>, %arg12: memref<2752xi32, #tpu.memory_space<vmem>>, %arg13: memref<2752xf32, #tpu.memory_space<vmem>>, %arg14: memref<2752xi32, #tpu.memory_space<vmem>>, %arg15: memref<2752xi32, #tpu.memory_space<vmem>>, %arg16: memref<6272xf32, #tpu.memory_space<vmem>>, %arg17: memref<6272xf32, #tpu.memory_space<vmem>>, %arg18: memref<1568xf32, #tpu.memory_space<vmem>>, %arg19: memref<1568xf32, #tpu.memory_space<vmem>>, %arg20: memref<392xf32, #tpu.memory_space<vmem>>, %arg21: memref<392xf32, #tpu.memory_space<vmem>>, %arg22: memref<448x32xf32, #tpu.memory_space<vmem>>, %arg23: memref<448x32xf32, #tpu.memory_space<vmem>>, %arg24: memref<!tpu.dma_semaphore, #tpu.memory_space<semaphore_mem>>, %arg25: memref<!tpu.dma_semaphore, #tpu.memory_space<semaphore_mem>>, %arg26: memref<!tpu.dma_semaphore, #tpu.memory_space<semaphore_mem>>, %arg27: memref<!tpu.dma_semaphore, #tpu.memory_space<semaphore_mem>>) attributes {dimension_semantics = [#tpu.dimension_semantics<core_parallel>, #tpu.dimension_semantics<subcore_parallel>], iteration_bounds = array<i64: 2, 16>, scalar_prefetch = 0 : i64, scratch_operands = 16 : i64, tpu.core_type = #tpu.core_type<sc_vector_subcore>, window_params = [{transform_indices = #map}, {transform_indices = #map}, {transform_indices = #map}, {transform_indices = #map}, {transform_indices = #map}, {transform_indices = #map}, {transform_indices = #map}, {transform_indices = #map1}, {transform_indices = #map1}, {transform_indices = #map1}]} {
    %mul3A = arith.constant 2 : i32
    %mul3A_0 = arith.muli %arg1, %mul3A : i32
    %add3A = arith.addi %mul3A_0, %arg0 : i32
    "tpu.region"() ({
      %run_scoped3A = tpu.sem_alloc : memref<!tpu.dma_semaphore, #tpu.memory_space<semaphore_mem>>
      tpu.enqueue_dma source(%arg5 : memref<2752xi32, #tpu.memory_space<hbm>>) target(%arg12 : memref<2752xi32, #tpu.memory_space<vmem>>) target_semaphore(%run_scoped3A : memref<!tpu.dma_semaphore, #tpu.memory_space<semaphore_mem>>)
      tpu.wait_dma2 semaphore(%run_scoped3A : memref<!tpu.dma_semaphore, #tpu.memory_space<semaphore_mem>>) src(%arg5 : memref<2752xi32, #tpu.memory_space<hbm>>) dst(%arg12 : memref<2752xi32, #tpu.memory_space<vmem>>)
      tpu.yield
    }) : () -> ()
    "tpu.region"() ({
      %run_scoped3A = tpu.sem_alloc : memref<!tpu.dma_semaphore, #tpu.memory_space<semaphore_mem>>
      tpu.enqueue_dma source(%arg6 : memref<2752xf32, #tpu.memory_space<hbm>>) target(%arg13 : memref<2752xf32, #tpu.memory_space<vmem>>) target_semaphore(%run_scoped3A : memref<!tpu.dma_semaphore, #tpu.memory_space<semaphore_mem>>)
      tpu.wait_dma2 semaphore(%run_scoped3A : memref<!tpu.dma_semaphore, #tpu.memory_space<semaphore_mem>>) src(%arg6 : memref<2752xf32, #tpu.memory_space<hbm>>) dst(%arg13 : memref<2752xf32, #tpu.memory_space<vmem>>)
      tpu.yield
    }) : () -> ()
    "tpu.region"() ({
      %run_scoped3A = tpu.sem_alloc : memref<!tpu.dma_semaphore, #tpu.memory_space<semaphore_mem>>
      tpu.enqueue_dma source(%arg7 : memref<2752xi32, #tpu.memory_space<hbm>>) target(%arg14 : memref<2752xi32, #tpu.memory_space<vmem>>) target_semaphore(%run_scoped3A : memref<!tpu.dma_semaphore, #tpu.memory_space<semaphore_mem>>)
      tpu.wait_dma2 semaphore(%run_scoped3A : memref<!tpu.dma_semaphore, #tpu.memory_space<semaphore_mem>>) src(%arg7 : memref<2752xi32, #tpu.memory_space<hbm>>) dst(%arg14 : memref<2752xi32, #tpu.memory_space<vmem>>)
      tpu.yield
    }) : () -> ()
    "tpu.region"() ({
      %run_scoped3A = tpu.sem_alloc : memref<!tpu.dma_semaphore, #tpu.memory_space<semaphore_mem>>
      tpu.enqueue_dma source(%arg8 : memref<2752xi32, #tpu.memory_space<hbm>>) target(%arg15 : memref<2752xi32, #tpu.memory_space<vmem>>) target_semaphore(%run_scoped3A : memref<!tpu.dma_semaphore, #tpu.memory_space<semaphore_mem>>)
      tpu.wait_dma2 semaphore(%run_scoped3A : memref<!tpu.dma_semaphore, #tpu.memory_space<semaphore_mem>>) src(%arg8 : memref<2752xi32, #tpu.memory_space<hbm>>) dst(%arg15 : memref<2752xi32, #tpu.memory_space<vmem>>)
      tpu.yield
    }) : () -> ()
    %broadcast_in_dim3A = arith.constant 0.000000e+00 : f32
    %broadcast_in_dim3A_1 = vector.broadcast %broadcast_in_dim3A : f32 to vector<16xf32>
    %scan3A = arith.constant 0 : i32
    %scan3A_2 = arith.constant 0 : i32
    %scan3A_3 = arith.constant 896 : i32
    %scan3A_4 = arith.addi %scan3A_2, %scan3A_3 : i32
    %scan3A_5 = arith.constant 1 : i32
    scf.for %scan3A_418 = %scan3A_2 to %scan3A_4 step %scan3A_5  : i32 {
      %jit3A_419 = arith.constant 2 : i32
      %div3A_420 = arith.divsi %scan3A_418, %jit3A_419 : i32
      %sign3A_421 = arith.constant 0 : i32
      %sign3A_422 = arith.cmpi sgt, %scan3A_418, %sign3A_421 : i32
      %sign3A_423 = arith.extui %sign3A_422 : i1 to i32
      %sign3A_424 = arith.constant 0 : i32
      %sign3A_425 = arith.cmpi slt, %scan3A_418, %sign3A_424 : i32
      %sign3A_426 = arith.extui %sign3A_425 : i1 to i32
      %sign3A_427 = arith.subi %sign3A_423, %sign3A_426 : i32
      %sign3A_428 = arith.constant 0 : i32
      %sign3A_429 = arith.cmpi sgt, %jit3A_419, %sign3A_428 : i32
      %sign3A_430 = arith.extui %sign3A_429 : i1 to i32
      %sign3A_431 = arith.constant 0 : i32
      %sign3A_432 = arith.cmpi slt, %jit3A_419, %sign3A_431 : i32
      %sign3A_433 = arith.extui %sign3A_432 : i1 to i32
      %sign3A_434 = arith.subi %sign3A_430, %sign3A_433 : i32
      %ne3A_435 = arith.cmpi ne, %sign3A_427, %sign3A_434 : i32
      %rem3A_436 = arith.remsi %scan3A_418, %jit3A_419 : i32
      %ne3A_437 = arith.constant 0 : i32
      %ne3A_438 = arith.cmpi ne, %rem3A_436, %ne3A_437 : i32
      %and3A_439 = arith.andi %ne3A_435, %ne3A_438 : i1
      %sub3A_440 = arith.constant 1 : i32
      %sub3A_441 = arith.subi %div3A_420, %sub3A_440 : i32
      %select_n3A_442 = arith.select %and3A_439, %sub3A_441, %div3A_420 : i32
      %jit3A_443 = arith.constant 2 : i32
      %eq3A_444 = arith.constant 0 : i32
      %eq3A_445 = arith.cmpi eq, %jit3A_443, %eq3A_444 : i32
      %jit3A_446 = arith.constant 1 : i32
      %select_n3A_447 = arith.select %eq3A_445, %jit3A_446, %jit3A_443 : i32
      %rem3A_448 = arith.remsi %scan3A_418, %select_n3A_447 : i32
      %ne3A_449 = arith.constant 0 : i32
      %ne3A_450 = arith.cmpi ne, %rem3A_448, %ne3A_449 : i32
      %lt3A_451 = arith.constant 0 : i32
      %lt3A_452 = arith.cmpi slt, %rem3A_448, %lt3A_451 : i32
      %lt3A_453 = arith.constant 0 : i32
      %lt3A_454 = arith.cmpi slt, %select_n3A_447, %lt3A_453 : i32
      %ne3A_455 = arith.xori %lt3A_452, %lt3A_454 : i1
      %and3A_456 = arith.andi %ne3A_455, %ne3A_450 : i1
      %add3A_457 = arith.addi %rem3A_448, %select_n3A_447 : i32
      %select_n3A_458 = arith.select %and3A_456, %add3A_457, %rem3A_448 : i32
      %mul3A_459 = arith.constant 16 : i32
      %mul3A_460 = arith.muli %select_n3A_458, %mul3A_459 : i32
      %swap3A = arith.index_cast %select_n3A_442 : i32 to index
      %swap3A_461 = arith.index_cast %mul3A_460 : i32 to index
      %swap3A_462 = tpu.vector_load %arg22[%swap3A, %swap3A_461] {strides = array<i32>} : memref<448x32xf32, #tpu.memory_space<vmem>>, vector<16xf32>,
      tpu.vector_store %arg22[%swap3A, %swap3A_461], %broadcast_in_dim3A_1 {strides = array<i32>} : memref<448x32xf32, #tpu.memory_space<vmem>>, vector<16xf32>,
    }
    %scan3A_6 = arith.constant 896 : i32
    %scan3A_7 = arith.constant 0 : i32
    %scan3A_8 = arith.constant 0 : i32
    %scan3A_9 = arith.constant 896 : i32
    %scan3A_10 = arith.addi %scan3A_8, %scan3A_9 : i32
    %scan3A_11 = arith.constant 1 : i32
    scf.for %scan3A_418 = %scan3A_8 to %scan3A_10 step %scan3A_11  : i32 {
      %jit3A_419 = arith.constant 2 : i32
      %div3A_420 = arith.divsi %scan3A_418, %jit3A_419 : i32
      %sign3A_421 = arith.constant 0 : i32
      %sign3A_422 = arith.cmpi sgt, %scan3A_418, %sign3A_421 : i32
      %sign3A_423 = arith.extui %sign3A_422 : i1 to i32
      %sign3A_424 = arith.constant 0 : i32
      %sign3A_425 = arith.cmpi slt, %scan3A_418, %sign3A_424 : i32
      %sign3A_426 = arith.extui %sign3A_425 : i1 to i32
      %sign3A_427 = arith.subi %sign3A_423, %sign3A_426 : i32
      %sign3A_428 = arith.constant 0 : i32
      %sign3A_429 = arith.cmpi sgt, %jit3A_419, %sign3A_428 : i32
      %sign3A_430 = arith.extui %sign3A_429 : i1 to i32
      %sign3A_431 = arith.constant 0 : i32
      %sign3A_432 = arith.cmpi slt, %jit3A_419, %sign3A_431 : i32
      %sign3A_433 = arith.extui %sign3A_432 : i1 to i32
      %sign3A_434 = arith.subi %sign3A_430, %sign3A_433 : i32
      %ne3A_435 = arith.cmpi ne, %sign3A_427, %sign3A_434 : i32
      %rem3A_436 = arith.remsi %scan3A_418, %jit3A_419 : i32
      %ne3A_437 = arith.constant 0 : i32
      %ne3A_438 = arith.cmpi ne, %rem3A_436, %ne3A_437 : i32
      %and3A_439 = arith.andi %ne3A_435, %ne3A_438 : i1
      %sub3A_440 = arith.constant 1 : i32
      %sub3A_441 = arith.subi %div3A_420, %sub3A_440 : i32
      %select_n3A_442 = arith.select %and3A_439, %sub3A_441, %div3A_420 : i32
      %jit3A_443 = arith.constant 2 : i32
      %eq3A_444 = arith.constant 0 : i32
      %eq3A_445 = arith.cmpi eq, %jit3A_443, %eq3A_444 : i32
      %jit3A_446 = arith.constant 1 : i32
      %select_n3A_447 = arith.select %eq3A_445, %jit3A_446, %jit3A_443 : i32
      %rem3A_448 = arith.remsi %scan3A_418, %select_n3A_447 : i32
      %ne3A_449 = arith.constant 0 : i32
      %ne3A_450 = arith.cmpi ne, %rem3A_448, %ne3A_449 : i32
      %lt3A_451 = arith.constant 0 : i32
      %lt3A_452 = arith.cmpi slt, %rem3A_448, %lt3A_451 : i32
      %lt3A_453 = arith.constant 0 : i32
      %lt3A_454 = arith.cmpi slt, %select_n3A_447, %lt3A_453 : i32
      %ne3A_455 = arith.xori %lt3A_452, %lt3A_454 : i1
      %and3A_456 = arith.andi %ne3A_455, %ne3A_450 : i1
      %add3A_457 = arith.addi %rem3A_448, %select_n3A_447 : i32
      %select_n3A_458 = arith.select %and3A_456, %add3A_457, %rem3A_448 : i32
      %mul3A_459 = arith.constant 16 : i32
      %mul3A_460 = arith.muli %select_n3A_458, %mul3A_459 : i32
      %swap3A = arith.index_cast %select_n3A_442 : i32 to index
      %swap3A_461 = arith.index_cast %mul3A_460 : i32 to index
      %swap3A_462 = tpu.vector_load %arg23[%swap3A, %swap3A_461] {strides = array<i32>} : memref<448x32xf32, #tpu.memory_space<vmem>>, vector<16xf32>,
      tpu.vector_store %arg23[%swap3A, %swap3A_461], %broadcast_in_dim3A_1 {strides = array<i32>} : memref<448x32xf32, #tpu.memory_space<vmem>>, vector<16xf32>,
    }
    %scan3A_12 = arith.constant 896 : i32
    %mul3A_13 = arith.constant 6 : i32
    %mul3A_14 = arith.muli %add3A, %mul3A_13 : i32
    %add3A_15 = arith.constant 0 : i32
    %add3A_16 = arith.addi %mul3A_14, %add3A_15 : i32
    %jit3A = arith.constant 24 : i32
    %div3A = arith.divsi %add3A_16, %jit3A : i32
    %sign3A = arith.constant 0 : i32
    %sign3A_17 = arith.cmpi sgt, %add3A_16, %sign3A : i32
    %sign3A_18 = arith.extui %sign3A_17 : i1 to i32
    %sign3A_19 = arith.constant 0 : i32
    %sign3A_20 = arith.cmpi slt, %add3A_16, %sign3A_19 : i32
    %sign3A_21 = arith.extui %sign3A_20 : i1 to i32
    %sign3A_22 = arith.subi %sign3A_18, %sign3A_21 : i32
    %sign3A_23 = arith.constant 0 : i32
    %sign3A_24 = arith.cmpi sgt, %jit3A, %sign3A_23 : i32
    %sign3A_25 = arith.extui %sign3A_24 : i1 to i32
    %sign3A_26 = arith.constant 0 : i32
    %sign3A_27 = arith.cmpi slt, %jit3A, %sign3A_26 : i32
    %sign3A_28 = arith.extui %sign3A_27 : i1 to i32
    %sign3A_29 = arith.subi %sign3A_25, %sign3A_28 : i32
    %ne3A = arith.cmpi ne, %sign3A_22, %sign3A_29 : i32
    %rem3A = arith.remsi %add3A_16, %jit3A : i32
    %ne3A_30 = arith.constant 0 : i32
    %ne3A_31 = arith.cmpi ne, %rem3A, %ne3A_30 : i32
    %and3A = arith.andi %ne3A, %ne3A_31 : i1
    %sub3A = arith.constant 1 : i32
    %sub3A_32 = arith.subi %div3A, %sub3A : i32
    %select_n3A = arith.select %and3A, %sub3A_32, %div3A : i32
    %jit3A_33 = arith.constant 24 : i32
    %eq3A = arith.constant 0 : i32
    %eq3A_34 = arith.cmpi eq, %jit3A_33, %eq3A : i32
    %jit3A_35 = arith.constant 1 : i32
    %select_n3A_36 = arith.select %eq3A_34, %jit3A_35, %jit3A_33 : i32
    %rem3A_37 = arith.remsi %add3A_16, %select_n3A_36 : i32
    %ne3A_38 = arith.constant 0 : i32
    %ne3A_39 = arith.cmpi ne, %rem3A_37, %ne3A_38 : i32
    %lt3A = arith.constant 0 : i32
    %lt3A_40 = arith.cmpi slt, %rem3A_37, %lt3A : i32
    %lt3A_41 = arith.constant 0 : i32
    %lt3A_42 = arith.cmpi slt, %select_n3A_36, %lt3A_41 : i32
    %ne3A_43 = arith.xori %lt3A_40, %lt3A_42 : i1
    %and3A_44 = arith.andi %ne3A_43, %ne3A_39 : i1
    %add3A_45 = arith.addi %rem3A_37, %select_n3A_36 : i32
    %select_n3A_46 = arith.select %and3A_44, %add3A_45, %rem3A_37 : i32
    %mul3A_47 = arith.constant 8 : i32
    %mul3A_48 = arith.muli %select_n3A_46, %mul3A_47 : i32
    %mul3A_49 = arith.constant 192 : i32
    %mul3A_50 = arith.muli %select_n3A, %mul3A_49 : i32
    %add3A_51 = arith.addi %mul3A_50, %mul3A_48 : i32
    %mul3A_52 = arith.constant 784 : i32
    %mul3A_53 = arith.muli %add3A_51, %mul3A_52 : i32
    %jit3A_54 = arith.constant 32 : i32
    %div3A_55 = arith.divsi %add3A_51, %jit3A_54 : i32
    %sign3A_56 = arith.constant 0 : i32
    %sign3A_57 = arith.cmpi sgt, %add3A_51, %sign3A_56 : i32
    %sign3A_58 = arith.extui %sign3A_57 : i1 to i32
    %sign3A_59 = arith.constant 0 : i32
    %sign3A_60 = arith.cmpi slt, %add3A_51, %sign3A_59 : i32
    %sign3A_61 = arith.extui %sign3A_60 : i1 to i32
    %sign3A_62 = arith.subi %sign3A_58, %sign3A_61 : i32
    %sign3A_63 = arith.constant 0 : i32
    %sign3A_64 = arith.cmpi sgt, %jit3A_54, %sign3A_63 : i32
    %sign3A_65 = arith.extui %sign3A_64 : i1 to i32
    %sign3A_66 = arith.constant 0 : i32
    %sign3A_67 = arith.cmpi slt, %jit3A_54, %sign3A_66 : i32
    %sign3A_68 = arith.extui %sign3A_67 : i1 to i32
    %sign3A_69 = arith.subi %sign3A_65, %sign3A_68 : i32
    %ne3A_70 = arith.cmpi ne, %sign3A_62, %sign3A_69 : i32
    %rem3A_71 = arith.remsi %add3A_51, %jit3A_54 : i32
    %ne3A_72 = arith.constant 0 : i32
    %ne3A_73 = arith.cmpi ne, %rem3A_71, %ne3A_72 : i32
    %and3A_74 = arith.andi %ne3A_70, %ne3A_73 : i1
    %sub3A_75 = arith.constant 1 : i32
    %sub3A_76 = arith.subi %div3A_55, %sub3A_75 : i32
    %select_n3A_77 = arith.select %and3A_74, %sub3A_76, %div3A_55 : i32
    %mul3A_78 = arith.constant 448 : i32
    %mul3A_79 = arith.muli %select_n3A_77, %mul3A_78 : i32
    %jit3A_80 = arith.constant 32 : i32
    %eq3A_81 = arith.constant 0 : i32
    %eq3A_82 = arith.cmpi eq, %jit3A_80, %eq3A_81 : i32
    %jit3A_83 = arith.constant 1 : i32
    %select_n3A_84 = arith.select %eq3A_82, %jit3A_83, %jit3A_80 : i32
    %rem3A_85 = arith.remsi %add3A_51, %select_n3A_84 : i32
    %ne3A_86 = arith.constant 0 : i32
    %ne3A_87 = arith.cmpi ne, %rem3A_85, %ne3A_86 : i32
    %lt3A_88 = arith.constant 0 : i32
    %lt3A_89 = arith.cmpi slt, %rem3A_85, %lt3A_88 : i32
    %lt3A_90 = arith.constant 0 : i32
    %lt3A_91 = arith.cmpi slt, %select_n3A_84, %lt3A_90 : i32
    %ne3A_92 = arith.xori %lt3A_89, %lt3A_91 : i1
    %and3A_93 = arith.andi %ne3A_92, %ne3A_87 : i1
    %add3A_94 = arith.addi %rem3A_85, %select_n3A_84 : i32
    %select_n3A_95 = arith.select %and3A_93, %add3A_94, %rem3A_85 : i32
    %jit3A_96 = arith.constant 8 : i32
    %div3A_97 = arith.divsi %select_n3A_95, %jit3A_96 : i32
    %sign3A_98 = arith.constant 0 : i32
    %sign3A_99 = arith.cmpi sgt, %select_n3A_95, %sign3A_98 : i32
    %sign3A_100 = arith.extui %sign3A_99 : i1 to i32
    %sign3A_101 = arith.constant 0 : i32
    %sign3A_102 = arith.cmpi slt, %select_n3A_95, %sign3A_101 : i32
    %sign3A_103 = arith.extui %sign3A_102 : i1 to i32
    %sign3A_104 = arith.subi %sign3A_100, %sign3A_103 : i32
    %sign3A_105 = arith.constant 0 : i32
    %sign3A_106 = arith.cmpi sgt, %jit3A_96, %sign3A_105 : i32
    %sign3A_107 = arith.extui %sign3A_106 : i1 to i32
    %sign3A_108 = arith.constant 0 : i32
    %sign3A_109 = arith.cmpi slt, %jit3A_96, %sign3A_108 : i32
    %sign3A_110 = arith.extui %sign3A_109 : i1 to i32
    %sign3A_111 = arith.subi %sign3A_107, %sign3A_110 : i32
    %ne3A_112 = arith.cmpi ne, %sign3A_104, %sign3A_111 : i32
    %rem3A_113 = arith.remsi %select_n3A_95, %jit3A_96 : i32
    %ne3A_114 = arith.constant 0 : i32
    %ne3A_115 = arith.cmpi ne, %rem3A_113, %ne3A_114 : i32
    %and3A_116 = arith.andi %ne3A_112, %ne3A_115 : i1
    %sub3A_117 = arith.constant 1 : i32
    %sub3A_118 = arith.subi %div3A_97, %sub3A_117 : i32
    %select_n3A_119 = arith.select %and3A_116, %sub3A_118, %div3A_97 : i32
    %mul3A_120 = arith.constant 32 : i32
    %mul3A_121 = arith.muli %select_n3A_119, %mul3A_120 : i32
    %dma_start3A = tpu.memref_slice %arg2[%mul3A_53] : memref<1204224xf32, #tpu.memory_space<hbm>> -> memref<6272xf32, #tpu.memory_space<hbm>>
    %dma_start3A_122 = tpu.memref_slice %arg2[%mul3A_53] : memref<1204224xf32, #tpu.memory_space<hbm>> -> memref<6272xf32, #tpu.memory_space<hbm>>
    tpu.enqueue_dma source(%dma_start3A_122 : memref<6272xf32, #tpu.memory_space<hbm>>) target(%arg16 : memref<6272xf32, #tpu.memory_space<vmem>>) target_semaphore(%arg24 : memref<!tpu.dma_semaphore, #tpu.memory_space<semaphore_mem>>)
    %scan3A_123 = arith.constant 0 : i32
    %scan3A_124 = arith.constant 0 : i32
    %scan3A_125 = arith.constant 3 : i32
    %scan3A_126 = arith.addi %scan3A_124, %scan3A_125 : i32
    %scan3A_127 = arith.constant 1 : i32
    scf.for %scan3A_418 = %scan3A_124 to %scan3A_126 step %scan3A_127  : i32 {
      %mul3A_419 = arith.constant 2 : i32
      %mul3A_420 = arith.muli %scan3A_418, %mul3A_419 : i32
      %add3A_421 = arith.constant 0 : i32
      %add3A_422 = arith.addi %mul3A_420, %add3A_421 : i32
      %mul3A_423 = arith.constant 6 : i32
      %mul3A_424 = arith.muli %add3A, %mul3A_423 : i32
      %add3A_425 = arith.addi %mul3A_424, %add3A_422 : i32
      %jit3A_426 = arith.constant 24 : i32
      %div3A_427 = arith.divsi %add3A_425, %jit3A_426 : i32
      %sign3A_428 = arith.constant 0 : i32
      %sign3A_429 = arith.cmpi sgt, %add3A_425, %sign3A_428 : i32
      %sign3A_430 = arith.extui %sign3A_429 : i1 to i32
      %sign3A_431 = arith.constant 0 : i32
      %sign3A_432 = arith.cmpi slt, %add3A_425, %sign3A_431 : i32
      %sign3A_433 = arith.extui %sign3A_432 : i1 to i32
      %sign3A_434 = arith.subi %sign3A_430, %sign3A_433 : i32
      %sign3A_435 = arith.constant 0 : i32
      %sign3A_436 = arith.cmpi sgt, %jit3A_426, %sign3A_435 : i32
      %sign3A_437 = arith.extui %sign3A_436 : i1 to i32
      %sign3A_438 = arith.constant 0 : i32
      %sign3A_439 = arith.cmpi slt, %jit3A_426, %sign3A_438 : i32
      %sign3A_440 = arith.extui %sign3A_439 : i1 to i32
      %sign3A_441 = arith.subi %sign3A_437, %sign3A_440 : i32
      %ne3A_442 = arith.cmpi ne, %sign3A_434, %sign3A_441 : i32
      %rem3A_443 = arith.remsi %add3A_425, %jit3A_426 : i32
      %ne3A_444 = arith.constant 0 : i32
      %ne3A_445 = arith.cmpi ne, %rem3A_443, %ne3A_444 : i32
      %and3A_446 = arith.andi %ne3A_442, %ne3A_445 : i1
      %sub3A_447 = arith.constant 1 : i32
      %sub3A_448 = arith.subi %div3A_427, %sub3A_447 : i32
      %select_n3A_449 = arith.select %and3A_446, %sub3A_448, %div3A_427 : i32
      %jit3A_450 = arith.constant 24 : i32
      %eq3A_451 = arith.constant 0 : i32
      %eq3A_452 = arith.cmpi eq, %jit3A_450, %eq3A_451 : i32
      %jit3A_453 = arith.constant 1 : i32
      %select_n3A_454 = arith.select %eq3A_452, %jit3A_453, %jit3A_450 : i32
      %rem3A_455 = arith.remsi %add3A_425, %select_n3A_454 : i32
      %ne3A_456 = arith.constant 0 : i32
      %ne3A_457 = arith.cmpi ne, %rem3A_455, %ne3A_456 : i32
      %lt3A_458 = arith.constant 0 : i32
      %lt3A_459 = arith.cmpi slt, %rem3A_455, %lt3A_458 : i32
      %lt3A_460 = arith.constant 0 : i32
      %lt3A_461 = arith.cmpi slt, %select_n3A_454, %lt3A_460 : i32
      %ne3A_462 = arith.xori %lt3A_459, %lt3A_461 : i1
      %and3A_463 = arith.andi %ne3A_462, %ne3A_457 : i1
      %add3A_464 = arith.addi %rem3A_455, %select_n3A_454 : i32
      %select_n3A_465 = arith.select %and3A_463, %add3A_464, %rem3A_455 : i32
      %mul3A_466 = arith.constant 8 : i32
      %mul3A_467 = arith.muli %select_n3A_465, %mul3A_466 : i32
      %mul3A_468 = arith.constant 192 : i32
      %mul3A_469 = arith.muli %select_n3A_449, %mul3A_468 : i32
      %add3A_470 = arith.addi %mul3A_469, %mul3A_467 : i32
      %mul3A_471 = arith.constant 784 : i32
      %mul3A_472 = arith.muli %add3A_470, %mul3A_471 : i32
      %jit3A_473 = arith.constant 32 : i32
      %div3A_474 = arith.divsi %add3A_470, %jit3A_473 : i32
      %sign3A_475 = arith.constant 0 : i32
      %sign3A_476 = arith.cmpi sgt, %add3A_470, %sign3A_475 : i32
      %sign3A_477 = arith.extui %sign3A_476 : i1 to i32
      %sign3A_478 = arith.constant 0 : i32
      %sign3A_479 = arith.cmpi slt, %add3A_470, %sign3A_478 : i32
      %sign3A_480 = arith.extui %sign3A_479 : i1 to i32
      %sign3A_481 = arith.subi %sign3A_477, %sign3A_480 : i32
      %sign3A_482 = arith.constant 0 : i32
      %sign3A_483 = arith.cmpi sgt, %jit3A_473, %sign3A_482 : i32
      %sign3A_484 = arith.extui %sign3A_483 : i1 to i32
      %sign3A_485 = arith.constant 0 : i32
      %sign3A_486 = arith.cmpi slt, %jit3A_473, %sign3A_485 : i32
      %sign3A_487 = arith.extui %sign3A_486 : i1 to i32
      %sign3A_488 = arith.subi %sign3A_484, %sign3A_487 : i32
      %ne3A_489 = arith.cmpi ne, %sign3A_481, %sign3A_488 : i32
      %rem3A_490 = arith.remsi %add3A_470, %jit3A_473 : i32
      %ne3A_491 = arith.constant 0 : i32
      %ne3A_492 = arith.cmpi ne, %rem3A_490, %ne3A_491 : i32
      %and3A_493 = arith.andi %ne3A_489, %ne3A_492 : i1
      %sub3A_494 = arith.constant 1 : i32
      %sub3A_495 = arith.subi %div3A_474, %sub3A_494 : i32
      %select_n3A_496 = arith.select %and3A_493, %sub3A_495, %div3A_474 : i32
      %mul3A_497 = arith.constant 448 : i32
      %mul3A_498 = arith.muli %select_n3A_496, %mul3A_497 : i32
      %jit3A_499 = arith.constant 32 : i32
      %eq3A_500 = arith.constant 0 : i32
      %eq3A_501 = arith.cmpi eq, %jit3A_499, %eq3A_500 : i32
      %jit3A_502 = arith.constant 1 : i32
      %select_n3A_503 = arith.select %eq3A_501, %jit3A_502, %jit3A_499 : i32
      %rem3A_504 = arith.remsi %add3A_470, %select_n3A_503 : i32
      %ne3A_505 = arith.constant 0 : i32
      %ne3A_506 = arith.cmpi ne, %rem3A_504, %ne3A_505 : i32
      %lt3A_507 = arith.constant 0 : i32
      %lt3A_508 = arith.cmpi slt, %rem3A_504, %lt3A_507 : i32
      %lt3A_509 = arith.constant 0 : i32
      %lt3A_510 = arith.cmpi slt, %select_n3A_503, %lt3A_509 : i32
      %ne3A_511 = arith.xori %lt3A_508, %lt3A_510 : i1
      %and3A_512 = arith.andi %ne3A_511, %ne3A_506 : i1
      %add3A_513 = arith.addi %rem3A_504, %select_n3A_503 : i32
      %select_n3A_514 = arith.select %and3A_512, %add3A_513, %rem3A_504 : i32
      %jit3A_515 = arith.constant 8 : i32
      %div3A_516 = arith.divsi %select_n3A_514, %jit3A_515 : i32
      %sign3A_517 = arith.constant 0 : i32
      %sign3A_518 = arith.cmpi sgt, %select_n3A_514, %sign3A_517 : i32
      %sign3A_519 = arith.extui %sign3A_518 : i1 to i32
      %sign3A_520 = arith.constant 0 : i32
      %sign3A_521 = arith.cmpi slt, %select_n3A_514, %sign3A_520 : i32
      %sign3A_522 = arith.extui %sign3A_521 : i1 to i32
      %sign3A_523 = arith.subi %sign3A_519, %sign3A_522 : i32
      %sign3A_524 = arith.constant 0 : i32
      %sign3A_525 = arith.cmpi sgt, %jit3A_515, %sign3A_524 : i32
      %sign3A_526 = arith.extui %sign3A_525 : i1 to i32
      %sign3A_527 = arith.constant 0 : i32
      %sign3A_528 = arith.cmpi slt, %jit3A_515, %sign3A_527 : i32
      %sign3A_529 = arith.extui %sign3A_528 : i1 to i32
      %sign3A_530 = arith.subi %sign3A_526, %sign3A_529 : i32
      %ne3A_531 = arith.cmpi ne, %sign3A_523, %sign3A_530 : i32
      %rem3A_532 = arith.remsi %select_n3A_514, %jit3A_515 : i32
      %ne3A_533 = arith.constant 0 : i32
      %ne3A_534 = arith.cmpi ne, %rem3A_532, %ne3A_533 : i32
      %and3A_535 = arith.andi %ne3A_531, %ne3A_534 : i1
      %sub3A_536 = arith.constant 1 : i32
      %sub3A_537 = arith.subi %div3A_516, %sub3A_536 : i32
      %select_n3A_538 = arith.select %and3A_535, %sub3A_537, %div3A_516 : i32
      %mul3A_539 = arith.constant 32 : i32
      %mul3A_540 = arith.muli %select_n3A_538, %mul3A_539 : i32
      %dma_wait3A_541 = tpu.memref_slice %arg2[%mul3A_472] : memref<1204224xf32, #tpu.memory_space<hbm>> -> memref<6272xf32, #tpu.memory_space<hbm>>
      %dma_wait3A_542 = tpu.memref_slice %arg2[%mul3A_472] : memref<1204224xf32, #tpu.memory_space<hbm>> -> memref<6272xf32, #tpu.memory_space<hbm>>
      tpu.wait_dma2 semaphore(%arg24 : memref<!tpu.dma_semaphore, #tpu.memory_space<semaphore_mem>>) src(%dma_wait3A_542 : memref<6272xf32, #tpu.memory_space<hbm>>) dst(%arg16 : memref<6272xf32, #tpu.memory_space<vmem>>)
      %add3A_543 = arith.constant 1 : i32
      %add3A_544 = arith.addi %add3A_422, %add3A_543 : i32
      %lt3A_545 = arith.constant 6 : i32
      %lt3A_546 = arith.cmpi slt, %add3A_544, %lt3A_545 : i32
      %convert_element_type3A = arith.extui %lt3A_546 : i1 to i32
      %cond3A = arith.constant 0 : i32
      %cond3A_547 = arith.cmpi ne, %convert_element_type3A, %cond3A : i32
      scf.if %cond3A_547 {
        %add3A_940 = arith.constant 1 : i32
        %add3A_941 = arith.addi %add3A_422, %add3A_940 : i32
        %mul3A_942 = arith.constant 6 : i32
        %mul3A_943 = arith.muli %add3A, %mul3A_942 : i32
        %add3A_944 = arith.addi %mul3A_943, %add3A_941 : i32
        %jit3A_945 = arith.constant 24 : i32
        %div3A_946 = arith.divsi %add3A_944, %jit3A_945 : i32
        %sign3A_947 = arith.constant 0 : i32
        %sign3A_948 = arith.cmpi sgt, %add3A_944, %sign3A_947 : i32
        %sign3A_949 = arith.extui %sign3A_948 : i1 to i32
        %sign3A_950 = arith.constant 0 : i32
        %sign3A_951 = arith.cmpi slt, %add3A_944, %sign3A_950 : i32
        %sign3A_952 = arith.extui %sign3A_951 : i1 to i32
        %sign3A_953 = arith.subi %sign3A_949, %sign3A_952 : i32
        %sign3A_954 = arith.constant 0 : i32
        %sign3A_955 = arith.cmpi sgt, %jit3A_945, %sign3A_954 : i32
        %sign3A_956 = arith.extui %sign3A_955 : i1 to i32
        %sign3A_957 = arith.constant 0 : i32
        %sign3A_958 = arith.cmpi slt, %jit3A_945, %sign3A_957 : i32
        %sign3A_959 = arith.extui %sign3A_958 : i1 to i32
        %sign3A_960 = arith.subi %sign3A_956, %sign3A_959 : i32
        %ne3A_961 = arith.cmpi ne, %sign3A_953, %sign3A_960 : i32
        %rem3A_962 = arith.remsi %add3A_944, %jit3A_945 : i32
        %ne3A_963 = arith.constant 0 : i32
        %ne3A_964 = arith.cmpi ne, %rem3A_962, %ne3A_963 : i32
        %and3A_965 = arith.andi %ne3A_961, %ne3A_964 : i1
        %sub3A_966 = arith.constant 1 : i32
        %sub3A_967 = arith.subi %div3A_946, %sub3A_966 : i32
        %select_n3A_968 = arith.select %and3A_965, %sub3A_967, %div3A_946 : i32
        %jit3A_969 = arith.constant 24 : i32
        %eq3A_970 = arith.constant 0 : i32
        %eq3A_971 = arith.cmpi eq, %jit3A_969, %eq3A_970 : i32
        %jit3A_972 = arith.constant 1 : i32
        %select_n3A_973 = arith.select %eq3A_971, %jit3A_972, %jit3A_969 : i32
        %rem3A_974 = arith.remsi %add3A_944, %select_n3A_973 : i32
        %ne3A_975 = arith.constant 0 : i32
        %ne3A_976 = arith.cmpi ne, %rem3A_974, %ne3A_975 : i32
        %lt3A_977 = arith.constant 0 : i32
        %lt3A_978 = arith.cmpi slt, %rem3A_974, %lt3A_977 : i32
        %lt3A_979 = arith.constant 0 : i32
        %lt3A_980 = arith.cmpi slt, %select_n3A_973, %lt3A_979 : i32
        %ne3A_981 = arith.xori %lt3A_978, %lt3A_980 : i1
        %and3A_982 = arith.andi %ne3A_981, %ne3A_976 : i1
        %add3A_983 = arith.addi %rem3A_974, %select_n3A_973 : i32
        %select_n3A_984 = arith.select %and3A_982, %add3A_983, %rem3A_974 : i32
        %mul3A_985 = arith.constant 8 : i32
        %mul3A_986 = arith.muli %select_n3A_984, %mul3A_985 : i32
        %mul3A_987 = arith.constant 192 : i32
        %mul3A_988 = arith.muli %select_n3A_968, %mul3A_987 : i32
        %add3A_989 = arith.addi %mul3A_988, %mul3A_986 : i32
        %mul3A_990 = arith.constant 784 : i32
        %mul3A_991 = arith.muli %add3A_989, %mul3A_990 : i32
        %jit3A_992 = arith.constant 32 : i32
        %div3A_993 = arith.divsi %add3A_989, %jit3A_992 : i32
        %sign3A_994 = arith.constant 0 : i32
        %sign3A_995 = arith.cmpi sgt, %add3A_989, %sign3A_994 : i32
        %sign3A_996 = arith.extui %sign3A_995 : i1 to i32
        %sign3A_997 = arith.constant 0 : i32
        %sign3A_998 = arith.cmpi slt, %add3A_989, %sign3A_997 : i32
        %sign3A_999 = arith.extui %sign3A_998 : i1 to i32
        %sign3A_1000 = arith.subi %sign3A_996, %sign3A_999 : i32
        %sign3A_1001 = arith.constant 0 : i32
        %sign3A_1002 = arith.cmpi sgt, %jit3A_992, %sign3A_1001 : i32
        %sign3A_1003 = arith.extui %sign3A_1002 : i1 to i32
        %sign3A_1004 = arith.constant 0 : i32
        %sign3A_1005 = arith.cmpi slt, %jit3A_992, %sign3A_1004 : i32
        %sign3A_1006 = arith.extui %sign3A_1005 : i1 to i32
        %sign3A_1007 = arith.subi %sign3A_1003, %sign3A_1006 : i32
        %ne3A_1008 = arith.cmpi ne, %sign3A_1000, %sign3A_1007 : i32
        %rem3A_1009 = arith.remsi %add3A_989, %jit3A_992 : i32
        %ne3A_1010 = arith.constant 0 : i32
        %ne3A_1011 = arith.cmpi ne, %rem3A_1009, %ne3A_1010 : i32
        %and3A_1012 = arith.andi %ne3A_1008, %ne3A_1011 : i1
        %sub3A_1013 = arith.constant 1 : i32
        %sub3A_1014 = arith.subi %div3A_993, %sub3A_1013 : i32
        %select_n3A_1015 = arith.select %and3A_1012, %sub3A_1014, %div3A_993 : i32
        %mul3A_1016 = arith.constant 448 : i32
        %mul3A_1017 = arith.muli %select_n3A_1015, %mul3A_1016 : i32
        %jit3A_1018 = arith.constant 32 : i32
        %eq3A_1019 = arith.constant 0 : i32
        %eq3A_1020 = arith.cmpi eq, %jit3A_1018, %eq3A_1019 : i32
        %jit3A_1021 = arith.constant 1 : i32
        %select_n3A_1022 = arith.select %eq3A_1020, %jit3A_1021, %jit3A_1018 : i32
        %rem3A_1023 = arith.remsi %add3A_989, %select_n3A_1022 : i32
        %ne3A_1024 = arith.constant 0 : i32
        %ne3A_1025 = arith.cmpi ne, %rem3A_1023, %ne3A_1024 : i32
        %lt3A_1026 = arith.constant 0 : i32
        %lt3A_1027 = arith.cmpi slt, %rem3A_1023, %lt3A_1026 : i32
        %lt3A_1028 = arith.constant 0 : i32
        %lt3A_1029 = arith.cmpi slt, %select_n3A_1022, %lt3A_1028 : i32
        %ne3A_1030 = arith.xori %lt3A_1027, %lt3A_1029 : i1
        %and3A_1031 = arith.andi %ne3A_1030, %ne3A_1025 : i1
        %add3A_1032 = arith.addi %rem3A_1023, %select_n3A_1022 : i32
        %select_n3A_1033 = arith.select %and3A_1031, %add3A_1032, %rem3A_1023 : i32
        %jit3A_1034 = arith.constant 8 : i32
        %div3A_1035 = arith.divsi %select_n3A_1033, %jit3A_1034 : i32
        %sign3A_1036 = arith.constant 0 : i32
        %sign3A_1037 = arith.cmpi sgt, %select_n3A_1033, %sign3A_1036 : i32
        %sign3A_1038 = arith.extui %sign3A_1037 : i1 to i32
        %sign3A_1039 = arith.constant 0 : i32
        %sign3A_1040 = arith.cmpi slt, %select_n3A_1033, %sign3A_1039 : i32
        %sign3A_1041 = arith.extui %sign3A_1040 : i1 to i32
        %sign3A_1042 = arith.subi %sign3A_1038, %sign3A_1041 : i32
        %sign3A_1043 = arith.constant 0 : i32
        %sign3A_1044 = arith.cmpi sgt, %jit3A_1034, %sign3A_1043 : i32
        %sign3A_1045 = arith.extui %sign3A_1044 : i1 to i32
        %sign3A_1046 = arith.constant 0 : i32
        %sign3A_1047 = arith.cmpi slt, %jit3A_1034, %sign3A_1046 : i32
        %sign3A_1048 = arith.extui %sign3A_1047 : i1 to i32
        %sign3A_1049 = arith.subi %sign3A_1045, %sign3A_1048 : i32
        %ne3A_1050 = arith.cmpi ne, %sign3A_1042, %sign3A_1049 : i32
        %rem3A_1051 = arith.remsi %select_n3A_1033, %jit3A_1034 : i32
        %ne3A_1052 = arith.constant 0 : i32
        %ne3A_1053 = arith.cmpi ne, %rem3A_1051, %ne3A_1052 : i32
        %and3A_1054 = arith.andi %ne3A_1050, %ne3A_1053 : i1
        %sub3A_1055 = arith.constant 1 : i32
        %sub3A_1056 = arith.subi %div3A_1035, %sub3A_1055 : i32
        %select_n3A_1057 = arith.select %and3A_1054, %sub3A_1056, %div3A_1035 : i32
        %mul3A_1058 = arith.constant 32 : i32
        %mul3A_1059 = arith.muli %select_n3A_1057, %mul3A_1058 : i32
        %dma_start3A_1060 = tpu.memref_slice %arg2[%mul3A_991] : memref<1204224xf32, #tpu.memory_space<hbm>> -> memref<6272xf32, #tpu.memory_space<hbm>>
        %dma_start3A_1061 = tpu.memref_slice %arg2[%mul3A_991] : memref<1204224xf32, #tpu.memory_space<hbm>> -> memref<6272xf32, #tpu.memory_space<hbm>>
        tpu.enqueue_dma source(%dma_start3A_1061 : memref<6272xf32, #tpu.memory_space<hbm>>) target(%arg17 : memref<6272xf32, #tpu.memory_space<vmem>>) target_semaphore(%arg25 : memref<!tpu.dma_semaphore, #tpu.memory_space<semaphore_mem>>)
      } else {
      }
      %gt3A = arith.constant 0 : i32
      %gt3A_548 = arith.cmpi sgt, %scan3A_418, %gt3A : i32
      %convert_element_type3A_549 = arith.extui %gt3A_548 : i1 to i32
      %cond3A_550 = arith.constant 0 : i32
      %cond3A_551 = arith.cmpi ne, %convert_element_type3A_549, %cond3A_550 : i32
      scf.if %cond3A_551 {
        %dma_wait3A_940 = arith.constant 0 : i32
        %dma_wait3A_941 = arith.constant 0 : i32
        %dma_wait3A_942 = tpu.memref_slice %arg9[%dma_wait3A_940, %dma_wait3A_941] : memref<21504x128xf32, #tpu.memory_space<hbm>> -> memref<448x32xf32, #tpu.memory_space<hbm>>
        %dma_wait3A_943 = arith.constant 0 : i32
        %dma_wait3A_944 = arith.constant 0 : i32
        %dma_wait3A_945 = tpu.memref_slice %arg9[%dma_wait3A_943, %dma_wait3A_944] : memref<21504x128xf32, #tpu.memory_space<hbm>> -> memref<448x32xf32, #tpu.memory_space<hbm>>
        tpu.wait_dma2 semaphore(%arg26 : memref<!tpu.dma_semaphore, #tpu.memory_space<semaphore_mem>>) src(%dma_wait3A_945 : memref<448x32xf32, #tpu.memory_space<hbm>>) dst(%arg22 : memref<448x32xf32, #tpu.memory_space<vmem>>)
      } else {
      }
      %scan3A_552 = arith.constant 0 : i32
      %scan3A_553 = arith.constant 0 : i32
      %scan3A_554 = arith.constant 98 : i32
      %scan3A_555 = arith.addi %scan3A_553, %scan3A_554 : i32
      %scan3A_556 = arith.constant 1 : i32
      scf.for %scan3A_940 = %scan3A_553 to %scan3A_555 step %scan3A_556  : i32 {
        %mul3A_941 = arith.constant 16 : i32
        %mul3A_942 = arith.muli %scan3A_940, %mul3A_941 : i32
        %add3A_943 = arith.constant 0 : i32
        %add3A_944 = arith.addi %add3A_943, %mul3A_942 : i32
        %get3A = arith.index_cast %add3A_944 : i32 to index
        %get3A_945 = tpu.vector_load %arg12[%get3A] {strides = array<i32>} : memref<2752xi32, #tpu.memory_space<vmem>>, vector<16xi32>,
        %add3A_946 = arith.constant 0 : i32
        %add3A_947 = arith.addi %add3A_946, %mul3A_942 : i32
        %get3A_948 = arith.index_cast %add3A_947 : i32 to index
        %get3A_949 = tpu.vector_load %arg13[%get3A_948] {strides = array<i32>} : memref<2752xf32, #tpu.memory_space<vmem>>, vector<16xf32>,
        %add3A_950 = arith.constant 0 : i32
        %add3A_951 = arith.addi %add3A_950, %mul3A_942 : i32
        %get3A_952 = arith.index_cast %add3A_951 : i32 to index
        %get3A_953 = tpu.vector_load %arg14[%get3A_952] {strides = array<i32>} : memref<2752xi32, #tpu.memory_space<vmem>>, vector<16xi32>,
        %add3A_954 = arith.constant 0 : i32
        %add3A_955 = arith.addi %add3A_954, %mul3A_942 : i32
        %get3A_956 = arith.index_cast %add3A_955 : i32 to index
        %get3A_957 = tpu.vector_load %arg15[%get3A_956] {strides = array<i32>} : memref<2752xi32, #tpu.memory_space<vmem>>, vector<16xi32>,
        %sub3A_958 = arith.constant 1.000000e+00 : f32
        %sub3A_959 = vector.broadcast %sub3A_958 : f32 to vector<16xf32>
        %sub3A_960 = arith.subf %sub3A_959, %get3A_949 : vector<16xf32>
        %add3A_961 = arith.constant 0 : i32
        %add3A_962 = vector.broadcast %add3A_961 : i32 to vector<16xi32>
        %add3A_963 = arith.addi %get3A_945, %add3A_962 : vector<16xi32>
        %gather3A = tpu.vector_load_idx %arg16[%add3A_963] : memref<6272xf32, #tpu.memory_space<vmem>>[vector<16xi32>], vector<16xf32>,
        %mul3A_964 = arith.mulf %gather3A, %sub3A_960 : vector<16xf32>
        %add3A_965 = arith.constant 28 : i32
        %add3A_966 = vector.broadcast %add3A_965 : i32 to vector<16xi32>
        %add3A_967 = arith.addi %add3A_963, %add3A_966 : vector<16xi32>
        %gather3A_968 = tpu.vector_load_idx %arg16[%add3A_967] : memref<6272xf32, #tpu.memory_space<vmem>>[vector<16xi32>], vector<16xf32>,
        %mul3A_969 = arith.mulf %gather3A_968, %get3A_949 : vector<16xf32>
        %add3A_970 = arith.addf %mul3A_964, %mul3A_969 : vector<16xf32>
        %add3A_971 = arith.constant 0 : i32
        %add3A_972 = vector.broadcast %add3A_971 : i32 to vector<16xi32>
        %add3A_973 = arith.addi %get3A_953, %add3A_972 : vector<16xi32>
        tpu.vector_store_idx %arg22[%add3A_973, %get3A_957], %add3A_970 : memref<448x32xf32, #tpu.memory_space<vmem>>[vector<16xi32>, vector<16xi32>], vector<16xf32>,
        %add3A_974 = arith.constant 784 : i32
        %add3A_975 = vector.broadcast %add3A_974 : i32 to vector<16xi32>
        %add3A_976 = arith.addi %get3A_945, %add3A_975 : vector<16xi32>
        %gather3A_977 = tpu.vector_load_idx %arg16[%add3A_976] : memref<6272xf32, #tpu.memory_space<vmem>>[vector<16xi32>], vector<16xf32>,
        %mul3A_978 = arith.mulf %gather3A_977, %sub3A_960 : vector<16xf32>
        %add3A_979 = arith.constant 28 : i32
        %add3A_980 = vector.broadcast %add3A_979 : i32 to vector<16xi32>
        %add3A_981 = arith.addi %add3A_976, %add3A_980 : vector<16xi32>
        %gather3A_982 = tpu.vector_load_idx %arg16[%add3A_981] : memref<6272xf32, #tpu.memory_space<vmem>>[vector<16xi32>], vector<16xf32>,
        %mul3A_983 = arith.mulf %gather3A_982, %get3A_949 : vector<16xf32>
        %add3A_984 = arith.addf %mul3A_978, %mul3A_983 : vector<16xf32>
        %add3A_985 = arith.constant 56 : i32
        %add3A_986 = vector.broadcast %add3A_985 : i32 to vector<16xi32>
        %add3A_987 = arith.addi %get3A_953, %add3A_986 : vector<16xi32>
        tpu.vector_store_idx %arg22[%add3A_987, %get3A_957], %add3A_984 : memref<448x32xf32, #tpu.memory_space<vmem>>[vector<16xi32>, vector<16xi32>], vector<16xf32>,
        %add3A_988 = arith.constant 1568 : i32
        %add3A_989 = vector.broadcast %add3A_988 : i32 to vector<16xi32>
        %add3A_990 = arith.addi %get3A_945, %add3A_989 : vector<16xi32>
        %gather3A_991 = tpu.vector_load_idx %arg16[%add3A_990] : memref<6272xf32, #tpu.memory_space<vmem>>[vector<16xi32>], vector<16xf32>,
        %mul3A_992 = arith.mulf %gather3A_991, %sub3A_960 : vector<16xf32>
        %add3A_993 = arith.constant 28 : i32
        %add3A_994 = vector.broadcast %add3A_993 : i32 to vector<16xi32>
        %add3A_995 = arith.addi %add3A_990, %add3A_994 : vector<16xi32>
        %gather3A_996 = tpu.vector_load_idx %arg16[%add3A_995] : memref<6272xf32, #tpu.memory_space<vmem>>[vector<16xi32>], vector<16xf32>,
        %mul3A_997 = arith.mulf %gather3A_996, %get3A_949 : vector<16xf32>
        %add3A_998 = arith.addf %mul3A_992, %mul3A_997 : vector<16xf32>
        %add3A_999 = arith.constant 112 : i32
        %add3A_1000 = vector.broadcast %add3A_999 : i32 to vector<16xi32>
        %add3A_1001 = arith.addi %get3A_953, %add3A_1000 : vector<16xi32>
        tpu.vector_store_idx %arg22[%add3A_1001, %get3A_957], %add3A_998 : memref<448x32xf32, #tpu.memory_space<vmem>>[vector<16xi32>, vector<16xi32>], vector<16xf32>,
        %add3A_1002 = arith.constant 2352 : i32
        %add3A_1003 = vector.broadcast %add3A_1002 : i32 to vector<16xi32>
        %add3A_1004 = arith.addi %get3A_945, %add3A_1003 : vector<16xi32>
        %gather3A_1005 = tpu.vector_load_idx %arg16[%add3A_1004] : memref<6272xf32, #tpu.memory_space<vmem>>[vector<16xi32>], vector<16xf32>,
        %mul3A_1006 = arith.mulf %gather3A_1005, %sub3A_960 : vector<16xf32>
        %add3A_1007 = arith.constant 28 : i32
        %add3A_1008 = vector.broadcast %add3A_1007 : i32 to vector<16xi32>
        %add3A_1009 = arith.addi %add3A_1004, %add3A_1008 : vector<16xi32>
        %gather3A_1010 = tpu.vector_load_idx %arg16[%add3A_1009] : memref<6272xf32, #tpu.memory_space<vmem>>[vector<16xi32>], vector<16xf32>,
        %mul3A_1011 = arith.mulf %gather3A_1010, %get3A_949 : vector<16xf32>
        %add3A_1012 = arith.addf %mul3A_1006, %mul3A_1011 : vector<16xf32>
        %add3A_1013 = arith.constant 168 : i32
        %add3A_1014 = vector.broadcast %add3A_1013 : i32 to vector<16xi32>
        %add3A_1015 = arith.addi %get3A_953, %add3A_1014 : vector<16xi32>
        tpu.vector_store_idx %arg22[%add3A_1015, %get3A_957], %add3A_1012 : memref<448x32xf32, #tpu.memory_space<vmem>>[vector<16xi32>, vector<16xi32>], vector<16xf32>,
        %add3A_1016 = arith.constant 3136 : i32
        %add3A_1017 = vector.broadcast %add3A_1016 : i32 to vector<16xi32>
        %add3A_1018 = arith.addi %get3A_945, %add3A_1017 : vector<16xi32>
        %gather3A_1019 = tpu.vector_load_idx %arg16[%add3A_1018] : memref<6272xf32, #tpu.memory_space<vmem>>[vector<16xi32>], vector<16xf32>,
        %mul3A_1020 = arith.mulf %gather3A_1019, %sub3A_960 : vector<16xf32>
        %add3A_1021 = arith.constant 28 : i32
        %add3A_1022 = vector.broadcast %add3A_1021 : i32 to vector<16xi32>
        %add3A_1023 = arith.addi %add3A_1018, %add3A_1022 : vector<16xi32>
        %gather3A_1024 = tpu.vector_load_idx %arg16[%add3A_1023] : memref<6272xf32, #tpu.memory_space<vmem>>[vector<16xi32>], vector<16xf32>,
        %mul3A_1025 = arith.mulf %gather3A_1024, %get3A_949 : vector<16xf32>
        %add3A_1026 = arith.addf %mul3A_1020, %mul3A_1025 : vector<16xf32>
        %add3A_1027 = arith.constant 224 : i32
        %add3A_1028 = vector.broadcast %add3A_1027 : i32 to vector<16xi32>
        %add3A_1029 = arith.addi %get3A_953, %add3A_1028 : vector<16xi32>
        tpu.vector_store_idx %arg22[%add3A_1029, %get3A_957], %add3A_1026 : memref<448x32xf32, #tpu.memory_space<vmem>>[vector<16xi32>, vector<16xi32>], vector<16xf32>,
        %add3A_1030 = arith.constant 3920 : i32
        %add3A_1031 = vector.broadcast %add3A_1030 : i32 to vector<16xi32>
        %add3A_1032 = arith.addi %get3A_945, %add3A_1031 : vector<16xi32>
        %gather3A_1033 = tpu.vector_load_idx %arg16[%add3A_1032] : memref<6272xf32, #tpu.memory_space<vmem>>[vector<16xi32>], vector<16xf32>,
        %mul3A_1034 = arith.mulf %gather3A_1033, %sub3A_960 : vector<16xf32>
        %add3A_1035 = arith.constant 28 : i32
        %add3A_1036 = vector.broadcast %add3A_1035 : i32 to vector<16xi32>
        %add3A_1037 = arith.addi %add3A_1032, %add3A_1036 : vector<16xi32>
        %gather3A_1038 = tpu.vector_load_idx %arg16[%add3A_1037] : memref<6272xf32, #tpu.memory_space<vmem>>[vector<16xi32>], vector<16xf32>,
        %mul3A_1039 = arith.mulf %gather3A_1038, %get3A_949 : vector<16xf32>
        %add3A_1040 = arith.addf %mul3A_1034, %mul3A_1039 : vector<16xf32>
        %add3A_1041 = arith.constant 280 : i32
        %add3A_1042 = vector.broadcast %add3A_1041 : i32 to vector<16xi32>
        %add3A_1043 = arith.addi %get3A_953, %add3A_1042 : vector<16xi32>
        tpu.vector_store_idx %arg22[%add3A_1043, %get3A_957], %add3A_1040 : memref<448x32xf32, #tpu.memory_space<vmem>>[vector<16xi32>, vector<16xi32>], vector<16xf32>,
        %add3A_1044 = arith.constant 4704 : i32
        %add3A_1045 = vector.broadcast %add3A_1044 : i32 to vector<16xi32>
        %add3A_1046 = arith.addi %get3A_945, %add3A_1045 : vector<16xi32>
        %gather3A_1047 = tpu.vector_load_idx %arg16[%add3A_1046] : memref<6272xf32, #tpu.memory_space<vmem>>[vector<16xi32>], vector<16xf32>,
        %mul3A_1048 = arith.mulf %gather3A_1047, %sub3A_960 : vector<16xf32>
        %add3A_1049 = arith.constant 28 : i32
        %add3A_1050 = vector.broadcast %add3A_1049 : i32 to vector<16xi32>
        %add3A_1051 = arith.addi %add3A_1046, %add3A_1050 : vector<16xi32>
        %gather3A_1052 = tpu.vector_load_idx %arg16[%add3A_1051] : memref<6272xf32, #tpu.memory_space<vmem>>[vector<16xi32>], vector<16xf32>,
        %mul3A_1053 = arith.mulf %gather3A_1052, %get3A_949 : vector<16xf32>
        %add3A_1054 = arith.addf %mul3A_1048, %mul3A_1053 : vector<16xf32>
        %add3A_1055 = arith.constant 336 : i32
        %add3A_1056 = vector.broadcast %add3A_1055 : i32 to vector<16xi32>
        %add3A_1057 = arith.addi %get3A_953, %add3A_1056 : vector<16xi32>
        tpu.vector_store_idx %arg22[%add3A_1057, %get3A_957], %add3A_1054 : memref<448x32xf32, #tpu.memory_space<vmem>>[vector<16xi32>, vector<16xi32>], vector<16xf32>,
        %add3A_1058 = arith.constant 5488 : i32
        %add3A_1059 = vector.broadcast %add3A_1058 : i32 to vector<16xi32>
        %add3A_1060 = arith.addi %get3A_945, %add3A_1059 : vector<16xi32>
        %gather3A_1061 = tpu.vector_load_idx %arg16[%add3A_1060] : memref<6272xf32, #tpu.memory_space<vmem>>[vector<16xi32>], vector<16xf32>,
        %mul3A_1062 = arith.mulf %gather3A_1061, %sub3A_960 : vector<16xf32>
        %add3A_1063 = arith.constant 28 : i32
        %add3A_1064 = vector.broadcast %add3A_1063 : i32 to vector<16xi32>
        %add3A_1065 = arith.addi %add3A_1060, %add3A_1064 : vector<16xi32>
        %gather3A_1066 = tpu.vector_load_idx %arg16[%add3A_1065] : memref<6272xf32, #tpu.memory_space<vmem>>[vector<16xi32>], vector<16xf32>,
        %mul3A_1067 = arith.mulf %gather3A_1066, %get3A_949 : vector<16xf32>
        %add3A_1068 = arith.addf %mul3A_1062, %mul3A_1067 : vector<16xf32>
        %add3A_1069 = arith.constant 392 : i32
        %add3A_1070 = vector.broadcast %add3A_1069 : i32 to vector<16xi32>
        %add3A_1071 = arith.addi %get3A_953, %add3A_1070 : vector<16xi32>
        tpu.vector_store_idx %arg22[%add3A_1071, %get3A_957], %add3A_1068 : memref<448x32xf32, #tpu.memory_space<vmem>>[vector<16xi32>, vector<16xi32>], vector<16xf32>,
      }
      %scan3A_557 = arith.constant 98 : i32
      %mul3A_558 = arith.constant 6 : i32
      %mul3A_559 = arith.muli %add3A, %mul3A_558 : i32
      %add3A_560 = arith.addi %mul3A_559, %add3A_422 : i32
      %jit3A_561 = arith.constant 24 : i32
      %div3A_562 = arith.divsi %add3A_560, %jit3A_561 : i32
      %sign3A_563 = arith.constant 0 : i32
      %sign3A_564 = arith.cmpi sgt, %add3A_560, %sign3A_563 : i32
      %sign3A_565 = arith.extui %sign3A_564 : i1 to i32
      %sign3A_566 = arith.constant 0 : i32
      %sign3A_567 = arith.cmpi slt, %add3A_560, %sign3A_566 : i32
      %sign3A_568 = arith.extui %sign3A_567 : i1 to i32
      %sign3A_569 = arith.subi %sign3A_565, %sign3A_568 : i32
      %sign3A_570 = arith.constant 0 : i32
      %sign3A_571 = arith.cmpi sgt, %jit3A_561, %sign3A_570 : i32
      %sign3A_572 = arith.extui %sign3A_571 : i1 to i32
      %sign3A_573 = arith.constant 0 : i32
      %sign3A_574 = arith.cmpi slt, %jit3A_561, %sign3A_573 : i32
      %sign3A_575 = arith.extui %sign3A_574 : i1 to i32
      %sign3A_576 = arith.subi %sign3A_572, %sign3A_575 : i32
      %ne3A_577 = arith.cmpi ne, %sign3A_569, %sign3A_576 : i32
      %rem3A_578 = arith.remsi %add3A_560, %jit3A_561 : i32
      %ne3A_579 = arith.constant 0 : i32
      %ne3A_580 = arith.cmpi ne, %rem3A_578, %ne3A_579 : i32
      %and3A_581 = arith.andi %ne3A_577, %ne3A_580 : i1
      %sub3A_582 = arith.constant 1 : i32
      %sub3A_583 = arith.subi %div3A_562, %sub3A_582 : i32
      %select_n3A_584 = arith.select %and3A_581, %sub3A_583, %div3A_562 : i32
      %jit3A_585 = arith.constant 24 : i32
      %eq3A_586 = arith.constant 0 : i32
      %eq3A_587 = arith.cmpi eq, %jit3A_585, %eq3A_586 : i32
      %jit3A_588 = arith.constant 1 : i32
      %select_n3A_589 = arith.select %eq3A_587, %jit3A_588, %jit3A_585 : i32
      %rem3A_590 = arith.remsi %add3A_560, %select_n3A_589 : i32
      %ne3A_591 = arith.constant 0 : i32
      %ne3A_592 = arith.cmpi ne, %rem3A_590, %ne3A_591 : i32
      %lt3A_593 = arith.constant 0 : i32
      %lt3A_594 = arith.cmpi slt, %rem3A_590, %lt3A_593 : i32
      %lt3A_595 = arith.constant 0 : i32
      %lt3A_596 = arith.cmpi slt, %select_n3A_589, %lt3A_595 : i32
      %ne3A_597 = arith.xori %lt3A_594, %lt3A_596 : i1
      %and3A_598 = arith.andi %ne3A_597, %ne3A_592 : i1
      %add3A_599 = arith.addi %rem3A_590, %select_n3A_589 : i32
      %select_n3A_600 = arith.select %and3A_598, %add3A_599, %rem3A_590 : i32
      %mul3A_601 = arith.constant 8 : i32
      %mul3A_602 = arith.muli %select_n3A_600, %mul3A_601 : i32
      %mul3A_603 = arith.constant 192 : i32
      %mul3A_604 = arith.muli %select_n3A_584, %mul3A_603 : i32
      %add3A_605 = arith.addi %mul3A_604, %mul3A_602 : i32
      %mul3A_606 = arith.constant 784 : i32
      %mul3A_607 = arith.muli %add3A_605, %mul3A_606 : i32
      %jit3A_608 = arith.constant 32 : i32
      %div3A_609 = arith.divsi %add3A_605, %jit3A_608 : i32
      %sign3A_610 = arith.constant 0 : i32
      %sign3A_611 = arith.cmpi sgt, %add3A_605, %sign3A_610 : i32
      %sign3A_612 = arith.extui %sign3A_611 : i1 to i32
      %sign3A_613 = arith.constant 0 : i32
      %sign3A_614 = arith.cmpi slt, %add3A_605, %sign3A_613 : i32
      %sign3A_615 = arith.extui %sign3A_614 : i1 to i32
      %sign3A_616 = arith.subi %sign3A_612, %sign3A_615 : i32
      %sign3A_617 = arith.constant 0 : i32
      %sign3A_618 = arith.cmpi sgt, %jit3A_608, %sign3A_617 : i32
      %sign3A_619 = arith.extui %sign3A_618 : i1 to i32
      %sign3A_620 = arith.constant 0 : i32
      %sign3A_621 = arith.cmpi slt, %jit3A_608, %sign3A_620 : i32
      %sign3A_622 = arith.extui %sign3A_621 : i1 to i32
      %sign3A_623 = arith.subi %sign3A_619, %sign3A_622 : i32
      %ne3A_624 = arith.cmpi ne, %sign3A_616, %sign3A_623 : i32
      %rem3A_625 = arith.remsi %add3A_605, %jit3A_608 : i32
      %ne3A_626 = arith.constant 0 : i32
      %ne3A_627 = arith.cmpi ne, %rem3A_625, %ne3A_626 : i32
      %and3A_628 = arith.andi %ne3A_624, %ne3A_627 : i1
      %sub3A_629 = arith.constant 1 : i32
      %sub3A_630 = arith.subi %div3A_609, %sub3A_629 : i32
      %select_n3A_631 = arith.select %and3A_628, %sub3A_630, %div3A_609 : i32
      %mul3A_632 = arith.constant 448 : i32
      %mul3A_633 = arith.muli %select_n3A_631, %mul3A_632 : i32
      %jit3A_634 = arith.constant 32 : i32
      %eq3A_635 = arith.constant 0 : i32
      %eq3A_636 = arith.cmpi eq, %jit3A_634, %eq3A_635 : i32
      %jit3A_637 = arith.constant 1 : i32
      %select_n3A_638 = arith.select %eq3A_636, %jit3A_637, %jit3A_634 : i32
      %rem3A_639 = arith.remsi %add3A_605, %select_n3A_638 : i32
      %ne3A_640 = arith.constant 0 : i32
      %ne3A_641 = arith.cmpi ne, %rem3A_639, %ne3A_640 : i32
      %lt3A_642 = arith.constant 0 : i32
      %lt3A_643 = arith.cmpi slt, %rem3A_639, %lt3A_642 : i32
      %lt3A_644 = arith.constant 0 : i32
      %lt3A_645 = arith.cmpi slt, %select_n3A_638, %lt3A_644 : i32
      %ne3A_646 = arith.xori %lt3A_643, %lt3A_645 : i1
      %and3A_647 = arith.andi %ne3A_646, %ne3A_641 : i1
      %add3A_648 = arith.addi %rem3A_639, %select_n3A_638 : i32
      %select_n3A_649 = arith.select %and3A_647, %add3A_648, %rem3A_639 : i32
      %jit3A_650 = arith.constant 8 : i32
      %div3A_651 = arith.divsi %select_n3A_649, %jit3A_650 : i32
      %sign3A_652 = arith.constant 0 : i32
      %sign3A_653 = arith.cmpi sgt, %select_n3A_649, %sign3A_652 : i32
      %sign3A_654 = arith.extui %sign3A_653 : i1 to i32
      %sign3A_655 = arith.constant 0 : i32
      %sign3A_656 = arith.cmpi slt, %select_n3A_649, %sign3A_655 : i32
      %sign3A_657 = arith.extui %sign3A_656 : i1 to i32
      %sign3A_658 = arith.subi %sign3A_654, %sign3A_657 : i32
      %sign3A_659 = arith.constant 0 : i32
      %sign3A_660 = arith.cmpi sgt, %jit3A_650, %sign3A_659 : i32
      %sign3A_661 = arith.extui %sign3A_660 : i1 to i32
      %sign3A_662 = arith.constant 0 : i32
      %sign3A_663 = arith.cmpi slt, %jit3A_650, %sign3A_662 : i32
      %sign3A_664 = arith.extui %sign3A_663 : i1 to i32
      %sign3A_665 = arith.subi %sign3A_661, %sign3A_664 : i32
      %ne3A_666 = arith.cmpi ne, %sign3A_658, %sign3A_665 : i32
      %rem3A_667 = arith.remsi %select_n3A_649, %jit3A_650 : i32
      %ne3A_668 = arith.constant 0 : i32
      %ne3A_669 = arith.cmpi ne, %rem3A_667, %ne3A_668 : i32
      %and3A_670 = arith.andi %ne3A_666, %ne3A_669 : i1
      %sub3A_671 = arith.constant 1 : i32
      %sub3A_672 = arith.subi %div3A_651, %sub3A_671 : i32
      %select_n3A_673 = arith.select %and3A_670, %sub3A_672, %div3A_651 : i32
      %mul3A_674 = arith.constant 32 : i32
      %mul3A_675 = arith.muli %select_n3A_673, %mul3A_674 : i32
      %dma_start3A_676 = tpu.memref_slice %arg9[%mul3A_633, %mul3A_675] : memref<21504x128xf32, #tpu.memory_space<hbm>> -> memref<448x32xf32, #tpu.memory_space<hbm>>
      %dma_start3A_677 = tpu.memref_slice %arg9[%mul3A_633, %mul3A_675] : memref<21504x128xf32, #tpu.memory_space<hbm>> -> memref<448x32xf32, #tpu.memory_space<hbm>>
      tpu.enqueue_dma source(%arg22 : memref<448x32xf32, #tpu.memory_space<vmem>>) target(%dma_start3A_677 : memref<448x32xf32, #tpu.memory_space<hbm>>) target_semaphore(%arg26 : memref<!tpu.dma_semaphore, #tpu.memory_space<semaphore_mem>>)
      %mul3A_678 = arith.constant 2 : i32
      %mul3A_679 = arith.muli %scan3A_418, %mul3A_678 : i32
      %add3A_680 = arith.constant 1 : i32
      %add3A_681 = arith.addi %mul3A_679, %add3A_680 : i32
      %mul3A_682 = arith.constant 6 : i32
      %mul3A_683 = arith.muli %add3A, %mul3A_682 : i32
      %add3A_684 = arith.addi %mul3A_683, %add3A_681 : i32
      %jit3A_685 = arith.constant 24 : i32
      %div3A_686 = arith.divsi %add3A_684, %jit3A_685 : i32
      %sign3A_687 = arith.constant 0 : i32
      %sign3A_688 = arith.cmpi sgt, %add3A_684, %sign3A_687 : i32
      %sign3A_689 = arith.extui %sign3A_688 : i1 to i32
      %sign3A_690 = arith.constant 0 : i32
      %sign3A_691 = arith.cmpi slt, %add3A_684, %sign3A_690 : i32
      %sign3A_692 = arith.extui %sign3A_691 : i1 to i32
      %sign3A_693 = arith.subi %sign3A_689, %sign3A_692 : i32
      %sign3A_694 = arith.constant 0 : i32
      %sign3A_695 = arith.cmpi sgt, %jit3A_685, %sign3A_694 : i32
      %sign3A_696 = arith.extui %sign3A_695 : i1 to i32
      %sign3A_697 = arith.constant 0 : i32
      %sign3A_698 = arith.cmpi slt, %jit3A_685, %sign3A_697 : i32
      %sign3A_699 = arith.extui %sign3A_698 : i1 to i32
      %sign3A_700 = arith.subi %sign3A_696, %sign3A_699 : i32
      %ne3A_701 = arith.cmpi ne, %sign3A_693, %sign3A_700 : i32
      %rem3A_702 = arith.remsi %add3A_684, %jit3A_685 : i32
      %ne3A_703 = arith.constant 0 : i32
      %ne3A_704 = arith.cmpi ne, %rem3A_702, %ne3A_703 : i32
      %and3A_705 = arith.andi %ne3A_701, %ne3A_704 : i1
      %sub3A_706 = arith.constant 1 : i32
      %sub3A_707 = arith.subi %div3A_686, %sub3A_706 : i32
      %select_n3A_708 = arith.select %and3A_705, %sub3A_707, %div3A_686 : i32
      %jit3A_709 = arith.constant 24 : i32
      %eq3A_710 = arith.constant 0 : i32
      %eq3A_711 = arith.cmpi eq, %jit3A_709, %eq3A_710 : i32
      %jit3A_712 = arith.constant 1 : i32
      %select_n3A_713 = arith.select %eq3A_711, %jit3A_712, %jit3A_709 : i32
      %rem3A_714 = arith.remsi %add3A_684, %select_n3A_713 : i32
      %ne3A_715 = arith.constant 0 : i32
      %ne3A_716 = arith.cmpi ne, %rem3A_714, %ne3A_715 : i32
      %lt3A_717 = arith.constant 0 : i32
      %lt3A_718 = arith.cmpi slt, %rem3A_714, %lt3A_717 : i32
      %lt3A_719 = arith.constant 0 : i32
      %lt3A_720 = arith.cmpi slt, %select_n3A_713, %lt3A_719 : i32
      %ne3A_721 = arith.xori %lt3A_718, %lt3A_720 : i1
      %and3A_722 = arith.andi %ne3A_721, %ne3A_716 : i1
      %add3A_723 = arith.addi %rem3A_714, %select_n3A_713 : i32
      %select_n3A_724 = arith.select %and3A_722, %add3A_723, %rem3A_714 : i32
      %mul3A_725 = arith.constant 8 : i32
      %mul3A_726 = arith.muli %select_n3A_724, %mul3A_725 : i32
      %mul3A_727 = arith.constant 192 : i32
      %mul3A_728 = arith.muli %select_n3A_708, %mul3A_727 : i32
      %add3A_729 = arith.addi %mul3A_728, %mul3A_726 : i32
      %mul3A_730 = arith.constant 784 : i32
      %mul3A_731 = arith.muli %add3A_729, %mul3A_730 : i32
      %jit3A_732 = arith.constant 32 : i32
      %div3A_733 = arith.divsi %add3A_729, %jit3A_732 : i32
      %sign3A_734 = arith.constant 0 : i32
      %sign3A_735 = arith.cmpi sgt, %add3A_729, %sign3A_734 : i32
      %sign3A_736 = arith.extui %sign3A_735 : i1 to i32
      %sign3A_737 = arith.constant 0 : i32
      %sign3A_738 = arith.cmpi slt, %add3A_729, %sign3A_737 : i32
      %sign3A_739 = arith.extui %sign3A_738 : i1 to i32
      %sign3A_740 = arith.subi %sign3A_736, %sign3A_739 : i32
      %sign3A_741 = arith.constant 0 : i32
      %sign3A_742 = arith.cmpi sgt, %jit3A_732, %sign3A_741 : i32
      %sign3A_743 = arith.extui %sign3A_742 : i1 to i32
      %sign3A_744 = arith.constant 0 : i32
      %sign3A_745 = arith.cmpi slt, %jit3A_732, %sign3A_744 : i32
      %sign3A_746 = arith.extui %sign3A_745 : i1 to i32
      %sign3A_747 = arith.subi %sign3A_743, %sign3A_746 : i32
      %ne3A_748 = arith.cmpi ne, %sign3A_740, %sign3A_747 : i32
      %rem3A_749 = arith.remsi %add3A_729, %jit3A_732 : i32
      %ne3A_750 = arith.constant 0 : i32
      %ne3A_751 = arith.cmpi ne, %rem3A_749, %ne3A_750 : i32
      %and3A_752 = arith.andi %ne3A_748, %ne3A_751 : i1
      %sub3A_753 = arith.constant 1 : i32
      %sub3A_754 = arith.subi %div3A_733, %sub3A_753 : i32
      %select_n3A_755 = arith.select %and3A_752, %sub3A_754, %div3A_733 : i32
      %mul3A_756 = arith.constant 448 : i32
      %mul3A_757 = arith.muli %select_n3A_755, %mul3A_756 : i32
      %jit3A_758 = arith.constant 32 : i32
      %eq3A_759 = arith.constant 0 : i32
      %eq3A_760 = arith.cmpi eq, %jit3A_758, %eq3A_759 : i32
      %jit3A_761 = arith.constant 1 : i32
      %select_n3A_762 = arith.select %eq3A_760, %jit3A_761, %jit3A_758 : i32
      %rem3A_763 = arith.remsi %add3A_729, %select_n3A_762 : i32
      %ne3A_764 = arith.constant 0 : i32
      %ne3A_765 = arith.cmpi ne, %rem3A_763, %ne3A_764 : i32
      %lt3A_766 = arith.constant 0 : i32
      %lt3A_767 = arith.cmpi slt, %rem3A_763, %lt3A_766 : i32
      %lt3A_768 = arith.constant 0 : i32
      %lt3A_769 = arith.cmpi slt, %select_n3A_762, %lt3A_768 : i32
      %ne3A_770 = arith.xori %lt3A_767, %lt3A_769 : i1
      %and3A_771 = arith.andi %ne3A_770, %ne3A_765 : i1
      %add3A_772 = arith.addi %rem3A_763, %select_n3A_762 : i32
      %select_n3A_773 = arith.select %and3A_771, %add3A_772, %rem3A_763 : i32
      %jit3A_774 = arith.constant 8 : i32
      %div3A_775 = arith.divsi %select_n3A_773, %jit3A_774 : i32
      %sign3A_776 = arith.constant 0 : i32
      %sign3A_777 = arith.cmpi sgt, %select_n3A_773, %sign3A_776 : i32
      %sign3A_778 = arith.extui %sign3A_777 : i1 to i32
      %sign3A_779 = arith.constant 0 : i32
      %sign3A_780 = arith.cmpi slt, %select_n3A_773, %sign3A_779 : i32
      %sign3A_781 = arith.extui %sign3A_780 : i1 to i32
      %sign3A_782 = arith.subi %sign3A_778, %sign3A_781 : i32
      %sign3A_783 = arith.constant 0 : i32
      %sign3A_784 = arith.cmpi sgt, %jit3A_774, %sign3A_783 : i32
      %sign3A_785 = arith.extui %sign3A_784 : i1 to i32
      %sign3A_786 = arith.constant 0 : i32
      %sign3A_787 = arith.cmpi slt, %jit3A_774, %sign3A_786 : i32
      %sign3A_788 = arith.extui %sign3A_787 : i1 to i32
      %sign3A_789 = arith.subi %sign3A_785, %sign3A_788 : i32
      %ne3A_790 = arith.cmpi ne, %sign3A_782, %sign3A_789 : i32
      %rem3A_791 = arith.remsi %select_n3A_773, %jit3A_774 : i32
      %ne3A_792 = arith.constant 0 : i32
      %ne3A_793 = arith.cmpi ne, %rem3A_791, %ne3A_792 : i32
      %and3A_794 = arith.andi %ne3A_790, %ne3A_793 : i1
      %sub3A_795 = arith.constant 1 : i32
      %sub3A_796 = arith.subi %div3A_775, %sub3A_795 : i32
      %select_n3A_797 = arith.select %and3A_794, %sub3A_796, %div3A_775 : i32
      %mul3A_798 = arith.constant 32 : i32
      %mul3A_799 = arith.muli %select_n3A_797, %mul3A_798 : i32
      %dma_wait3A_800 = tpu.memref_slice %arg2[%mul3A_731] : memref<1204224xf32, #tpu.memory_space<hbm>> -> memref<6272xf32, #tpu.memory_space<hbm>>
      %dma_wait3A_801 = tpu.memref_slice %arg2[%mul3A_731] : memref<1204224xf32, #tpu.memory_space<hbm>> -> memref<6272xf32, #tpu.memory_space<hbm>>
      tpu.wait_dma2 semaphore(%arg25 : memref<!tpu.dma_semaphore, #tpu.memory_space<semaphore_mem>>) src(%dma_wait3A_801 : memref<6272xf32, #tpu.memory_space<hbm>>) dst(%arg17 : memref<6272xf32, #tpu.memory_space<vmem>>)
      %add3A_802 = arith.constant 1 : i32
      %add3A_803 = arith.addi %add3A_681, %add3A_802 : i32
      %lt3A_804 = arith.constant 6 : i32
      %lt3A_805 = arith.cmpi slt, %add3A_803, %lt3A_804 : i32
      %convert_element_type3A_806 = arith.extui %lt3A_805 : i1 to i32
      %cond3A_807 = arith.constant 0 : i32
      %cond3A_808 = arith.cmpi ne, %convert_element_type3A_806, %cond3A_807 : i32
      scf.if %cond3A_808 {
        %add3A_940 = arith.constant 1 : i32
        %add3A_941 = arith.addi %add3A_681, %add3A_940 : i32
        %mul3A_942 = arith.constant 6 : i32
        %mul3A_943 = arith.muli %add3A, %mul3A_942 : i32
        %add3A_944 = arith.addi %mul3A_943, %add3A_941 : i32
        %jit3A_945 = arith.constant 24 : i32
        %div3A_946 = arith.divsi %add3A_944, %jit3A_945 : i32
        %sign3A_947 = arith.constant 0 : i32
        %sign3A_948 = arith.cmpi sgt, %add3A_944, %sign3A_947 : i32
        %sign3A_949 = arith.extui %sign3A_948 : i1 to i32
        %sign3A_950 = arith.constant 0 : i32
        %sign3A_951 = arith.cmpi slt, %add3A_944, %sign3A_950 : i32
        %sign3A_952 = arith.extui %sign3A_951 : i1 to i32
        %sign3A_953 = arith.subi %sign3A_949, %sign3A_952 : i32
        %sign3A_954 = arith.constant 0 : i32
        %sign3A_955 = arith.cmpi sgt, %jit3A_945, %sign3A_954 : i32
        %sign3A_956 = arith.extui %sign3A_955 : i1 to i32
        %sign3A_957 = arith.constant 0 : i32
        %sign3A_958 = arith.cmpi slt, %jit3A_945, %sign3A_957 : i32
        %sign3A_959 = arith.extui %sign3A_958 : i1 to i32
        %sign3A_960 = arith.subi %sign3A_956, %sign3A_959 : i32
        %ne3A_961 = arith.cmpi ne, %sign3A_953, %sign3A_960 : i32
        %rem3A_962 = arith.remsi %add3A_944, %jit3A_945 : i32
        %ne3A_963 = arith.constant 0 : i32
        %ne3A_964 = arith.cmpi ne, %rem3A_962, %ne3A_963 : i32
        %and3A_965 = arith.andi %ne3A_961, %ne3A_964 : i1
        %sub3A_966 = arith.constant 1 : i32
        %sub3A_967 = arith.subi %div3A_946, %sub3A_966 : i32
        %select_n3A_968 = arith.select %and3A_965, %sub3A_967, %div3A_946 : i32
        %jit3A_969 = arith.constant 24 : i32
        %eq3A_970 = arith.constant 0 : i32
        %eq3A_971 = arith.cmpi eq, %jit3A_969, %eq3A_970 : i32
        %jit3A_972 = arith.constant 1 : i32
        %select_n3A_973 = arith.select %eq3A_971, %jit3A_972, %jit3A_969 : i32
        %rem3A_974 = arith.remsi %add3A_944, %select_n3A_973 : i32
        %ne3A_975 = arith.constant 0 : i32
        %ne3A_976 = arith.cmpi ne, %rem3A_974, %ne3A_975 : i32
        %lt3A_977 = arith.constant 0 : i32
        %lt3A_978 = arith.cmpi slt, %rem3A_974, %lt3A_977 : i32
        %lt3A_979 = arith.constant 0 : i32
        %lt3A_980 = arith.cmpi slt, %select_n3A_973, %lt3A_979 : i32
        %ne3A_981 = arith.xori %lt3A_978, %lt3A_980 : i1
        %and3A_982 = arith.andi %ne3A_981, %ne3A_976 : i1
        %add3A_983 = arith.addi %rem3A_974, %select_n3A_973 : i32
        %select_n3A_984 = arith.select %and3A_982, %add3A_983, %rem3A_974 : i32
        %mul3A_985 = arith.constant 8 : i32
        %mul3A_986 = arith.muli %select_n3A_984, %mul3A_985 : i32
        %mul3A_987 = arith.constant 192 : i32
        %mul3A_988 = arith.muli %select_n3A_968, %mul3A_987 : i32
        %add3A_989 = arith.addi %mul3A_988, %mul3A_986 : i32
        %mul3A_990 = arith.constant 784 : i32
        %mul3A_991 = arith.muli %add3A_989, %mul3A_990 : i32
        %jit3A_992 = arith.constant 32 : i32
        %div3A_993 = arith.divsi %add3A_989, %jit3A_992 : i32
        %sign3A_994 = arith.constant 0 : i32
        %sign3A_995 = arith.cmpi sgt, %add3A_989, %sign3A_994 : i32
        %sign3A_996 = arith.extui %sign3A_995 : i1 to i32
        %sign3A_997 = arith.constant 0 : i32
        %sign3A_998 = arith.cmpi slt, %add3A_989, %sign3A_997 : i32
        %sign3A_999 = arith.extui %sign3A_998 : i1 to i32
        %sign3A_1000 = arith.subi %sign3A_996, %sign3A_999 : i32
        %sign3A_1001 = arith.constant 0 : i32
        %sign3A_1002 = arith.cmpi sgt, %jit3A_992, %sign3A_1001 : i32
        %sign3A_1003 = arith.extui %sign3A_1002 : i1 to i32
        %sign3A_1004 = arith.constant 0 : i32
        %sign3A_1005 = arith.cmpi slt, %jit3A_992, %sign3A_1004 : i32
        %sign3A_1006 = arith.extui %sign3A_1005 : i1 to i32
        %sign3A_1007 = arith.subi %sign3A_1003, %sign3A_1006 : i32
        %ne3A_1008 = arith.cmpi ne, %sign3A_1000, %sign3A_1007 : i32
        %rem3A_1009 = arith.remsi %add3A_989, %jit3A_992 : i32
        %ne3A_1010 = arith.constant 0 : i32
        %ne3A_1011 = arith.cmpi ne, %rem3A_1009, %ne3A_1010 : i32
        %and3A_1012 = arith.andi %ne3A_1008, %ne3A_1011 : i1
        %sub3A_1013 = arith.constant 1 : i32
        %sub3A_1014 = arith.subi %div3A_993, %sub3A_1013 : i32
        %select_n3A_1015 = arith.select %and3A_1012, %sub3A_1014, %div3A_993 : i32
        %mul3A_1016 = arith.constant 448 : i32
        %mul3A_1017 = arith.muli %select_n3A_1015, %mul3A_1016 : i32
        %jit3A_1018 = arith.constant 32 : i32
        %eq3A_1019 = arith.constant 0 : i32
        %eq3A_1020 = arith.cmpi eq, %jit3A_1018, %eq3A_1019 : i32
        %jit3A_1021 = arith.constant 1 : i32
        %select_n3A_1022 = arith.select %eq3A_1020, %jit3A_1021, %jit3A_1018 : i32
        %rem3A_1023 = arith.remsi %add3A_989, %select_n3A_1022 : i32
        %ne3A_1024 = arith.constant 0 : i32
        %ne3A_1025 = arith.cmpi ne, %rem3A_1023, %ne3A_1024 : i32
        %lt3A_1026 = arith.constant 0 : i32
        %lt3A_1027 = arith.cmpi slt, %rem3A_1023, %lt3A_1026 : i32
        %lt3A_1028 = arith.constant 0 : i32
        %lt3A_1029 = arith.cmpi slt, %select_n3A_1022, %lt3A_1028 : i32
        %ne3A_1030 = arith.xori %lt3A_1027, %lt3A_1029 : i1
        %and3A_1031 = arith.andi %ne3A_1030, %ne3A_1025 : i1
        %add3A_1032 = arith.addi %rem3A_1023, %select_n3A_1022 : i32
        %select_n3A_1033 = arith.select %and3A_1031, %add3A_1032, %rem3A_1023 : i32
        %jit3A_1034 = arith.constant 8 : i32
        %div3A_1035 = arith.divsi %select_n3A_1033, %jit3A_1034 : i32
        %sign3A_1036 = arith.constant 0 : i32
        %sign3A_1037 = arith.cmpi sgt, %select_n3A_1033, %sign3A_1036 : i32
        %sign3A_1038 = arith.extui %sign3A_1037 : i1 to i32
        %sign3A_1039 = arith.constant 0 : i32
        %sign3A_1040 = arith.cmpi slt, %select_n3A_1033, %sign3A_1039 : i32
        %sign3A_1041 = arith.extui %sign3A_1040 : i1 to i32
        %sign3A_1042 = arith.subi %sign3A_1038, %sign3A_1041 : i32
        %sign3A_1043 = arith.constant 0 : i32
        %sign3A_1044 = arith.cmpi sgt, %jit3A_1034, %sign3A_1043 : i32
        %sign3A_1045 = arith.extui %sign3A_1044 : i1 to i32
        %sign3A_1046 = arith.constant 0 : i32
        %sign3A_1047 = arith.cmpi slt, %jit3A_1034, %sign3A_1046 : i32
        %sign3A_1048 = arith.extui %sign3A_1047 : i1 to i32
        %sign3A_1049 = arith.subi %sign3A_1045, %sign3A_1048 : i32
        %ne3A_1050 = arith.cmpi ne, %sign3A_1042, %sign3A_1049 : i32
        %rem3A_1051 = arith.remsi %select_n3A_1033, %jit3A_1034 : i32
        %ne3A_1052 = arith.constant 0 : i32
        %ne3A_1053 = arith.cmpi ne, %rem3A_1051, %ne3A_1052 : i32
        %and3A_1054 = arith.andi %ne3A_1050, %ne3A_1053 : i1
        %sub3A_1055 = arith.constant 1 : i32
        %sub3A_1056 = arith.subi %div3A_1035, %sub3A_1055 : i32
        %select_n3A_1057 = arith.select %and3A_1054, %sub3A_1056, %div3A_1035 : i32
        %mul3A_1058 = arith.constant 32 : i32
        %mul3A_1059 = arith.muli %select_n3A_1057, %mul3A_1058 : i32
        %dma_start3A_1060 = tpu.memref_slice %arg2[%mul3A_991] : memref<1204224xf32, #tpu.memory_space<hbm>> -> memref<6272xf32, #tpu.memory_space<hbm>>
        %dma_start3A_1061 = tpu.memref_slice %arg2[%mul3A_991] : memref<1204224xf32, #tpu.memory_space<hbm>> -> memref<6272xf32, #tpu.memory_space<hbm>>
        tpu.enqueue_dma source(%dma_start3A_1061 : memref<6272xf32, #tpu.memory_space<hbm>>) target(%arg16 : memref<6272xf32, #tpu.memory_space<vmem>>) target_semaphore(%arg24 : memref<!tpu.dma_semaphore, #tpu.memory_space<semaphore_mem>>)
      } else {
      }
      %gt3A_809 = arith.constant 0 : i32
      %gt3A_810 = arith.cmpi sgt, %scan3A_418, %gt3A_809 : i32
      %convert_element_type3A_811 = arith.extui %gt3A_810 : i1 to i32
      %cond3A_812 = arith.constant 0 : i32
      %cond3A_813 = arith.cmpi ne, %convert_element_type3A_811, %cond3A_812 : i32
      scf.if %cond3A_813 {
        %dma_wait3A_940 = arith.constant 0 : i32
        %dma_wait3A_941 = arith.constant 0 : i32
        %dma_wait3A_942 = tpu.memref_slice %arg9[%dma_wait3A_940, %dma_wait3A_941] : memref<21504x128xf32, #tpu.memory_space<hbm>> -> memref<448x32xf32, #tpu.memory_space<hbm>>
        %dma_wait3A_943 = arith.constant 0 : i32
        %dma_wait3A_944 = arith.constant 0 : i32
        %dma_wait3A_945 = tpu.memref_slice %arg9[%dma_wait3A_943, %dma_wait3A_944] : memref<21504x128xf32, #tpu.memory_space<hbm>> -> memref<448x32xf32, #tpu.memory_space<hbm>>
        tpu.wait_dma2 semaphore(%arg27 : memref<!tpu.dma_semaphore, #tpu.memory_space<semaphore_mem>>) src(%dma_wait3A_945 : memref<448x32xf32, #tpu.memory_space<hbm>>) dst(%arg23 : memref<448x32xf32, #tpu.memory_space<vmem>>)
      } else {
      }
      %scan3A_814 = arith.constant 0 : i32
      %scan3A_815 = arith.constant 0 : i32
      %scan3A_816 = arith.constant 98 : i32
      %scan3A_817 = arith.addi %scan3A_815, %scan3A_816 : i32
      %scan3A_818 = arith.constant 1 : i32
      scf.for %scan3A_940 = %scan3A_815 to %scan3A_817 step %scan3A_818  : i32 {
        %mul3A_941 = arith.constant 16 : i32
        %mul3A_942 = arith.muli %scan3A_940, %mul3A_941 : i32
        %add3A_943 = arith.constant 0 : i32
        %add3A_944 = arith.addi %add3A_943, %mul3A_942 : i32
        %get3A = arith.index_cast %add3A_944 : i32 to index
        %get3A_945 = tpu.vector_load %arg12[%get3A] {strides = array<i32>} : memref<2752xi32, #tpu.memory_space<vmem>>, vector<16xi32>,
        %add3A_946 = arith.constant 0 : i32
        %add3A_947 = arith.addi %add3A_946, %mul3A_942 : i32
        %get3A_948 = arith.index_cast %add3A_947 : i32 to index
        %get3A_949 = tpu.vector_load %arg13[%get3A_948] {strides = array<i32>} : memref<2752xf32, #tpu.memory_space<vmem>>, vector<16xf32>,
        %add3A_950 = arith.constant 0 : i32
        %add3A_951 = arith.addi %add3A_950, %mul3A_942 : i32
        %get3A_952 = arith.index_cast %add3A_951 : i32 to index
        %get3A_953 = tpu.vector_load %arg14[%get3A_952] {strides = array<i32>} : memref<2752xi32, #tpu.memory_space<vmem>>, vector<16xi32>,
        %add3A_954 = arith.constant 0 : i32
        %add3A_955 = arith.addi %add3A_954, %mul3A_942 : i32
        %get3A_956 = arith.index_cast %add3A_955 : i32 to index
        %get3A_957 = tpu.vector_load %arg15[%get3A_956] {strides = array<i32>} : memref<2752xi32, #tpu.memory_space<vmem>>, vector<16xi32>,
        %sub3A_958 = arith.constant 1.000000e+00 : f32
        %sub3A_959 = vector.broadcast %sub3A_958 : f32 to vector<16xf32>
        %sub3A_960 = arith.subf %sub3A_959, %get3A_949 : vector<16xf32>
        %add3A_961 = arith.constant 0 : i32
        %add3A_962 = vector.broadcast %add3A_961 : i32 to vector<16xi32>
        %add3A_963 = arith.addi %get3A_945, %add3A_962 : vector<16xi32>
        %gather3A = tpu.vector_load_idx %arg17[%add3A_963] : memref<6272xf32, #tpu.memory_space<vmem>>[vector<16xi32>], vector<16xf32>,
        %mul3A_964 = arith.mulf %gather3A, %sub3A_960 : vector<16xf32>
        %add3A_965 = arith.constant 28 : i32
        %add3A_966 = vector.broadcast %add3A_965 : i32 to vector<16xi32>
        %add3A_967 = arith.addi %add3A_963, %add3A_966 : vector<16xi32>
        %gather3A_968 = tpu.vector_load_idx %arg17[%add3A_967] : memref<6272xf32, #tpu.memory_space<vmem>>[vector<16xi32>], vector<16xf32>,
        %mul3A_969 = arith.mulf %gather3A_968, %get3A_949 : vector<16xf32>
        %add3A_970 = arith.addf %mul3A_964, %mul3A_969 : vector<16xf32>
        %add3A_971 = arith.constant 0 : i32
        %add3A_972 = vector.broadcast %add3A_971 : i32 to vector<16xi32>
        %add3A_973 = arith.addi %get3A_953, %add3A_972 : vector<16xi32>
        tpu.vector_store_idx %arg23[%add3A_973, %get3A_957], %add3A_970 : memref<448x32xf32, #tpu.memory_space<vmem>>[vector<16xi32>, vector<16xi32>], vector<16xf32>,
        %add3A_974 = arith.constant 784 : i32
        %add3A_975 = vector.broadcast %add3A_974 : i32 to vector<16xi32>
        %add3A_976 = arith.addi %get3A_945, %add3A_975 : vector<16xi32>
        %gather3A_977 = tpu.vector_load_idx %arg17[%add3A_976] : memref<6272xf32, #tpu.memory_space<vmem>>[vector<16xi32>], vector<16xf32>,
        %mul3A_978 = arith.mulf %gather3A_977, %sub3A_960 : vector<16xf32>
        %add3A_979 = arith.constant 28 : i32
        %add3A_980 = vector.broadcast %add3A_979 : i32 to vector<16xi32>
        %add3A_981 = arith.addi %add3A_976, %add3A_980 : vector<16xi32>
        %gather3A_982 = tpu.vector_load_idx %arg17[%add3A_981] : memref<6272xf32, #tpu.memory_space<vmem>>[vector<16xi32>], vector<16xf32>,
        %mul3A_983 = arith.mulf %gather3A_982, %get3A_949 : vector<16xf32>
        %add3A_984 = arith.addf %mul3A_978, %mul3A_983 : vector<16xf32>
        %add3A_985 = arith.constant 56 : i32
        %add3A_986 = vector.broadcast %add3A_985 : i32 to vector<16xi32>
        %add3A_987 = arith.addi %get3A_953, %add3A_986 : vector<16xi32>
        tpu.vector_store_idx %arg23[%add3A_987, %get3A_957], %add3A_984 : memref<448x32xf32, #tpu.memory_space<vmem>>[vector<16xi32>, vector<16xi32>], vector<16xf32>,
        %add3A_988 = arith.constant 1568 : i32
        %add3A_989 = vector.broadcast %add3A_988 : i32 to vector<16xi32>
        %add3A_990 = arith.addi %get3A_945, %add3A_989 : vector<16xi32>
        %gather3A_991 = tpu.vector_load_idx %arg17[%add3A_990] : memref<6272xf32, #tpu.memory_space<vmem>>[vector<16xi32>], vector<16xf32>,
        %mul3A_992 = arith.mulf %gather3A_991, %sub3A_960 : vector<16xf32>
        %add3A_993 = arith.constant 28 : i32
        %add3A_994 = vector.broadcast %add3A_993 : i32 to vector<16xi32>
        %add3A_995 = arith.addi %add3A_990, %add3A_994 : vector<16xi32>
        %gather3A_996 = tpu.vector_load_idx %arg17[%add3A_995] : memref<6272xf32, #tpu.memory_space<vmem>>[vector<16xi32>], vector<16xf32>,
        %mul3A_997 = arith.mulf %gather3A_996, %get3A_949 : vector<16xf32>
        %add3A_998 = arith.addf %mul3A_992, %mul3A_997 : vector<16xf32>
        %add3A_999 = arith.constant 112 : i32
        %add3A_1000 = vector.broadcast %add3A_999 : i32 to vector<16xi32>
        %add3A_1001 = arith.addi %get3A_953, %add3A_1000 : vector<16xi32>
        tpu.vector_store_idx %arg23[%add3A_1001, %get3A_957], %add3A_998 : memref<448x32xf32, #tpu.memory_space<vmem>>[vector<16xi32>, vector<16xi32>], vector<16xf32>,
        %add3A_1002 = arith.constant 2352 : i32
        %add3A_1003 = vector.broadcast %add3A_1002 : i32 to vector<16xi32>
        %add3A_1004 = arith.addi %get3A_945, %add3A_1003 : vector<16xi32>
        %gather3A_1005 = tpu.vector_load_idx %arg17[%add3A_1004] : memref<6272xf32, #tpu.memory_space<vmem>>[vector<16xi32>], vector<16xf32>,
        %mul3A_1006 = arith.mulf %gather3A_1005, %sub3A_960 : vector<16xf32>
        %add3A_1007 = arith.constant 28 : i32
        %add3A_1008 = vector.broadcast %add3A_1007 : i32 to vector<16xi32>
        %add3A_1009 = arith.addi %add3A_1004, %add3A_1008 : vector<16xi32>
        %gather3A_1010 = tpu.vector_load_idx %arg17[%add3A_1009] : memref<6272xf32, #tpu.memory_space<vmem>>[vector<16xi32>], vector<16xf32>,
        %mul3A_1011 = arith.mulf %gather3A_1010, %get3A_949 : vector<16xf32>
        %add3A_1012 = arith.addf %mul3A_1006, %mul3A_1011 : vector<16xf32>
        %add3A_1013 = arith.constant 168 : i32
        %add3A_1014 = vector.broadcast %add3A_1013 : i32 to vector<16xi32>
        %add3A_1015 = arith.addi %get3A_953, %add3A_1014 : vector<16xi32>
        tpu.vector_store_idx %arg23[%add3A_1015, %get3A_957], %add3A_1012 : memref<448x32xf32, #tpu.memory_space<vmem>>[vector<16xi32>, vector<16xi32>], vector<16xf32>,
        %add3A_1016 = arith.constant 3136 : i32
        %add3A_1017 = vector.broadcast %add3A_1016 : i32 to vector<16xi32>
        %add3A_1018 = arith.addi %get3A_945, %add3A_1017 : vector<16xi32>
        %gather3A_1019 = tpu.vector_load_idx %arg17[%add3A_1018] : memref<6272xf32, #tpu.memory_space<vmem>>[vector<16xi32>], vector<16xf32>,
        %mul3A_1020 = arith.mulf %gather3A_1019, %sub3A_960 : vector<16xf32>
        %add3A_1021 = arith.constant 28 : i32
        %add3A_1022 = vector.broadcast %add3A_1021 : i32 to vector<16xi32>
        %add3A_1023 = arith.addi %add3A_1018, %add3A_1022 : vector<16xi32>
        %gather3A_1024 = tpu.vector_load_idx %arg17[%add3A_1023] : memref<6272xf32, #tpu.memory_space<vmem>>[vector<16xi32>], vector<16xf32>,
        %mul3A_1025 = arith.mulf %gather3A_1024, %get3A_949 : vector<16xf32>
        %add3A_1026 = arith.addf %mul3A_1020, %mul3A_1025 : vector<16xf32>
        %add3A_1027 = arith.constant 224 : i32
        %add3A_1028 = vector.broadcast %add3A_1027 : i32 to vector<16xi32>
        %add3A_1029 = arith.addi %get3A_953, %add3A_1028 : vector<16xi32>
        tpu.vector_store_idx %arg23[%add3A_1029, %get3A_957], %add3A_1026 : memref<448x32xf32, #tpu.memory_space<vmem>>[vector<16xi32>, vector<16xi32>], vector<16xf32>,
        %add3A_1030 = arith.constant 3920 : i32
        %add3A_1031 = vector.broadcast %add3A_1030 : i32 to vector<16xi32>
        %add3A_1032 = arith.addi %get3A_945, %add3A_1031 : vector<16xi32>
        %gather3A_1033 = tpu.vector_load_idx %arg17[%add3A_1032] : memref<6272xf32, #tpu.memory_space<vmem>>[vector<16xi32>], vector<16xf32>,
        %mul3A_1034 = arith.mulf %gather3A_1033, %sub3A_960 : vector<16xf32>
        %add3A_1035 = arith.constant 28 : i32
        %add3A_1036 = vector.broadcast %add3A_1035 : i32 to vector<16xi32>
        %add3A_1037 = arith.addi %add3A_1032, %add3A_1036 : vector<16xi32>
        %gather3A_1038 = tpu.vector_load_idx %arg17[%add3A_1037] : memref<6272xf32, #tpu.memory_space<vmem>>[vector<16xi32>], vector<16xf32>,
        %mul3A_1039 = arith.mulf %gather3A_1038, %get3A_949 : vector<16xf32>
        %add3A_1040 = arith.addf %mul3A_1034, %mul3A_1039 : vector<16xf32>
        %add3A_1041 = arith.constant 280 : i32
        %add3A_1042 = vector.broadcast %add3A_1041 : i32 to vector<16xi32>
        %add3A_1043 = arith.addi %get3A_953, %add3A_1042 : vector<16xi32>
        tpu.vector_store_idx %arg23[%add3A_1043, %get3A_957], %add3A_1040 : memref<448x32xf32, #tpu.memory_space<vmem>>[vector<16xi32>, vector<16xi32>], vector<16xf32>,
        %add3A_1044 = arith.constant 4704 : i32
        %add3A_1045 = vector.broadcast %add3A_1044 : i32 to vector<16xi32>
        %add3A_1046 = arith.addi %get3A_945, %add3A_1045 : vector<16xi32>
        %gather3A_1047 = tpu.vector_load_idx %arg17[%add3A_1046] : memref<6272xf32, #tpu.memory_space<vmem>>[vector<16xi32>], vector<16xf32>,
        %mul3A_1048 = arith.mulf %gather3A_1047, %sub3A_960 : vector<16xf32>
        %add3A_1049 = arith.constant 28 : i32
        %add3A_1050 = vector.broadcast %add3A_1049 : i32 to vector<16xi32>
        %add3A_1051 = arith.addi %add3A_1046, %add3A_1050 : vector<16xi32>
        %gather3A_1052 = tpu.vector_load_idx %arg17[%add3A_1051] : memref<6272xf32, #tpu.memory_space<vmem>>[vector<16xi32>], vector<16xf32>,
        %mul3A_1053 = arith.mulf %gather3A_1052, %get3A_949 : vector<16xf32>
        %add3A_1054 = arith.addf %mul3A_1048, %mul3A_1053 : vector<16xf32>
        %add3A_1055 = arith.constant 336 : i32
        %add3A_1056 = vector.broadcast %add3A_1055 : i32 to vector<16xi32>
        %add3A_1057 = arith.addi %get3A_953, %add3A_1056 : vector<16xi32>
        tpu.vector_store_idx %arg23[%add3A_1057, %get3A_957], %add3A_1054 : memref<448x32xf32, #tpu.memory_space<vmem>>[vector<16xi32>, vector<16xi32>], vector<16xf32>,
        %add3A_1058 = arith.constant 5488 : i32
        %add3A_1059 = vector.broadcast %add3A_1058 : i32 to vector<16xi32>
        %add3A_1060 = arith.addi %get3A_945, %add3A_1059 : vector<16xi32>
        %gather3A_1061 = tpu.vector_load_idx %arg17[%add3A_1060] : memref<6272xf32, #tpu.memory_space<vmem>>[vector<16xi32>], vector<16xf32>,
        %mul3A_1062 = arith.mulf %gather3A_1061, %sub3A_960 : vector<16xf32>
        %add3A_1063 = arith.constant 28 : i32
        %add3A_1064 = vector.broadcast %add3A_1063 : i32 to vector<16xi32>
        %add3A_1065 = arith.addi %add3A_1060, %add3A_1064 : vector<16xi32>
        %gather3A_1066 = tpu.vector_load_idx %arg17[%add3A_1065] : memref<6272xf32, #tpu.memory_space<vmem>>[vector<16xi32>], vector<16xf32>,
        %mul3A_1067 = arith.mulf %gather3A_1066, %get3A_949 : vector<16xf32>
        %add3A_1068 = arith.addf %mul3A_1062, %mul3A_1067 : vector<16xf32>
        %add3A_1069 = arith.constant 392 : i32
        %add3A_1070 = vector.broadcast %add3A_1069 : i32 to vector<16xi32>
        %add3A_1071 = arith.addi %get3A_953, %add3A_1070 : vector<16xi32>
        tpu.vector_store_idx %arg23[%add3A_1071, %get3A_957], %add3A_1068 : memref<448x32xf32, #tpu.memory_space<vmem>>[vector<16xi32>, vector<16xi32>], vector<16xf32>,
      }
      %scan3A_819 = arith.constant 98 : i32
      %mul3A_820 = arith.constant 6 : i32
      %mul3A_821 = arith.muli %add3A, %mul3A_820 : i32
      %add3A_822 = arith.addi %mul3A_821, %add3A_681 : i32
      %jit3A_823 = arith.constant 24 : i32
      %div3A_824 = arith.divsi %add3A_822, %jit3A_823 : i32
      %sign3A_825 = arith.constant 0 : i32
      %sign3A_826 = arith.cmpi sgt, %add3A_822, %sign3A_825 : i32
      %sign3A_827 = arith.extui %sign3A_826 : i1 to i32
      %sign3A_828 = arith.constant 0 : i32
      %sign3A_829 = arith.cmpi slt, %add3A_822, %sign3A_828 : i32
      %sign3A_830 = arith.extui %sign3A_829 : i1 to i32
      %sign3A_831 = arith.subi %sign3A_827, %sign3A_830 : i32
      %sign3A_832 = arith.constant 0 : i32
      %sign3A_833 = arith.cmpi sgt, %jit3A_823, %sign3A_832 : i32
      %sign3A_834 = arith.extui %sign3A_833 : i1 to i32
      %sign3A_835 = arith.constant 0 : i32
      %sign3A_836 = arith.cmpi slt, %jit3A_823, %sign3A_835 : i32
      %sign3A_837 = arith.extui %sign3A_836 : i1 to i32
      %sign3A_838 = arith.subi %sign3A_834, %sign3A_837 : i32
      %ne3A_839 = arith.cmpi ne, %sign3A_831, %sign3A_838 : i32
      %rem3A_840 = arith.remsi %add3A_822, %jit3A_823 : i32
      %ne3A_841 = arith.constant 0 : i32
      %ne3A_842 = arith.cmpi ne, %rem3A_840, %ne3A_841 : i32
      %and3A_843 = arith.andi %ne3A_839, %ne3A_842 : i1
      %sub3A_844 = arith.constant 1 : i32
      %sub3A_845 = arith.subi %div3A_824, %sub3A_844 : i32
      %select_n3A_846 = arith.select %and3A_843, %sub3A_845, %div3A_824 : i32
      %jit3A_847 = arith.constant 24 : i32
      %eq3A_848 = arith.constant 0 : i32
      %eq3A_849 = arith.cmpi eq, %jit3A_847, %eq3A_848 : i32
      %jit3A_850 = arith.constant 1 : i32
      %select_n3A_851 = arith.select %eq3A_849, %jit3A_850, %jit3A_847 : i32
      %rem3A_852 = arith.remsi %add3A_822, %select_n3A_851 : i32
      %ne3A_853 = arith.constant 0 : i32
      %ne3A_854 = arith.cmpi ne, %rem3A_852, %ne3A_853 : i32
      %lt3A_855 = arith.constant 0 : i32
      %lt3A_856 = arith.cmpi slt, %rem3A_852, %lt3A_855 : i32
      %lt3A_857 = arith.constant 0 : i32
      %lt3A_858 = arith.cmpi slt, %select_n3A_851, %lt3A_857 : i32
      %ne3A_859 = arith.xori %lt3A_856, %lt3A_858 : i1
      %and3A_860 = arith.andi %ne3A_859, %ne3A_854 : i1
      %add3A_861 = arith.addi %rem3A_852, %select_n3A_851 : i32
      %select_n3A_862 = arith.select %and3A_860, %add3A_861, %rem3A_852 : i32
      %mul3A_863 = arith.constant 8 : i32
      %mul3A_864 = arith.muli %select_n3A_862, %mul3A_863 : i32
      %mul3A_865 = arith.constant 192 : i32
      %mul3A_866 = arith.muli %select_n3A_846, %mul3A_865 : i32
      %add3A_867 = arith.addi %mul3A_866, %mul3A_864 : i32
      %mul3A_868 = arith.constant 784 : i32
      %mul3A_869 = arith.muli %add3A_867, %mul3A_868 : i32
      %jit3A_870 = arith.constant 32 : i32
      %div3A_871 = arith.divsi %add3A_867, %jit3A_870 : i32
      %sign3A_872 = arith.constant 0 : i32
      %sign3A_873 = arith.cmpi sgt, %add3A_867, %sign3A_872 : i32
      %sign3A_874 = arith.extui %sign3A_873 : i1 to i32
      %sign3A_875 = arith.constant 0 : i32
      %sign3A_876 = arith.cmpi slt, %add3A_867, %sign3A_875 : i32
      %sign3A_877 = arith.extui %sign3A_876 : i1 to i32
      %sign3A_878 = arith.subi %sign3A_874, %sign3A_877 : i32
      %sign3A_879 = arith.constant 0 : i32
      %sign3A_880 = arith.cmpi sgt, %jit3A_870, %sign3A_879 : i32
      %sign3A_881 = arith.extui %sign3A_880 : i1 to i32
      %sign3A_882 = arith.constant 0 : i32
      %sign3A_883 = arith.cmpi slt, %jit3A_870, %sign3A_882 : i32
      %sign3A_884 = arith.extui %sign3A_883 : i1 to i32
      %sign3A_885 = arith.subi %sign3A_881, %sign3A_884 : i32
      %ne3A_886 = arith.cmpi ne, %sign3A_878, %sign3A_885 : i32
      %rem3A_887 = arith.remsi %add3A_867, %jit3A_870 : i32
      %ne3A_888 = arith.constant 0 : i32
      %ne3A_889 = arith.cmpi ne, %rem3A_887, %ne3A_888 : i32
      %and3A_890 = arith.andi %ne3A_886, %ne3A_889 : i1
      %sub3A_891 = arith.constant 1 : i32
      %sub3A_892 = arith.subi %div3A_871, %sub3A_891 : i32
      %select_n3A_893 = arith.select %and3A_890, %sub3A_892, %div3A_871 : i32
      %mul3A_894 = arith.constant 448 : i32
      %mul3A_895 = arith.muli %select_n3A_893, %mul3A_894 : i32
      %jit3A_896 = arith.constant 32 : i32
      %eq3A_897 = arith.constant 0 : i32
      %eq3A_898 = arith.cmpi eq, %jit3A_896, %eq3A_897 : i32
      %jit3A_899 = arith.constant 1 : i32
      %select_n3A_900 = arith.select %eq3A_898, %jit3A_899, %jit3A_896 : i32
      %rem3A_901 = arith.remsi %add3A_867, %select_n3A_900 : i32
      %ne3A_902 = arith.constant 0 : i32
      %ne3A_903 = arith.cmpi ne, %rem3A_901, %ne3A_902 : i32
      %lt3A_904 = arith.constant 0 : i32
      %lt3A_905 = arith.cmpi slt, %rem3A_901, %lt3A_904 : i32
      %lt3A_906 = arith.constant 0 : i32
      %lt3A_907 = arith.cmpi slt, %select_n3A_900, %lt3A_906 : i32
      %ne3A_908 = arith.xori %lt3A_905, %lt3A_907 : i1
      %and3A_909 = arith.andi %ne3A_908, %ne3A_903 : i1
      %add3A_910 = arith.addi %rem3A_901, %select_n3A_900 : i32
      %select_n3A_911 = arith.select %and3A_909, %add3A_910, %rem3A_901 : i32
      %jit3A_912 = arith.constant 8 : i32
      %div3A_913 = arith.divsi %select_n3A_911, %jit3A_912 : i32
      %sign3A_914 = arith.constant 0 : i32
      %sign3A_915 = arith.cmpi sgt, %select_n3A_911, %sign3A_914 : i32
      %sign3A_916 = arith.extui %sign3A_915 : i1 to i32
      %sign3A_917 = arith.constant 0 : i32
      %sign3A_918 = arith.cmpi slt, %select_n3A_911, %sign3A_917 : i32
      %sign3A_919 = arith.extui %sign3A_918 : i1 to i32
      %sign3A_920 = arith.subi %sign3A_916, %sign3A_919 : i32
      %sign3A_921 = arith.constant 0 : i32
      %sign3A_922 = arith.cmpi sgt, %jit3A_912, %sign3A_921 : i32
      %sign3A_923 = arith.extui %sign3A_922 : i1 to i32
      %sign3A_924 = arith.constant 0 : i32
      %sign3A_925 = arith.cmpi slt, %jit3A_912, %sign3A_924 : i32
      %sign3A_926 = arith.extui %sign3A_925 : i1 to i32
      %sign3A_927 = arith.subi %sign3A_923, %sign3A_926 : i32
      %ne3A_928 = arith.cmpi ne, %sign3A_920, %sign3A_927 : i32
      %rem3A_929 = arith.remsi %select_n3A_911, %jit3A_912 : i32
      %ne3A_930 = arith.constant 0 : i32
      %ne3A_931 = arith.cmpi ne, %rem3A_929, %ne3A_930 : i32
      %and3A_932 = arith.andi %ne3A_928, %ne3A_931 : i1
      %sub3A_933 = arith.constant 1 : i32
      %sub3A_934 = arith.subi %div3A_913, %sub3A_933 : i32
      %select_n3A_935 = arith.select %and3A_932, %sub3A_934, %div3A_913 : i32
      %mul3A_936 = arith.constant 32 : i32
      %mul3A_937 = arith.muli %select_n3A_935, %mul3A_936 : i32
      %dma_start3A_938 = tpu.memref_slice %arg9[%mul3A_895, %mul3A_937] : memref<21504x128xf32, #tpu.memory_space<hbm>> -> memref<448x32xf32, #tpu.memory_space<hbm>>
      %dma_start3A_939 = tpu.memref_slice %arg9[%mul3A_895, %mul3A_937] : memref<21504x128xf32, #tpu.memory_space<hbm>> -> memref<448x32xf32, #tpu.memory_space<hbm>>
      tpu.enqueue_dma source(%arg23 : memref<448x32xf32, #tpu.memory_space<vmem>>) target(%dma_start3A_939 : memref<448x32xf32, #tpu.memory_space<hbm>>) target_semaphore(%arg27 : memref<!tpu.dma_semaphore, #tpu.memory_space<semaphore_mem>>)
    }
    %scan3A_128 = arith.constant 3 : i32
    %dma_wait3A = arith.constant 0 : i32
    %dma_wait3A_129 = arith.constant 0 : i32
    %dma_wait3A_130 = tpu.memref_slice %arg9[%dma_wait3A, %dma_wait3A_129] : memref<21504x128xf32, #tpu.memory_space<hbm>> -> memref<448x32xf32, #tpu.memory_space<hbm>>
    %dma_wait3A_131 = arith.constant 0 : i32
    %dma_wait3A_132 = arith.constant 0 : i32
    %dma_wait3A_133 = tpu.memref_slice %arg9[%dma_wait3A_131, %dma_wait3A_132] : memref<21504x128xf32, #tpu.memory_space<hbm>> -> memref<448x32xf32, #tpu.memory_space<hbm>>
    tpu.wait_dma2 semaphore(%arg26 : memref<!tpu.dma_semaphore, #tpu.memory_space<semaphore_mem>>) src(%dma_wait3A_133 : memref<448x32xf32, #tpu.memory_space<hbm>>) dst(%arg22 : memref<448x32xf32, #tpu.memory_space<vmem>>)
    %dma_wait3A_134 = arith.constant 0 : i32
    %dma_wait3A_135 = arith.constant 0 : i32
    %dma_wait3A_136 = tpu.memref_slice %arg9[%dma_wait3A_134, %dma_wait3A_135] : memref<21504x128xf32, #tpu.memory_space<hbm>> -> memref<448x32xf32, #tpu.memory_space<hbm>>
    %dma_wait3A_137 = arith.constant 0 : i32
    %dma_wait3A_138 = arith.constant 0 : i32
    %dma_wait3A_139 = tpu.memref_slice %arg9[%dma_wait3A_137, %dma_wait3A_138] : memref<21504x128xf32, #tpu.memory_space<hbm>> -> memref<448x32xf32, #tpu.memory_space<hbm>>
    tpu.wait_dma2 semaphore(%arg27 : memref<!tpu.dma_semaphore, #tpu.memory_space<semaphore_mem>>) src(%dma_wait3A_139 : memref<448x32xf32, #tpu.memory_space<hbm>>) dst(%arg23 : memref<448x32xf32, #tpu.memory_space<vmem>>)
    %mul3A_140 = arith.constant 12 : i32
    %mul3A_141 = arith.muli %add3A, %mul3A_140 : i32
    %add3A_142 = arith.constant 0 : i32
    %add3A_143 = arith.addi %mul3A_141, %add3A_142 : i32
    %jit3A_144 = arith.constant 48 : i32
    %div3A_145 = arith.divsi %add3A_143, %jit3A_144 : i32
    %sign3A_146 = arith.constant 0 : i32
    %sign3A_147 = arith.cmpi sgt, %add3A_143, %sign3A_146 : i32
    %sign3A_148 = arith.extui %sign3A_147 : i1 to i32
    %sign3A_149 = arith.constant 0 : i32
    %sign3A_150 = arith.cmpi slt, %add3A_143, %sign3A_149 : i32
    %sign3A_151 = arith.extui %sign3A_150 : i1 to i32
    %sign3A_152 = arith.subi %sign3A_148, %sign3A_151 : i32
    %sign3A_153 = arith.constant 0 : i32
    %sign3A_154 = arith.cmpi sgt, %jit3A_144, %sign3A_153 : i32
    %sign3A_155 = arith.extui %sign3A_154 : i1 to i32
    %sign3A_156 = arith.constant 0 : i32
    %sign3A_157 = arith.cmpi slt, %jit3A_144, %sign3A_156 : i32
    %sign3A_158 = arith.extui %sign3A_157 : i1 to i32
    %sign3A_159 = arith.subi %sign3A_155, %sign3A_158 : i32
    %ne3A_160 = arith.cmpi ne, %sign3A_152, %sign3A_159 : i32
    %rem3A_161 = arith.remsi %add3A_143, %jit3A_144 : i32
    %ne3A_162 = arith.constant 0 : i32
    %ne3A_163 = arith.cmpi ne, %rem3A_161, %ne3A_162 : i32
    %and3A_164 = arith.andi %ne3A_160, %ne3A_163 : i1
    %sub3A_165 = arith.constant 1 : i32
    %sub3A_166 = arith.subi %div3A_145, %sub3A_165 : i32
    %select_n3A_167 = arith.select %and3A_164, %sub3A_166, %div3A_145 : i32
    %jit3A_168 = arith.constant 48 : i32
    %eq3A_169 = arith.constant 0 : i32
    %eq3A_170 = arith.cmpi eq, %jit3A_168, %eq3A_169 : i32
    %jit3A_171 = arith.constant 1 : i32
    %select_n3A_172 = arith.select %eq3A_170, %jit3A_171, %jit3A_168 : i32
    %rem3A_173 = arith.remsi %add3A_143, %select_n3A_172 : i32
    %ne3A_174 = arith.constant 0 : i32
    %ne3A_175 = arith.cmpi ne, %rem3A_173, %ne3A_174 : i32
    %lt3A_176 = arith.constant 0 : i32
    %lt3A_177 = arith.cmpi slt, %rem3A_173, %lt3A_176 : i32
    %lt3A_178 = arith.constant 0 : i32
    %lt3A_179 = arith.cmpi slt, %select_n3A_172, %lt3A_178 : i32
    %ne3A_180 = arith.xori %lt3A_177, %lt3A_179 : i1
    %and3A_181 = arith.andi %ne3A_180, %ne3A_175 : i1
    %add3A_182 = arith.addi %rem3A_173, %select_n3A_172 : i32
    %select_n3A_183 = arith.select %and3A_181, %add3A_182, %rem3A_173 : i32
    %mul3A_184 = arith.constant 8 : i32
    %mul3A_185 = arith.muli %select_n3A_183, %mul3A_184 : i32
    %mul3A_186 = arith.constant 384 : i32
    %mul3A_187 = arith.muli %select_n3A_167, %mul3A_186 : i32
    %add3A_188 = arith.addi %mul3A_187, %mul3A_185 : i32
    %mul3A_189 = arith.constant 196 : i32
    %mul3A_190 = arith.muli %add3A_188, %mul3A_189 : i32
    %jit3A_191 = arith.constant 32 : i32
    %div3A_192 = arith.divsi %add3A_188, %jit3A_191 : i32
    %sign3A_193 = arith.constant 0 : i32
    %sign3A_194 = arith.cmpi sgt, %add3A_188, %sign3A_193 : i32
    %sign3A_195 = arith.extui %sign3A_194 : i1 to i32
    %sign3A_196 = arith.constant 0 : i32
    %sign3A_197 = arith.cmpi slt, %add3A_188, %sign3A_196 : i32
    %sign3A_198 = arith.extui %sign3A_197 : i1 to i32
    %sign3A_199 = arith.subi %sign3A_195, %sign3A_198 : i32
    %sign3A_200 = arith.constant 0 : i32
    %sign3A_201 = arith.cmpi sgt, %jit3A_191, %sign3A_200 : i32
    %sign3A_202 = arith.extui %sign3A_201 : i1 to i32
    %sign3A_203 = arith.constant 0 : i32
    %sign3A_204 = arith.cmpi slt, %jit3A_191, %sign3A_203 : i32
    %sign3A_205 = arith.extui %sign3A_204 : i1 to i32
    %sign3A_206 = arith.subi %sign3A_202, %sign3A_205 : i32
    %ne3A_207 = arith.cmpi ne, %sign3A_199, %sign3A_206 : i32
    %rem3A_208 = arith.remsi %add3A_188, %jit3A_191 : i32
    %ne3A_209 = arith.constant 0 : i32
    %ne3A_210 = arith.cmpi ne, %rem3A_208, %ne3A_209 : i32
    %and3A_211 = arith.andi %ne3A_207, %ne3A_210 : i1
    %sub3A_212 = arith.constant 1 : i32
    %sub3A_213 = arith.subi %div3A_192, %sub3A_212 : i32
    %select_n3A_214 = arith.select %and3A_211, %sub3A_213, %div3A_192 : i32
    %mul3A_215 = arith.constant 448 : i32
    %mul3A_216 = arith.muli %select_n3A_214, %mul3A_215 : i32
    %jit3A_217 = arith.constant 32 : i32
    %eq3A_218 = arith.constant 0 : i32
    %eq3A_219 = arith.cmpi eq, %jit3A_217, %eq3A_218 : i32
    %jit3A_220 = arith.constant 1 : i32
    %select_n3A_221 = arith.select %eq3A_219, %jit3A_220, %jit3A_217 : i32
    %rem3A_222 = arith.remsi %add3A_188, %select_n3A_221 : i32
    %ne3A_223 = arith.constant 0 : i32
    %ne3A_224 = arith.cmpi ne, %rem3A_222, %ne3A_223 : i32
    %lt3A_225 = arith.constant 0 : i32
    %lt3A_226 = arith.cmpi slt, %rem3A_222, %lt3A_225 : i32
    %lt3A_227 = arith.constant 0 : i32
    %lt3A_228 = arith.cmpi slt, %select_n3A_221, %lt3A_227 : i32
    %ne3A_229 = arith.xori %lt3A_226, %lt3A_228 : i1
    %and3A_230 = arith.andi %ne3A_229, %ne3A_224 : i1
    %add3A_231 = arith.addi %rem3A_222, %select_n3A_221 : i32
    %select_n3A_232 = arith.select %and3A_230, %add3A_231, %rem3A_222 : i32
    %jit3A_233 = arith.constant 8 : i32
    %div3A_234 = arith.divsi %select_n3A_232, %jit3A_233 : i32
    %sign3A_235 = arith.constant 0 : i32
    %sign3A_236 = arith.cmpi sgt, %select_n3A_232, %sign3A_235 : i32
    %sign3A_237 = arith.extui %sign3A_236 : i1 to i32
    %sign3A_238 = arith.constant 0 : i32
    %sign3A_239 = arith.cmpi slt, %select_n3A_232, %sign3A_238 : i32
    %sign3A_240 = arith.extui %sign3A_239 : i1 to i32
    %sign3A_241 = arith.subi %sign3A_237, %sign3A_240 : i32
    %sign3A_242 = arith.constant 0 : i32
    %sign3A_243 = arith.cmpi sgt, %jit3A_233, %sign3A_242 : i32
    %sign3A_244 = arith.extui %sign3A_243 : i1 to i32
    %sign3A_245 = arith.constant 0 : i32
    %sign3A_246 = arith.cmpi slt, %jit3A_233, %sign3A_245 : i32
    %sign3A_247 = arith.extui %sign3A_246 : i1 to i32
    %sign3A_248 = arith.subi %sign3A_244, %sign3A_247 : i32
    %ne3A_249 = arith.cmpi ne, %sign3A_241, %sign3A_248 : i32
    %rem3A_250 = arith.remsi %select_n3A_232, %jit3A_233 : i32
    %ne3A_251 = arith.constant 0 : i32
    %ne3A_252 = arith.cmpi ne, %rem3A_250, %ne3A_251 : i32
    %and3A_253 = arith.andi %ne3A_249, %ne3A_252 : i1
    %sub3A_254 = arith.constant 1 : i32
    %sub3A_255 = arith.subi %div3A_234, %sub3A_254 : i32
    %select_n3A_256 = arith.select %and3A_253, %sub3A_255, %div3A_234 : i32
    %mul3A_257 = arith.constant 32 : i32
    %mul3A_258 = arith.muli %select_n3A_256, %mul3A_257 : i32
    %dma_start3A_259 = tpu.memref_slice %arg3[%mul3A_190] : memref<602112xf32, #tpu.memory_space<hbm>> -> memref<1568xf32, #tpu.memory_space<hbm>>
    %dma_start3A_260 = tpu.memref_slice %arg3[%mul3A_190] : memref<602112xf32, #tpu.memory_space<hbm>> -> memref<1568xf32, #tpu.memory_space<hbm>>
    tpu.enqueue_dma source(%dma_start3A_260 : memref<1568xf32, #tpu.memory_space<hbm>>) target(%arg18 : memref<1568xf32, #tpu.memory_space<vmem>>) target_semaphore(%arg24 : memref<!tpu.dma_semaphore, #tpu.memory_space<semaphore_mem>>)
    %scan3A_261 = arith.constant 0 : i32
    %scan3A_262 = arith.constant 0 : i32
    %scan3A_263 = arith.constant 6 : i32
    %scan3A_264 = arith.addi %scan3A_262, %scan3A_263 : i32
    %scan3A_265 = arith.constant 1 : i32
    scf.for %scan3A_418 = %scan3A_262 to %scan3A_264 step %scan3A_265  : i32 {
      %mul3A_419 = arith.constant 2 : i32
      %mul3A_420 = arith.muli %scan3A_418, %mul3A_419 : i32
      %add3A_421 = arith.constant 0 : i32
      %add3A_422 = arith.addi %mul3A_420, %add3A_421 : i32
      %mul3A_423 = arith.constant 12 : i32
      %mul3A_424 = arith.muli %add3A, %mul3A_423 : i32
      %add3A_425 = arith.addi %mul3A_424, %add3A_422 : i32
      %jit3A_426 = arith.constant 48 : i32
      %div3A_427 = arith.divsi %add3A_425, %jit3A_426 : i32
      %sign3A_428 = arith.constant 0 : i32
      %sign3A_429 = arith.cmpi sgt, %add3A_425, %sign3A_428 : i32
      %sign3A_430 = arith.extui %sign3A_429 : i1 to i32
      %sign3A_431 = arith.constant 0 : i32
      %sign3A_432 = arith.cmpi slt, %add3A_425, %sign3A_431 : i32
      %sign3A_433 = arith.extui %sign3A_432 : i1 to i32
      %sign3A_434 = arith.subi %sign3A_430, %sign3A_433 : i32
      %sign3A_435 = arith.constant 0 : i32
      %sign3A_436 = arith.cmpi sgt, %jit3A_426, %sign3A_435 : i32
      %sign3A_437 = arith.extui %sign3A_436 : i1 to i32
      %sign3A_438 = arith.constant 0 : i32
      %sign3A_439 = arith.cmpi slt, %jit3A_426, %sign3A_438 : i32
      %sign3A_440 = arith.extui %sign3A_439 : i1 to i32
      %sign3A_441 = arith.subi %sign3A_437, %sign3A_440 : i32
      %ne3A_442 = arith.cmpi ne, %sign3A_434, %sign3A_441 : i32
      %rem3A_443 = arith.remsi %add3A_425, %jit3A_426 : i32
      %ne3A_444 = arith.constant 0 : i32
      %ne3A_445 = arith.cmpi ne, %rem3A_443, %ne3A_444 : i32
      %and3A_446 = arith.andi %ne3A_442, %ne3A_445 : i1
      %sub3A_447 = arith.constant 1 : i32
      %sub3A_448 = arith.subi %div3A_427, %sub3A_447 : i32
      %select_n3A_449 = arith.select %and3A_446, %sub3A_448, %div3A_427 : i32
      %jit3A_450 = arith.constant 48 : i32
      %eq3A_451 = arith.constant 0 : i32
      %eq3A_452 = arith.cmpi eq, %jit3A_450, %eq3A_451 : i32
      %jit3A_453 = arith.constant 1 : i32
      %select_n3A_454 = arith.select %eq3A_452, %jit3A_453, %jit3A_450 : i32
      %rem3A_455 = arith.remsi %add3A_425, %select_n3A_454 : i32
      %ne3A_456 = arith.constant 0 : i32
      %ne3A_457 = arith.cmpi ne, %rem3A_455, %ne3A_456 : i32
      %lt3A_458 = arith.constant 0 : i32
      %lt3A_459 = arith.cmpi slt, %rem3A_455, %lt3A_458 : i32
      %lt3A_460 = arith.constant 0 : i32
      %lt3A_461 = arith.cmpi slt, %select_n3A_454, %lt3A_460 : i32
      %ne3A_462 = arith.xori %lt3A_459, %lt3A_461 : i1
      %and3A_463 = arith.andi %ne3A_462, %ne3A_457 : i1
      %add3A_464 = arith.addi %rem3A_455, %select_n3A_454 : i32
      %select_n3A_465 = arith.select %and3A_463, %add3A_464, %rem3A_455 : i32
      %mul3A_466 = arith.constant 8 : i32
      %mul3A_467 = arith.muli %select_n3A_465, %mul3A_466 : i32
      %mul3A_468 = arith.constant 384 : i32
      %mul3A_469 = arith.muli %select_n3A_449, %mul3A_468 : i32
      %add3A_470 = arith.addi %mul3A_469, %mul3A_467 : i32
      %mul3A_471 = arith.constant 196 : i32
      %mul3A_472 = arith.muli %add3A_470, %mul3A_471 : i32
      %jit3A_473 = arith.constant 32 : i32
      %div3A_474 = arith.divsi %add3A_470, %jit3A_473 : i32
      %sign3A_475 = arith.constant 0 : i32
      %sign3A_476 = arith.cmpi sgt, %add3A_470, %sign3A_475 : i32
      %sign3A_477 = arith.extui %sign3A_476 : i1 to i32
      %sign3A_478 = arith.constant 0 : i32
      %sign3A_479 = arith.cmpi slt, %add3A_470, %sign3A_478 : i32
      %sign3A_480 = arith.extui %sign3A_479 : i1 to i32
      %sign3A_481 = arith.subi %sign3A_477, %sign3A_480 : i32
      %sign3A_482 = arith.constant 0 : i32
      %sign3A_483 = arith.cmpi sgt, %jit3A_473, %sign3A_482 : i32
      %sign3A_484 = arith.extui %sign3A_483 : i1 to i32
      %sign3A_485 = arith.constant 0 : i32
      %sign3A_486 = arith.cmpi slt, %jit3A_473, %sign3A_485 : i32
      %sign3A_487 = arith.extui %sign3A_486 : i1 to i32
      %sign3A_488 = arith.subi %sign3A_484, %sign3A_487 : i32
      %ne3A_489 = arith.cmpi ne, %sign3A_481, %sign3A_488 : i32
      %rem3A_490 = arith.remsi %add3A_470, %jit3A_473 : i32
      %ne3A_491 = arith.constant 0 : i32
      %ne3A_492 = arith.cmpi ne, %rem3A_490, %ne3A_491 : i32
      %and3A_493 = arith.andi %ne3A_489, %ne3A_492 : i1
      %sub3A_494 = arith.constant 1 : i32
      %sub3A_495 = arith.subi %div3A_474, %sub3A_494 : i32
      %select_n3A_496 = arith.select %and3A_493, %sub3A_495, %div3A_474 : i32
      %mul3A_497 = arith.constant 448 : i32
      %mul3A_498 = arith.muli %select_n3A_496, %mul3A_497 : i32
      %jit3A_499 = arith.constant 32 : i32
      %eq3A_500 = arith.constant 0 : i32
      %eq3A_501 = arith.cmpi eq, %jit3A_499, %eq3A_500 : i32
      %jit3A_502 = arith.constant 1 : i32
      %select_n3A_503 = arith.select %eq3A_501, %jit3A_502, %jit3A_499 : i32
      %rem3A_504 = arith.remsi %add3A_470, %select_n3A_503 : i32
      %ne3A_505 = arith.constant 0 : i32
      %ne3A_506 = arith.cmpi ne, %rem3A_504, %ne3A_505 : i32
      %lt3A_507 = arith.constant 0 : i32
      %lt3A_508 = arith.cmpi slt, %rem3A_504, %lt3A_507 : i32
      %lt3A_509 = arith.constant 0 : i32
      %lt3A_510 = arith.cmpi slt, %select_n3A_503, %lt3A_509 : i32
      %ne3A_511 = arith.xori %lt3A_508, %lt3A_510 : i1
      %and3A_512 = arith.andi %ne3A_511, %ne3A_506 : i1
      %add3A_513 = arith.addi %rem3A_504, %select_n3A_503 : i32
      %select_n3A_514 = arith.select %and3A_512, %add3A_513, %rem3A_504 : i32
      %jit3A_515 = arith.constant 8 : i32
      %div3A_516 = arith.divsi %select_n3A_514, %jit3A_515 : i32
      %sign3A_517 = arith.constant 0 : i32
      %sign3A_518 = arith.cmpi sgt, %select_n3A_514, %sign3A_517 : i32
      %sign3A_519 = arith.extui %sign3A_518 : i1 to i32
      %sign3A_520 = arith.constant 0 : i32
      %sign3A_521 = arith.cmpi slt, %select_n3A_514, %sign3A_520 : i32
      %sign3A_522 = arith.extui %sign3A_521 : i1 to i32
      %sign3A_523 = arith.subi %sign3A_519, %sign3A_522 : i32
      %sign3A_524 = arith.constant 0 : i32
      %sign3A_525 = arith.cmpi sgt, %jit3A_515, %sign3A_524 : i32
      %sign3A_526 = arith.extui %sign3A_525 : i1 to i32
      %sign3A_527 = arith.constant 0 : i32
      %sign3A_528 = arith.cmpi slt, %jit3A_515, %sign3A_527 : i32
      %sign3A_529 = arith.extui %sign3A_528 : i1 to i32
      %sign3A_530 = arith.subi %sign3A_526, %sign3A_529 : i32
      %ne3A_531 = arith.cmpi ne, %sign3A_523, %sign3A_530 : i32
      %rem3A_532 = arith.remsi %select_n3A_514, %jit3A_515 : i32
      %ne3A_533 = arith.constant 0 : i32
      %ne3A_534 = arith.cmpi ne, %rem3A_532, %ne3A_533 : i32
      %and3A_535 = arith.andi %ne3A_531, %ne3A_534 : i1
      %sub3A_536 = arith.constant 1 : i32
      %sub3A_537 = arith.subi %div3A_516, %sub3A_536 : i32
      %select_n3A_538 = arith.select %and3A_535, %sub3A_537, %div3A_516 : i32
      %mul3A_539 = arith.constant 32 : i32
      %mul3A_540 = arith.muli %select_n3A_538, %mul3A_539 : i32
      %dma_wait3A_541 = tpu.memref_slice %arg3[%mul3A_472] : memref<602112xf32, #tpu.memory_space<hbm>> -> memref<1568xf32, #tpu.memory_space<hbm>>
      %dma_wait3A_542 = tpu.memref_slice %arg3[%mul3A_472] : memref<602112xf32, #tpu.memory_space<hbm>> -> memref<1568xf32, #tpu.memory_space<hbm>>
      tpu.wait_dma2 semaphore(%arg24 : memref<!tpu.dma_semaphore, #tpu.memory_space<semaphore_mem>>) src(%dma_wait3A_542 : memref<1568xf32, #tpu.memory_space<hbm>>) dst(%arg18 : memref<1568xf32, #tpu.memory_space<vmem>>)
      %add3A_543 = arith.constant 1 : i32
      %add3A_544 = arith.addi %add3A_422, %add3A_543 : i32
      %lt3A_545 = arith.constant 12 : i32
      %lt3A_546 = arith.cmpi slt, %add3A_544, %lt3A_545 : i32
      %convert_element_type3A = arith.extui %lt3A_546 : i1 to i32
      %cond3A = arith.constant 0 : i32
      %cond3A_547 = arith.cmpi ne, %convert_element_type3A, %cond3A : i32
      scf.if %cond3A_547 {
        %add3A_940 = arith.constant 1 : i32
        %add3A_941 = arith.addi %add3A_422, %add3A_940 : i32
        %mul3A_942 = arith.constant 12 : i32
        %mul3A_943 = arith.muli %add3A, %mul3A_942 : i32
        %add3A_944 = arith.addi %mul3A_943, %add3A_941 : i32
        %jit3A_945 = arith.constant 48 : i32
        %div3A_946 = arith.divsi %add3A_944, %jit3A_945 : i32
        %sign3A_947 = arith.constant 0 : i32
        %sign3A_948 = arith.cmpi sgt, %add3A_944, %sign3A_947 : i32
        %sign3A_949 = arith.extui %sign3A_948 : i1 to i32
        %sign3A_950 = arith.constant 0 : i32
        %sign3A_951 = arith.cmpi slt, %add3A_944, %sign3A_950 : i32
        %sign3A_952 = arith.extui %sign3A_951 : i1 to i32
        %sign3A_953 = arith.subi %sign3A_949, %sign3A_952 : i32
        %sign3A_954 = arith.constant 0 : i32
        %sign3A_955 = arith.cmpi sgt, %jit3A_945, %sign3A_954 : i32
        %sign3A_956 = arith.extui %sign3A_955 : i1 to i32
        %sign3A_957 = arith.constant 0 : i32
        %sign3A_958 = arith.cmpi slt, %jit3A_945, %sign3A_957 : i32
        %sign3A_959 = arith.extui %sign3A_958 : i1 to i32
        %sign3A_960 = arith.subi %sign3A_956, %sign3A_959 : i32
        %ne3A_961 = arith.cmpi ne, %sign3A_953, %sign3A_960 : i32
        %rem3A_962 = arith.remsi %add3A_944, %jit3A_945 : i32
        %ne3A_963 = arith.constant 0 : i32
        %ne3A_964 = arith.cmpi ne, %rem3A_962, %ne3A_963 : i32
        %and3A_965 = arith.andi %ne3A_961, %ne3A_964 : i1
        %sub3A_966 = arith.constant 1 : i32
        %sub3A_967 = arith.subi %div3A_946, %sub3A_966 : i32
        %select_n3A_968 = arith.select %and3A_965, %sub3A_967, %div3A_946 : i32
        %jit3A_969 = arith.constant 48 : i32
        %eq3A_970 = arith.constant 0 : i32
        %eq3A_971 = arith.cmpi eq, %jit3A_969, %eq3A_970 : i32
        %jit3A_972 = arith.constant 1 : i32
        %select_n3A_973 = arith.select %eq3A_971, %jit3A_972, %jit3A_969 : i32
        %rem3A_974 = arith.remsi %add3A_944, %select_n3A_973 : i32
        %ne3A_975 = arith.constant 0 : i32
        %ne3A_976 = arith.cmpi ne, %rem3A_974, %ne3A_975 : i32
        %lt3A_977 = arith.constant 0 : i32
        %lt3A_978 = arith.cmpi slt, %rem3A_974, %lt3A_977 : i32
        %lt3A_979 = arith.constant 0 : i32
        %lt3A_980 = arith.cmpi slt, %select_n3A_973, %lt3A_979 : i32
        %ne3A_981 = arith.xori %lt3A_978, %lt3A_980 : i1
        %and3A_982 = arith.andi %ne3A_981, %ne3A_976 : i1
        %add3A_983 = arith.addi %rem3A_974, %select_n3A_973 : i32
        %select_n3A_984 = arith.select %and3A_982, %add3A_983, %rem3A_974 : i32
        %mul3A_985 = arith.constant 8 : i32
        %mul3A_986 = arith.muli %select_n3A_984, %mul3A_985 : i32
        %mul3A_987 = arith.constant 384 : i32
        %mul3A_988 = arith.muli %select_n3A_968, %mul3A_987 : i32
        %add3A_989 = arith.addi %mul3A_988, %mul3A_986 : i32
        %mul3A_990 = arith.constant 196 : i32
        %mul3A_991 = arith.muli %add3A_989, %mul3A_990 : i32
        %jit3A_992 = arith.constant 32 : i32
        %div3A_993 = arith.divsi %add3A_989, %jit3A_992 : i32
        %sign3A_994 = arith.constant 0 : i32
        %sign3A_995 = arith.cmpi sgt, %add3A_989, %sign3A_994 : i32
        %sign3A_996 = arith.extui %sign3A_995 : i1 to i32
        %sign3A_997 = arith.constant 0 : i32
        %sign3A_998 = arith.cmpi slt, %add3A_989, %sign3A_997 : i32
        %sign3A_999 = arith.extui %sign3A_998 : i1 to i32
        %sign3A_1000 = arith.subi %sign3A_996, %sign3A_999 : i32
        %sign3A_1001 = arith.constant 0 : i32
        %sign3A_1002 = arith.cmpi sgt, %jit3A_992, %sign3A_1001 : i32
        %sign3A_1003 = arith.extui %sign3A_1002 : i1 to i32
        %sign3A_1004 = arith.constant 0 : i32
        %sign3A_1005 = arith.cmpi slt, %jit3A_992, %sign3A_1004 : i32
        %sign3A_1006 = arith.extui %sign3A_1005 : i1 to i32
        %sign3A_1007 = arith.subi %sign3A_1003, %sign3A_1006 : i32
        %ne3A_1008 = arith.cmpi ne, %sign3A_1000, %sign3A_1007 : i32
        %rem3A_1009 = arith.remsi %add3A_989, %jit3A_992 : i32
        %ne3A_1010 = arith.constant 0 : i32
        %ne3A_1011 = arith.cmpi ne, %rem3A_1009, %ne3A_1010 : i32
        %and3A_1012 = arith.andi %ne3A_1008, %ne3A_1011 : i1
        %sub3A_1013 = arith.constant 1 : i32
        %sub3A_1014 = arith.subi %div3A_993, %sub3A_1013 : i32
        %select_n3A_1015 = arith.select %and3A_1012, %sub3A_1014, %div3A_993 : i32
        %mul3A_1016 = arith.constant 448 : i32
        %mul3A_1017 = arith.muli %select_n3A_1015, %mul3A_1016 : i32
        %jit3A_1018 = arith.constant 32 : i32
        %eq3A_1019 = arith.constant 0 : i32
        %eq3A_1020 = arith.cmpi eq, %jit3A_1018, %eq3A_1019 : i32
        %jit3A_1021 = arith.constant 1 : i32
        %select_n3A_1022 = arith.select %eq3A_1020, %jit3A_1021, %jit3A_1018 : i32
        %rem3A_1023 = arith.remsi %add3A_989, %select_n3A_1022 : i32
        %ne3A_1024 = arith.constant 0 : i32
        %ne3A_1025 = arith.cmpi ne, %rem3A_1023, %ne3A_1024 : i32
        %lt3A_1026 = arith.constant 0 : i32
        %lt3A_1027 = arith.cmpi slt, %rem3A_1023, %lt3A_1026 : i32
        %lt3A_1028 = arith.constant 0 : i32
        %lt3A_1029 = arith.cmpi slt, %select_n3A_1022, %lt3A_1028 : i32
        %ne3A_1030 = arith.xori %lt3A_1027, %lt3A_1029 : i1
        %and3A_1031 = arith.andi %ne3A_1030, %ne3A_1025 : i1
        %add3A_1032 = arith.addi %rem3A_1023, %select_n3A_1022 : i32
        %select_n3A_1033 = arith.select %and3A_1031, %add3A_1032, %rem3A_1023 : i32
        %jit3A_1034 = arith.constant 8 : i32
        %div3A_1035 = arith.divsi %select_n3A_1033, %jit3A_1034 : i32
        %sign3A_1036 = arith.constant 0 : i32
        %sign3A_1037 = arith.cmpi sgt, %select_n3A_1033, %sign3A_1036 : i32
        %sign3A_1038 = arith.extui %sign3A_1037 : i1 to i32
        %sign3A_1039 = arith.constant 0 : i32
        %sign3A_1040 = arith.cmpi slt, %select_n3A_1033, %sign3A_1039 : i32
        %sign3A_1041 = arith.extui %sign3A_1040 : i1 to i32
        %sign3A_1042 = arith.subi %sign3A_1038, %sign3A_1041 : i32
        %sign3A_1043 = arith.constant 0 : i32
        %sign3A_1044 = arith.cmpi sgt, %jit3A_1034, %sign3A_1043 : i32
        %sign3A_1045 = arith.extui %sign3A_1044 : i1 to i32
        %sign3A_1046 = arith.constant 0 : i32
        %sign3A_1047 = arith.cmpi slt, %jit3A_1034, %sign3A_1046 : i32
        %sign3A_1048 = arith.extui %sign3A_1047 : i1 to i32
        %sign3A_1049 = arith.subi %sign3A_1045, %sign3A_1048 : i32
        %ne3A_1050 = arith.cmpi ne, %sign3A_1042, %sign3A_1049 : i32
        %rem3A_1051 = arith.remsi %select_n3A_1033, %jit3A_1034 : i32
        %ne3A_1052 = arith.constant 0 : i32
        %ne3A_1053 = arith.cmpi ne, %rem3A_1051, %ne3A_1052 : i32
        %and3A_1054 = arith.andi %ne3A_1050, %ne3A_1053 : i1
        %sub3A_1055 = arith.constant 1 : i32
        %sub3A_1056 = arith.subi %div3A_1035, %sub3A_1055 : i32
        %select_n3A_1057 = arith.select %and3A_1054, %sub3A_1056, %div3A_1035 : i32
        %mul3A_1058 = arith.constant 32 : i32
        %mul3A_1059 = arith.muli %select_n3A_1057, %mul3A_1058 : i32
        %dma_start3A_1060 = tpu.memref_slice %arg3[%mul3A_991] : memref<602112xf32, #tpu.memory_space<hbm>> -> memref<1568xf32, #tpu.memory_space<hbm>>
        %dma_start3A_1061 = tpu.memref_slice %arg3[%mul3A_991] : memref<602112xf32, #tpu.memory_space<hbm>> -> memref<1568xf32, #tpu.memory_space<hbm>>
        tpu.enqueue_dma source(%dma_start3A_1061 : memref<1568xf32, #tpu.memory_space<hbm>>) target(%arg19 : memref<1568xf32, #tpu.memory_space<vmem>>) target_semaphore(%arg25 : memref<!tpu.dma_semaphore, #tpu.memory_space<semaphore_mem>>)
      } else {
      }
      %gt3A = arith.constant 0 : i32
      %gt3A_548 = arith.cmpi sgt, %scan3A_418, %gt3A : i32
      %convert_element_type3A_549 = arith.extui %gt3A_548 : i1 to i32
      %cond3A_550 = arith.constant 0 : i32
      %cond3A_551 = arith.cmpi ne, %convert_element_type3A_549, %cond3A_550 : i32
      scf.if %cond3A_551 {
        %dma_wait3A_940 = arith.constant 0 : i32
        %dma_wait3A_941 = arith.constant 0 : i32
        %dma_wait3A_942 = tpu.memref_slice %arg10[%dma_wait3A_940, %dma_wait3A_941] : memref<43008x128xf32, #tpu.memory_space<hbm>> -> memref<448x32xf32, #tpu.memory_space<hbm>>
        %dma_wait3A_943 = arith.constant 0 : i32
        %dma_wait3A_944 = arith.constant 0 : i32
        %dma_wait3A_945 = tpu.memref_slice %arg10[%dma_wait3A_943, %dma_wait3A_944] : memref<43008x128xf32, #tpu.memory_space<hbm>> -> memref<448x32xf32, #tpu.memory_space<hbm>>
        tpu.wait_dma2 semaphore(%arg26 : memref<!tpu.dma_semaphore, #tpu.memory_space<semaphore_mem>>) src(%dma_wait3A_945 : memref<448x32xf32, #tpu.memory_space<hbm>>) dst(%arg22 : memref<448x32xf32, #tpu.memory_space<vmem>>)
      } else {
      }
      %scan3A_552 = arith.constant 0 : i32
      %scan3A_553 = arith.constant 0 : i32
      %scan3A_554 = arith.constant 49 : i32
      %scan3A_555 = arith.addi %scan3A_553, %scan3A_554 : i32
      %scan3A_556 = arith.constant 1 : i32
      scf.for %scan3A_940 = %scan3A_553 to %scan3A_555 step %scan3A_556  : i32 {
        %mul3A_941 = arith.constant 16 : i32
        %mul3A_942 = arith.muli %scan3A_940, %mul3A_941 : i32
        %add3A_943 = arith.constant 1568 : i32
        %add3A_944 = arith.addi %add3A_943, %mul3A_942 : i32
        %get3A = arith.index_cast %add3A_944 : i32 to index
        %get3A_945 = tpu.vector_load %arg12[%get3A] {strides = array<i32>} : memref<2752xi32, #tpu.memory_space<vmem>>, vector<16xi32>,
        %add3A_946 = arith.constant 1568 : i32
        %add3A_947 = arith.addi %add3A_946, %mul3A_942 : i32
        %get3A_948 = arith.index_cast %add3A_947 : i32 to index
        %get3A_949 = tpu.vector_load %arg13[%get3A_948] {strides = array<i32>} : memref<2752xf32, #tpu.memory_space<vmem>>, vector<16xf32>,
        %add3A_950 = arith.constant 1568 : i32
        %add3A_951 = arith.addi %add3A_950, %mul3A_942 : i32
        %get3A_952 = arith.index_cast %add3A_951 : i32 to index
        %get3A_953 = tpu.vector_load %arg14[%get3A_952] {strides = array<i32>} : memref<2752xi32, #tpu.memory_space<vmem>>, vector<16xi32>,
        %add3A_954 = arith.constant 1568 : i32
        %add3A_955 = arith.addi %add3A_954, %mul3A_942 : i32
        %get3A_956 = arith.index_cast %add3A_955 : i32 to index
        %get3A_957 = tpu.vector_load %arg15[%get3A_956] {strides = array<i32>} : memref<2752xi32, #tpu.memory_space<vmem>>, vector<16xi32>,
        %sub3A_958 = arith.constant 1.000000e+00 : f32
        %sub3A_959 = vector.broadcast %sub3A_958 : f32 to vector<16xf32>
        %sub3A_960 = arith.subf %sub3A_959, %get3A_949 : vector<16xf32>
        %add3A_961 = arith.constant 0 : i32
        %add3A_962 = vector.broadcast %add3A_961 : i32 to vector<16xi32>
        %add3A_963 = arith.addi %get3A_945, %add3A_962 : vector<16xi32>
        %gather3A = tpu.vector_load_idx %arg18[%add3A_963] : memref<1568xf32, #tpu.memory_space<vmem>>[vector<16xi32>], vector<16xf32>,
        %mul3A_964 = arith.mulf %gather3A, %sub3A_960 : vector<16xf32>
        %add3A_965 = arith.constant 14 : i32
        %add3A_966 = vector.broadcast %add3A_965 : i32 to vector<16xi32>
        %add3A_967 = arith.addi %add3A_963, %add3A_966 : vector<16xi32>
        %gather3A_968 = tpu.vector_load_idx %arg18[%add3A_967] : memref<1568xf32, #tpu.memory_space<vmem>>[vector<16xi32>], vector<16xf32>,
        %mul3A_969 = arith.mulf %gather3A_968, %get3A_949 : vector<16xf32>
        %add3A_970 = arith.addf %mul3A_964, %mul3A_969 : vector<16xf32>
        %add3A_971 = arith.constant 0 : i32
        %add3A_972 = vector.broadcast %add3A_971 : i32 to vector<16xi32>
        %add3A_973 = arith.addi %get3A_953, %add3A_972 : vector<16xi32>
        tpu.vector_store_idx %arg22[%add3A_973, %get3A_957], %add3A_970 : memref<448x32xf32, #tpu.memory_space<vmem>>[vector<16xi32>, vector<16xi32>], vector<16xf32>,
        %add3A_974 = arith.constant 196 : i32
        %add3A_975 = vector.broadcast %add3A_974 : i32 to vector<16xi32>
        %add3A_976 = arith.addi %get3A_945, %add3A_975 : vector<16xi32>
        %gather3A_977 = tpu.vector_load_idx %arg18[%add3A_976] : memref<1568xf32, #tpu.memory_space<vmem>>[vector<16xi32>], vector<16xf32>,
        %mul3A_978 = arith.mulf %gather3A_977, %sub3A_960 : vector<16xf32>
        %add3A_979 = arith.constant 14 : i32
        %add3A_980 = vector.broadcast %add3A_979 : i32 to vector<16xi32>
        %add3A_981 = arith.addi %add3A_976, %add3A_980 : vector<16xi32>
        %gather3A_982 = tpu.vector_load_idx %arg18[%add3A_981] : memref<1568xf32, #tpu.memory_space<vmem>>[vector<16xi32>], vector<16xf32>,
        %mul3A_983 = arith.mulf %gather3A_982, %get3A_949 : vector<16xf32>
        %add3A_984 = arith.addf %mul3A_978, %mul3A_983 : vector<16xf32>
        %add3A_985 = arith.constant 56 : i32
        %add3A_986 = vector.broadcast %add3A_985 : i32 to vector<16xi32>
        %add3A_987 = arith.addi %get3A_953, %add3A_986 : vector<16xi32>
        tpu.vector_store_idx %arg22[%add3A_987, %get3A_957], %add3A_984 : memref<448x32xf32, #tpu.memory_space<vmem>>[vector<16xi32>, vector<16xi32>], vector<16xf32>,
        %add3A_988 = arith.constant 392 : i32
        %add3A_989 = vector.broadcast %add3A_988 : i32 to vector<16xi32>
        %add3A_990 = arith.addi %get3A_945, %add3A_989 : vector<16xi32>
        %gather3A_991 = tpu.vector_load_idx %arg18[%add3A_990] : memref<1568xf32, #tpu.memory_space<vmem>>[vector<16xi32>], vector<16xf32>,
        %mul3A_992 = arith.mulf %gather3A_991, %sub3A_960 : vector<16xf32>
        %add3A_993 = arith.constant 14 : i32
        %add3A_994 = vector.broadcast %add3A_993 : i32 to vector<16xi32>
        %add3A_995 = arith.addi %add3A_990, %add3A_994 : vector<16xi32>
        %gather3A_996 = tpu.vector_load_idx %arg18[%add3A_995] : memref<1568xf32, #tpu.memory_space<vmem>>[vector<16xi32>], vector<16xf32>,
        %mul3A_997 = arith.mulf %gather3A_996, %get3A_949 : vector<16xf32>
        %add3A_998 = arith.addf %mul3A_992, %mul3A_997 : vector<16xf32>
        %add3A_999 = arith.constant 112 : i32
        %add3A_1000 = vector.broadcast %add3A_999 : i32 to vector<16xi32>
        %add3A_1001 = arith.addi %get3A_953, %add3A_1000 : vector<16xi32>
        tpu.vector_store_idx %arg22[%add3A_1001, %get3A_957], %add3A_998 : memref<448x32xf32, #tpu.memory_space<vmem>>[vector<16xi32>, vector<16xi32>], vector<16xf32>,
        %add3A_1002 = arith.constant 588 : i32
        %add3A_1003 = vector.broadcast %add3A_1002 : i32 to vector<16xi32>
        %add3A_1004 = arith.addi %get3A_945, %add3A_1003 : vector<16xi32>
        %gather3A_1005 = tpu.vector_load_idx %arg18[%add3A_1004] : memref<1568xf32, #tpu.memory_space<vmem>>[vector<16xi32>], vector<16xf32>,
        %mul3A_1006 = arith.mulf %gather3A_1005, %sub3A_960 : vector<16xf32>
        %add3A_1007 = arith.constant 14 : i32
        %add3A_1008 = vector.broadcast %add3A_1007 : i32 to vector<16xi32>
        %add3A_1009 = arith.addi %add3A_1004, %add3A_1008 : vector<16xi32>
        %gather3A_1010 = tpu.vector_load_idx %arg18[%add3A_1009] : memref<1568xf32, #tpu.memory_space<vmem>>[vector<16xi32>], vector<16xf32>,
        %mul3A_1011 = arith.mulf %gather3A_1010, %get3A_949 : vector<16xf32>
        %add3A_1012 = arith.addf %mul3A_1006, %mul3A_1011 : vector<16xf32>
        %add3A_1013 = arith.constant 168 : i32
        %add3A_1014 = vector.broadcast %add3A_1013 : i32 to vector<16xi32>
        %add3A_1015 = arith.addi %get3A_953, %add3A_1014 : vector<16xi32>
        tpu.vector_store_idx %arg22[%add3A_1015, %get3A_957], %add3A_1012 : memref<448x32xf32, #tpu.memory_space<vmem>>[vector<16xi32>, vector<16xi32>], vector<16xf32>,
        %add3A_1016 = arith.constant 784 : i32
        %add3A_1017 = vector.broadcast %add3A_1016 : i32 to vector<16xi32>
        %add3A_1018 = arith.addi %get3A_945, %add3A_1017 : vector<16xi32>
        %gather3A_1019 = tpu.vector_load_idx %arg18[%add3A_1018] : memref<1568xf32, #tpu.memory_space<vmem>>[vector<16xi32>], vector<16xf32>,
        %mul3A_1020 = arith.mulf %gather3A_1019, %sub3A_960 : vector<16xf32>
        %add3A_1021 = arith.constant 14 : i32
        %add3A_1022 = vector.broadcast %add3A_1021 : i32 to vector<16xi32>
        %add3A_1023 = arith.addi %add3A_1018, %add3A_1022 : vector<16xi32>
        %gather3A_1024 = tpu.vector_load_idx %arg18[%add3A_1023] : memref<1568xf32, #tpu.memory_space<vmem>>[vector<16xi32>], vector<16xf32>,
        %mul3A_1025 = arith.mulf %gather3A_1024, %get3A_949 : vector<16xf32>
        %add3A_1026 = arith.addf %mul3A_1020, %mul3A_1025 : vector<16xf32>
        %add3A_1027 = arith.constant 224 : i32
        %add3A_1028 = vector.broadcast %add3A_1027 : i32 to vector<16xi32>
        %add3A_1029 = arith.addi %get3A_953, %add3A_1028 : vector<16xi32>
        tpu.vector_store_idx %arg22[%add3A_1029, %get3A_957], %add3A_1026 : memref<448x32xf32, #tpu.memory_space<vmem>>[vector<16xi32>, vector<16xi32>], vector<16xf32>,
        %add3A_1030 = arith.constant 980 : i32
        %add3A_1031 = vector.broadcast %add3A_1030 : i32 to vector<16xi32>
        %add3A_1032 = arith.addi %get3A_945, %add3A_1031 : vector<16xi32>
        %gather3A_1033 = tpu.vector_load_idx %arg18[%add3A_1032] : memref<1568xf32, #tpu.memory_space<vmem>>[vector<16xi32>], vector<16xf32>,
        %mul3A_1034 = arith.mulf %gather3A_1033, %sub3A_960 : vector<16xf32>
        %add3A_1035 = arith.constant 14 : i32
        %add3A_1036 = vector.broadcast %add3A_1035 : i32 to vector<16xi32>
        %add3A_1037 = arith.addi %add3A_1032, %add3A_1036 : vector<16xi32>
        %gather3A_1038 = tpu.vector_load_idx %arg18[%add3A_1037] : memref<1568xf32, #tpu.memory_space<vmem>>[vector<16xi32>], vector<16xf32>,
        %mul3A_1039 = arith.mulf %gather3A_1038, %get3A_949 : vector<16xf32>
        %add3A_1040 = arith.addf %mul3A_1034, %mul3A_1039 : vector<16xf32>
        %add3A_1041 = arith.constant 280 : i32
        %add3A_1042 = vector.broadcast %add3A_1041 : i32 to vector<16xi32>
        %add3A_1043 = arith.addi %get3A_953, %add3A_1042 : vector<16xi32>
        tpu.vector_store_idx %arg22[%add3A_1043, %get3A_957], %add3A_1040 : memref<448x32xf32, #tpu.memory_space<vmem>>[vector<16xi32>, vector<16xi32>], vector<16xf32>,
        %add3A_1044 = arith.constant 1176 : i32
        %add3A_1045 = vector.broadcast %add3A_1044 : i32 to vector<16xi32>
        %add3A_1046 = arith.addi %get3A_945, %add3A_1045 : vector<16xi32>
        %gather3A_1047 = tpu.vector_load_idx %arg18[%add3A_1046] : memref<1568xf32, #tpu.memory_space<vmem>>[vector<16xi32>], vector<16xf32>,
        %mul3A_1048 = arith.mulf %gather3A_1047, %sub3A_960 : vector<16xf32>
        %add3A_1049 = arith.constant 14 : i32
        %add3A_1050 = vector.broadcast %add3A_1049 : i32 to vector<16xi32>
        %add3A_1051 = arith.addi %add3A_1046, %add3A_1050 : vector<16xi32>
        %gather3A_1052 = tpu.vector_load_idx %arg18[%add3A_1051] : memref<1568xf32, #tpu.memory_space<vmem>>[vector<16xi32>], vector<16xf32>,
        %mul3A_1053 = arith.mulf %gather3A_1052, %get3A_949 : vector<16xf32>
        %add3A_1054 = arith.addf %mul3A_1048, %mul3A_1053 : vector<16xf32>
        %add3A_1055 = arith.constant 336 : i32
        %add3A_1056 = vector.broadcast %add3A_1055 : i32 to vector<16xi32>
        %add3A_1057 = arith.addi %get3A_953, %add3A_1056 : vector<16xi32>
        tpu.vector_store_idx %arg22[%add3A_1057, %get3A_957], %add3A_1054 : memref<448x32xf32, #tpu.memory_space<vmem>>[vector<16xi32>, vector<16xi32>], vector<16xf32>,
        %add3A_1058 = arith.constant 1372 : i32
        %add3A_1059 = vector.broadcast %add3A_1058 : i32 to vector<16xi32>
        %add3A_1060 = arith.addi %get3A_945, %add3A_1059 : vector<16xi32>
        %gather3A_1061 = tpu.vector_load_idx %arg18[%add3A_1060] : memref<1568xf32, #tpu.memory_space<vmem>>[vector<16xi32>], vector<16xf32>,
        %mul3A_1062 = arith.mulf %gather3A_1061, %sub3A_960 : vector<16xf32>
        %add3A_1063 = arith.constant 14 : i32
        %add3A_1064 = vector.broadcast %add3A_1063 : i32 to vector<16xi32>
        %add3A_1065 = arith.addi %add3A_1060, %add3A_1064 : vector<16xi32>
        %gather3A_1066 = tpu.vector_load_idx %arg18[%add3A_1065] : memref<1568xf32, #tpu.memory_space<vmem>>[vector<16xi32>], vector<16xf32>,
        %mul3A_1067 = arith.mulf %gather3A_1066, %get3A_949 : vector<16xf32>
        %add3A_1068 = arith.addf %mul3A_1062, %mul3A_1067 : vector<16xf32>
        %add3A_1069 = arith.constant 392 : i32
        %add3A_1070 = vector.broadcast %add3A_1069 : i32 to vector<16xi32>
        %add3A_1071 = arith.addi %get3A_953, %add3A_1070 : vector<16xi32>
        tpu.vector_store_idx %arg22[%add3A_1071, %get3A_957], %add3A_1068 : memref<448x32xf32, #tpu.memory_space<vmem>>[vector<16xi32>, vector<16xi32>], vector<16xf32>,
      }
      %scan3A_557 = arith.constant 49 : i32
      %mul3A_558 = arith.constant 12 : i32
      %mul3A_559 = arith.muli %add3A, %mul3A_558 : i32
      %add3A_560 = arith.addi %mul3A_559, %add3A_422 : i32
      %jit3A_561 = arith.constant 48 : i32
      %div3A_562 = arith.divsi %add3A_560, %jit3A_561 : i32
      %sign3A_563 = arith.constant 0 : i32
      %sign3A_564 = arith.cmpi sgt, %add3A_560, %sign3A_563 : i32
      %sign3A_565 = arith.extui %sign3A_564 : i1 to i32
      %sign3A_566 = arith.constant 0 : i32
      %sign3A_567 = arith.cmpi slt, %add3A_560, %sign3A_566 : i32
      %sign3A_568 = arith.extui %sign3A_567 : i1 to i32
      %sign3A_569 = arith.subi %sign3A_565, %sign3A_568 : i32
      %sign3A_570 = arith.constant 0 : i32
      %sign3A_571 = arith.cmpi sgt, %jit3A_561, %sign3A_570 : i32
      %sign3A_572 = arith.extui %sign3A_571 : i1 to i32
      %sign3A_573 = arith.constant 0 : i32
      %sign3A_574 = arith.cmpi slt, %jit3A_561, %sign3A_573 : i32
      %sign3A_575 = arith.extui %sign3A_574 : i1 to i32
      %sign3A_576 = arith.subi %sign3A_572, %sign3A_575 : i32
      %ne3A_577 = arith.cmpi ne, %sign3A_569, %sign3A_576 : i32
      %rem3A_578 = arith.remsi %add3A_560, %jit3A_561 : i32
      %ne3A_579 = arith.constant 0 : i32
      %ne3A_580 = arith.cmpi ne, %rem3A_578, %ne3A_579 : i32
      %and3A_581 = arith.andi %ne3A_577, %ne3A_580 : i1
      %sub3A_582 = arith.constant 1 : i32
      %sub3A_583 = arith.subi %div3A_562, %sub3A_582 : i32
      %select_n3A_584 = arith.select %and3A_581, %sub3A_583, %div3A_562 : i32
      %jit3A_585 = arith.constant 48 : i32
      %eq3A_586 = arith.constant 0 : i32
      %eq3A_587 = arith.cmpi eq, %jit3A_585, %eq3A_586 : i32
      %jit3A_588 = arith.constant 1 : i32
      %select_n3A_589 = arith.select %eq3A_587, %jit3A_588, %jit3A_585 : i32
      %rem3A_590 = arith.remsi %add3A_560, %select_n3A_589 : i32
      %ne3A_591 = arith.constant 0 : i32
      %ne3A_592 = arith.cmpi ne, %rem3A_590, %ne3A_591 : i32
      %lt3A_593 = arith.constant 0 : i32
      %lt3A_594 = arith.cmpi slt, %rem3A_590, %lt3A_593 : i32
      %lt3A_595 = arith.constant 0 : i32
      %lt3A_596 = arith.cmpi slt, %select_n3A_589, %lt3A_595 : i32
      %ne3A_597 = arith.xori %lt3A_594, %lt3A_596 : i1
      %and3A_598 = arith.andi %ne3A_597, %ne3A_592 : i1
      %add3A_599 = arith.addi %rem3A_590, %select_n3A_589 : i32
      %select_n3A_600 = arith.select %and3A_598, %add3A_599, %rem3A_590 : i32
      %mul3A_601 = arith.constant 8 : i32
      %mul3A_602 = arith.muli %select_n3A_600, %mul3A_601 : i32
      %mul3A_603 = arith.constant 384 : i32
      %mul3A_604 = arith.muli %select_n3A_584, %mul3A_603 : i32
      %add3A_605 = arith.addi %mul3A_604, %mul3A_602 : i32
      %mul3A_606 = arith.constant 196 : i32
      %mul3A_607 = arith.muli %add3A_605, %mul3A_606 : i32
      %jit3A_608 = arith.constant 32 : i32
      %div3A_609 = arith.divsi %add3A_605, %jit3A_608 : i32
      %sign3A_610 = arith.constant 0 : i32
      %sign3A_611 = arith.cmpi sgt, %add3A_605, %sign3A_610 : i32
      %sign3A_612 = arith.extui %sign3A_611 : i1 to i32
      %sign3A_613 = arith.constant 0 : i32
      %sign3A_614 = arith.cmpi slt, %add3A_605, %sign3A_613 : i32
      %sign3A_615 = arith.extui %sign3A_614 : i1 to i32
      %sign3A_616 = arith.subi %sign3A_612, %sign3A_615 : i32
      %sign3A_617 = arith.constant 0 : i32
      %sign3A_618 = arith.cmpi sgt, %jit3A_608, %sign3A_617 : i32
      %sign3A_619 = arith.extui %sign3A_618 : i1 to i32
      %sign3A_620 = arith.constant 0 : i32
      %sign3A_621 = arith.cmpi slt, %jit3A_608, %sign3A_620 : i32
      %sign3A_622 = arith.extui %sign3A_621 : i1 to i32
      %sign3A_623 = arith.subi %sign3A_619, %sign3A_622 : i32
      %ne3A_624 = arith.cmpi ne, %sign3A_616, %sign3A_623 : i32
      %rem3A_625 = arith.remsi %add3A_605, %jit3A_608 : i32
      %ne3A_626 = arith.constant 0 : i32
      %ne3A_627 = arith.cmpi ne, %rem3A_625, %ne3A_626 : i32
      %and3A_628 = arith.andi %ne3A_624, %ne3A_627 : i1
      %sub3A_629 = arith.constant 1 : i32
      %sub3A_630 = arith.subi %div3A_609, %sub3A_629 : i32
      %select_n3A_631 = arith.select %and3A_628, %sub3A_630, %div3A_609 : i32
      %mul3A_632 = arith.constant 448 : i32
      %mul3A_633 = arith.muli %select_n3A_631, %mul3A_632 : i32
      %jit3A_634 = arith.constant 32 : i32
      %eq3A_635 = arith.constant 0 : i32
      %eq3A_636 = arith.cmpi eq, %jit3A_634, %eq3A_635 : i32
      %jit3A_637 = arith.constant 1 : i32
      %select_n3A_638 = arith.select %eq3A_636, %jit3A_637, %jit3A_634 : i32
      %rem3A_639 = arith.remsi %add3A_605, %select_n3A_638 : i32
      %ne3A_640 = arith.constant 0 : i32
      %ne3A_641 = arith.cmpi ne, %rem3A_639, %ne3A_640 : i32
      %lt3A_642 = arith.constant 0 : i32
      %lt3A_643 = arith.cmpi slt, %rem3A_639, %lt3A_642 : i32
      %lt3A_644 = arith.constant 0 : i32
      %lt3A_645 = arith.cmpi slt, %select_n3A_638, %lt3A_644 : i32
      %ne3A_646 = arith.xori %lt3A_643, %lt3A_645 : i1
      %and3A_647 = arith.andi %ne3A_646, %ne3A_641 : i1
      %add3A_648 = arith.addi %rem3A_639, %select_n3A_638 : i32
      %select_n3A_649 = arith.select %and3A_647, %add3A_648, %rem3A_639 : i32
      %jit3A_650 = arith.constant 8 : i32
      %div3A_651 = arith.divsi %select_n3A_649, %jit3A_650 : i32
      %sign3A_652 = arith.constant 0 : i32
      %sign3A_653 = arith.cmpi sgt, %select_n3A_649, %sign3A_652 : i32
      %sign3A_654 = arith.extui %sign3A_653 : i1 to i32
      %sign3A_655 = arith.constant 0 : i32
      %sign3A_656 = arith.cmpi slt, %select_n3A_649, %sign3A_655 : i32
      %sign3A_657 = arith.extui %sign3A_656 : i1 to i32
      %sign3A_658 = arith.subi %sign3A_654, %sign3A_657 : i32
      %sign3A_659 = arith.constant 0 : i32
      %sign3A_660 = arith.cmpi sgt, %jit3A_650, %sign3A_659 : i32
      %sign3A_661 = arith.extui %sign3A_660 : i1 to i32
      %sign3A_662 = arith.constant 0 : i32
      %sign3A_663 = arith.cmpi slt, %jit3A_650, %sign3A_662 : i32
      %sign3A_664 = arith.extui %sign3A_663 : i1 to i32
      %sign3A_665 = arith.subi %sign3A_661, %sign3A_664 : i32
      %ne3A_666 = arith.cmpi ne, %sign3A_658, %sign3A_665 : i32
      %rem3A_667 = arith.remsi %select_n3A_649, %jit3A_650 : i32
      %ne3A_668 = arith.constant 0 : i32
      %ne3A_669 = arith.cmpi ne, %rem3A_667, %ne3A_668 : i32
      %and3A_670 = arith.andi %ne3A_666, %ne3A_669 : i1
      %sub3A_671 = arith.constant 1 : i32
      %sub3A_672 = arith.subi %div3A_651, %sub3A_671 : i32
      %select_n3A_673 = arith.select %and3A_670, %sub3A_672, %div3A_651 : i32
      %mul3A_674 = arith.constant 32 : i32
      %mul3A_675 = arith.muli %select_n3A_673, %mul3A_674 : i32
      %dma_start3A_676 = tpu.memref_slice %arg10[%mul3A_633, %mul3A_675] : memref<43008x128xf32, #tpu.memory_space<hbm>> -> memref<448x32xf32, #tpu.memory_space<hbm>>
      %dma_start3A_677 = tpu.memref_slice %arg10[%mul3A_633, %mul3A_675] : memref<43008x128xf32, #tpu.memory_space<hbm>> -> memref<448x32xf32, #tpu.memory_space<hbm>>
      tpu.enqueue_dma source(%arg22 : memref<448x32xf32, #tpu.memory_space<vmem>>) target(%dma_start3A_677 : memref<448x32xf32, #tpu.memory_space<hbm>>) target_semaphore(%arg26 : memref<!tpu.dma_semaphore, #tpu.memory_space<semaphore_mem>>)
      %mul3A_678 = arith.constant 2 : i32
      %mul3A_679 = arith.muli %scan3A_418, %mul3A_678 : i32
      %add3A_680 = arith.constant 1 : i32
      %add3A_681 = arith.addi %mul3A_679, %add3A_680 : i32
      %mul3A_682 = arith.constant 12 : i32
      %mul3A_683 = arith.muli %add3A, %mul3A_682 : i32
      %add3A_684 = arith.addi %mul3A_683, %add3A_681 : i32
      %jit3A_685 = arith.constant 48 : i32
      %div3A_686 = arith.divsi %add3A_684, %jit3A_685 : i32
      %sign3A_687 = arith.constant 0 : i32
      %sign3A_688 = arith.cmpi sgt, %add3A_684, %sign3A_687 : i32
      %sign3A_689 = arith.extui %sign3A_688 : i1 to i32
      %sign3A_690 = arith.constant 0 : i32
      %sign3A_691 = arith.cmpi slt, %add3A_684, %sign3A_690 : i32
      %sign3A_692 = arith.extui %sign3A_691 : i1 to i32
      %sign3A_693 = arith.subi %sign3A_689, %sign3A_692 : i32
      %sign3A_694 = arith.constant 0 : i32
      %sign3A_695 = arith.cmpi sgt, %jit3A_685, %sign3A_694 : i32
      %sign3A_696 = arith.extui %sign3A_695 : i1 to i32
      %sign3A_697 = arith.constant 0 : i32
      %sign3A_698 = arith.cmpi slt, %jit3A_685, %sign3A_697 : i32
      %sign3A_699 = arith.extui %sign3A_698 : i1 to i32
      %sign3A_700 = arith.subi %sign3A_696, %sign3A_699 : i32
      %ne3A_701 = arith.cmpi ne, %sign3A_693, %sign3A_700 : i32
      %rem3A_702 = arith.remsi %add3A_684, %jit3A_685 : i32
      %ne3A_703 = arith.constant 0 : i32
      %ne3A_704 = arith.cmpi ne, %rem3A_702, %ne3A_703 : i32
      %and3A_705 = arith.andi %ne3A_701, %ne3A_704 : i1
      %sub3A_706 = arith.constant 1 : i32
      %sub3A_707 = arith.subi %div3A_686, %sub3A_706 : i32
      %select_n3A_708 = arith.select %and3A_705, %sub3A_707, %div3A_686 : i32
      %jit3A_709 = arith.constant 48 : i32
      %eq3A_710 = arith.constant 0 : i32
      %eq3A_711 = arith.cmpi eq, %jit3A_709, %eq3A_710 : i32
      %jit3A_712 = arith.constant 1 : i32
      %select_n3A_713 = arith.select %eq3A_711, %jit3A_712, %jit3A_709 : i32
      %rem3A_714 = arith.remsi %add3A_684, %select_n3A_713 : i32
      %ne3A_715 = arith.constant 0 : i32
      %ne3A_716 = arith.cmpi ne, %rem3A_714, %ne3A_715 : i32
      %lt3A_717 = arith.constant 0 : i32
      %lt3A_718 = arith.cmpi slt, %rem3A_714, %lt3A_717 : i32
      %lt3A_719 = arith.constant 0 : i32
      %lt3A_720 = arith.cmpi slt, %select_n3A_713, %lt3A_719 : i32
      %ne3A_721 = arith.xori %lt3A_718, %lt3A_720 : i1
      %and3A_722 = arith.andi %ne3A_721, %ne3A_716 : i1
      %add3A_723 = arith.addi %rem3A_714, %select_n3A_713 : i32
      %select_n3A_724 = arith.select %and3A_722, %add3A_723, %rem3A_714 : i32
      %mul3A_725 = arith.constant 8 : i32
      %mul3A_726 = arith.muli %select_n3A_724, %mul3A_725 : i32
      %mul3A_727 = arith.constant 384 : i32
      %mul3A_728 = arith.muli %select_n3A_708, %mul3A_727 : i32
      %add3A_729 = arith.addi %mul3A_728, %mul3A_726 : i32
      %mul3A_730 = arith.constant 196 : i32
      %mul3A_731 = arith.muli %add3A_729, %mul3A_730 : i32
      %jit3A_732 = arith.constant 32 : i32
      %div3A_733 = arith.divsi %add3A_729, %jit3A_732 : i32
      %sign3A_734 = arith.constant 0 : i32
      %sign3A_735 = arith.cmpi sgt, %add3A_729, %sign3A_734 : i32
      %sign3A_736 = arith.extui %sign3A_735 : i1 to i32
      %sign3A_737 = arith.constant 0 : i32
      %sign3A_738 = arith.cmpi slt, %add3A_729, %sign3A_737 : i32
      %sign3A_739 = arith.extui %sign3A_738 : i1 to i32
      %sign3A_740 = arith.subi %sign3A_736, %sign3A_739 : i32
      %sign3A_741 = arith.constant 0 : i32
      %sign3A_742 = arith.cmpi sgt, %jit3A_732, %sign3A_741 : i32
      %sign3A_743 = arith.extui %sign3A_742 : i1 to i32
      %sign3A_744 = arith.constant 0 : i32
      %sign3A_745 = arith.cmpi slt, %jit3A_732, %sign3A_744 : i32
      %sign3A_746 = arith.extui %sign3A_745 : i1 to i32
      %sign3A_747 = arith.subi %sign3A_743, %sign3A_746 : i32
      %ne3A_748 = arith.cmpi ne, %sign3A_740, %sign3A_747 : i32
      %rem3A_749 = arith.remsi %add3A_729, %jit3A_732 : i32
      %ne3A_750 = arith.constant 0 : i32
      %ne3A_751 = arith.cmpi ne, %rem3A_749, %ne3A_750 : i32
      %and3A_752 = arith.andi %ne3A_748, %ne3A_751 : i1
      %sub3A_753 = arith.constant 1 : i32
      %sub3A_754 = arith.subi %div3A_733, %sub3A_753 : i32
      %select_n3A_755 = arith.select %and3A_752, %sub3A_754, %div3A_733 : i32
      %mul3A_756 = arith.constant 448 : i32
      %mul3A_757 = arith.muli %select_n3A_755, %mul3A_756 : i32
      %jit3A_758 = arith.constant 32 : i32
      %eq3A_759 = arith.constant 0 : i32
      %eq3A_760 = arith.cmpi eq, %jit3A_758, %eq3A_759 : i32
      %jit3A_761 = arith.constant 1 : i32
      %select_n3A_762 = arith.select %eq3A_760, %jit3A_761, %jit3A_758 : i32
      %rem3A_763 = arith.remsi %add3A_729, %select_n3A_762 : i32
      %ne3A_764 = arith.constant 0 : i32
      %ne3A_765 = arith.cmpi ne, %rem3A_763, %ne3A_764 : i32
      %lt3A_766 = arith.constant 0 : i32
      %lt3A_767 = arith.cmpi slt, %rem3A_763, %lt3A_766 : i32
      %lt3A_768 = arith.constant 0 : i32
      %lt3A_769 = arith.cmpi slt, %select_n3A_762, %lt3A_768 : i32
      %ne3A_770 = arith.xori %lt3A_767, %lt3A_769 : i1
      %and3A_771 = arith.andi %ne3A_770, %ne3A_765 : i1
      %add3A_772 = arith.addi %rem3A_763, %select_n3A_762 : i32
      %select_n3A_773 = arith.select %and3A_771, %add3A_772, %rem3A_763 : i32
      %jit3A_774 = arith.constant 8 : i32
      %div3A_775 = arith.divsi %select_n3A_773, %jit3A_774 : i32
      %sign3A_776 = arith.constant 0 : i32
      %sign3A_777 = arith.cmpi sgt, %select_n3A_773, %sign3A_776 : i32
      %sign3A_778 = arith.extui %sign3A_777 : i1 to i32
      %sign3A_779 = arith.constant 0 : i32
      %sign3A_780 = arith.cmpi slt, %select_n3A_773, %sign3A_779 : i32
      %sign3A_781 = arith.extui %sign3A_780 : i1 to i32
      %sign3A_782 = arith.subi %sign3A_778, %sign3A_781 : i32
      %sign3A_783 = arith.constant 0 : i32
      %sign3A_784 = arith.cmpi sgt, %jit3A_774, %sign3A_783 : i32
      %sign3A_785 = arith.extui %sign3A_784 : i1 to i32
      %sign3A_786 = arith.constant 0 : i32
      %sign3A_787 = arith.cmpi slt, %jit3A_774, %sign3A_786 : i32
      %sign3A_788 = arith.extui %sign3A_787 : i1 to i32
      %sign3A_789 = arith.subi %sign3A_785, %sign3A_788 : i32
      %ne3A_790 = arith.cmpi ne, %sign3A_782, %sign3A_789 : i32
      %rem3A_791 = arith.remsi %select_n3A_773, %jit3A_774 : i32
      %ne3A_792 = arith.constant 0 : i32
      %ne3A_793 = arith.cmpi ne, %rem3A_791, %ne3A_792 : i32
      %and3A_794 = arith.andi %ne3A_790, %ne3A_793 : i1
      %sub3A_795 = arith.constant 1 : i32
      %sub3A_796 = arith.subi %div3A_775, %sub3A_795 : i32
      %select_n3A_797 = arith.select %and3A_794, %sub3A_796, %div3A_775 : i32
      %mul3A_798 = arith.constant 32 : i32
      %mul3A_799 = arith.muli %select_n3A_797, %mul3A_798 : i32
      %dma_wait3A_800 = tpu.memref_slice %arg3[%mul3A_731] : memref<602112xf32, #tpu.memory_space<hbm>> -> memref<1568xf32, #tpu.memory_space<hbm>>
      %dma_wait3A_801 = tpu.memref_slice %arg3[%mul3A_731] : memref<602112xf32, #tpu.memory_space<hbm>> -> memref<1568xf32, #tpu.memory_space<hbm>>
      tpu.wait_dma2 semaphore(%arg25 : memref<!tpu.dma_semaphore, #tpu.memory_space<semaphore_mem>>) src(%dma_wait3A_801 : memref<1568xf32, #tpu.memory_space<hbm>>) dst(%arg19 : memref<1568xf32, #tpu.memory_space<vmem>>)
      %add3A_802 = arith.constant 1 : i32
      %add3A_803 = arith.addi %add3A_681, %add3A_802 : i32
      %lt3A_804 = arith.constant 12 : i32
      %lt3A_805 = arith.cmpi slt, %add3A_803, %lt3A_804 : i32
      %convert_element_type3A_806 = arith.extui %lt3A_805 : i1 to i32
      %cond3A_807 = arith.constant 0 : i32
      %cond3A_808 = arith.cmpi ne, %convert_element_type3A_806, %cond3A_807 : i32
      scf.if %cond3A_808 {
        %add3A_940 = arith.constant 1 : i32
        %add3A_941 = arith.addi %add3A_681, %add3A_940 : i32
        %mul3A_942 = arith.constant 12 : i32
        %mul3A_943 = arith.muli %add3A, %mul3A_942 : i32
        %add3A_944 = arith.addi %mul3A_943, %add3A_941 : i32
        %jit3A_945 = arith.constant 48 : i32
        %div3A_946 = arith.divsi %add3A_944, %jit3A_945 : i32
        %sign3A_947 = arith.constant 0 : i32
        %sign3A_948 = arith.cmpi sgt, %add3A_944, %sign3A_947 : i32
        %sign3A_949 = arith.extui %sign3A_948 : i1 to i32
        %sign3A_950 = arith.constant 0 : i32
        %sign3A_951 = arith.cmpi slt, %add3A_944, %sign3A_950 : i32
        %sign3A_952 = arith.extui %sign3A_951 : i1 to i32
        %sign3A_953 = arith.subi %sign3A_949, %sign3A_952 : i32
        %sign3A_954 = arith.constant 0 : i32
        %sign3A_955 = arith.cmpi sgt, %jit3A_945, %sign3A_954 : i32
        %sign3A_956 = arith.extui %sign3A_955 : i1 to i32
        %sign3A_957 = arith.constant 0 : i32
        %sign3A_958 = arith.cmpi slt, %jit3A_945, %sign3A_957 : i32
        %sign3A_959 = arith.extui %sign3A_958 : i1 to i32
        %sign3A_960 = arith.subi %sign3A_956, %sign3A_959 : i32
        %ne3A_961 = arith.cmpi ne, %sign3A_953, %sign3A_960 : i32
        %rem3A_962 = arith.remsi %add3A_944, %jit3A_945 : i32
        %ne3A_963 = arith.constant 0 : i32
        %ne3A_964 = arith.cmpi ne, %rem3A_962, %ne3A_963 : i32
        %and3A_965 = arith.andi %ne3A_961, %ne3A_964 : i1
        %sub3A_966 = arith.constant 1 : i32
        %sub3A_967 = arith.subi %div3A_946, %sub3A_966 : i32
        %select_n3A_968 = arith.select %and3A_965, %sub3A_967, %div3A_946 : i32
        %jit3A_969 = arith.constant 48 : i32
        %eq3A_970 = arith.constant 0 : i32
        %eq3A_971 = arith.cmpi eq, %jit3A_969, %eq3A_970 : i32
        %jit3A_972 = arith.constant 1 : i32
        %select_n3A_973 = arith.select %eq3A_971, %jit3A_972, %jit3A_969 : i32
        %rem3A_974 = arith.remsi %add3A_944, %select_n3A_973 : i32
        %ne3A_975 = arith.constant 0 : i32
        %ne3A_976 = arith.cmpi ne, %rem3A_974, %ne3A_975 : i32
        %lt3A_977 = arith.constant 0 : i32
        %lt3A_978 = arith.cmpi slt, %rem3A_974, %lt3A_977 : i32
        %lt3A_979 = arith.constant 0 : i32
        %lt3A_980 = arith.cmpi slt, %select_n3A_973, %lt3A_979 : i32
        %ne3A_981 = arith.xori %lt3A_978, %lt3A_980 : i1
        %and3A_982 = arith.andi %ne3A_981, %ne3A_976 : i1
        %add3A_983 = arith.addi %rem3A_974, %select_n3A_973 : i32
        %select_n3A_984 = arith.select %and3A_982, %add3A_983, %rem3A_974 : i32
        %mul3A_985 = arith.constant 8 : i32
        %mul3A_986 = arith.muli %select_n3A_984, %mul3A_985 : i32
        %mul3A_987 = arith.constant 384 : i32
        %mul3A_988 = arith.muli %select_n3A_968, %mul3A_987 : i32
        %add3A_989 = arith.addi %mul3A_988, %mul3A_986 : i32
        %mul3A_990 = arith.constant 196 : i32
        %mul3A_991 = arith.muli %add3A_989, %mul3A_990 : i32
        %jit3A_992 = arith.constant 32 : i32
        %div3A_993 = arith.divsi %add3A_989, %jit3A_992 : i32
        %sign3A_994 = arith.constant 0 : i32
        %sign3A_995 = arith.cmpi sgt, %add3A_989, %sign3A_994 : i32
        %sign3A_996 = arith.extui %sign3A_995 : i1 to i32
        %sign3A_997 = arith.constant 0 : i32
        %sign3A_998 = arith.cmpi slt, %add3A_989, %sign3A_997 : i32
        %sign3A_999 = arith.extui %sign3A_998 : i1 to i32
        %sign3A_1000 = arith.subi %sign3A_996, %sign3A_999 : i32
        %sign3A_1001 = arith.constant 0 : i32
        %sign3A_1002 = arith.cmpi sgt, %jit3A_992, %sign3A_1001 : i32
        %sign3A_1003 = arith.extui %sign3A_1002 : i1 to i32
        %sign3A_1004 = arith.constant 0 : i32
        %sign3A_1005 = arith.cmpi slt, %jit3A_992, %sign3A_1004 : i32
        %sign3A_1006 = arith.extui %sign3A_1005 : i1 to i32
        %sign3A_1007 = arith.subi %sign3A_1003, %sign3A_1006 : i32
        %ne3A_1008 = arith.cmpi ne, %sign3A_1000, %sign3A_1007 : i32
        %rem3A_1009 = arith.remsi %add3A_989, %jit3A_992 : i32
        %ne3A_1010 = arith.constant 0 : i32
        %ne3A_1011 = arith.cmpi ne, %rem3A_1009, %ne3A_1010 : i32
        %and3A_1012 = arith.andi %ne3A_1008, %ne3A_1011 : i1
        %sub3A_1013 = arith.constant 1 : i32
        %sub3A_1014 = arith.subi %div3A_993, %sub3A_1013 : i32
        %select_n3A_1015 = arith.select %and3A_1012, %sub3A_1014, %div3A_993 : i32
        %mul3A_1016 = arith.constant 448 : i32
        %mul3A_1017 = arith.muli %select_n3A_1015, %mul3A_1016 : i32
        %jit3A_1018 = arith.constant 32 : i32
        %eq3A_1019 = arith.constant 0 : i32
        %eq3A_1020 = arith.cmpi eq, %jit3A_1018, %eq3A_1019 : i32
        %jit3A_1021 = arith.constant 1 : i32
        %select_n3A_1022 = arith.select %eq3A_1020, %jit3A_1021, %jit3A_1018 : i32
        %rem3A_1023 = arith.remsi %add3A_989, %select_n3A_1022 : i32
        %ne3A_1024 = arith.constant 0 : i32
        %ne3A_1025 = arith.cmpi ne, %rem3A_1023, %ne3A_1024 : i32
        %lt3A_1026 = arith.constant 0 : i32
        %lt3A_1027 = arith.cmpi slt, %rem3A_1023, %lt3A_1026 : i32
        %lt3A_1028 = arith.constant 0 : i32
        %lt3A_1029 = arith.cmpi slt, %select_n3A_1022, %lt3A_1028 : i32
        %ne3A_1030 = arith.xori %lt3A_1027, %lt3A_1029 : i1
        %and3A_1031 = arith.andi %ne3A_1030, %ne3A_1025 : i1
        %add3A_1032 = arith.addi %rem3A_1023, %select_n3A_1022 : i32
        %select_n3A_1033 = arith.select %and3A_1031, %add3A_1032, %rem3A_1023 : i32
        %jit3A_1034 = arith.constant 8 : i32
        %div3A_1035 = arith.divsi %select_n3A_1033, %jit3A_1034 : i32
        %sign3A_1036 = arith.constant 0 : i32
        %sign3A_1037 = arith.cmpi sgt, %select_n3A_1033, %sign3A_1036 : i32
        %sign3A_1038 = arith.extui %sign3A_1037 : i1 to i32
        %sign3A_1039 = arith.constant 0 : i32
        %sign3A_1040 = arith.cmpi slt, %select_n3A_1033, %sign3A_1039 : i32
        %sign3A_1041 = arith.extui %sign3A_1040 : i1 to i32
        %sign3A_1042 = arith.subi %sign3A_1038, %sign3A_1041 : i32
        %sign3A_1043 = arith.constant 0 : i32
        %sign3A_1044 = arith.cmpi sgt, %jit3A_1034, %sign3A_1043 : i32
        %sign3A_1045 = arith.extui %sign3A_1044 : i1 to i32
        %sign3A_1046 = arith.constant 0 : i32
        %sign3A_1047 = arith.cmpi slt, %jit3A_1034, %sign3A_1046 : i32
        %sign3A_1048 = arith.extui %sign3A_1047 : i1 to i32
        %sign3A_1049 = arith.subi %sign3A_1045, %sign3A_1048 : i32
        %ne3A_1050 = arith.cmpi ne, %sign3A_1042, %sign3A_1049 : i32
        %rem3A_1051 = arith.remsi %select_n3A_1033, %jit3A_1034 : i32
        %ne3A_1052 = arith.constant 0 : i32
        %ne3A_1053 = arith.cmpi ne, %rem3A_1051, %ne3A_1052 : i32
        %and3A_1054 = arith.andi %ne3A_1050, %ne3A_1053 : i1
        %sub3A_1055 = arith.constant 1 : i32
        %sub3A_1056 = arith.subi %div3A_1035, %sub3A_1055 : i32
        %select_n3A_1057 = arith.select %and3A_1054, %sub3A_1056, %div3A_1035 : i32
        %mul3A_1058 = arith.constant 32 : i32
        %mul3A_1059 = arith.muli %select_n3A_1057, %mul3A_1058 : i32
        %dma_start3A_1060 = tpu.memref_slice %arg3[%mul3A_991] : memref<602112xf32, #tpu.memory_space<hbm>> -> memref<1568xf32, #tpu.memory_space<hbm>>
        %dma_start3A_1061 = tpu.memref_slice %arg3[%mul3A_991] : memref<602112xf32, #tpu.memory_space<hbm>> -> memref<1568xf32, #tpu.memory_space<hbm>>
        tpu.enqueue_dma source(%dma_start3A_1061 : memref<1568xf32, #tpu.memory_space<hbm>>) target(%arg18 : memref<1568xf32, #tpu.memory_space<vmem>>) target_semaphore(%arg24 : memref<!tpu.dma_semaphore, #tpu.memory_space<semaphore_mem>>)
      } else {
      }
      %gt3A_809 = arith.constant 0 : i32
      %gt3A_810 = arith.cmpi sgt, %scan3A_418, %gt3A_809 : i32
      %convert_element_type3A_811 = arith.extui %gt3A_810 : i1 to i32
      %cond3A_812 = arith.constant 0 : i32
      %cond3A_813 = arith.cmpi ne, %convert_element_type3A_811, %cond3A_812 : i32
      scf.if %cond3A_813 {
        %dma_wait3A_940 = arith.constant 0 : i32
        %dma_wait3A_941 = arith.constant 0 : i32
        %dma_wait3A_942 = tpu.memref_slice %arg10[%dma_wait3A_940, %dma_wait3A_941] : memref<43008x128xf32, #tpu.memory_space<hbm>> -> memref<448x32xf32, #tpu.memory_space<hbm>>
        %dma_wait3A_943 = arith.constant 0 : i32
        %dma_wait3A_944 = arith.constant 0 : i32
        %dma_wait3A_945 = tpu.memref_slice %arg10[%dma_wait3A_943, %dma_wait3A_944] : memref<43008x128xf32, #tpu.memory_space<hbm>> -> memref<448x32xf32, #tpu.memory_space<hbm>>
        tpu.wait_dma2 semaphore(%arg27 : memref<!tpu.dma_semaphore, #tpu.memory_space<semaphore_mem>>) src(%dma_wait3A_945 : memref<448x32xf32, #tpu.memory_space<hbm>>) dst(%arg23 : memref<448x32xf32, #tpu.memory_space<vmem>>)
      } else {
      }
      %scan3A_814 = arith.constant 0 : i32
      %scan3A_815 = arith.constant 0 : i32
      %scan3A_816 = arith.constant 49 : i32
      %scan3A_817 = arith.addi %scan3A_815, %scan3A_816 : i32
      %scan3A_818 = arith.constant 1 : i32
      scf.for %scan3A_940 = %scan3A_815 to %scan3A_817 step %scan3A_818  : i32 {
        %mul3A_941 = arith.constant 16 : i32
        %mul3A_942 = arith.muli %scan3A_940, %mul3A_941 : i32
        %add3A_943 = arith.constant 1568 : i32
        %add3A_944 = arith.addi %add3A_943, %mul3A_942 : i32
        %get3A = arith.index_cast %add3A_944 : i32 to index
        %get3A_945 = tpu.vector_load %arg12[%get3A] {strides = array<i32>} : memref<2752xi32, #tpu.memory_space<vmem>>, vector<16xi32>,
        %add3A_946 = arith.constant 1568 : i32
        %add3A_947 = arith.addi %add3A_946, %mul3A_942 : i32
        %get3A_948 = arith.index_cast %add3A_947 : i32 to index
        %get3A_949 = tpu.vector_load %arg13[%get3A_948] {strides = array<i32>} : memref<2752xf32, #tpu.memory_space<vmem>>, vector<16xf32>,
        %add3A_950 = arith.constant 1568 : i32
        %add3A_951 = arith.addi %add3A_950, %mul3A_942 : i32
        %get3A_952 = arith.index_cast %add3A_951 : i32 to index
        %get3A_953 = tpu.vector_load %arg14[%get3A_952] {strides = array<i32>} : memref<2752xi32, #tpu.memory_space<vmem>>, vector<16xi32>,
        %add3A_954 = arith.constant 1568 : i32
        %add3A_955 = arith.addi %add3A_954, %mul3A_942 : i32
        %get3A_956 = arith.index_cast %add3A_955 : i32 to index
        %get3A_957 = tpu.vector_load %arg15[%get3A_956] {strides = array<i32>} : memref<2752xi32, #tpu.memory_space<vmem>>, vector<16xi32>,
        %sub3A_958 = arith.constant 1.000000e+00 : f32
        %sub3A_959 = vector.broadcast %sub3A_958 : f32 to vector<16xf32>
        %sub3A_960 = arith.subf %sub3A_959, %get3A_949 : vector<16xf32>
        %add3A_961 = arith.constant 0 : i32
        %add3A_962 = vector.broadcast %add3A_961 : i32 to vector<16xi32>
        %add3A_963 = arith.addi %get3A_945, %add3A_962 : vector<16xi32>
        %gather3A = tpu.vector_load_idx %arg19[%add3A_963] : memref<1568xf32, #tpu.memory_space<vmem>>[vector<16xi32>], vector<16xf32>,
        %mul3A_964 = arith.mulf %gather3A, %sub3A_960 : vector<16xf32>
        %add3A_965 = arith.constant 14 : i32
        %add3A_966 = vector.broadcast %add3A_965 : i32 to vector<16xi32>
        %add3A_967 = arith.addi %add3A_963, %add3A_966 : vector<16xi32>
        %gather3A_968 = tpu.vector_load_idx %arg19[%add3A_967] : memref<1568xf32, #tpu.memory_space<vmem>>[vector<16xi32>], vector<16xf32>,
        %mul3A_969 = arith.mulf %gather3A_968, %get3A_949 : vector<16xf32>
        %add3A_970 = arith.addf %mul3A_964, %mul3A_969 : vector<16xf32>
        %add3A_971 = arith.constant 0 : i32
        %add3A_972 = vector.broadcast %add3A_971 : i32 to vector<16xi32>
        %add3A_973 = arith.addi %get3A_953, %add3A_972 : vector<16xi32>
        tpu.vector_store_idx %arg23[%add3A_973, %get3A_957], %add3A_970 : memref<448x32xf32, #tpu.memory_space<vmem>>[vector<16xi32>, vector<16xi32>], vector<16xf32>,
        %add3A_974 = arith.constant 196 : i32
        %add3A_975 = vector.broadcast %add3A_974 : i32 to vector<16xi32>
        %add3A_976 = arith.addi %get3A_945, %add3A_975 : vector<16xi32>
        %gather3A_977 = tpu.vector_load_idx %arg19[%add3A_976] : memref<1568xf32, #tpu.memory_space<vmem>>[vector<16xi32>], vector<16xf32>,
        %mul3A_978 = arith.mulf %gather3A_977, %sub3A_960 : vector<16xf32>
        %add3A_979 = arith.constant 14 : i32
        %add3A_980 = vector.broadcast %add3A_979 : i32 to vector<16xi32>
        %add3A_981 = arith.addi %add3A_976, %add3A_980 : vector<16xi32>
        %gather3A_982 = tpu.vector_load_idx %arg19[%add3A_981] : memref<1568xf32, #tpu.memory_space<vmem>>[vector<16xi32>], vector<16xf32>,
        %mul3A_983 = arith.mulf %gather3A_982, %get3A_949 : vector<16xf32>
        %add3A_984 = arith.addf %mul3A_978, %mul3A_983 : vector<16xf32>
        %add3A_985 = arith.constant 56 : i32
        %add3A_986 = vector.broadcast %add3A_985 : i32 to vector<16xi32>
        %add3A_987 = arith.addi %get3A_953, %add3A_986 : vector<16xi32>
        tpu.vector_store_idx %arg23[%add3A_987, %get3A_957], %add3A_984 : memref<448x32xf32, #tpu.memory_space<vmem>>[vector<16xi32>, vector<16xi32>], vector<16xf32>,
        %add3A_988 = arith.constant 392 : i32
        %add3A_989 = vector.broadcast %add3A_988 : i32 to vector<16xi32>
        %add3A_990 = arith.addi %get3A_945, %add3A_989 : vector<16xi32>
        %gather3A_991 = tpu.vector_load_idx %arg19[%add3A_990] : memref<1568xf32, #tpu.memory_space<vmem>>[vector<16xi32>], vector<16xf32>,
        %mul3A_992 = arith.mulf %gather3A_991, %sub3A_960 : vector<16xf32>
        %add3A_993 = arith.constant 14 : i32
        %add3A_994 = vector.broadcast %add3A_993 : i32 to vector<16xi32>
        %add3A_995 = arith.addi %add3A_990, %add3A_994 : vector<16xi32>
        %gather3A_996 = tpu.vector_load_idx %arg19[%add3A_995] : memref<1568xf32, #tpu.memory_space<vmem>>[vector<16xi32>], vector<16xf32>,
        %mul3A_997 = arith.mulf %gather3A_996, %get3A_949 : vector<16xf32>
        %add3A_998 = arith.addf %mul3A_992, %mul3A_997 : vector<16xf32>
        %add3A_999 = arith.constant 112 : i32
        %add3A_1000 = vector.broadcast %add3A_999 : i32 to vector<16xi32>
        %add3A_1001 = arith.addi %get3A_953, %add3A_1000 : vector<16xi32>
        tpu.vector_store_idx %arg23[%add3A_1001, %get3A_957], %add3A_998 : memref<448x32xf32, #tpu.memory_space<vmem>>[vector<16xi32>, vector<16xi32>], vector<16xf32>,
        %add3A_1002 = arith.constant 588 : i32
        %add3A_1003 = vector.broadcast %add3A_1002 : i32 to vector<16xi32>
        %add3A_1004 = arith.addi %get3A_945, %add3A_1003 : vector<16xi32>
        %gather3A_1005 = tpu.vector_load_idx %arg19[%add3A_1004] : memref<1568xf32, #tpu.memory_space<vmem>>[vector<16xi32>], vector<16xf32>,
        %mul3A_1006 = arith.mulf %gather3A_1005, %sub3A_960 : vector<16xf32>
        %add3A_1007 = arith.constant 14 : i32
        %add3A_1008 = vector.broadcast %add3A_1007 : i32 to vector<16xi32>
        %add3A_1009 = arith.addi %add3A_1004, %add3A_1008 : vector<16xi32>
        %gather3A_1010 = tpu.vector_load_idx %arg19[%add3A_1009] : memref<1568xf32, #tpu.memory_space<vmem>>[vector<16xi32>], vector<16xf32>,
        %mul3A_1011 = arith.mulf %gather3A_1010, %get3A_949 : vector<16xf32>
        %add3A_1012 = arith.addf %mul3A_1006, %mul3A_1011 : vector<16xf32>
        %add3A_1013 = arith.constant 168 : i32
        %add3A_1014 = vector.broadcast %add3A_1013 : i32 to vector<16xi32>
        %add3A_1015 = arith.addi %get3A_953, %add3A_1014 : vector<16xi32>
        tpu.vector_store_idx %arg23[%add3A_1015, %get3A_957], %add3A_1012 : memref<448x32xf32, #tpu.memory_space<vmem>>[vector<16xi32>, vector<16xi32>], vector<16xf32>,
        %add3A_1016 = arith.constant 784 : i32
        %add3A_1017 = vector.broadcast %add3A_1016 : i32 to vector<16xi32>
        %add3A_1018 = arith.addi %get3A_945, %add3A_1017 : vector<16xi32>
        %gather3A_1019 = tpu.vector_load_idx %arg19[%add3A_1018] : memref<1568xf32, #tpu.memory_space<vmem>>[vector<16xi32>], vector<16xf32>,
        %mul3A_1020 = arith.mulf %gather3A_1019, %sub3A_960 : vector<16xf32>
        %add3A_1021 = arith.constant 14 : i32
        %add3A_1022 = vector.broadcast %add3A_1021 : i32 to vector<16xi32>
        %add3A_1023 = arith.addi %add3A_1018, %add3A_1022 : vector<16xi32>
        %gather3A_1024 = tpu.vector_load_idx %arg19[%add3A_1023] : memref<1568xf32, #tpu.memory_space<vmem>>[vector<16xi32>], vector<16xf32>,
        %mul3A_1025 = arith.mulf %gather3A_1024, %get3A_949 : vector<16xf32>
        %add3A_1026 = arith.addf %mul3A_1020, %mul3A_1025 : vector<16xf32>
        %add3A_1027 = arith.constant 224 : i32
        %add3A_1028 = vector.broadcast %add3A_1027 : i32 to vector<16xi32>
        %add3A_1029 = arith.addi %get3A_953, %add3A_1028 : vector<16xi32>
        tpu.vector_store_idx %arg23[%add3A_1029, %get3A_957], %add3A_1026 : memref<448x32xf32, #tpu.memory_space<vmem>>[vector<16xi32>, vector<16xi32>], vector<16xf32>,
        %add3A_1030 = arith.constant 980 : i32
        %add3A_1031 = vector.broadcast %add3A_1030 : i32 to vector<16xi32>
        %add3A_1032 = arith.addi %get3A_945, %add3A_1031 : vector<16xi32>
        %gather3A_1033 = tpu.vector_load_idx %arg19[%add3A_1032] : memref<1568xf32, #tpu.memory_space<vmem>>[vector<16xi32>], vector<16xf32>,
        %mul3A_1034 = arith.mulf %gather3A_1033, %sub3A_960 : vector<16xf32>
        %add3A_1035 = arith.constant 14 : i32
        %add3A_1036 = vector.broadcast %add3A_1035 : i32 to vector<16xi32>
        %add3A_1037 = arith.addi %add3A_1032, %add3A_1036 : vector<16xi32>
        %gather3A_1038 = tpu.vector_load_idx %arg19[%add3A_1037] : memref<1568xf32, #tpu.memory_space<vmem>>[vector<16xi32>], vector<16xf32>,
        %mul3A_1039 = arith.mulf %gather3A_1038, %get3A_949 : vector<16xf32>
        %add3A_1040 = arith.addf %mul3A_1034, %mul3A_1039 : vector<16xf32>
        %add3A_1041 = arith.constant 280 : i32
        %add3A_1042 = vector.broadcast %add3A_1041 : i32 to vector<16xi32>
        %add3A_1043 = arith.addi %get3A_953, %add3A_1042 : vector<16xi32>
        tpu.vector_store_idx %arg23[%add3A_1043, %get3A_957], %add3A_1040 : memref<448x32xf32, #tpu.memory_space<vmem>>[vector<16xi32>, vector<16xi32>], vector<16xf32>,
        %add3A_1044 = arith.constant 1176 : i32
        %add3A_1045 = vector.broadcast %add3A_1044 : i32 to vector<16xi32>
        %add3A_1046 = arith.addi %get3A_945, %add3A_1045 : vector<16xi32>
        %gather3A_1047 = tpu.vector_load_idx %arg19[%add3A_1046] : memref<1568xf32, #tpu.memory_space<vmem>>[vector<16xi32>], vector<16xf32>,
        %mul3A_1048 = arith.mulf %gather3A_1047, %sub3A_960 : vector<16xf32>
        %add3A_1049 = arith.constant 14 : i32
        %add3A_1050 = vector.broadcast %add3A_1049 : i32 to vector<16xi32>
        %add3A_1051 = arith.addi %add3A_1046, %add3A_1050 : vector<16xi32>
        %gather3A_1052 = tpu.vector_load_idx %arg19[%add3A_1051] : memref<1568xf32, #tpu.memory_space<vmem>>[vector<16xi32>], vector<16xf32>,
        %mul3A_1053 = arith.mulf %gather3A_1052, %get3A_949 : vector<16xf32>
        %add3A_1054 = arith.addf %mul3A_1048, %mul3A_1053 : vector<16xf32>
        %add3A_1055 = arith.constant 336 : i32
        %add3A_1056 = vector.broadcast %add3A_1055 : i32 to vector<16xi32>
        %add3A_1057 = arith.addi %get3A_953, %add3A_1056 : vector<16xi32>
        tpu.vector_store_idx %arg23[%add3A_1057, %get3A_957], %add3A_1054 : memref<448x32xf32, #tpu.memory_space<vmem>>[vector<16xi32>, vector<16xi32>], vector<16xf32>,
        %add3A_1058 = arith.constant 1372 : i32
        %add3A_1059 = vector.broadcast %add3A_1058 : i32 to vector<16xi32>
        %add3A_1060 = arith.addi %get3A_945, %add3A_1059 : vector<16xi32>
        %gather3A_1061 = tpu.vector_load_idx %arg19[%add3A_1060] : memref<1568xf32, #tpu.memory_space<vmem>>[vector<16xi32>], vector<16xf32>,
        %mul3A_1062 = arith.mulf %gather3A_1061, %sub3A_960 : vector<16xf32>
        %add3A_1063 = arith.constant 14 : i32
        %add3A_1064 = vector.broadcast %add3A_1063 : i32 to vector<16xi32>
        %add3A_1065 = arith.addi %add3A_1060, %add3A_1064 : vector<16xi32>
        %gather3A_1066 = tpu.vector_load_idx %arg19[%add3A_1065] : memref<1568xf32, #tpu.memory_space<vmem>>[vector<16xi32>], vector<16xf32>,
        %mul3A_1067 = arith.mulf %gather3A_1066, %get3A_949 : vector<16xf32>
        %add3A_1068 = arith.addf %mul3A_1062, %mul3A_1067 : vector<16xf32>
        %add3A_1069 = arith.constant 392 : i32
        %add3A_1070 = vector.broadcast %add3A_1069 : i32 to vector<16xi32>
        %add3A_1071 = arith.addi %get3A_953, %add3A_1070 : vector<16xi32>
        tpu.vector_store_idx %arg23[%add3A_1071, %get3A_957], %add3A_1068 : memref<448x32xf32, #tpu.memory_space<vmem>>[vector<16xi32>, vector<16xi32>], vector<16xf32>,
      }
      %scan3A_819 = arith.constant 49 : i32
      %mul3A_820 = arith.constant 12 : i32
      %mul3A_821 = arith.muli %add3A, %mul3A_820 : i32
      %add3A_822 = arith.addi %mul3A_821, %add3A_681 : i32
      %jit3A_823 = arith.constant 48 : i32
      %div3A_824 = arith.divsi %add3A_822, %jit3A_823 : i32
      %sign3A_825 = arith.constant 0 : i32
      %sign3A_826 = arith.cmpi sgt, %add3A_822, %sign3A_825 : i32
      %sign3A_827 = arith.extui %sign3A_826 : i1 to i32
      %sign3A_828 = arith.constant 0 : i32
      %sign3A_829 = arith.cmpi slt, %add3A_822, %sign3A_828 : i32
      %sign3A_830 = arith.extui %sign3A_829 : i1 to i32
      %sign3A_831 = arith.subi %sign3A_827, %sign3A_830 : i32
      %sign3A_832 = arith.constant 0 : i32
      %sign3A_833 = arith.cmpi sgt, %jit3A_823, %sign3A_832 : i32
      %sign3A_834 = arith.extui %sign3A_833 : i1 to i32
      %sign3A_835 = arith.constant 0 : i32
      %sign3A_836 = arith.cmpi slt, %jit3A_823, %sign3A_835 : i32
      %sign3A_837 = arith.extui %sign3A_836 : i1 to i32
      %sign3A_838 = arith.subi %sign3A_834, %sign3A_837 : i32
      %ne3A_839 = arith.cmpi ne, %sign3A_831, %sign3A_838 : i32
      %rem3A_840 = arith.remsi %add3A_822, %jit3A_823 : i32
      %ne3A_841 = arith.constant 0 : i32
      %ne3A_842 = arith.cmpi ne, %rem3A_840, %ne3A_841 : i32
      %and3A_843 = arith.andi %ne3A_839, %ne3A_842 : i1
      %sub3A_844 = arith.constant 1 : i32
      %sub3A_845 = arith.subi %div3A_824, %sub3A_844 : i32
      %select_n3A_846 = arith.select %and3A_843, %sub3A_845, %div3A_824 : i32
      %jit3A_847 = arith.constant 48 : i32
      %eq3A_848 = arith.constant 0 : i32
      %eq3A_849 = arith.cmpi eq, %jit3A_847, %eq3A_848 : i32
      %jit3A_850 = arith.constant 1 : i32
      %select_n3A_851 = arith.select %eq3A_849, %jit3A_850, %jit3A_847 : i32
      %rem3A_852 = arith.remsi %add3A_822, %select_n3A_851 : i32
      %ne3A_853 = arith.constant 0 : i32
      %ne3A_854 = arith.cmpi ne, %rem3A_852, %ne3A_853 : i32
      %lt3A_855 = arith.constant 0 : i32
      %lt3A_856 = arith.cmpi slt, %rem3A_852, %lt3A_855 : i32
      %lt3A_857 = arith.constant 0 : i32
      %lt3A_858 = arith.cmpi slt, %select_n3A_851, %lt3A_857 : i32
      %ne3A_859 = arith.xori %lt3A_856, %lt3A_858 : i1
      %and3A_860 = arith.andi %ne3A_859, %ne3A_854 : i1
      %add3A_861 = arith.addi %rem3A_852, %select_n3A_851 : i32
      %select_n3A_862 = arith.select %and3A_860, %add3A_861, %rem3A_852 : i32
      %mul3A_863 = arith.constant 8 : i32
      %mul3A_864 = arith.muli %select_n3A_862, %mul3A_863 : i32
      %mul3A_865 = arith.constant 384 : i32
      %mul3A_866 = arith.muli %select_n3A_846, %mul3A_865 : i32
      %add3A_867 = arith.addi %mul3A_866, %mul3A_864 : i32
      %mul3A_868 = arith.constant 196 : i32
      %mul3A_869 = arith.muli %add3A_867, %mul3A_868 : i32
      %jit3A_870 = arith.constant 32 : i32
      %div3A_871 = arith.divsi %add3A_867, %jit3A_870 : i32
      %sign3A_872 = arith.constant 0 : i32
      %sign3A_873 = arith.cmpi sgt, %add3A_867, %sign3A_872 : i32
      %sign3A_874 = arith.extui %sign3A_873 : i1 to i32
      %sign3A_875 = arith.constant 0 : i32
      %sign3A_876 = arith.cmpi slt, %add3A_867, %sign3A_875 : i32
      %sign3A_877 = arith.extui %sign3A_876 : i1 to i32
      %sign3A_878 = arith.subi %sign3A_874, %sign3A_877 : i32
      %sign3A_879 = arith.constant 0 : i32
      %sign3A_880 = arith.cmpi sgt, %jit3A_870, %sign3A_879 : i32
      %sign3A_881 = arith.extui %sign3A_880 : i1 to i32
      %sign3A_882 = arith.constant 0 : i32
      %sign3A_883 = arith.cmpi slt, %jit3A_870, %sign3A_882 : i32
      %sign3A_884 = arith.extui %sign3A_883 : i1 to i32
      %sign3A_885 = arith.subi %sign3A_881, %sign3A_884 : i32
      %ne3A_886 = arith.cmpi ne, %sign3A_878, %sign3A_885 : i32
      %rem3A_887 = arith.remsi %add3A_867, %jit3A_870 : i32
      %ne3A_888 = arith.constant 0 : i32
      %ne3A_889 = arith.cmpi ne, %rem3A_887, %ne3A_888 : i32
      %and3A_890 = arith.andi %ne3A_886, %ne3A_889 : i1
      %sub3A_891 = arith.constant 1 : i32
      %sub3A_892 = arith.subi %div3A_871, %sub3A_891 : i32
      %select_n3A_893 = arith.select %and3A_890, %sub3A_892, %div3A_871 : i32
      %mul3A_894 = arith.constant 448 : i32
      %mul3A_895 = arith.muli %select_n3A_893, %mul3A_894 : i32
      %jit3A_896 = arith.constant 32 : i32
      %eq3A_897 = arith.constant 0 : i32
      %eq3A_898 = arith.cmpi eq, %jit3A_896, %eq3A_897 : i32
      %jit3A_899 = arith.constant 1 : i32
      %select_n3A_900 = arith.select %eq3A_898, %jit3A_899, %jit3A_896 : i32
      %rem3A_901 = arith.remsi %add3A_867, %select_n3A_900 : i32
      %ne3A_902 = arith.constant 0 : i32
      %ne3A_903 = arith.cmpi ne, %rem3A_901, %ne3A_902 : i32
      %lt3A_904 = arith.constant 0 : i32
      %lt3A_905 = arith.cmpi slt, %rem3A_901, %lt3A_904 : i32
      %lt3A_906 = arith.constant 0 : i32
      %lt3A_907 = arith.cmpi slt, %select_n3A_900, %lt3A_906 : i32
      %ne3A_908 = arith.xori %lt3A_905, %lt3A_907 : i1
      %and3A_909 = arith.andi %ne3A_908, %ne3A_903 : i1
      %add3A_910 = arith.addi %rem3A_901, %select_n3A_900 : i32
      %select_n3A_911 = arith.select %and3A_909, %add3A_910, %rem3A_901 : i32
      %jit3A_912 = arith.constant 8 : i32
      %div3A_913 = arith.divsi %select_n3A_911, %jit3A_912 : i32
      %sign3A_914 = arith.constant 0 : i32
      %sign3A_915 = arith.cmpi sgt, %select_n3A_911, %sign3A_914 : i32
      %sign3A_916 = arith.extui %sign3A_915 : i1 to i32
      %sign3A_917 = arith.constant 0 : i32
      %sign3A_918 = arith.cmpi slt, %select_n3A_911, %sign3A_917 : i32
      %sign3A_919 = arith.extui %sign3A_918 : i1 to i32
      %sign3A_920 = arith.subi %sign3A_916, %sign3A_919 : i32
      %sign3A_921 = arith.constant 0 : i32
      %sign3A_922 = arith.cmpi sgt, %jit3A_912, %sign3A_921 : i32
      %sign3A_923 = arith.extui %sign3A_922 : i1 to i32
      %sign3A_924 = arith.constant 0 : i32
      %sign3A_925 = arith.cmpi slt, %jit3A_912, %sign3A_924 : i32
      %sign3A_926 = arith.extui %sign3A_925 : i1 to i32
      %sign3A_927 = arith.subi %sign3A_923, %sign3A_926 : i32
      %ne3A_928 = arith.cmpi ne, %sign3A_920, %sign3A_927 : i32
      %rem3A_929 = arith.remsi %select_n3A_911, %jit3A_912 : i32
      %ne3A_930 = arith.constant 0 : i32
      %ne3A_931 = arith.cmpi ne, %rem3A_929, %ne3A_930 : i32
      %and3A_932 = arith.andi %ne3A_928, %ne3A_931 : i1
      %sub3A_933 = arith.constant 1 : i32
      %sub3A_934 = arith.subi %div3A_913, %sub3A_933 : i32
      %select_n3A_935 = arith.select %and3A_932, %sub3A_934, %div3A_913 : i32
      %mul3A_936 = arith.constant 32 : i32
      %mul3A_937 = arith.muli %select_n3A_935, %mul3A_936 : i32
      %dma_start3A_938 = tpu.memref_slice %arg10[%mul3A_895, %mul3A_937] : memref<43008x128xf32, #tpu.memory_space<hbm>> -> memref<448x32xf32, #tpu.memory_space<hbm>>
      %dma_start3A_939 = tpu.memref_slice %arg10[%mul3A_895, %mul3A_937] : memref<43008x128xf32, #tpu.memory_space<hbm>> -> memref<448x32xf32, #tpu.memory_space<hbm>>
      tpu.enqueue_dma source(%arg23 : memref<448x32xf32, #tpu.memory_space<vmem>>) target(%dma_start3A_939 : memref<448x32xf32, #tpu.memory_space<hbm>>) target_semaphore(%arg27 : memref<!tpu.dma_semaphore, #tpu.memory_space<semaphore_mem>>)
    }
    %scan3A_266 = arith.constant 6 : i32
    %dma_wait3A_267 = arith.constant 0 : i32
    %dma_wait3A_268 = arith.constant 0 : i32
    %dma_wait3A_269 = tpu.memref_slice %arg10[%dma_wait3A_267, %dma_wait3A_268] : memref<43008x128xf32, #tpu.memory_space<hbm>> -> memref<448x32xf32, #tpu.memory_space<hbm>>
    %dma_wait3A_270 = arith.constant 0 : i32
    %dma_wait3A_271 = arith.constant 0 : i32
    %dma_wait3A_272 = tpu.memref_slice %arg10[%dma_wait3A_270, %dma_wait3A_271] : memref<43008x128xf32, #tpu.memory_space<hbm>> -> memref<448x32xf32, #tpu.memory_space<hbm>>
    tpu.wait_dma2 semaphore(%arg26 : memref<!tpu.dma_semaphore, #tpu.memory_space<semaphore_mem>>) src(%dma_wait3A_272 : memref<448x32xf32, #tpu.memory_space<hbm>>) dst(%arg22 : memref<448x32xf32, #tpu.memory_space<vmem>>)
    %dma_wait3A_273 = arith.constant 0 : i32
    %dma_wait3A_274 = arith.constant 0 : i32
    %dma_wait3A_275 = tpu.memref_slice %arg10[%dma_wait3A_273, %dma_wait3A_274] : memref<43008x128xf32, #tpu.memory_space<hbm>> -> memref<448x32xf32, #tpu.memory_space<hbm>>
    %dma_wait3A_276 = arith.constant 0 : i32
    %dma_wait3A_277 = arith.constant 0 : i32
    %dma_wait3A_278 = tpu.memref_slice %arg10[%dma_wait3A_276, %dma_wait3A_277] : memref<43008x128xf32, #tpu.memory_space<hbm>> -> memref<448x32xf32, #tpu.memory_space<hbm>>
    tpu.wait_dma2 semaphore(%arg27 : memref<!tpu.dma_semaphore, #tpu.memory_space<semaphore_mem>>) src(%dma_wait3A_278 : memref<448x32xf32, #tpu.memory_space<hbm>>) dst(%arg23 : memref<448x32xf32, #tpu.memory_space<vmem>>)
    %mul3A_279 = arith.constant 24 : i32
    %mul3A_280 = arith.muli %add3A, %mul3A_279 : i32
    %add3A_281 = arith.constant 0 : i32
    %add3A_282 = arith.addi %mul3A_280, %add3A_281 : i32
    %jit3A_283 = arith.constant 96 : i32
    %div3A_284 = arith.divsi %add3A_282, %jit3A_283 : i32
    %sign3A_285 = arith.constant 0 : i32
    %sign3A_286 = arith.cmpi sgt, %add3A_282, %sign3A_285 : i32
    %sign3A_287 = arith.extui %sign3A_286 : i1 to i32
    %sign3A_288 = arith.constant 0 : i32
    %sign3A_289 = arith.cmpi slt, %add3A_282, %sign3A_288 : i32
    %sign3A_290 = arith.extui %sign3A_289 : i1 to i32
    %sign3A_291 = arith.subi %sign3A_287, %sign3A_290 : i32
    %sign3A_292 = arith.constant 0 : i32
    %sign3A_293 = arith.cmpi sgt, %jit3A_283, %sign3A_292 : i32
    %sign3A_294 = arith.extui %sign3A_293 : i1 to i32
    %sign3A_295 = arith.constant 0 : i32
    %sign3A_296 = arith.cmpi slt, %jit3A_283, %sign3A_295 : i32
    %sign3A_297 = arith.extui %sign3A_296 : i1 to i32
    %sign3A_298 = arith.subi %sign3A_294, %sign3A_297 : i32
    %ne3A_299 = arith.cmpi ne, %sign3A_291, %sign3A_298 : i32
    %rem3A_300 = arith.remsi %add3A_282, %jit3A_283 : i32
    %ne3A_301 = arith.constant 0 : i32
    %ne3A_302 = arith.cmpi ne, %rem3A_300, %ne3A_301 : i32
    %and3A_303 = arith.andi %ne3A_299, %ne3A_302 : i1
    %sub3A_304 = arith.constant 1 : i32
    %sub3A_305 = arith.subi %div3A_284, %sub3A_304 : i32
    %select_n3A_306 = arith.select %and3A_303, %sub3A_305, %div3A_284 : i32
    %jit3A_307 = arith.constant 96 : i32
    %eq3A_308 = arith.constant 0 : i32
    %eq3A_309 = arith.cmpi eq, %jit3A_307, %eq3A_308 : i32
    %jit3A_310 = arith.constant 1 : i32
    %select_n3A_311 = arith.select %eq3A_309, %jit3A_310, %jit3A_307 : i32
    %rem3A_312 = arith.remsi %add3A_282, %select_n3A_311 : i32
    %ne3A_313 = arith.constant 0 : i32
    %ne3A_314 = arith.cmpi ne, %rem3A_312, %ne3A_313 : i32
    %lt3A_315 = arith.constant 0 : i32
    %lt3A_316 = arith.cmpi slt, %rem3A_312, %lt3A_315 : i32
    %lt3A_317 = arith.constant 0 : i32
    %lt3A_318 = arith.cmpi slt, %select_n3A_311, %lt3A_317 : i32
    %ne3A_319 = arith.xori %lt3A_316, %lt3A_318 : i1
    %and3A_320 = arith.andi %ne3A_319, %ne3A_314 : i1
    %add3A_321 = arith.addi %rem3A_312, %select_n3A_311 : i32
    %select_n3A_322 = arith.select %and3A_320, %add3A_321, %rem3A_312 : i32
    %mul3A_323 = arith.constant 8 : i32
    %mul3A_324 = arith.muli %select_n3A_322, %mul3A_323 : i32
    %mul3A_325 = arith.constant 768 : i32
    %mul3A_326 = arith.muli %select_n3A_306, %mul3A_325 : i32
    %add3A_327 = arith.addi %mul3A_326, %mul3A_324 : i32
    %mul3A_328 = arith.constant 49 : i32
    %mul3A_329 = arith.muli %add3A_327, %mul3A_328 : i32
    %jit3A_330 = arith.constant 32 : i32
    %div3A_331 = arith.divsi %add3A_327, %jit3A_330 : i32
    %sign3A_332 = arith.constant 0 : i32
    %sign3A_333 = arith.cmpi sgt, %add3A_327, %sign3A_332 : i32
    %sign3A_334 = arith.extui %sign3A_333 : i1 to i32
    %sign3A_335 = arith.constant 0 : i32
    %sign3A_336 = arith.cmpi slt, %add3A_327, %sign3A_335 : i32
    %sign3A_337 = arith.extui %sign3A_336 : i1 to i32
    %sign3A_338 = arith.subi %sign3A_334, %sign3A_337 : i32
    %sign3A_339 = arith.constant 0 : i32
    %sign3A_340 = arith.cmpi sgt, %jit3A_330, %sign3A_339 : i32
    %sign3A_341 = arith.extui %sign3A_340 : i1 to i32
    %sign3A_342 = arith.constant 0 : i32
    %sign3A_343 = arith.cmpi slt, %jit3A_330, %sign3A_342 : i32
    %sign3A_344 = arith.extui %sign3A_343 : i1 to i32
    %sign3A_345 = arith.subi %sign3A_341, %sign3A_344 : i32
    %ne3A_346 = arith.cmpi ne, %sign3A_338, %sign3A_345 : i32
    %rem3A_347 = arith.remsi %add3A_327, %jit3A_330 : i32
    %ne3A_348 = arith.constant 0 : i32
    %ne3A_349 = arith.cmpi ne, %rem3A_347, %ne3A_348 : i32
    %and3A_350 = arith.andi %ne3A_346, %ne3A_349 : i1
    %sub3A_351 = arith.constant 1 : i32
    %sub3A_352 = arith.subi %div3A_331, %sub3A_351 : i32
    %select_n3A_353 = arith.select %and3A_350, %sub3A_352, %div3A_331 : i32
    %mul3A_354 = arith.constant 448 : i32
    %mul3A_355 = arith.muli %select_n3A_353, %mul3A_354 : i32
    %jit3A_356 = arith.constant 32 : i32
    %eq3A_357 = arith.constant 0 : i32
    %eq3A_358 = arith.cmpi eq, %jit3A_356, %eq3A_357 : i32
    %jit3A_359 = arith.constant 1 : i32
    %select_n3A_360 = arith.select %eq3A_358, %jit3A_359, %jit3A_356 : i32
    %rem3A_361 = arith.remsi %add3A_327, %select_n3A_360 : i32
    %ne3A_362 = arith.constant 0 : i32
    %ne3A_363 = arith.cmpi ne, %rem3A_361, %ne3A_362 : i32
    %lt3A_364 = arith.constant 0 : i32
    %lt3A_365 = arith.cmpi slt, %rem3A_361, %lt3A_364 : i32
    %lt3A_366 = arith.constant 0 : i32
    %lt3A_367 = arith.cmpi slt, %select_n3A_360, %lt3A_366 : i32
    %ne3A_368 = arith.xori %lt3A_365, %lt3A_367 : i1
    %and3A_369 = arith.andi %ne3A_368, %ne3A_363 : i1
    %add3A_370 = arith.addi %rem3A_361, %select_n3A_360 : i32
    %select_n3A_371 = arith.select %and3A_369, %add3A_370, %rem3A_361 : i32
    %jit3A_372 = arith.constant 8 : i32
    %div3A_373 = arith.divsi %select_n3A_371, %jit3A_372 : i32
    %sign3A_374 = arith.constant 0 : i32
    %sign3A_375 = arith.cmpi sgt, %select_n3A_371, %sign3A_374 : i32
    %sign3A_376 = arith.extui %sign3A_375 : i1 to i32
    %sign3A_377 = arith.constant 0 : i32
    %sign3A_378 = arith.cmpi slt, %select_n3A_371, %sign3A_377 : i32
    %sign3A_379 = arith.extui %sign3A_378 : i1 to i32
    %sign3A_380 = arith.subi %sign3A_376, %sign3A_379 : i32
    %sign3A_381 = arith.constant 0 : i32
    %sign3A_382 = arith.cmpi sgt, %jit3A_372, %sign3A_381 : i32
    %sign3A_383 = arith.extui %sign3A_382 : i1 to i32
    %sign3A_384 = arith.constant 0 : i32
    %sign3A_385 = arith.cmpi slt, %jit3A_372, %sign3A_384 : i32
    %sign3A_386 = arith.extui %sign3A_385 : i1 to i32
    %sign3A_387 = arith.subi %sign3A_383, %sign3A_386 : i32
    %ne3A_388 = arith.cmpi ne, %sign3A_380, %sign3A_387 : i32
    %rem3A_389 = arith.remsi %select_n3A_371, %jit3A_372 : i32
    %ne3A_390 = arith.constant 0 : i32
    %ne3A_391 = arith.cmpi ne, %rem3A_389, %ne3A_390 : i32
    %and3A_392 = arith.andi %ne3A_388, %ne3A_391 : i1
    %sub3A_393 = arith.constant 1 : i32
    %sub3A_394 = arith.subi %div3A_373, %sub3A_393 : i32
    %select_n3A_395 = arith.select %and3A_392, %sub3A_394, %div3A_373 : i32
    %mul3A_396 = arith.constant 32 : i32
    %mul3A_397 = arith.muli %select_n3A_395, %mul3A_396 : i32
    %dma_start3A_398 = tpu.memref_slice %arg4[%mul3A_329] : memref<301056xf32, #tpu.memory_space<hbm>> -> memref<392xf32, #tpu.memory_space<hbm>>
    %dma_start3A_399 = tpu.memref_slice %arg4[%mul3A_329] : memref<301056xf32, #tpu.memory_space<hbm>> -> memref<392xf32, #tpu.memory_space<hbm>>
    tpu.enqueue_dma source(%dma_start3A_399 : memref<392xf32, #tpu.memory_space<hbm>>) target(%arg20 : memref<392xf32, #tpu.memory_space<vmem>>) target_semaphore(%arg24 : memref<!tpu.dma_semaphore, #tpu.memory_space<semaphore_mem>>)
    %scan3A_400 = arith.constant 0 : i32
    %scan3A_401 = arith.constant 0 : i32
    %scan3A_402 = arith.constant 12 : i32
    %scan3A_403 = arith.addi %scan3A_401, %scan3A_402 : i32
    %scan3A_404 = arith.constant 1 : i32
    scf.for %scan3A_418 = %scan3A_401 to %scan3A_403 step %scan3A_404  : i32 {
      %mul3A_419 = arith.constant 2 : i32
      %mul3A_420 = arith.muli %scan3A_418, %mul3A_419 : i32
      %add3A_421 = arith.constant 0 : i32
      %add3A_422 = arith.addi %mul3A_420, %add3A_421 : i32
      %mul3A_423 = arith.constant 24 : i32
      %mul3A_424 = arith.muli %add3A, %mul3A_423 : i32
      %add3A_425 = arith.addi %mul3A_424, %add3A_422 : i32
      %jit3A_426 = arith.constant 96 : i32
      %div3A_427 = arith.divsi %add3A_425, %jit3A_426 : i32
      %sign3A_428 = arith.constant 0 : i32
      %sign3A_429 = arith.cmpi sgt, %add3A_425, %sign3A_428 : i32
      %sign3A_430 = arith.extui %sign3A_429 : i1 to i32
      %sign3A_431 = arith.constant 0 : i32
      %sign3A_432 = arith.cmpi slt, %add3A_425, %sign3A_431 : i32
      %sign3A_433 = arith.extui %sign3A_432 : i1 to i32
      %sign3A_434 = arith.subi %sign3A_430, %sign3A_433 : i32
      %sign3A_435 = arith.constant 0 : i32
      %sign3A_436 = arith.cmpi sgt, %jit3A_426, %sign3A_435 : i32
      %sign3A_437 = arith.extui %sign3A_436 : i1 to i32
      %sign3A_438 = arith.constant 0 : i32
      %sign3A_439 = arith.cmpi slt, %jit3A_426, %sign3A_438 : i32
      %sign3A_440 = arith.extui %sign3A_439 : i1 to i32
      %sign3A_441 = arith.subi %sign3A_437, %sign3A_440 : i32
      %ne3A_442 = arith.cmpi ne, %sign3A_434, %sign3A_441 : i32
      %rem3A_443 = arith.remsi %add3A_425, %jit3A_426 : i32
      %ne3A_444 = arith.constant 0 : i32
      %ne3A_445 = arith.cmpi ne, %rem3A_443, %ne3A_444 : i32
      %and3A_446 = arith.andi %ne3A_442, %ne3A_445 : i1
      %sub3A_447 = arith.constant 1 : i32
      %sub3A_448 = arith.subi %div3A_427, %sub3A_447 : i32
      %select_n3A_449 = arith.select %and3A_446, %sub3A_448, %div3A_427 : i32
      %jit3A_450 = arith.constant 96 : i32
      %eq3A_451 = arith.constant 0 : i32
      %eq3A_452 = arith.cmpi eq, %jit3A_450, %eq3A_451 : i32
      %jit3A_453 = arith.constant 1 : i32
      %select_n3A_454 = arith.select %eq3A_452, %jit3A_453, %jit3A_450 : i32
      %rem3A_455 = arith.remsi %add3A_425, %select_n3A_454 : i32
      %ne3A_456 = arith.constant 0 : i32
      %ne3A_457 = arith.cmpi ne, %rem3A_455, %ne3A_456 : i32
      %lt3A_458 = arith.constant 0 : i32
      %lt3A_459 = arith.cmpi slt, %rem3A_455, %lt3A_458 : i32
      %lt3A_460 = arith.constant 0 : i32
      %lt3A_461 = arith.cmpi slt, %select_n3A_454, %lt3A_460 : i32
      %ne3A_462 = arith.xori %lt3A_459, %lt3A_461 : i1
      %and3A_463 = arith.andi %ne3A_462, %ne3A_457 : i1
      %add3A_464 = arith.addi %rem3A_455, %select_n3A_454 : i32
      %select_n3A_465 = arith.select %and3A_463, %add3A_464, %rem3A_455 : i32
      %mul3A_466 = arith.constant 8 : i32
      %mul3A_467 = arith.muli %select_n3A_465, %mul3A_466 : i32
      %mul3A_468 = arith.constant 768 : i32
      %mul3A_469 = arith.muli %select_n3A_449, %mul3A_468 : i32
      %add3A_470 = arith.addi %mul3A_469, %mul3A_467 : i32
      %mul3A_471 = arith.constant 49 : i32
      %mul3A_472 = arith.muli %add3A_470, %mul3A_471 : i32
      %jit3A_473 = arith.constant 32 : i32
      %div3A_474 = arith.divsi %add3A_470, %jit3A_473 : i32
      %sign3A_475 = arith.constant 0 : i32
      %sign3A_476 = arith.cmpi sgt, %add3A_470, %sign3A_475 : i32
      %sign3A_477 = arith.extui %sign3A_476 : i1 to i32
      %sign3A_478 = arith.constant 0 : i32
      %sign3A_479 = arith.cmpi slt, %add3A_470, %sign3A_478 : i32
      %sign3A_480 = arith.extui %sign3A_479 : i1 to i32
      %sign3A_481 = arith.subi %sign3A_477, %sign3A_480 : i32
      %sign3A_482 = arith.constant 0 : i32
      %sign3A_483 = arith.cmpi sgt, %jit3A_473, %sign3A_482 : i32
      %sign3A_484 = arith.extui %sign3A_483 : i1 to i32
      %sign3A_485 = arith.constant 0 : i32
      %sign3A_486 = arith.cmpi slt, %jit3A_473, %sign3A_485 : i32
      %sign3A_487 = arith.extui %sign3A_486 : i1 to i32
      %sign3A_488 = arith.subi %sign3A_484, %sign3A_487 : i32
      %ne3A_489 = arith.cmpi ne, %sign3A_481, %sign3A_488 : i32
      %rem3A_490 = arith.remsi %add3A_470, %jit3A_473 : i32
      %ne3A_491 = arith.constant 0 : i32
      %ne3A_492 = arith.cmpi ne, %rem3A_490, %ne3A_491 : i32
      %and3A_493 = arith.andi %ne3A_489, %ne3A_492 : i1
      %sub3A_494 = arith.constant 1 : i32
      %sub3A_495 = arith.subi %div3A_474, %sub3A_494 : i32
      %select_n3A_496 = arith.select %and3A_493, %sub3A_495, %div3A_474 : i32
      %mul3A_497 = arith.constant 448 : i32
      %mul3A_498 = arith.muli %select_n3A_496, %mul3A_497 : i32
      %jit3A_499 = arith.constant 32 : i32
      %eq3A_500 = arith.constant 0 : i32
      %eq3A_501 = arith.cmpi eq, %jit3A_499, %eq3A_500 : i32
      %jit3A_502 = arith.constant 1 : i32
      %select_n3A_503 = arith.select %eq3A_501, %jit3A_502, %jit3A_499 : i32
      %rem3A_504 = arith.remsi %add3A_470, %select_n3A_503 : i32
      %ne3A_505 = arith.constant 0 : i32
      %ne3A_506 = arith.cmpi ne, %rem3A_504, %ne3A_505 : i32
      %lt3A_507 = arith.constant 0 : i32
      %lt3A_508 = arith.cmpi slt, %rem3A_504, %lt3A_507 : i32
      %lt3A_509 = arith.constant 0 : i32
      %lt3A_510 = arith.cmpi slt, %select_n3A_503, %lt3A_509 : i32
      %ne3A_511 = arith.xori %lt3A_508, %lt3A_510 : i1
      %and3A_512 = arith.andi %ne3A_511, %ne3A_506 : i1
      %add3A_513 = arith.addi %rem3A_504, %select_n3A_503 : i32
      %select_n3A_514 = arith.select %and3A_512, %add3A_513, %rem3A_504 : i32
      %jit3A_515 = arith.constant 8 : i32
      %div3A_516 = arith.divsi %select_n3A_514, %jit3A_515 : i32
      %sign3A_517 = arith.constant 0 : i32
      %sign3A_518 = arith.cmpi sgt, %select_n3A_514, %sign3A_517 : i32
      %sign3A_519 = arith.extui %sign3A_518 : i1 to i32
      %sign3A_520 = arith.constant 0 : i32
      %sign3A_521 = arith.cmpi slt, %select_n3A_514, %sign3A_520 : i32
      %sign3A_522 = arith.extui %sign3A_521 : i1 to i32
      %sign3A_523 = arith.subi %sign3A_519, %sign3A_522 : i32
      %sign3A_524 = arith.constant 0 : i32
      %sign3A_525 = arith.cmpi sgt, %jit3A_515, %sign3A_524 : i32
      %sign3A_526 = arith.extui %sign3A_525 : i1 to i32
      %sign3A_527 = arith.constant 0 : i32
      %sign3A_528 = arith.cmpi slt, %jit3A_515, %sign3A_527 : i32
      %sign3A_529 = arith.extui %sign3A_528 : i1 to i32
      %sign3A_530 = arith.subi %sign3A_526, %sign3A_529 : i32
      %ne3A_531 = arith.cmpi ne, %sign3A_523, %sign3A_530 : i32
      %rem3A_532 = arith.remsi %select_n3A_514, %jit3A_515 : i32
      %ne3A_533 = arith.constant 0 : i32
      %ne3A_534 = arith.cmpi ne, %rem3A_532, %ne3A_533 : i32
      %and3A_535 = arith.andi %ne3A_531, %ne3A_534 : i1
      %sub3A_536 = arith.constant 1 : i32
      %sub3A_537 = arith.subi %div3A_516, %sub3A_536 : i32
      %select_n3A_538 = arith.select %and3A_535, %sub3A_537, %div3A_516 : i32
      %mul3A_539 = arith.constant 32 : i32
      %mul3A_540 = arith.muli %select_n3A_538, %mul3A_539 : i32
      %dma_wait3A_541 = tpu.memref_slice %arg4[%mul3A_472] : memref<301056xf32, #tpu.memory_space<hbm>> -> memref<392xf32, #tpu.memory_space<hbm>>
      %dma_wait3A_542 = tpu.memref_slice %arg4[%mul3A_472] : memref<301056xf32, #tpu.memory_space<hbm>> -> memref<392xf32, #tpu.memory_space<hbm>>
      tpu.wait_dma2 semaphore(%arg24 : memref<!tpu.dma_semaphore, #tpu.memory_space<semaphore_mem>>) src(%dma_wait3A_542 : memref<392xf32, #tpu.memory_space<hbm>>) dst(%arg20 : memref<392xf32, #tpu.memory_space<vmem>>)
      %add3A_543 = arith.constant 1 : i32
      %add3A_544 = arith.addi %add3A_422, %add3A_543 : i32
      %lt3A_545 = arith.constant 24 : i32
      %lt3A_546 = arith.cmpi slt, %add3A_544, %lt3A_545 : i32
      %convert_element_type3A = arith.extui %lt3A_546 : i1 to i32
      %cond3A = arith.constant 0 : i32
      %cond3A_547 = arith.cmpi ne, %convert_element_type3A, %cond3A : i32
      scf.if %cond3A_547 {
        %add3A_940 = arith.constant 1 : i32
        %add3A_941 = arith.addi %add3A_422, %add3A_940 : i32
        %mul3A_942 = arith.constant 24 : i32
        %mul3A_943 = arith.muli %add3A, %mul3A_942 : i32
        %add3A_944 = arith.addi %mul3A_943, %add3A_941 : i32
        %jit3A_945 = arith.constant 96 : i32
        %div3A_946 = arith.divsi %add3A_944, %jit3A_945 : i32
        %sign3A_947 = arith.constant 0 : i32
        %sign3A_948 = arith.cmpi sgt, %add3A_944, %sign3A_947 : i32
        %sign3A_949 = arith.extui %sign3A_948 : i1 to i32
        %sign3A_950 = arith.constant 0 : i32
        %sign3A_951 = arith.cmpi slt, %add3A_944, %sign3A_950 : i32
        %sign3A_952 = arith.extui %sign3A_951 : i1 to i32
        %sign3A_953 = arith.subi %sign3A_949, %sign3A_952 : i32
        %sign3A_954 = arith.constant 0 : i32
        %sign3A_955 = arith.cmpi sgt, %jit3A_945, %sign3A_954 : i32
        %sign3A_956 = arith.extui %sign3A_955 : i1 to i32
        %sign3A_957 = arith.constant 0 : i32
        %sign3A_958 = arith.cmpi slt, %jit3A_945, %sign3A_957 : i32
        %sign3A_959 = arith.extui %sign3A_958 : i1 to i32
        %sign3A_960 = arith.subi %sign3A_956, %sign3A_959 : i32
        %ne3A_961 = arith.cmpi ne, %sign3A_953, %sign3A_960 : i32
        %rem3A_962 = arith.remsi %add3A_944, %jit3A_945 : i32
        %ne3A_963 = arith.constant 0 : i32
        %ne3A_964 = arith.cmpi ne, %rem3A_962, %ne3A_963 : i32
        %and3A_965 = arith.andi %ne3A_961, %ne3A_964 : i1
        %sub3A_966 = arith.constant 1 : i32
        %sub3A_967 = arith.subi %div3A_946, %sub3A_966 : i32
        %select_n3A_968 = arith.select %and3A_965, %sub3A_967, %div3A_946 : i32
        %jit3A_969 = arith.constant 96 : i32
        %eq3A_970 = arith.constant 0 : i32
        %eq3A_971 = arith.cmpi eq, %jit3A_969, %eq3A_970 : i32
        %jit3A_972 = arith.constant 1 : i32
        %select_n3A_973 = arith.select %eq3A_971, %jit3A_972, %jit3A_969 : i32
        %rem3A_974 = arith.remsi %add3A_944, %select_n3A_973 : i32
        %ne3A_975 = arith.constant 0 : i32
        %ne3A_976 = arith.cmpi ne, %rem3A_974, %ne3A_975 : i32
        %lt3A_977 = arith.constant 0 : i32
        %lt3A_978 = arith.cmpi slt, %rem3A_974, %lt3A_977 : i32
        %lt3A_979 = arith.constant 0 : i32
        %lt3A_980 = arith.cmpi slt, %select_n3A_973, %lt3A_979 : i32
        %ne3A_981 = arith.xori %lt3A_978, %lt3A_980 : i1
        %and3A_982 = arith.andi %ne3A_981, %ne3A_976 : i1
        %add3A_983 = arith.addi %rem3A_974, %select_n3A_973 : i32
        %select_n3A_984 = arith.select %and3A_982, %add3A_983, %rem3A_974 : i32
        %mul3A_985 = arith.constant 8 : i32
        %mul3A_986 = arith.muli %select_n3A_984, %mul3A_985 : i32
        %mul3A_987 = arith.constant 768 : i32
        %mul3A_988 = arith.muli %select_n3A_968, %mul3A_987 : i32
        %add3A_989 = arith.addi %mul3A_988, %mul3A_986 : i32
        %mul3A_990 = arith.constant 49 : i32
        %mul3A_991 = arith.muli %add3A_989, %mul3A_990 : i32
        %jit3A_992 = arith.constant 32 : i32
        %div3A_993 = arith.divsi %add3A_989, %jit3A_992 : i32
        %sign3A_994 = arith.constant 0 : i32
        %sign3A_995 = arith.cmpi sgt, %add3A_989, %sign3A_994 : i32
        %sign3A_996 = arith.extui %sign3A_995 : i1 to i32
        %sign3A_997 = arith.constant 0 : i32
        %sign3A_998 = arith.cmpi slt, %add3A_989, %sign3A_997 : i32
        %sign3A_999 = arith.extui %sign3A_998 : i1 to i32
        %sign3A_1000 = arith.subi %sign3A_996, %sign3A_999 : i32
        %sign3A_1001 = arith.constant 0 : i32
        %sign3A_1002 = arith.cmpi sgt, %jit3A_992, %sign3A_1001 : i32
        %sign3A_1003 = arith.extui %sign3A_1002 : i1 to i32
        %sign3A_1004 = arith.constant 0 : i32
        %sign3A_1005 = arith.cmpi slt, %jit3A_992, %sign3A_1004 : i32
        %sign3A_1006 = arith.extui %sign3A_1005 : i1 to i32
        %sign3A_1007 = arith.subi %sign3A_1003, %sign3A_1006 : i32
        %ne3A_1008 = arith.cmpi ne, %sign3A_1000, %sign3A_1007 : i32
        %rem3A_1009 = arith.remsi %add3A_989, %jit3A_992 : i32
        %ne3A_1010 = arith.constant 0 : i32
        %ne3A_1011 = arith.cmpi ne, %rem3A_1009, %ne3A_1010 : i32
        %and3A_1012 = arith.andi %ne3A_1008, %ne3A_1011 : i1
        %sub3A_1013 = arith.constant 1 : i32
        %sub3A_1014 = arith.subi %div3A_993, %sub3A_1013 : i32
        %select_n3A_1015 = arith.select %and3A_1012, %sub3A_1014, %div3A_993 : i32
        %mul3A_1016 = arith.constant 448 : i32
        %mul3A_1017 = arith.muli %select_n3A_1015, %mul3A_1016 : i32
        %jit3A_1018 = arith.constant 32 : i32
        %eq3A_1019 = arith.constant 0 : i32
        %eq3A_1020 = arith.cmpi eq, %jit3A_1018, %eq3A_1019 : i32
        %jit3A_1021 = arith.constant 1 : i32
        %select_n3A_1022 = arith.select %eq3A_1020, %jit3A_1021, %jit3A_1018 : i32
        %rem3A_1023 = arith.remsi %add3A_989, %select_n3A_1022 : i32
        %ne3A_1024 = arith.constant 0 : i32
        %ne3A_1025 = arith.cmpi ne, %rem3A_1023, %ne3A_1024 : i32
        %lt3A_1026 = arith.constant 0 : i32
        %lt3A_1027 = arith.cmpi slt, %rem3A_1023, %lt3A_1026 : i32
        %lt3A_1028 = arith.constant 0 : i32
        %lt3A_1029 = arith.cmpi slt, %select_n3A_1022, %lt3A_1028 : i32
        %ne3A_1030 = arith.xori %lt3A_1027, %lt3A_1029 : i1
        %and3A_1031 = arith.andi %ne3A_1030, %ne3A_1025 : i1
        %add3A_1032 = arith.addi %rem3A_1023, %select_n3A_1022 : i32
        %select_n3A_1033 = arith.select %and3A_1031, %add3A_1032, %rem3A_1023 : i32
        %jit3A_1034 = arith.constant 8 : i32
        %div3A_1035 = arith.divsi %select_n3A_1033, %jit3A_1034 : i32
        %sign3A_1036 = arith.constant 0 : i32
        %sign3A_1037 = arith.cmpi sgt, %select_n3A_1033, %sign3A_1036 : i32
        %sign3A_1038 = arith.extui %sign3A_1037 : i1 to i32
        %sign3A_1039 = arith.constant 0 : i32
        %sign3A_1040 = arith.cmpi slt, %select_n3A_1033, %sign3A_1039 : i32
        %sign3A_1041 = arith.extui %sign3A_1040 : i1 to i32
        %sign3A_1042 = arith.subi %sign3A_1038, %sign3A_1041 : i32
        %sign3A_1043 = arith.constant 0 : i32
        %sign3A_1044 = arith.cmpi sgt, %jit3A_1034, %sign3A_1043 : i32
        %sign3A_1045 = arith.extui %sign3A_1044 : i1 to i32
        %sign3A_1046 = arith.constant 0 : i32
        %sign3A_1047 = arith.cmpi slt, %jit3A_1034, %sign3A_1046 : i32
        %sign3A_1048 = arith.extui %sign3A_1047 : i1 to i32
        %sign3A_1049 = arith.subi %sign3A_1045, %sign3A_1048 : i32
        %ne3A_1050 = arith.cmpi ne, %sign3A_1042, %sign3A_1049 : i32
        %rem3A_1051 = arith.remsi %select_n3A_1033, %jit3A_1034 : i32
        %ne3A_1052 = arith.constant 0 : i32
        %ne3A_1053 = arith.cmpi ne, %rem3A_1051, %ne3A_1052 : i32
        %and3A_1054 = arith.andi %ne3A_1050, %ne3A_1053 : i1
        %sub3A_1055 = arith.constant 1 : i32
        %sub3A_1056 = arith.subi %div3A_1035, %sub3A_1055 : i32
        %select_n3A_1057 = arith.select %and3A_1054, %sub3A_1056, %div3A_1035 : i32
        %mul3A_1058 = arith.constant 32 : i32
        %mul3A_1059 = arith.muli %select_n3A_1057, %mul3A_1058 : i32
        %dma_start3A_1060 = tpu.memref_slice %arg4[%mul3A_991] : memref<301056xf32, #tpu.memory_space<hbm>> -> memref<392xf32, #tpu.memory_space<hbm>>
        %dma_start3A_1061 = tpu.memref_slice %arg4[%mul3A_991] : memref<301056xf32, #tpu.memory_space<hbm>> -> memref<392xf32, #tpu.memory_space<hbm>>
        tpu.enqueue_dma source(%dma_start3A_1061 : memref<392xf32, #tpu.memory_space<hbm>>) target(%arg21 : memref<392xf32, #tpu.memory_space<vmem>>) target_semaphore(%arg25 : memref<!tpu.dma_semaphore, #tpu.memory_space<semaphore_mem>>)
      } else {
      }
      %gt3A = arith.constant 0 : i32
      %gt3A_548 = arith.cmpi sgt, %scan3A_418, %gt3A : i32
      %convert_element_type3A_549 = arith.extui %gt3A_548 : i1 to i32
      %cond3A_550 = arith.constant 0 : i32
      %cond3A_551 = arith.cmpi ne, %convert_element_type3A_549, %cond3A_550 : i32
      scf.if %cond3A_551 {
        %dma_wait3A_940 = arith.constant 0 : i32
        %dma_wait3A_941 = arith.constant 0 : i32
        %dma_wait3A_942 = tpu.memref_slice %arg11[%dma_wait3A_940, %dma_wait3A_941] : memref<86016x128xf32, #tpu.memory_space<hbm>> -> memref<448x32xf32, #tpu.memory_space<hbm>>
        %dma_wait3A_943 = arith.constant 0 : i32
        %dma_wait3A_944 = arith.constant 0 : i32
        %dma_wait3A_945 = tpu.memref_slice %arg11[%dma_wait3A_943, %dma_wait3A_944] : memref<86016x128xf32, #tpu.memory_space<hbm>> -> memref<448x32xf32, #tpu.memory_space<hbm>>
        tpu.wait_dma2 semaphore(%arg26 : memref<!tpu.dma_semaphore, #tpu.memory_space<semaphore_mem>>) src(%dma_wait3A_945 : memref<448x32xf32, #tpu.memory_space<hbm>>) dst(%arg22 : memref<448x32xf32, #tpu.memory_space<vmem>>)
      } else {
      }
      %scan3A_552 = arith.constant 0 : i32
      %scan3A_553 = arith.constant 0 : i32
      %scan3A_554 = arith.constant 25 : i32
      %scan3A_555 = arith.addi %scan3A_553, %scan3A_554 : i32
      %scan3A_556 = arith.constant 1 : i32
      scf.for %scan3A_940 = %scan3A_553 to %scan3A_555 step %scan3A_556  : i32 {
        %mul3A_941 = arith.constant 16 : i32
        %mul3A_942 = arith.muli %scan3A_940, %mul3A_941 : i32
        %add3A_943 = arith.constant 2352 : i32
        %add3A_944 = arith.addi %add3A_943, %mul3A_942 : i32
        %get3A = arith.index_cast %add3A_944 : i32 to index
        %get3A_945 = tpu.vector_load %arg12[%get3A] {strides = array<i32>} : memref<2752xi32, #tpu.memory_space<vmem>>, vector<16xi32>,
        %add3A_946 = arith.constant 2352 : i32
        %add3A_947 = arith.addi %add3A_946, %mul3A_942 : i32
        %get3A_948 = arith.index_cast %add3A_947 : i32 to index
        %get3A_949 = tpu.vector_load %arg13[%get3A_948] {strides = array<i32>} : memref<2752xf32, #tpu.memory_space<vmem>>, vector<16xf32>,
        %add3A_950 = arith.constant 2352 : i32
        %add3A_951 = arith.addi %add3A_950, %mul3A_942 : i32
        %get3A_952 = arith.index_cast %add3A_951 : i32 to index
        %get3A_953 = tpu.vector_load %arg14[%get3A_952] {strides = array<i32>} : memref<2752xi32, #tpu.memory_space<vmem>>, vector<16xi32>,
        %add3A_954 = arith.constant 2352 : i32
        %add3A_955 = arith.addi %add3A_954, %mul3A_942 : i32
        %get3A_956 = arith.index_cast %add3A_955 : i32 to index
        %get3A_957 = tpu.vector_load %arg15[%get3A_956] {strides = array<i32>} : memref<2752xi32, #tpu.memory_space<vmem>>, vector<16xi32>,
        %sub3A_958 = arith.constant 1.000000e+00 : f32
        %sub3A_959 = vector.broadcast %sub3A_958 : f32 to vector<16xf32>
        %sub3A_960 = arith.subf %sub3A_959, %get3A_949 : vector<16xf32>
        %add3A_961 = arith.constant 0 : i32
        %add3A_962 = vector.broadcast %add3A_961 : i32 to vector<16xi32>
        %add3A_963 = arith.addi %get3A_945, %add3A_962 : vector<16xi32>
        %gather3A = tpu.vector_load_idx %arg20[%add3A_963] : memref<392xf32, #tpu.memory_space<vmem>>[vector<16xi32>], vector<16xf32>,
        %mul3A_964 = arith.mulf %gather3A, %sub3A_960 : vector<16xf32>
        %add3A_965 = arith.constant 7 : i32
        %add3A_966 = vector.broadcast %add3A_965 : i32 to vector<16xi32>
        %add3A_967 = arith.addi %add3A_963, %add3A_966 : vector<16xi32>
        %gather3A_968 = tpu.vector_load_idx %arg20[%add3A_967] : memref<392xf32, #tpu.memory_space<vmem>>[vector<16xi32>], vector<16xf32>,
        %mul3A_969 = arith.mulf %gather3A_968, %get3A_949 : vector<16xf32>
        %add3A_970 = arith.addf %mul3A_964, %mul3A_969 : vector<16xf32>
        %add3A_971 = arith.constant 0 : i32
        %add3A_972 = vector.broadcast %add3A_971 : i32 to vector<16xi32>
        %add3A_973 = arith.addi %get3A_953, %add3A_972 : vector<16xi32>
        tpu.vector_store_idx %arg22[%add3A_973, %get3A_957], %add3A_970 : memref<448x32xf32, #tpu.memory_space<vmem>>[vector<16xi32>, vector<16xi32>], vector<16xf32>,
        %add3A_974 = arith.constant 49 : i32
        %add3A_975 = vector.broadcast %add3A_974 : i32 to vector<16xi32>
        %add3A_976 = arith.addi %get3A_945, %add3A_975 : vector<16xi32>
        %gather3A_977 = tpu.vector_load_idx %arg20[%add3A_976] : memref<392xf32, #tpu.memory_space<vmem>>[vector<16xi32>], vector<16xf32>,
        %mul3A_978 = arith.mulf %gather3A_977, %sub3A_960 : vector<16xf32>
        %add3A_979 = arith.constant 7 : i32
        %add3A_980 = vector.broadcast %add3A_979 : i32 to vector<16xi32>
        %add3A_981 = arith.addi %add3A_976, %add3A_980 : vector<16xi32>
        %gather3A_982 = tpu.vector_load_idx %arg20[%add3A_981] : memref<392xf32, #tpu.memory_space<vmem>>[vector<16xi32>], vector<16xf32>,
        %mul3A_983 = arith.mulf %gather3A_982, %get3A_949 : vector<16xf32>
        %add3A_984 = arith.addf %mul3A_978, %mul3A_983 : vector<16xf32>
        %add3A_985 = arith.constant 56 : i32
        %add3A_986 = vector.broadcast %add3A_985 : i32 to vector<16xi32>
        %add3A_987 = arith.addi %get3A_953, %add3A_986 : vector<16xi32>
        tpu.vector_store_idx %arg22[%add3A_987, %get3A_957], %add3A_984 : memref<448x32xf32, #tpu.memory_space<vmem>>[vector<16xi32>, vector<16xi32>], vector<16xf32>,
        %add3A_988 = arith.constant 98 : i32
        %add3A_989 = vector.broadcast %add3A_988 : i32 to vector<16xi32>
        %add3A_990 = arith.addi %get3A_945, %add3A_989 : vector<16xi32>
        %gather3A_991 = tpu.vector_load_idx %arg20[%add3A_990] : memref<392xf32, #tpu.memory_space<vmem>>[vector<16xi32>], vector<16xf32>,
        %mul3A_992 = arith.mulf %gather3A_991, %sub3A_960 : vector<16xf32>
        %add3A_993 = arith.constant 7 : i32
        %add3A_994 = vector.broadcast %add3A_993 : i32 to vector<16xi32>
        %add3A_995 = arith.addi %add3A_990, %add3A_994 : vector<16xi32>
        %gather3A_996 = tpu.vector_load_idx %arg20[%add3A_995] : memref<392xf32, #tpu.memory_space<vmem>>[vector<16xi32>], vector<16xf32>,
        %mul3A_997 = arith.mulf %gather3A_996, %get3A_949 : vector<16xf32>
        %add3A_998 = arith.addf %mul3A_992, %mul3A_997 : vector<16xf32>
        %add3A_999 = arith.constant 112 : i32
        %add3A_1000 = vector.broadcast %add3A_999 : i32 to vector<16xi32>
        %add3A_1001 = arith.addi %get3A_953, %add3A_1000 : vector<16xi32>
        tpu.vector_store_idx %arg22[%add3A_1001, %get3A_957], %add3A_998 : memref<448x32xf32, #tpu.memory_space<vmem>>[vector<16xi32>, vector<16xi32>], vector<16xf32>,
        %add3A_1002 = arith.constant 147 : i32
        %add3A_1003 = vector.broadcast %add3A_1002 : i32 to vector<16xi32>
        %add3A_1004 = arith.addi %get3A_945, %add3A_1003 : vector<16xi32>
        %gather3A_1005 = tpu.vector_load_idx %arg20[%add3A_1004] : memref<392xf32, #tpu.memory_space<vmem>>[vector<16xi32>], vector<16xf32>,
        %mul3A_1006 = arith.mulf %gather3A_1005, %sub3A_960 : vector<16xf32>
        %add3A_1007 = arith.constant 7 : i32
        %add3A_1008 = vector.broadcast %add3A_1007 : i32 to vector<16xi32>
        %add3A_1009 = arith.addi %add3A_1004, %add3A_1008 : vector<16xi32>
        %gather3A_1010 = tpu.vector_load_idx %arg20[%add3A_1009] : memref<392xf32, #tpu.memory_space<vmem>>[vector<16xi32>], vector<16xf32>,
        %mul3A_1011 = arith.mulf %gather3A_1010, %get3A_949 : vector<16xf32>
        %add3A_1012 = arith.addf %mul3A_1006, %mul3A_1011 : vector<16xf32>
        %add3A_1013 = arith.constant 168 : i32
        %add3A_1014 = vector.broadcast %add3A_1013 : i32 to vector<16xi32>
        %add3A_1015 = arith.addi %get3A_953, %add3A_1014 : vector<16xi32>
        tpu.vector_store_idx %arg22[%add3A_1015, %get3A_957], %add3A_1012 : memref<448x32xf32, #tpu.memory_space<vmem>>[vector<16xi32>, vector<16xi32>], vector<16xf32>,
        %add3A_1016 = arith.constant 196 : i32
        %add3A_1017 = vector.broadcast %add3A_1016 : i32 to vector<16xi32>
        %add3A_1018 = arith.addi %get3A_945, %add3A_1017 : vector<16xi32>
        %gather3A_1019 = tpu.vector_load_idx %arg20[%add3A_1018] : memref<392xf32, #tpu.memory_space<vmem>>[vector<16xi32>], vector<16xf32>,
        %mul3A_1020 = arith.mulf %gather3A_1019, %sub3A_960 : vector<16xf32>
        %add3A_1021 = arith.constant 7 : i32
        %add3A_1022 = vector.broadcast %add3A_1021 : i32 to vector<16xi32>
        %add3A_1023 = arith.addi %add3A_1018, %add3A_1022 : vector<16xi32>
        %gather3A_1024 = tpu.vector_load_idx %arg20[%add3A_1023] : memref<392xf32, #tpu.memory_space<vmem>>[vector<16xi32>], vector<16xf32>,
        %mul3A_1025 = arith.mulf %gather3A_1024, %get3A_949 : vector<16xf32>
        %add3A_1026 = arith.addf %mul3A_1020, %mul3A_1025 : vector<16xf32>
        %add3A_1027 = arith.constant 224 : i32
        %add3A_1028 = vector.broadcast %add3A_1027 : i32 to vector<16xi32>
        %add3A_1029 = arith.addi %get3A_953, %add3A_1028 : vector<16xi32>
        tpu.vector_store_idx %arg22[%add3A_1029, %get3A_957], %add3A_1026 : memref<448x32xf32, #tpu.memory_space<vmem>>[vector<16xi32>, vector<16xi32>], vector<16xf32>,
        %add3A_1030 = arith.constant 245 : i32
        %add3A_1031 = vector.broadcast %add3A_1030 : i32 to vector<16xi32>
        %add3A_1032 = arith.addi %get3A_945, %add3A_1031 : vector<16xi32>
        %gather3A_1033 = tpu.vector_load_idx %arg20[%add3A_1032] : memref<392xf32, #tpu.memory_space<vmem>>[vector<16xi32>], vector<16xf32>,
        %mul3A_1034 = arith.mulf %gather3A_1033, %sub3A_960 : vector<16xf32>
        %add3A_1035 = arith.constant 7 : i32
        %add3A_1036 = vector.broadcast %add3A_1035 : i32 to vector<16xi32>
        %add3A_1037 = arith.addi %add3A_1032, %add3A_1036 : vector<16xi32>
        %gather3A_1038 = tpu.vector_load_idx %arg20[%add3A_1037] : memref<392xf32, #tpu.memory_space<vmem>>[vector<16xi32>], vector<16xf32>,
        %mul3A_1039 = arith.mulf %gather3A_1038, %get3A_949 : vector<16xf32>
        %add3A_1040 = arith.addf %mul3A_1034, %mul3A_1039 : vector<16xf32>
        %add3A_1041 = arith.constant 280 : i32
        %add3A_1042 = vector.broadcast %add3A_1041 : i32 to vector<16xi32>
        %add3A_1043 = arith.addi %get3A_953, %add3A_1042 : vector<16xi32>
        tpu.vector_store_idx %arg22[%add3A_1043, %get3A_957], %add3A_1040 : memref<448x32xf32, #tpu.memory_space<vmem>>[vector<16xi32>, vector<16xi32>], vector<16xf32>,
        %add3A_1044 = arith.constant 294 : i32
        %add3A_1045 = vector.broadcast %add3A_1044 : i32 to vector<16xi32>
        %add3A_1046 = arith.addi %get3A_945, %add3A_1045 : vector<16xi32>
        %gather3A_1047 = tpu.vector_load_idx %arg20[%add3A_1046] : memref<392xf32, #tpu.memory_space<vmem>>[vector<16xi32>], vector<16xf32>,
        %mul3A_1048 = arith.mulf %gather3A_1047, %sub3A_960 : vector<16xf32>
        %add3A_1049 = arith.constant 7 : i32
        %add3A_1050 = vector.broadcast %add3A_1049 : i32 to vector<16xi32>
        %add3A_1051 = arith.addi %add3A_1046, %add3A_1050 : vector<16xi32>
        %gather3A_1052 = tpu.vector_load_idx %arg20[%add3A_1051] : memref<392xf32, #tpu.memory_space<vmem>>[vector<16xi32>], vector<16xf32>,
        %mul3A_1053 = arith.mulf %gather3A_1052, %get3A_949 : vector<16xf32>
        %add3A_1054 = arith.addf %mul3A_1048, %mul3A_1053 : vector<16xf32>
        %add3A_1055 = arith.constant 336 : i32
        %add3A_1056 = vector.broadcast %add3A_1055 : i32 to vector<16xi32>
        %add3A_1057 = arith.addi %get3A_953, %add3A_1056 : vector<16xi32>
        tpu.vector_store_idx %arg22[%add3A_1057, %get3A_957], %add3A_1054 : memref<448x32xf32, #tpu.memory_space<vmem>>[vector<16xi32>, vector<16xi32>], vector<16xf32>,
        %add3A_1058 = arith.constant 343 : i32
        %add3A_1059 = vector.broadcast %add3A_1058 : i32 to vector<16xi32>
        %add3A_1060 = arith.addi %get3A_945, %add3A_1059 : vector<16xi32>
        %gather3A_1061 = tpu.vector_load_idx %arg20[%add3A_1060] : memref<392xf32, #tpu.memory_space<vmem>>[vector<16xi32>], vector<16xf32>,
        %mul3A_1062 = arith.mulf %gather3A_1061, %sub3A_960 : vector<16xf32>
        %add3A_1063 = arith.constant 7 : i32
        %add3A_1064 = vector.broadcast %add3A_1063 : i32 to vector<16xi32>
        %add3A_1065 = arith.addi %add3A_1060, %add3A_1064 : vector<16xi32>
        %gather3A_1066 = tpu.vector_load_idx %arg20[%add3A_1065] : memref<392xf32, #tpu.memory_space<vmem>>[vector<16xi32>], vector<16xf32>,
        %mul3A_1067 = arith.mulf %gather3A_1066, %get3A_949 : vector<16xf32>
        %add3A_1068 = arith.addf %mul3A_1062, %mul3A_1067 : vector<16xf32>
        %add3A_1069 = arith.constant 392 : i32
        %add3A_1070 = vector.broadcast %add3A_1069 : i32 to vector<16xi32>
        %add3A_1071 = arith.addi %get3A_953, %add3A_1070 : vector<16xi32>
        tpu.vector_store_idx %arg22[%add3A_1071, %get3A_957], %add3A_1068 : memref<448x32xf32, #tpu.memory_space<vmem>>[vector<16xi32>, vector<16xi32>], vector<16xf32>,
      }
      %scan3A_557 = arith.constant 25 : i32
      %mul3A_558 = arith.constant 24 : i32
      %mul3A_559 = arith.muli %add3A, %mul3A_558 : i32
      %add3A_560 = arith.addi %mul3A_559, %add3A_422 : i32
      %jit3A_561 = arith.constant 96 : i32
      %div3A_562 = arith.divsi %add3A_560, %jit3A_561 : i32
      %sign3A_563 = arith.constant 0 : i32
      %sign3A_564 = arith.cmpi sgt, %add3A_560, %sign3A_563 : i32
      %sign3A_565 = arith.extui %sign3A_564 : i1 to i32
      %sign3A_566 = arith.constant 0 : i32
      %sign3A_567 = arith.cmpi slt, %add3A_560, %sign3A_566 : i32
      %sign3A_568 = arith.extui %sign3A_567 : i1 to i32
      %sign3A_569 = arith.subi %sign3A_565, %sign3A_568 : i32
      %sign3A_570 = arith.constant 0 : i32
      %sign3A_571 = arith.cmpi sgt, %jit3A_561, %sign3A_570 : i32
      %sign3A_572 = arith.extui %sign3A_571 : i1 to i32
      %sign3A_573 = arith.constant 0 : i32
      %sign3A_574 = arith.cmpi slt, %jit3A_561, %sign3A_573 : i32
      %sign3A_575 = arith.extui %sign3A_574 : i1 to i32
      %sign3A_576 = arith.subi %sign3A_572, %sign3A_575 : i32
      %ne3A_577 = arith.cmpi ne, %sign3A_569, %sign3A_576 : i32
      %rem3A_578 = arith.remsi %add3A_560, %jit3A_561 : i32
      %ne3A_579 = arith.constant 0 : i32
      %ne3A_580 = arith.cmpi ne, %rem3A_578, %ne3A_579 : i32
      %and3A_581 = arith.andi %ne3A_577, %ne3A_580 : i1
      %sub3A_582 = arith.constant 1 : i32
      %sub3A_583 = arith.subi %div3A_562, %sub3A_582 : i32
      %select_n3A_584 = arith.select %and3A_581, %sub3A_583, %div3A_562 : i32
      %jit3A_585 = arith.constant 96 : i32
      %eq3A_586 = arith.constant 0 : i32
      %eq3A_587 = arith.cmpi eq, %jit3A_585, %eq3A_586 : i32
      %jit3A_588 = arith.constant 1 : i32
      %select_n3A_589 = arith.select %eq3A_587, %jit3A_588, %jit3A_585 : i32
      %rem3A_590 = arith.remsi %add3A_560, %select_n3A_589 : i32
      %ne3A_591 = arith.constant 0 : i32
      %ne3A_592 = arith.cmpi ne, %rem3A_590, %ne3A_591 : i32
      %lt3A_593 = arith.constant 0 : i32
      %lt3A_594 = arith.cmpi slt, %rem3A_590, %lt3A_593 : i32
      %lt3A_595 = arith.constant 0 : i32
      %lt3A_596 = arith.cmpi slt, %select_n3A_589, %lt3A_595 : i32
      %ne3A_597 = arith.xori %lt3A_594, %lt3A_596 : i1
      %and3A_598 = arith.andi %ne3A_597, %ne3A_592 : i1
      %add3A_599 = arith.addi %rem3A_590, %select_n3A_589 : i32
      %select_n3A_600 = arith.select %and3A_598, %add3A_599, %rem3A_590 : i32
      %mul3A_601 = arith.constant 8 : i32
      %mul3A_602 = arith.muli %select_n3A_600, %mul3A_601 : i32
      %mul3A_603 = arith.constant 768 : i32
      %mul3A_604 = arith.muli %select_n3A_584, %mul3A_603 : i32
      %add3A_605 = arith.addi %mul3A_604, %mul3A_602 : i32
      %mul3A_606 = arith.constant 49 : i32
      %mul3A_607 = arith.muli %add3A_605, %mul3A_606 : i32
      %jit3A_608 = arith.constant 32 : i32
      %div3A_609 = arith.divsi %add3A_605, %jit3A_608 : i32
      %sign3A_610 = arith.constant 0 : i32
      %sign3A_611 = arith.cmpi sgt, %add3A_605, %sign3A_610 : i32
      %sign3A_612 = arith.extui %sign3A_611 : i1 to i32
      %sign3A_613 = arith.constant 0 : i32
      %sign3A_614 = arith.cmpi slt, %add3A_605, %sign3A_613 : i32
      %sign3A_615 = arith.extui %sign3A_614 : i1 to i32
      %sign3A_616 = arith.subi %sign3A_612, %sign3A_615 : i32
      %sign3A_617 = arith.constant 0 : i32
      %sign3A_618 = arith.cmpi sgt, %jit3A_608, %sign3A_617 : i32
      %sign3A_619 = arith.extui %sign3A_618 : i1 to i32
      %sign3A_620 = arith.constant 0 : i32
      %sign3A_621 = arith.cmpi slt, %jit3A_608, %sign3A_620 : i32
      %sign3A_622 = arith.extui %sign3A_621 : i1 to i32
      %sign3A_623 = arith.subi %sign3A_619, %sign3A_622 : i32
      %ne3A_624 = arith.cmpi ne, %sign3A_616, %sign3A_623 : i32
      %rem3A_625 = arith.remsi %add3A_605, %jit3A_608 : i32
      %ne3A_626 = arith.constant 0 : i32
      %ne3A_627 = arith.cmpi ne, %rem3A_625, %ne3A_626 : i32
      %and3A_628 = arith.andi %ne3A_624, %ne3A_627 : i1
      %sub3A_629 = arith.constant 1 : i32
      %sub3A_630 = arith.subi %div3A_609, %sub3A_629 : i32
      %select_n3A_631 = arith.select %and3A_628, %sub3A_630, %div3A_609 : i32
      %mul3A_632 = arith.constant 448 : i32
      %mul3A_633 = arith.muli %select_n3A_631, %mul3A_632 : i32
      %jit3A_634 = arith.constant 32 : i32
      %eq3A_635 = arith.constant 0 : i32
      %eq3A_636 = arith.cmpi eq, %jit3A_634, %eq3A_635 : i32
      %jit3A_637 = arith.constant 1 : i32
      %select_n3A_638 = arith.select %eq3A_636, %jit3A_637, %jit3A_634 : i32
      %rem3A_639 = arith.remsi %add3A_605, %select_n3A_638 : i32
      %ne3A_640 = arith.constant 0 : i32
      %ne3A_641 = arith.cmpi ne, %rem3A_639, %ne3A_640 : i32
      %lt3A_642 = arith.constant 0 : i32
      %lt3A_643 = arith.cmpi slt, %rem3A_639, %lt3A_642 : i32
      %lt3A_644 = arith.constant 0 : i32
      %lt3A_645 = arith.cmpi slt, %select_n3A_638, %lt3A_644 : i32
      %ne3A_646 = arith.xori %lt3A_643, %lt3A_645 : i1
      %and3A_647 = arith.andi %ne3A_646, %ne3A_641 : i1
      %add3A_648 = arith.addi %rem3A_639, %select_n3A_638 : i32
      %select_n3A_649 = arith.select %and3A_647, %add3A_648, %rem3A_639 : i32
      %jit3A_650 = arith.constant 8 : i32
      %div3A_651 = arith.divsi %select_n3A_649, %jit3A_650 : i32
      %sign3A_652 = arith.constant 0 : i32
      %sign3A_653 = arith.cmpi sgt, %select_n3A_649, %sign3A_652 : i32
      %sign3A_654 = arith.extui %sign3A_653 : i1 to i32
      %sign3A_655 = arith.constant 0 : i32
      %sign3A_656 = arith.cmpi slt, %select_n3A_649, %sign3A_655 : i32
      %sign3A_657 = arith.extui %sign3A_656 : i1 to i32
      %sign3A_658 = arith.subi %sign3A_654, %sign3A_657 : i32
      %sign3A_659 = arith.constant 0 : i32
      %sign3A_660 = arith.cmpi sgt, %jit3A_650, %sign3A_659 : i32
      %sign3A_661 = arith.extui %sign3A_660 : i1 to i32
      %sign3A_662 = arith.constant 0 : i32
      %sign3A_663 = arith.cmpi slt, %jit3A_650, %sign3A_662 : i32
      %sign3A_664 = arith.extui %sign3A_663 : i1 to i32
      %sign3A_665 = arith.subi %sign3A_661, %sign3A_664 : i32
      %ne3A_666 = arith.cmpi ne, %sign3A_658, %sign3A_665 : i32
      %rem3A_667 = arith.remsi %select_n3A_649, %jit3A_650 : i32
      %ne3A_668 = arith.constant 0 : i32
      %ne3A_669 = arith.cmpi ne, %rem3A_667, %ne3A_668 : i32
      %and3A_670 = arith.andi %ne3A_666, %ne3A_669 : i1
      %sub3A_671 = arith.constant 1 : i32
      %sub3A_672 = arith.subi %div3A_651, %sub3A_671 : i32
      %select_n3A_673 = arith.select %and3A_670, %sub3A_672, %div3A_651 : i32
      %mul3A_674 = arith.constant 32 : i32
      %mul3A_675 = arith.muli %select_n3A_673, %mul3A_674 : i32
      %dma_start3A_676 = tpu.memref_slice %arg11[%mul3A_633, %mul3A_675] : memref<86016x128xf32, #tpu.memory_space<hbm>> -> memref<448x32xf32, #tpu.memory_space<hbm>>
      %dma_start3A_677 = tpu.memref_slice %arg11[%mul3A_633, %mul3A_675] : memref<86016x128xf32, #tpu.memory_space<hbm>> -> memref<448x32xf32, #tpu.memory_space<hbm>>
      tpu.enqueue_dma source(%arg22 : memref<448x32xf32, #tpu.memory_space<vmem>>) target(%dma_start3A_677 : memref<448x32xf32, #tpu.memory_space<hbm>>) target_semaphore(%arg26 : memref<!tpu.dma_semaphore, #tpu.memory_space<semaphore_mem>>)
      %mul3A_678 = arith.constant 2 : i32
      %mul3A_679 = arith.muli %scan3A_418, %mul3A_678 : i32
      %add3A_680 = arith.constant 1 : i32
      %add3A_681 = arith.addi %mul3A_679, %add3A_680 : i32
      %mul3A_682 = arith.constant 24 : i32
      %mul3A_683 = arith.muli %add3A, %mul3A_682 : i32
      %add3A_684 = arith.addi %mul3A_683, %add3A_681 : i32
      %jit3A_685 = arith.constant 96 : i32
      %div3A_686 = arith.divsi %add3A_684, %jit3A_685 : i32
      %sign3A_687 = arith.constant 0 : i32
      %sign3A_688 = arith.cmpi sgt, %add3A_684, %sign3A_687 : i32
      %sign3A_689 = arith.extui %sign3A_688 : i1 to i32
      %sign3A_690 = arith.constant 0 : i32
      %sign3A_691 = arith.cmpi slt, %add3A_684, %sign3A_690 : i32
      %sign3A_692 = arith.extui %sign3A_691 : i1 to i32
      %sign3A_693 = arith.subi %sign3A_689, %sign3A_692 : i32
      %sign3A_694 = arith.constant 0 : i32
      %sign3A_695 = arith.cmpi sgt, %jit3A_685, %sign3A_694 : i32
      %sign3A_696 = arith.extui %sign3A_695 : i1 to i32
      %sign3A_697 = arith.constant 0 : i32
      %sign3A_698 = arith.cmpi slt, %jit3A_685, %sign3A_697 : i32
      %sign3A_699 = arith.extui %sign3A_698 : i1 to i32
      %sign3A_700 = arith.subi %sign3A_696, %sign3A_699 : i32
      %ne3A_701 = arith.cmpi ne, %sign3A_693, %sign3A_700 : i32
      %rem3A_702 = arith.remsi %add3A_684, %jit3A_685 : i32
      %ne3A_703 = arith.constant 0 : i32
      %ne3A_704 = arith.cmpi ne, %rem3A_702, %ne3A_703 : i32
      %and3A_705 = arith.andi %ne3A_701, %ne3A_704 : i1
      %sub3A_706 = arith.constant 1 : i32
      %sub3A_707 = arith.subi %div3A_686, %sub3A_706 : i32
      %select_n3A_708 = arith.select %and3A_705, %sub3A_707, %div3A_686 : i32
      %jit3A_709 = arith.constant 96 : i32
      %eq3A_710 = arith.constant 0 : i32
      %eq3A_711 = arith.cmpi eq, %jit3A_709, %eq3A_710 : i32
      %jit3A_712 = arith.constant 1 : i32
      %select_n3A_713 = arith.select %eq3A_711, %jit3A_712, %jit3A_709 : i32
      %rem3A_714 = arith.remsi %add3A_684, %select_n3A_713 : i32
      %ne3A_715 = arith.constant 0 : i32
      %ne3A_716 = arith.cmpi ne, %rem3A_714, %ne3A_715 : i32
      %lt3A_717 = arith.constant 0 : i32
      %lt3A_718 = arith.cmpi slt, %rem3A_714, %lt3A_717 : i32
      %lt3A_719 = arith.constant 0 : i32
      %lt3A_720 = arith.cmpi slt, %select_n3A_713, %lt3A_719 : i32
      %ne3A_721 = arith.xori %lt3A_718, %lt3A_720 : i1
      %and3A_722 = arith.andi %ne3A_721, %ne3A_716 : i1
      %add3A_723 = arith.addi %rem3A_714, %select_n3A_713 : i32
      %select_n3A_724 = arith.select %and3A_722, %add3A_723, %rem3A_714 : i32
      %mul3A_725 = arith.constant 8 : i32
      %mul3A_726 = arith.muli %select_n3A_724, %mul3A_725 : i32
      %mul3A_727 = arith.constant 768 : i32
      %mul3A_728 = arith.muli %select_n3A_708, %mul3A_727 : i32
      %add3A_729 = arith.addi %mul3A_728, %mul3A_726 : i32
      %mul3A_730 = arith.constant 49 : i32
      %mul3A_731 = arith.muli %add3A_729, %mul3A_730 : i32
      %jit3A_732 = arith.constant 32 : i32
      %div3A_733 = arith.divsi %add3A_729, %jit3A_732 : i32
      %sign3A_734 = arith.constant 0 : i32
      %sign3A_735 = arith.cmpi sgt, %add3A_729, %sign3A_734 : i32
      %sign3A_736 = arith.extui %sign3A_735 : i1 to i32
      %sign3A_737 = arith.constant 0 : i32
      %sign3A_738 = arith.cmpi slt, %add3A_729, %sign3A_737 : i32
      %sign3A_739 = arith.extui %sign3A_738 : i1 to i32
      %sign3A_740 = arith.subi %sign3A_736, %sign3A_739 : i32
      %sign3A_741 = arith.constant 0 : i32
      %sign3A_742 = arith.cmpi sgt, %jit3A_732, %sign3A_741 : i32
      %sign3A_743 = arith.extui %sign3A_742 : i1 to i32
      %sign3A_744 = arith.constant 0 : i32
      %sign3A_745 = arith.cmpi slt, %jit3A_732, %sign3A_744 : i32
      %sign3A_746 = arith.extui %sign3A_745 : i1 to i32
      %sign3A_747 = arith.subi %sign3A_743, %sign3A_746 : i32
      %ne3A_748 = arith.cmpi ne, %sign3A_740, %sign3A_747 : i32
      %rem3A_749 = arith.remsi %add3A_729, %jit3A_732 : i32
      %ne3A_750 = arith.constant 0 : i32
      %ne3A_751 = arith.cmpi ne, %rem3A_749, %ne3A_750 : i32
      %and3A_752 = arith.andi %ne3A_748, %ne3A_751 : i1
      %sub3A_753 = arith.constant 1 : i32
      %sub3A_754 = arith.subi %div3A_733, %sub3A_753 : i32
      %select_n3A_755 = arith.select %and3A_752, %sub3A_754, %div3A_733 : i32
      %mul3A_756 = arith.constant 448 : i32
      %mul3A_757 = arith.muli %select_n3A_755, %mul3A_756 : i32
      %jit3A_758 = arith.constant 32 : i32
      %eq3A_759 = arith.constant 0 : i32
      %eq3A_760 = arith.cmpi eq, %jit3A_758, %eq3A_759 : i32
      %jit3A_761 = arith.constant 1 : i32
      %select_n3A_762 = arith.select %eq3A_760, %jit3A_761, %jit3A_758 : i32
      %rem3A_763 = arith.remsi %add3A_729, %select_n3A_762 : i32
      %ne3A_764 = arith.constant 0 : i32
      %ne3A_765 = arith.cmpi ne, %rem3A_763, %ne3A_764 : i32
      %lt3A_766 = arith.constant 0 : i32
      %lt3A_767 = arith.cmpi slt, %rem3A_763, %lt3A_766 : i32
      %lt3A_768 = arith.constant 0 : i32
      %lt3A_769 = arith.cmpi slt, %select_n3A_762, %lt3A_768 : i32
      %ne3A_770 = arith.xori %lt3A_767, %lt3A_769 : i1
      %and3A_771 = arith.andi %ne3A_770, %ne3A_765 : i1
      %add3A_772 = arith.addi %rem3A_763, %select_n3A_762 : i32
      %select_n3A_773 = arith.select %and3A_771, %add3A_772, %rem3A_763 : i32
      %jit3A_774 = arith.constant 8 : i32
      %div3A_775 = arith.divsi %select_n3A_773, %jit3A_774 : i32
      %sign3A_776 = arith.constant 0 : i32
      %sign3A_777 = arith.cmpi sgt, %select_n3A_773, %sign3A_776 : i32
      %sign3A_778 = arith.extui %sign3A_777 : i1 to i32
      %sign3A_779 = arith.constant 0 : i32
      %sign3A_780 = arith.cmpi slt, %select_n3A_773, %sign3A_779 : i32
      %sign3A_781 = arith.extui %sign3A_780 : i1 to i32
      %sign3A_782 = arith.subi %sign3A_778, %sign3A_781 : i32
      %sign3A_783 = arith.constant 0 : i32
      %sign3A_784 = arith.cmpi sgt, %jit3A_774, %sign3A_783 : i32
      %sign3A_785 = arith.extui %sign3A_784 : i1 to i32
      %sign3A_786 = arith.constant 0 : i32
      %sign3A_787 = arith.cmpi slt, %jit3A_774, %sign3A_786 : i32
      %sign3A_788 = arith.extui %sign3A_787 : i1 to i32
      %sign3A_789 = arith.subi %sign3A_785, %sign3A_788 : i32
      %ne3A_790 = arith.cmpi ne, %sign3A_782, %sign3A_789 : i32
      %rem3A_791 = arith.remsi %select_n3A_773, %jit3A_774 : i32
      %ne3A_792 = arith.constant 0 : i32
      %ne3A_793 = arith.cmpi ne, %rem3A_791, %ne3A_792 : i32
      %and3A_794 = arith.andi %ne3A_790, %ne3A_793 : i1
      %sub3A_795 = arith.constant 1 : i32
      %sub3A_796 = arith.subi %div3A_775, %sub3A_795 : i32
      %select_n3A_797 = arith.select %and3A_794, %sub3A_796, %div3A_775 : i32
      %mul3A_798 = arith.constant 32 : i32
      %mul3A_799 = arith.muli %select_n3A_797, %mul3A_798 : i32
      %dma_wait3A_800 = tpu.memref_slice %arg4[%mul3A_731] : memref<301056xf32, #tpu.memory_space<hbm>> -> memref<392xf32, #tpu.memory_space<hbm>>
      %dma_wait3A_801 = tpu.memref_slice %arg4[%mul3A_731] : memref<301056xf32, #tpu.memory_space<hbm>> -> memref<392xf32, #tpu.memory_space<hbm>>
      tpu.wait_dma2 semaphore(%arg25 : memref<!tpu.dma_semaphore, #tpu.memory_space<semaphore_mem>>) src(%dma_wait3A_801 : memref<392xf32, #tpu.memory_space<hbm>>) dst(%arg21 : memref<392xf32, #tpu.memory_space<vmem>>)
      %add3A_802 = arith.constant 1 : i32
      %add3A_803 = arith.addi %add3A_681, %add3A_802 : i32
      %lt3A_804 = arith.constant 24 : i32
      %lt3A_805 = arith.cmpi slt, %add3A_803, %lt3A_804 : i32
      %convert_element_type3A_806 = arith.extui %lt3A_805 : i1 to i32
      %cond3A_807 = arith.constant 0 : i32
      %cond3A_808 = arith.cmpi ne, %convert_element_type3A_806, %cond3A_807 : i32
      scf.if %cond3A_808 {
        %add3A_940 = arith.constant 1 : i32
        %add3A_941 = arith.addi %add3A_681, %add3A_940 : i32
        %mul3A_942 = arith.constant 24 : i32
        %mul3A_943 = arith.muli %add3A, %mul3A_942 : i32
        %add3A_944 = arith.addi %mul3A_943, %add3A_941 : i32
        %jit3A_945 = arith.constant 96 : i32
        %div3A_946 = arith.divsi %add3A_944, %jit3A_945 : i32
        %sign3A_947 = arith.constant 0 : i32
        %sign3A_948 = arith.cmpi sgt, %add3A_944, %sign3A_947 : i32
        %sign3A_949 = arith.extui %sign3A_948 : i1 to i32
        %sign3A_950 = arith.constant 0 : i32
        %sign3A_951 = arith.cmpi slt, %add3A_944, %sign3A_950 : i32
        %sign3A_952 = arith.extui %sign3A_951 : i1 to i32
        %sign3A_953 = arith.subi %sign3A_949, %sign3A_952 : i32
        %sign3A_954 = arith.constant 0 : i32
        %sign3A_955 = arith.cmpi sgt, %jit3A_945, %sign3A_954 : i32
        %sign3A_956 = arith.extui %sign3A_955 : i1 to i32
        %sign3A_957 = arith.constant 0 : i32
        %sign3A_958 = arith.cmpi slt, %jit3A_945, %sign3A_957 : i32
        %sign3A_959 = arith.extui %sign3A_958 : i1 to i32
        %sign3A_960 = arith.subi %sign3A_956, %sign3A_959 : i32
        %ne3A_961 = arith.cmpi ne, %sign3A_953, %sign3A_960 : i32
        %rem3A_962 = arith.remsi %add3A_944, %jit3A_945 : i32
        %ne3A_963 = arith.constant 0 : i32
        %ne3A_964 = arith.cmpi ne, %rem3A_962, %ne3A_963 : i32
        %and3A_965 = arith.andi %ne3A_961, %ne3A_964 : i1
        %sub3A_966 = arith.constant 1 : i32
        %sub3A_967 = arith.subi %div3A_946, %sub3A_966 : i32
        %select_n3A_968 = arith.select %and3A_965, %sub3A_967, %div3A_946 : i32
        %jit3A_969 = arith.constant 96 : i32
        %eq3A_970 = arith.constant 0 : i32
        %eq3A_971 = arith.cmpi eq, %jit3A_969, %eq3A_970 : i32
        %jit3A_972 = arith.constant 1 : i32
        %select_n3A_973 = arith.select %eq3A_971, %jit3A_972, %jit3A_969 : i32
        %rem3A_974 = arith.remsi %add3A_944, %select_n3A_973 : i32
        %ne3A_975 = arith.constant 0 : i32
        %ne3A_976 = arith.cmpi ne, %rem3A_974, %ne3A_975 : i32
        %lt3A_977 = arith.constant 0 : i32
        %lt3A_978 = arith.cmpi slt, %rem3A_974, %lt3A_977 : i32
        %lt3A_979 = arith.constant 0 : i32
        %lt3A_980 = arith.cmpi slt, %select_n3A_973, %lt3A_979 : i32
        %ne3A_981 = arith.xori %lt3A_978, %lt3A_980 : i1
        %and3A_982 = arith.andi %ne3A_981, %ne3A_976 : i1
        %add3A_983 = arith.addi %rem3A_974, %select_n3A_973 : i32
        %select_n3A_984 = arith.select %and3A_982, %add3A_983, %rem3A_974 : i32
        %mul3A_985 = arith.constant 8 : i32
        %mul3A_986 = arith.muli %select_n3A_984, %mul3A_985 : i32
        %mul3A_987 = arith.constant 768 : i32
        %mul3A_988 = arith.muli %select_n3A_968, %mul3A_987 : i32
        %add3A_989 = arith.addi %mul3A_988, %mul3A_986 : i32
        %mul3A_990 = arith.constant 49 : i32
        %mul3A_991 = arith.muli %add3A_989, %mul3A_990 : i32
        %jit3A_992 = arith.constant 32 : i32
        %div3A_993 = arith.divsi %add3A_989, %jit3A_992 : i32
        %sign3A_994 = arith.constant 0 : i32
        %sign3A_995 = arith.cmpi sgt, %add3A_989, %sign3A_994 : i32
        %sign3A_996 = arith.extui %sign3A_995 : i1 to i32
        %sign3A_997 = arith.constant 0 : i32
        %sign3A_998 = arith.cmpi slt, %add3A_989, %sign3A_997 : i32
        %sign3A_999 = arith.extui %sign3A_998 : i1 to i32
        %sign3A_1000 = arith.subi %sign3A_996, %sign3A_999 : i32
        %sign3A_1001 = arith.constant 0 : i32
        %sign3A_1002 = arith.cmpi sgt, %jit3A_992, %sign3A_1001 : i32
        %sign3A_1003 = arith.extui %sign3A_1002 : i1 to i32
        %sign3A_1004 = arith.constant 0 : i32
        %sign3A_1005 = arith.cmpi slt, %jit3A_992, %sign3A_1004 : i32
        %sign3A_1006 = arith.extui %sign3A_1005 : i1 to i32
        %sign3A_1007 = arith.subi %sign3A_1003, %sign3A_1006 : i32
        %ne3A_1008 = arith.cmpi ne, %sign3A_1000, %sign3A_1007 : i32
        %rem3A_1009 = arith.remsi %add3A_989, %jit3A_992 : i32
        %ne3A_1010 = arith.constant 0 : i32
        %ne3A_1011 = arith.cmpi ne, %rem3A_1009, %ne3A_1010 : i32
        %and3A_1012 = arith.andi %ne3A_1008, %ne3A_1011 : i1
        %sub3A_1013 = arith.constant 1 : i32
        %sub3A_1014 = arith.subi %div3A_993, %sub3A_1013 : i32
        %select_n3A_1015 = arith.select %and3A_1012, %sub3A_1014, %div3A_993 : i32
        %mul3A_1016 = arith.constant 448 : i32
        %mul3A_1017 = arith.muli %select_n3A_1015, %mul3A_1016 : i32
        %jit3A_1018 = arith.constant 32 : i32
        %eq3A_1019 = arith.constant 0 : i32
        %eq3A_1020 = arith.cmpi eq, %jit3A_1018, %eq3A_1019 : i32
        %jit3A_1021 = arith.constant 1 : i32
        %select_n3A_1022 = arith.select %eq3A_1020, %jit3A_1021, %jit3A_1018 : i32
        %rem3A_1023 = arith.remsi %add3A_989, %select_n3A_1022 : i32
        %ne3A_1024 = arith.constant 0 : i32
        %ne3A_1025 = arith.cmpi ne, %rem3A_1023, %ne3A_1024 : i32
        %lt3A_1026 = arith.constant 0 : i32
        %lt3A_1027 = arith.cmpi slt, %rem3A_1023, %lt3A_1026 : i32
        %lt3A_1028 = arith.constant 0 : i32
        %lt3A_1029 = arith.cmpi slt, %select_n3A_1022, %lt3A_1028 : i32
        %ne3A_1030 = arith.xori %lt3A_1027, %lt3A_1029 : i1
        %and3A_1031 = arith.andi %ne3A_1030, %ne3A_1025 : i1
        %add3A_1032 = arith.addi %rem3A_1023, %select_n3A_1022 : i32
        %select_n3A_1033 = arith.select %and3A_1031, %add3A_1032, %rem3A_1023 : i32
        %jit3A_1034 = arith.constant 8 : i32
        %div3A_1035 = arith.divsi %select_n3A_1033, %jit3A_1034 : i32
        %sign3A_1036 = arith.constant 0 : i32
        %sign3A_1037 = arith.cmpi sgt, %select_n3A_1033, %sign3A_1036 : i32
        %sign3A_1038 = arith.extui %sign3A_1037 : i1 to i32
        %sign3A_1039 = arith.constant 0 : i32
        %sign3A_1040 = arith.cmpi slt, %select_n3A_1033, %sign3A_1039 : i32
        %sign3A_1041 = arith.extui %sign3A_1040 : i1 to i32
        %sign3A_1042 = arith.subi %sign3A_1038, %sign3A_1041 : i32
        %sign3A_1043 = arith.constant 0 : i32
        %sign3A_1044 = arith.cmpi sgt, %jit3A_1034, %sign3A_1043 : i32
        %sign3A_1045 = arith.extui %sign3A_1044 : i1 to i32
        %sign3A_1046 = arith.constant 0 : i32
        %sign3A_1047 = arith.cmpi slt, %jit3A_1034, %sign3A_1046 : i32
        %sign3A_1048 = arith.extui %sign3A_1047 : i1 to i32
        %sign3A_1049 = arith.subi %sign3A_1045, %sign3A_1048 : i32
        %ne3A_1050 = arith.cmpi ne, %sign3A_1042, %sign3A_1049 : i32
        %rem3A_1051 = arith.remsi %select_n3A_1033, %jit3A_1034 : i32
        %ne3A_1052 = arith.constant 0 : i32
        %ne3A_1053 = arith.cmpi ne, %rem3A_1051, %ne3A_1052 : i32
        %and3A_1054 = arith.andi %ne3A_1050, %ne3A_1053 : i1
        %sub3A_1055 = arith.constant 1 : i32
        %sub3A_1056 = arith.subi %div3A_1035, %sub3A_1055 : i32
        %select_n3A_1057 = arith.select %and3A_1054, %sub3A_1056, %div3A_1035 : i32
        %mul3A_1058 = arith.constant 32 : i32
        %mul3A_1059 = arith.muli %select_n3A_1057, %mul3A_1058 : i32
        %dma_start3A_1060 = tpu.memref_slice %arg4[%mul3A_991] : memref<301056xf32, #tpu.memory_space<hbm>> -> memref<392xf32, #tpu.memory_space<hbm>>
        %dma_start3A_1061 = tpu.memref_slice %arg4[%mul3A_991] : memref<301056xf32, #tpu.memory_space<hbm>> -> memref<392xf32, #tpu.memory_space<hbm>>
        tpu.enqueue_dma source(%dma_start3A_1061 : memref<392xf32, #tpu.memory_space<hbm>>) target(%arg20 : memref<392xf32, #tpu.memory_space<vmem>>) target_semaphore(%arg24 : memref<!tpu.dma_semaphore, #tpu.memory_space<semaphore_mem>>)
      } else {
      }
      %gt3A_809 = arith.constant 0 : i32
      %gt3A_810 = arith.cmpi sgt, %scan3A_418, %gt3A_809 : i32
      %convert_element_type3A_811 = arith.extui %gt3A_810 : i1 to i32
      %cond3A_812 = arith.constant 0 : i32
      %cond3A_813 = arith.cmpi ne, %convert_element_type3A_811, %cond3A_812 : i32
      scf.if %cond3A_813 {
        %dma_wait3A_940 = arith.constant 0 : i32
        %dma_wait3A_941 = arith.constant 0 : i32
        %dma_wait3A_942 = tpu.memref_slice %arg11[%dma_wait3A_940, %dma_wait3A_941] : memref<86016x128xf32, #tpu.memory_space<hbm>> -> memref<448x32xf32, #tpu.memory_space<hbm>>
        %dma_wait3A_943 = arith.constant 0 : i32
        %dma_wait3A_944 = arith.constant 0 : i32
        %dma_wait3A_945 = tpu.memref_slice %arg11[%dma_wait3A_943, %dma_wait3A_944] : memref<86016x128xf32, #tpu.memory_space<hbm>> -> memref<448x32xf32, #tpu.memory_space<hbm>>
        tpu.wait_dma2 semaphore(%arg27 : memref<!tpu.dma_semaphore, #tpu.memory_space<semaphore_mem>>) src(%dma_wait3A_945 : memref<448x32xf32, #tpu.memory_space<hbm>>) dst(%arg23 : memref<448x32xf32, #tpu.memory_space<vmem>>)
      } else {
      }
      %scan3A_814 = arith.constant 0 : i32
      %scan3A_815 = arith.constant 0 : i32
      %scan3A_816 = arith.constant 25 : i32
      %scan3A_817 = arith.addi %scan3A_815, %scan3A_816 : i32
      %scan3A_818 = arith.constant 1 : i32
      scf.for %scan3A_940 = %scan3A_815 to %scan3A_817 step %scan3A_818  : i32 {
        %mul3A_941 = arith.constant 16 : i32
        %mul3A_942 = arith.muli %scan3A_940, %mul3A_941 : i32
        %add3A_943 = arith.constant 2352 : i32
        %add3A_944 = arith.addi %add3A_943, %mul3A_942 : i32
        %get3A = arith.index_cast %add3A_944 : i32 to index
        %get3A_945 = tpu.vector_load %arg12[%get3A] {strides = array<i32>} : memref<2752xi32, #tpu.memory_space<vmem>>, vector<16xi32>,
        %add3A_946 = arith.constant 2352 : i32
        %add3A_947 = arith.addi %add3A_946, %mul3A_942 : i32
        %get3A_948 = arith.index_cast %add3A_947 : i32 to index
        %get3A_949 = tpu.vector_load %arg13[%get3A_948] {strides = array<i32>} : memref<2752xf32, #tpu.memory_space<vmem>>, vector<16xf32>,
        %add3A_950 = arith.constant 2352 : i32
        %add3A_951 = arith.addi %add3A_950, %mul3A_942 : i32
        %get3A_952 = arith.index_cast %add3A_951 : i32 to index
        %get3A_953 = tpu.vector_load %arg14[%get3A_952] {strides = array<i32>} : memref<2752xi32, #tpu.memory_space<vmem>>, vector<16xi32>,
        %add3A_954 = arith.constant 2352 : i32
        %add3A_955 = arith.addi %add3A_954, %mul3A_942 : i32
        %get3A_956 = arith.index_cast %add3A_955 : i32 to index
        %get3A_957 = tpu.vector_load %arg15[%get3A_956] {strides = array<i32>} : memref<2752xi32, #tpu.memory_space<vmem>>, vector<16xi32>,
        %sub3A_958 = arith.constant 1.000000e+00 : f32
        %sub3A_959 = vector.broadcast %sub3A_958 : f32 to vector<16xf32>
        %sub3A_960 = arith.subf %sub3A_959, %get3A_949 : vector<16xf32>
        %add3A_961 = arith.constant 0 : i32
        %add3A_962 = vector.broadcast %add3A_961 : i32 to vector<16xi32>
        %add3A_963 = arith.addi %get3A_945, %add3A_962 : vector<16xi32>
        %gather3A = tpu.vector_load_idx %arg21[%add3A_963] : memref<392xf32, #tpu.memory_space<vmem>>[vector<16xi32>], vector<16xf32>,
        %mul3A_964 = arith.mulf %gather3A, %sub3A_960 : vector<16xf32>
        %add3A_965 = arith.constant 7 : i32
        %add3A_966 = vector.broadcast %add3A_965 : i32 to vector<16xi32>
        %add3A_967 = arith.addi %add3A_963, %add3A_966 : vector<16xi32>
        %gather3A_968 = tpu.vector_load_idx %arg21[%add3A_967] : memref<392xf32, #tpu.memory_space<vmem>>[vector<16xi32>], vector<16xf32>,
        %mul3A_969 = arith.mulf %gather3A_968, %get3A_949 : vector<16xf32>
        %add3A_970 = arith.addf %mul3A_964, %mul3A_969 : vector<16xf32>
        %add3A_971 = arith.constant 0 : i32
        %add3A_972 = vector.broadcast %add3A_971 : i32 to vector<16xi32>
        %add3A_973 = arith.addi %get3A_953, %add3A_972 : vector<16xi32>
        tpu.vector_store_idx %arg23[%add3A_973, %get3A_957], %add3A_970 : memref<448x32xf32, #tpu.memory_space<vmem>>[vector<16xi32>, vector<16xi32>], vector<16xf32>,
        %add3A_974 = arith.constant 49 : i32
        %add3A_975 = vector.broadcast %add3A_974 : i32 to vector<16xi32>
        %add3A_976 = arith.addi %get3A_945, %add3A_975 : vector<16xi32>
        %gather3A_977 = tpu.vector_load_idx %arg21[%add3A_976] : memref<392xf32, #tpu.memory_space<vmem>>[vector<16xi32>], vector<16xf32>,
        %mul3A_978 = arith.mulf %gather3A_977, %sub3A_960 : vector<16xf32>
        %add3A_979 = arith.constant 7 : i32
        %add3A_980 = vector.broadcast %add3A_979 : i32 to vector<16xi32>
        %add3A_981 = arith.addi %add3A_976, %add3A_980 : vector<16xi32>
        %gather3A_982 = tpu.vector_load_idx %arg21[%add3A_981] : memref<392xf32, #tpu.memory_space<vmem>>[vector<16xi32>], vector<16xf32>,
        %mul3A_983 = arith.mulf %gather3A_982, %get3A_949 : vector<16xf32>
        %add3A_984 = arith.addf %mul3A_978, %mul3A_983 : vector<16xf32>
        %add3A_985 = arith.constant 56 : i32
        %add3A_986 = vector.broadcast %add3A_985 : i32 to vector<16xi32>
        %add3A_987 = arith.addi %get3A_953, %add3A_986 : vector<16xi32>
        tpu.vector_store_idx %arg23[%add3A_987, %get3A_957], %add3A_984 : memref<448x32xf32, #tpu.memory_space<vmem>>[vector<16xi32>, vector<16xi32>], vector<16xf32>,
        %add3A_988 = arith.constant 98 : i32
        %add3A_989 = vector.broadcast %add3A_988 : i32 to vector<16xi32>
        %add3A_990 = arith.addi %get3A_945, %add3A_989 : vector<16xi32>
        %gather3A_991 = tpu.vector_load_idx %arg21[%add3A_990] : memref<392xf32, #tpu.memory_space<vmem>>[vector<16xi32>], vector<16xf32>,
        %mul3A_992 = arith.mulf %gather3A_991, %sub3A_960 : vector<16xf32>
        %add3A_993 = arith.constant 7 : i32
        %add3A_994 = vector.broadcast %add3A_993 : i32 to vector<16xi32>
        %add3A_995 = arith.addi %add3A_990, %add3A_994 : vector<16xi32>
        %gather3A_996 = tpu.vector_load_idx %arg21[%add3A_995] : memref<392xf32, #tpu.memory_space<vmem>>[vector<16xi32>], vector<16xf32>,
        %mul3A_997 = arith.mulf %gather3A_996, %get3A_949 : vector<16xf32>
        %add3A_998 = arith.addf %mul3A_992, %mul3A_997 : vector<16xf32>
        %add3A_999 = arith.constant 112 : i32
        %add3A_1000 = vector.broadcast %add3A_999 : i32 to vector<16xi32>
        %add3A_1001 = arith.addi %get3A_953, %add3A_1000 : vector<16xi32>
        tpu.vector_store_idx %arg23[%add3A_1001, %get3A_957], %add3A_998 : memref<448x32xf32, #tpu.memory_space<vmem>>[vector<16xi32>, vector<16xi32>], vector<16xf32>,
        %add3A_1002 = arith.constant 147 : i32
        %add3A_1003 = vector.broadcast %add3A_1002 : i32 to vector<16xi32>
        %add3A_1004 = arith.addi %get3A_945, %add3A_1003 : vector<16xi32>
        %gather3A_1005 = tpu.vector_load_idx %arg21[%add3A_1004] : memref<392xf32, #tpu.memory_space<vmem>>[vector<16xi32>], vector<16xf32>,
        %mul3A_1006 = arith.mulf %gather3A_1005, %sub3A_960 : vector<16xf32>
        %add3A_1007 = arith.constant 7 : i32
        %add3A_1008 = vector.broadcast %add3A_1007 : i32 to vector<16xi32>
        %add3A_1009 = arith.addi %add3A_1004, %add3A_1008 : vector<16xi32>
        %gather3A_1010 = tpu.vector_load_idx %arg21[%add3A_1009] : memref<392xf32, #tpu.memory_space<vmem>>[vector<16xi32>], vector<16xf32>,
        %mul3A_1011 = arith.mulf %gather3A_1010, %get3A_949 : vector<16xf32>
        %add3A_1012 = arith.addf %mul3A_1006, %mul3A_1011 : vector<16xf32>
        %add3A_1013 = arith.constant 168 : i32
        %add3A_1014 = vector.broadcast %add3A_1013 : i32 to vector<16xi32>
        %add3A_1015 = arith.addi %get3A_953, %add3A_1014 : vector<16xi32>
        tpu.vector_store_idx %arg23[%add3A_1015, %get3A_957], %add3A_1012 : memref<448x32xf32, #tpu.memory_space<vmem>>[vector<16xi32>, vector<16xi32>], vector<16xf32>,
        %add3A_1016 = arith.constant 196 : i32
        %add3A_1017 = vector.broadcast %add3A_1016 : i32 to vector<16xi32>
        %add3A_1018 = arith.addi %get3A_945, %add3A_1017 : vector<16xi32>
        %gather3A_1019 = tpu.vector_load_idx %arg21[%add3A_1018] : memref<392xf32, #tpu.memory_space<vmem>>[vector<16xi32>], vector<16xf32>,
        %mul3A_1020 = arith.mulf %gather3A_1019, %sub3A_960 : vector<16xf32>
        %add3A_1021 = arith.constant 7 : i32
        %add3A_1022 = vector.broadcast %add3A_1021 : i32 to vector<16xi32>
        %add3A_1023 = arith.addi %add3A_1018, %add3A_1022 : vector<16xi32>
        %gather3A_1024 = tpu.vector_load_idx %arg21[%add3A_1023] : memref<392xf32, #tpu.memory_space<vmem>>[vector<16xi32>], vector<16xf32>,
        %mul3A_1025 = arith.mulf %gather3A_1024, %get3A_949 : vector<16xf32>
        %add3A_1026 = arith.addf %mul3A_1020, %mul3A_1025 : vector<16xf32>
        %add3A_1027 = arith.constant 224 : i32
        %add3A_1028 = vector.broadcast %add3A_1027 : i32 to vector<16xi32>
        %add3A_1029 = arith.addi %get3A_953, %add3A_1028 : vector<16xi32>
        tpu.vector_store_idx %arg23[%add3A_1029, %get3A_957], %add3A_1026 : memref<448x32xf32, #tpu.memory_space<vmem>>[vector<16xi32>, vector<16xi32>], vector<16xf32>,
        %add3A_1030 = arith.constant 245 : i32
        %add3A_1031 = vector.broadcast %add3A_1030 : i32 to vector<16xi32>
        %add3A_1032 = arith.addi %get3A_945, %add3A_1031 : vector<16xi32>
        %gather3A_1033 = tpu.vector_load_idx %arg21[%add3A_1032] : memref<392xf32, #tpu.memory_space<vmem>>[vector<16xi32>], vector<16xf32>,
        %mul3A_1034 = arith.mulf %gather3A_1033, %sub3A_960 : vector<16xf32>
        %add3A_1035 = arith.constant 7 : i32
        %add3A_1036 = vector.broadcast %add3A_1035 : i32 to vector<16xi32>
        %add3A_1037 = arith.addi %add3A_1032, %add3A_1036 : vector<16xi32>
        %gather3A_1038 = tpu.vector_load_idx %arg21[%add3A_1037] : memref<392xf32, #tpu.memory_space<vmem>>[vector<16xi32>], vector<16xf32>,
        %mul3A_1039 = arith.mulf %gather3A_1038, %get3A_949 : vector<16xf32>
        %add3A_1040 = arith.addf %mul3A_1034, %mul3A_1039 : vector<16xf32>
        %add3A_1041 = arith.constant 280 : i32
        %add3A_1042 = vector.broadcast %add3A_1041 : i32 to vector<16xi32>
        %add3A_1043 = arith.addi %get3A_953, %add3A_1042 : vector<16xi32>
        tpu.vector_store_idx %arg23[%add3A_1043, %get3A_957], %add3A_1040 : memref<448x32xf32, #tpu.memory_space<vmem>>[vector<16xi32>, vector<16xi32>], vector<16xf32>,
        %add3A_1044 = arith.constant 294 : i32
        %add3A_1045 = vector.broadcast %add3A_1044 : i32 to vector<16xi32>
        %add3A_1046 = arith.addi %get3A_945, %add3A_1045 : vector<16xi32>
        %gather3A_1047 = tpu.vector_load_idx %arg21[%add3A_1046] : memref<392xf32, #tpu.memory_space<vmem>>[vector<16xi32>], vector<16xf32>,
        %mul3A_1048 = arith.mulf %gather3A_1047, %sub3A_960 : vector<16xf32>
        %add3A_1049 = arith.constant 7 : i32
        %add3A_1050 = vector.broadcast %add3A_1049 : i32 to vector<16xi32>
        %add3A_1051 = arith.addi %add3A_1046, %add3A_1050 : vector<16xi32>
        %gather3A_1052 = tpu.vector_load_idx %arg21[%add3A_1051] : memref<392xf32, #tpu.memory_space<vmem>>[vector<16xi32>], vector<16xf32>,
        %mul3A_1053 = arith.mulf %gather3A_1052, %get3A_949 : vector<16xf32>
        %add3A_1054 = arith.addf %mul3A_1048, %mul3A_1053 : vector<16xf32>
        %add3A_1055 = arith.constant 336 : i32
        %add3A_1056 = vector.broadcast %add3A_1055 : i32 to vector<16xi32>
        %add3A_1057 = arith.addi %get3A_953, %add3A_1056 : vector<16xi32>
        tpu.vector_store_idx %arg23[%add3A_1057, %get3A_957], %add3A_1054 : memref<448x32xf32, #tpu.memory_space<vmem>>[vector<16xi32>, vector<16xi32>], vector<16xf32>,
        %add3A_1058 = arith.constant 343 : i32
        %add3A_1059 = vector.broadcast %add3A_1058 : i32 to vector<16xi32>
        %add3A_1060 = arith.addi %get3A_945, %add3A_1059 : vector<16xi32>
        %gather3A_1061 = tpu.vector_load_idx %arg21[%add3A_1060] : memref<392xf32, #tpu.memory_space<vmem>>[vector<16xi32>], vector<16xf32>,
        %mul3A_1062 = arith.mulf %gather3A_1061, %sub3A_960 : vector<16xf32>
        %add3A_1063 = arith.constant 7 : i32
        %add3A_1064 = vector.broadcast %add3A_1063 : i32 to vector<16xi32>
        %add3A_1065 = arith.addi %add3A_1060, %add3A_1064 : vector<16xi32>
        %gather3A_1066 = tpu.vector_load_idx %arg21[%add3A_1065] : memref<392xf32, #tpu.memory_space<vmem>>[vector<16xi32>], vector<16xf32>,
        %mul3A_1067 = arith.mulf %gather3A_1066, %get3A_949 : vector<16xf32>
        %add3A_1068 = arith.addf %mul3A_1062, %mul3A_1067 : vector<16xf32>
        %add3A_1069 = arith.constant 392 : i32
        %add3A_1070 = vector.broadcast %add3A_1069 : i32 to vector<16xi32>
        %add3A_1071 = arith.addi %get3A_953, %add3A_1070 : vector<16xi32>
        tpu.vector_store_idx %arg23[%add3A_1071, %get3A_957], %add3A_1068 : memref<448x32xf32, #tpu.memory_space<vmem>>[vector<16xi32>, vector<16xi32>], vector<16xf32>,
      }
      %scan3A_819 = arith.constant 25 : i32
      %mul3A_820 = arith.constant 24 : i32
      %mul3A_821 = arith.muli %add3A, %mul3A_820 : i32
      %add3A_822 = arith.addi %mul3A_821, %add3A_681 : i32
      %jit3A_823 = arith.constant 96 : i32
      %div3A_824 = arith.divsi %add3A_822, %jit3A_823 : i32
      %sign3A_825 = arith.constant 0 : i32
      %sign3A_826 = arith.cmpi sgt, %add3A_822, %sign3A_825 : i32
      %sign3A_827 = arith.extui %sign3A_826 : i1 to i32
      %sign3A_828 = arith.constant 0 : i32
      %sign3A_829 = arith.cmpi slt, %add3A_822, %sign3A_828 : i32
      %sign3A_830 = arith.extui %sign3A_829 : i1 to i32
      %sign3A_831 = arith.subi %sign3A_827, %sign3A_830 : i32
      %sign3A_832 = arith.constant 0 : i32
      %sign3A_833 = arith.cmpi sgt, %jit3A_823, %sign3A_832 : i32
      %sign3A_834 = arith.extui %sign3A_833 : i1 to i32
      %sign3A_835 = arith.constant 0 : i32
      %sign3A_836 = arith.cmpi slt, %jit3A_823, %sign3A_835 : i32
      %sign3A_837 = arith.extui %sign3A_836 : i1 to i32
      %sign3A_838 = arith.subi %sign3A_834, %sign3A_837 : i32
      %ne3A_839 = arith.cmpi ne, %sign3A_831, %sign3A_838 : i32
      %rem3A_840 = arith.remsi %add3A_822, %jit3A_823 : i32
      %ne3A_841 = arith.constant 0 : i32
      %ne3A_842 = arith.cmpi ne, %rem3A_840, %ne3A_841 : i32
      %and3A_843 = arith.andi %ne3A_839, %ne3A_842 : i1
      %sub3A_844 = arith.constant 1 : i32
      %sub3A_845 = arith.subi %div3A_824, %sub3A_844 : i32
      %select_n3A_846 = arith.select %and3A_843, %sub3A_845, %div3A_824 : i32
      %jit3A_847 = arith.constant 96 : i32
      %eq3A_848 = arith.constant 0 : i32
      %eq3A_849 = arith.cmpi eq, %jit3A_847, %eq3A_848 : i32
      %jit3A_850 = arith.constant 1 : i32
      %select_n3A_851 = arith.select %eq3A_849, %jit3A_850, %jit3A_847 : i32
      %rem3A_852 = arith.remsi %add3A_822, %select_n3A_851 : i32
      %ne3A_853 = arith.constant 0 : i32
      %ne3A_854 = arith.cmpi ne, %rem3A_852, %ne3A_853 : i32
      %lt3A_855 = arith.constant 0 : i32
      %lt3A_856 = arith.cmpi slt, %rem3A_852, %lt3A_855 : i32
      %lt3A_857 = arith.constant 0 : i32
      %lt3A_858 = arith.cmpi slt, %select_n3A_851, %lt3A_857 : i32
      %ne3A_859 = arith.xori %lt3A_856, %lt3A_858 : i1
      %and3A_860 = arith.andi %ne3A_859, %ne3A_854 : i1
      %add3A_861 = arith.addi %rem3A_852, %select_n3A_851 : i32
      %select_n3A_862 = arith.select %and3A_860, %add3A_861, %rem3A_852 : i32
      %mul3A_863 = arith.constant 8 : i32
      %mul3A_864 = arith.muli %select_n3A_862, %mul3A_863 : i32
      %mul3A_865 = arith.constant 768 : i32
      %mul3A_866 = arith.muli %select_n3A_846, %mul3A_865 : i32
      %add3A_867 = arith.addi %mul3A_866, %mul3A_864 : i32
      %mul3A_868 = arith.constant 49 : i32
      %mul3A_869 = arith.muli %add3A_867, %mul3A_868 : i32
      %jit3A_870 = arith.constant 32 : i32
      %div3A_871 = arith.divsi %add3A_867, %jit3A_870 : i32
      %sign3A_872 = arith.constant 0 : i32
      %sign3A_873 = arith.cmpi sgt, %add3A_867, %sign3A_872 : i32
      %sign3A_874 = arith.extui %sign3A_873 : i1 to i32
      %sign3A_875 = arith.constant 0 : i32
      %sign3A_876 = arith.cmpi slt, %add3A_867, %sign3A_875 : i32
      %sign3A_877 = arith.extui %sign3A_876 : i1 to i32
      %sign3A_878 = arith.subi %sign3A_874, %sign3A_877 : i32
      %sign3A_879 = arith.constant 0 : i32
      %sign3A_880 = arith.cmpi sgt, %jit3A_870, %sign3A_879 : i32
      %sign3A_881 = arith.extui %sign3A_880 : i1 to i32
      %sign3A_882 = arith.constant 0 : i32
      %sign3A_883 = arith.cmpi slt, %jit3A_870, %sign3A_882 : i32
      %sign3A_884 = arith.extui %sign3A_883 : i1 to i32
      %sign3A_885 = arith.subi %sign3A_881, %sign3A_884 : i32
      %ne3A_886 = arith.cmpi ne, %sign3A_878, %sign3A_885 : i32
      %rem3A_887 = arith.remsi %add3A_867, %jit3A_870 : i32
      %ne3A_888 = arith.constant 0 : i32
      %ne3A_889 = arith.cmpi ne, %rem3A_887, %ne3A_888 : i32
      %and3A_890 = arith.andi %ne3A_886, %ne3A_889 : i1
      %sub3A_891 = arith.constant 1 : i32
      %sub3A_892 = arith.subi %div3A_871, %sub3A_891 : i32
      %select_n3A_893 = arith.select %and3A_890, %sub3A_892, %div3A_871 : i32
      %mul3A_894 = arith.constant 448 : i32
      %mul3A_895 = arith.muli %select_n3A_893, %mul3A_894 : i32
      %jit3A_896 = arith.constant 32 : i32
      %eq3A_897 = arith.constant 0 : i32
      %eq3A_898 = arith.cmpi eq, %jit3A_896, %eq3A_897 : i32
      %jit3A_899 = arith.constant 1 : i32
      %select_n3A_900 = arith.select %eq3A_898, %jit3A_899, %jit3A_896 : i32
      %rem3A_901 = arith.remsi %add3A_867, %select_n3A_900 : i32
      %ne3A_902 = arith.constant 0 : i32
      %ne3A_903 = arith.cmpi ne, %rem3A_901, %ne3A_902 : i32
      %lt3A_904 = arith.constant 0 : i32
      %lt3A_905 = arith.cmpi slt, %rem3A_901, %lt3A_904 : i32
      %lt3A_906 = arith.constant 0 : i32
      %lt3A_907 = arith.cmpi slt, %select_n3A_900, %lt3A_906 : i32
      %ne3A_908 = arith.xori %lt3A_905, %lt3A_907 : i1
      %and3A_909 = arith.andi %ne3A_908, %ne3A_903 : i1
      %add3A_910 = arith.addi %rem3A_901, %select_n3A_900 : i32
      %select_n3A_911 = arith.select %and3A_909, %add3A_910, %rem3A_901 : i32
      %jit3A_912 = arith.constant 8 : i32
      %div3A_913 = arith.divsi %select_n3A_911, %jit3A_912 : i32
      %sign3A_914 = arith.constant 0 : i32
      %sign3A_915 = arith.cmpi sgt, %select_n3A_911, %sign3A_914 : i32
      %sign3A_916 = arith.extui %sign3A_915 : i1 to i32
      %sign3A_917 = arith.constant 0 : i32
      %sign3A_918 = arith.cmpi slt, %select_n3A_911, %sign3A_917 : i32
      %sign3A_919 = arith.extui %sign3A_918 : i1 to i32
      %sign3A_920 = arith.subi %sign3A_916, %sign3A_919 : i32
      %sign3A_921 = arith.constant 0 : i32
      %sign3A_922 = arith.cmpi sgt, %jit3A_912, %sign3A_921 : i32
      %sign3A_923 = arith.extui %sign3A_922 : i1 to i32
      %sign3A_924 = arith.constant 0 : i32
      %sign3A_925 = arith.cmpi slt, %jit3A_912, %sign3A_924 : i32
      %sign3A_926 = arith.extui %sign3A_925 : i1 to i32
      %sign3A_927 = arith.subi %sign3A_923, %sign3A_926 : i32
      %ne3A_928 = arith.cmpi ne, %sign3A_920, %sign3A_927 : i32
      %rem3A_929 = arith.remsi %select_n3A_911, %jit3A_912 : i32
      %ne3A_930 = arith.constant 0 : i32
      %ne3A_931 = arith.cmpi ne, %rem3A_929, %ne3A_930 : i32
      %and3A_932 = arith.andi %ne3A_928, %ne3A_931 : i1
      %sub3A_933 = arith.constant 1 : i32
      %sub3A_934 = arith.subi %div3A_913, %sub3A_933 : i32
      %select_n3A_935 = arith.select %and3A_932, %sub3A_934, %div3A_913 : i32
      %mul3A_936 = arith.constant 32 : i32
      %mul3A_937 = arith.muli %select_n3A_935, %mul3A_936 : i32
      %dma_start3A_938 = tpu.memref_slice %arg11[%mul3A_895, %mul3A_937] : memref<86016x128xf32, #tpu.memory_space<hbm>> -> memref<448x32xf32, #tpu.memory_space<hbm>>
      %dma_start3A_939 = tpu.memref_slice %arg11[%mul3A_895, %mul3A_937] : memref<86016x128xf32, #tpu.memory_space<hbm>> -> memref<448x32xf32, #tpu.memory_space<hbm>>
      tpu.enqueue_dma source(%arg23 : memref<448x32xf32, #tpu.memory_space<vmem>>) target(%dma_start3A_939 : memref<448x32xf32, #tpu.memory_space<hbm>>) target_semaphore(%arg27 : memref<!tpu.dma_semaphore, #tpu.memory_space<semaphore_mem>>)
    }
    %scan3A_405 = arith.constant 12 : i32
    %dma_wait3A_406 = arith.constant 0 : i32
    %dma_wait3A_407 = arith.constant 0 : i32
    %dma_wait3A_408 = tpu.memref_slice %arg11[%dma_wait3A_406, %dma_wait3A_407] : memref<86016x128xf32, #tpu.memory_space<hbm>> -> memref<448x32xf32, #tpu.memory_space<hbm>>
    %dma_wait3A_409 = arith.constant 0 : i32
    %dma_wait3A_410 = arith.constant 0 : i32
    %dma_wait3A_411 = tpu.memref_slice %arg11[%dma_wait3A_409, %dma_wait3A_410] : memref<86016x128xf32, #tpu.memory_space<hbm>> -> memref<448x32xf32, #tpu.memory_space<hbm>>
    tpu.wait_dma2 semaphore(%arg26 : memref<!tpu.dma_semaphore, #tpu.memory_space<semaphore_mem>>) src(%dma_wait3A_411 : memref<448x32xf32, #tpu.memory_space<hbm>>) dst(%arg22 : memref<448x32xf32, #tpu.memory_space<vmem>>)
    %dma_wait3A_412 = arith.constant 0 : i32
    %dma_wait3A_413 = arith.constant 0 : i32
    %dma_wait3A_414 = tpu.memref_slice %arg11[%dma_wait3A_412, %dma_wait3A_413] : memref<86016x128xf32, #tpu.memory_space<hbm>> -> memref<448x32xf32, #tpu.memory_space<hbm>>
    %dma_wait3A_415 = arith.constant 0 : i32
    %dma_wait3A_416 = arith.constant 0 : i32
    %dma_wait3A_417 = tpu.memref_slice %arg11[%dma_wait3A_415, %dma_wait3A_416] : memref<86016x128xf32, #tpu.memory_space<hbm>> -> memref<448x32xf32, #tpu.memory_space<hbm>>
    tpu.wait_dma2 semaphore(%arg27 : memref<!tpu.dma_semaphore, #tpu.memory_space<semaphore_mem>>) src(%dma_wait3A_417 : memref<448x32xf32, #tpu.memory_space<hbm>>) dst(%arg23 : memref<448x32xf32, #tpu.memory_space<vmem>>)
    return
  }
}

module attributes {stable_mosaic.version = 14 : i64} {
  func.func @_tc_body(%arg0: i32, %arg1: i32, %arg2: memref<4x128x56xf32, #tpu.memory_space<vmem>>, %arg3: memref<4x128x56xf32, #tpu.memory_space<vmem>>, %arg4: memref<4x128x56xf32, #tpu.memory_space<vmem>>, %arg5: memref<1x32x56x56xf32, #tpu.memory_space<vmem>>, %arg6: memref<448x128xf32, #tpu.memory_space<vmem>>, %arg7: memref<448x128xf32, #tpu.memory_space<vmem>>, %arg8: memref<448x128xf32, #tpu.memory_space<vmem>>, %arg9: memref<1x32x56x56xf32, #tpu.memory_space<vmem>>) attributes {dimension_semantics = [#tpu.dimension_semantics<arbitrary>, #tpu.dimension_semantics<arbitrary>], iteration_bounds = array<i64: 8, 45>, scalar_prefetch = 0 : i64, scratch_operands = 0 : i64, tpu.core_type = #tpu.core_type<tc>, window_params = [{pipeline_mode = #tpu.pipeline_mode<synchronous>, transform_indices = @transform_0, window_bounds = array<i64: 4, 128, 56>}, {pipeline_mode = #tpu.pipeline_mode<synchronous>, transform_indices = @transform_1, window_bounds = array<i64: 4, 128, 56>}, {pipeline_mode = #tpu.pipeline_mode<synchronous>, transform_indices = @transform_2, window_bounds = array<i64: 4, 128, 56>}, {transform_indices = @transform_3, window_bounds = array<i64: 1, 32, 56, 56>}, {transform_indices = @transform_4, window_bounds = array<i64: 448, 128>}, {transform_indices = @transform_5, window_bounds = array<i64: 448, 128>}, {transform_indices = @transform_6, window_bounds = array<i64: 448, 128>}, {transform_indices = @transform_7, window_bounds = array<i64: 1, 32, 56, 56>}]} {
    %lt3A = arith.constant 3 : i32
    %lt3A_0 = arith.cmpi slt, %arg1, %lt3A : i32
    %convert_element_type3A = arith.extui %lt3A_0 : i1 to i32
    %cond3A = arith.constant 0 : i32
    %cond3A_1 = arith.cmpi ne, %convert_element_type3A, %cond3A : i32
    scf.if %cond3A_1 {
      %get3A = arith.constant 0 : index
      %get3A_21 = arith.constant 0 : index
      %get3A_22 = arith.constant 0 : index
      %get3A_23 = arith.constant 0 : index
      %get3A_24 = vector.load %arg5[%get3A, %get3A_21, %get3A_22, %get3A_23] : memref<1x32x56x56xf32, #tpu.memory_space<vmem>>, vector<1x32x56x56xf32>
      %swap3A = arith.constant 0 : index
      %swap3A_25 = arith.constant 0 : index
      %swap3A_26 = arith.constant 0 : index
      %swap3A_27 = arith.constant 0 : index
      %swap3A_28 = vector.load %arg9[%swap3A, %swap3A_25, %swap3A_26, %swap3A_27] : memref<1x32x56x56xf32, #tpu.memory_space<vmem>>, vector<1x32x56x56xf32>
      tpu.vector_store %arg9[%swap3A, %swap3A_25, %swap3A_26, %swap3A_27], %get3A_24 {strides = array<i32>} : memref<1x32x56x56xf32, #tpu.memory_space<vmem>>, vector<1x32x56x56xf32>,
    } else {
    }
    %ge3A = arith.constant 3 : i32
    %ge3A_2 = arith.cmpi sge, %arg1, %ge3A : i32
    %lt3A_3 = arith.constant 9 : i32
    %lt3A_4 = arith.cmpi slt, %arg1, %lt3A_3 : i32
    %and3A = arith.andi %ge3A_2, %lt3A_4 : i1
    %convert_element_type3A_5 = arith.extui %and3A : i1 to i32
    %cond3A_6 = arith.constant 0 : i32
    %cond3A_7 = arith.cmpi ne, %convert_element_type3A_5, %cond3A_6 : i32
    scf.if %cond3A_7 {
      %get3A = arith.constant 0 : index
      %get3A_21 = arith.constant 0 : index
      %get3A_22 = vector.load %arg6[%get3A, %get3A_21] : memref<448x128xf32, #tpu.memory_space<vmem>>, vector<448x128xf32>
      %get3A_23 = arith.constant 0 : index
      %get3A_24 = arith.constant 0 : index
      %get3A_25 = arith.constant 0 : index
      %get3A_26 = vector.load %arg2[%get3A_23, %get3A_24, %get3A_25] : memref<4x128x56xf32, #tpu.memory_space<vmem>>, vector<1x128x56xf32>
      %get3A_27 = vector.shape_cast %get3A_26 : vector<1x128x56xf32> to vector<128x56xf32>
      %dot_general3A = arith.constant dense<0.000000e+00> : vector<448x56xf32>
      %dot_general3A_28 = tpu.matmul %get3A_22, %get3A_27, %dot_general3A {dimension_numbers = #tpu.dot_dimension_numbers<[1], [0], [0], [1], [0, 0, 1, 1], [], []>, transpose_lhs_hint = false} : vector<448x128xf32>, vector<128x56xf32>, vector<448x56xf32> -> vector<448x56xf32>
      %reshape3A = vector.shape_cast %dot_general3A_28 : vector<448x56xf32> to vector<1x8x56x56xf32>
      %swap3A = arith.constant 0 : index
      %swap3A_29 = arith.constant 0 : index
      %swap3A_30 = arith.constant 0 : index
      %swap3A_31 = arith.constant 0 : index
      %swap3A_32 = vector.load %arg9[%swap3A, %swap3A_29, %swap3A_30, %swap3A_31] : memref<1x32x56x56xf32, #tpu.memory_space<vmem>>, vector<1x8x56x56xf32>
      tpu.vector_store %arg9[%swap3A, %swap3A_29, %swap3A_30, %swap3A_31], %reshape3A {strides = array<i32>} : memref<1x32x56x56xf32, #tpu.memory_space<vmem>>, vector<1x8x56x56xf32>,
      %get3A_33 = arith.constant 1 : index
      %get3A_34 = arith.constant 0 : index
      %get3A_35 = arith.constant 0 : index
      %get3A_36 = vector.load %arg2[%get3A_33, %get3A_34, %get3A_35] : memref<4x128x56xf32, #tpu.memory_space<vmem>>, vector<1x128x56xf32>
      %get3A_37 = vector.shape_cast %get3A_36 : vector<1x128x56xf32> to vector<128x56xf32>
      %dot_general3A_38 = arith.constant dense<0.000000e+00> : vector<448x56xf32>
      %dot_general3A_39 = tpu.matmul %get3A_22, %get3A_37, %dot_general3A_38 {dimension_numbers = #tpu.dot_dimension_numbers<[1], [0], [0], [1], [0, 0, 1, 1], [], []>, transpose_lhs_hint = false} : vector<448x128xf32>, vector<128x56xf32>, vector<448x56xf32> -> vector<448x56xf32>
      %reshape3A_40 = vector.shape_cast %dot_general3A_39 : vector<448x56xf32> to vector<1x8x56x56xf32>
      %swap3A_41 = arith.constant 0 : index
      %swap3A_42 = arith.constant 8 : index
      %swap3A_43 = arith.constant 0 : index
      %swap3A_44 = arith.constant 0 : index
      %swap3A_45 = vector.load %arg9[%swap3A_41, %swap3A_42, %swap3A_43, %swap3A_44] : memref<1x32x56x56xf32, #tpu.memory_space<vmem>>, vector<1x8x56x56xf32>
      tpu.vector_store %arg9[%swap3A_41, %swap3A_42, %swap3A_43, %swap3A_44], %reshape3A_40 {strides = array<i32>} : memref<1x32x56x56xf32, #tpu.memory_space<vmem>>, vector<1x8x56x56xf32>,
      %get3A_46 = arith.constant 2 : index
      %get3A_47 = arith.constant 0 : index
      %get3A_48 = arith.constant 0 : index
      %get3A_49 = vector.load %arg2[%get3A_46, %get3A_47, %get3A_48] : memref<4x128x56xf32, #tpu.memory_space<vmem>>, vector<1x128x56xf32>
      %get3A_50 = vector.shape_cast %get3A_49 : vector<1x128x56xf32> to vector<128x56xf32>
      %dot_general3A_51 = arith.constant dense<0.000000e+00> : vector<448x56xf32>
      %dot_general3A_52 = tpu.matmul %get3A_22, %get3A_50, %dot_general3A_51 {dimension_numbers = #tpu.dot_dimension_numbers<[1], [0], [0], [1], [0, 0, 1, 1], [], []>, transpose_lhs_hint = false} : vector<448x128xf32>, vector<128x56xf32>, vector<448x56xf32> -> vector<448x56xf32>
      %reshape3A_53 = vector.shape_cast %dot_general3A_52 : vector<448x56xf32> to vector<1x8x56x56xf32>
      %swap3A_54 = arith.constant 0 : index
      %swap3A_55 = arith.constant 16 : index
      %swap3A_56 = arith.constant 0 : index
      %swap3A_57 = arith.constant 0 : index
      %swap3A_58 = vector.load %arg9[%swap3A_54, %swap3A_55, %swap3A_56, %swap3A_57] : memref<1x32x56x56xf32, #tpu.memory_space<vmem>>, vector<1x8x56x56xf32>
      tpu.vector_store %arg9[%swap3A_54, %swap3A_55, %swap3A_56, %swap3A_57], %reshape3A_53 {strides = array<i32>} : memref<1x32x56x56xf32, #tpu.memory_space<vmem>>, vector<1x8x56x56xf32>,
      %get3A_59 = arith.constant 3 : index
      %get3A_60 = arith.constant 0 : index
      %get3A_61 = arith.constant 0 : index
      %get3A_62 = vector.load %arg2[%get3A_59, %get3A_60, %get3A_61] : memref<4x128x56xf32, #tpu.memory_space<vmem>>, vector<1x128x56xf32>
      %get3A_63 = vector.shape_cast %get3A_62 : vector<1x128x56xf32> to vector<128x56xf32>
      %dot_general3A_64 = arith.constant dense<0.000000e+00> : vector<448x56xf32>
      %dot_general3A_65 = tpu.matmul %get3A_22, %get3A_63, %dot_general3A_64 {dimension_numbers = #tpu.dot_dimension_numbers<[1], [0], [0], [1], [0, 0, 1, 1], [], []>, transpose_lhs_hint = false} : vector<448x128xf32>, vector<128x56xf32>, vector<448x56xf32> -> vector<448x56xf32>
      %reshape3A_66 = vector.shape_cast %dot_general3A_65 : vector<448x56xf32> to vector<1x8x56x56xf32>
      %swap3A_67 = arith.constant 0 : index
      %swap3A_68 = arith.constant 24 : index
      %swap3A_69 = arith.constant 0 : index
      %swap3A_70 = arith.constant 0 : index
      %swap3A_71 = vector.load %arg9[%swap3A_67, %swap3A_68, %swap3A_69, %swap3A_70] : memref<1x32x56x56xf32, #tpu.memory_space<vmem>>, vector<1x8x56x56xf32>
      tpu.vector_store %arg9[%swap3A_67, %swap3A_68, %swap3A_69, %swap3A_70], %reshape3A_66 {strides = array<i32>} : memref<1x32x56x56xf32, #tpu.memory_space<vmem>>, vector<1x8x56x56xf32>,
    } else {
    }
    %ge3A_8 = arith.constant 9 : i32
    %ge3A_9 = arith.cmpi sge, %arg1, %ge3A_8 : i32
    %lt3A_10 = arith.constant 21 : i32
    %lt3A_11 = arith.cmpi slt, %arg1, %lt3A_10 : i32
    %and3A_12 = arith.andi %ge3A_9, %lt3A_11 : i1
    %convert_element_type3A_13 = arith.extui %and3A_12 : i1 to i32
    %cond3A_14 = arith.constant 0 : i32
    %cond3A_15 = arith.cmpi ne, %convert_element_type3A_13, %cond3A_14 : i32
    scf.if %cond3A_15 {
      %get3A = arith.constant 0 : index
      %get3A_21 = arith.constant 0 : index
      %get3A_22 = vector.load %arg7[%get3A, %get3A_21] : memref<448x128xf32, #tpu.memory_space<vmem>>, vector<448x128xf32>
      %get3A_23 = arith.constant 0 : index
      %get3A_24 = arith.constant 0 : index
      %get3A_25 = arith.constant 0 : index
      %get3A_26 = vector.load %arg3[%get3A_23, %get3A_24, %get3A_25] : memref<4x128x56xf32, #tpu.memory_space<vmem>>, vector<1x128x56xf32>
      %get3A_27 = vector.shape_cast %get3A_26 : vector<1x128x56xf32> to vector<128x56xf32>
      %dot_general3A = arith.constant dense<0.000000e+00> : vector<448x56xf32>
      %dot_general3A_28 = tpu.matmul %get3A_22, %get3A_27, %dot_general3A {dimension_numbers = #tpu.dot_dimension_numbers<[1], [0], [0], [1], [0, 0, 1, 1], [], []>, transpose_lhs_hint = false} : vector<448x128xf32>, vector<128x56xf32>, vector<448x56xf32> -> vector<448x56xf32>
      %reshape3A = vector.shape_cast %dot_general3A_28 : vector<448x56xf32> to vector<1x8x56x56xf32>
      %swap3A = arith.constant 0 : index
      %swap3A_29 = arith.constant 0 : index
      %swap3A_30 = arith.constant 0 : index
      %swap3A_31 = arith.constant 0 : index
      %swap3A_32 = vector.load %arg9[%swap3A, %swap3A_29, %swap3A_30, %swap3A_31] : memref<1x32x56x56xf32, #tpu.memory_space<vmem>>, vector<1x8x56x56xf32>
      tpu.vector_store %arg9[%swap3A, %swap3A_29, %swap3A_30, %swap3A_31], %reshape3A {strides = array<i32>} : memref<1x32x56x56xf32, #tpu.memory_space<vmem>>, vector<1x8x56x56xf32>,
      %get3A_33 = arith.constant 1 : index
      %get3A_34 = arith.constant 0 : index
      %get3A_35 = arith.constant 0 : index
      %get3A_36 = vector.load %arg3[%get3A_33, %get3A_34, %get3A_35] : memref<4x128x56xf32, #tpu.memory_space<vmem>>, vector<1x128x56xf32>
      %get3A_37 = vector.shape_cast %get3A_36 : vector<1x128x56xf32> to vector<128x56xf32>
      %dot_general3A_38 = arith.constant dense<0.000000e+00> : vector<448x56xf32>
      %dot_general3A_39 = tpu.matmul %get3A_22, %get3A_37, %dot_general3A_38 {dimension_numbers = #tpu.dot_dimension_numbers<[1], [0], [0], [1], [0, 0, 1, 1], [], []>, transpose_lhs_hint = false} : vector<448x128xf32>, vector<128x56xf32>, vector<448x56xf32> -> vector<448x56xf32>
      %reshape3A_40 = vector.shape_cast %dot_general3A_39 : vector<448x56xf32> to vector<1x8x56x56xf32>
      %swap3A_41 = arith.constant 0 : index
      %swap3A_42 = arith.constant 8 : index
      %swap3A_43 = arith.constant 0 : index
      %swap3A_44 = arith.constant 0 : index
      %swap3A_45 = vector.load %arg9[%swap3A_41, %swap3A_42, %swap3A_43, %swap3A_44] : memref<1x32x56x56xf32, #tpu.memory_space<vmem>>, vector<1x8x56x56xf32>
      tpu.vector_store %arg9[%swap3A_41, %swap3A_42, %swap3A_43, %swap3A_44], %reshape3A_40 {strides = array<i32>} : memref<1x32x56x56xf32, #tpu.memory_space<vmem>>, vector<1x8x56x56xf32>,
      %get3A_46 = arith.constant 2 : index
      %get3A_47 = arith.constant 0 : index
      %get3A_48 = arith.constant 0 : index
      %get3A_49 = vector.load %arg3[%get3A_46, %get3A_47, %get3A_48] : memref<4x128x56xf32, #tpu.memory_space<vmem>>, vector<1x128x56xf32>
      %get3A_50 = vector.shape_cast %get3A_49 : vector<1x128x56xf32> to vector<128x56xf32>
      %dot_general3A_51 = arith.constant dense<0.000000e+00> : vector<448x56xf32>
      %dot_general3A_52 = tpu.matmul %get3A_22, %get3A_50, %dot_general3A_51 {dimension_numbers = #tpu.dot_dimension_numbers<[1], [0], [0], [1], [0, 0, 1, 1], [], []>, transpose_lhs_hint = false} : vector<448x128xf32>, vector<128x56xf32>, vector<448x56xf32> -> vector<448x56xf32>
      %reshape3A_53 = vector.shape_cast %dot_general3A_52 : vector<448x56xf32> to vector<1x8x56x56xf32>
      %swap3A_54 = arith.constant 0 : index
      %swap3A_55 = arith.constant 16 : index
      %swap3A_56 = arith.constant 0 : index
      %swap3A_57 = arith.constant 0 : index
      %swap3A_58 = vector.load %arg9[%swap3A_54, %swap3A_55, %swap3A_56, %swap3A_57] : memref<1x32x56x56xf32, #tpu.memory_space<vmem>>, vector<1x8x56x56xf32>
      tpu.vector_store %arg9[%swap3A_54, %swap3A_55, %swap3A_56, %swap3A_57], %reshape3A_53 {strides = array<i32>} : memref<1x32x56x56xf32, #tpu.memory_space<vmem>>, vector<1x8x56x56xf32>,
      %get3A_59 = arith.constant 3 : index
      %get3A_60 = arith.constant 0 : index
      %get3A_61 = arith.constant 0 : index
      %get3A_62 = vector.load %arg3[%get3A_59, %get3A_60, %get3A_61] : memref<4x128x56xf32, #tpu.memory_space<vmem>>, vector<1x128x56xf32>
      %get3A_63 = vector.shape_cast %get3A_62 : vector<1x128x56xf32> to vector<128x56xf32>
      %dot_general3A_64 = arith.constant dense<0.000000e+00> : vector<448x56xf32>
      %dot_general3A_65 = tpu.matmul %get3A_22, %get3A_63, %dot_general3A_64 {dimension_numbers = #tpu.dot_dimension_numbers<[1], [0], [0], [1], [0, 0, 1, 1], [], []>, transpose_lhs_hint = false} : vector<448x128xf32>, vector<128x56xf32>, vector<448x56xf32> -> vector<448x56xf32>
      %reshape3A_66 = vector.shape_cast %dot_general3A_65 : vector<448x56xf32> to vector<1x8x56x56xf32>
      %swap3A_67 = arith.constant 0 : index
      %swap3A_68 = arith.constant 24 : index
      %swap3A_69 = arith.constant 0 : index
      %swap3A_70 = arith.constant 0 : index
      %swap3A_71 = vector.load %arg9[%swap3A_67, %swap3A_68, %swap3A_69, %swap3A_70] : memref<1x32x56x56xf32, #tpu.memory_space<vmem>>, vector<1x8x56x56xf32>
      tpu.vector_store %arg9[%swap3A_67, %swap3A_68, %swap3A_69, %swap3A_70], %reshape3A_66 {strides = array<i32>} : memref<1x32x56x56xf32, #tpu.memory_space<vmem>>, vector<1x8x56x56xf32>,
    } else {
    }
    %ge3A_16 = arith.constant 21 : i32
    %ge3A_17 = arith.cmpi sge, %arg1, %ge3A_16 : i32
    %convert_element_type3A_18 = arith.extui %ge3A_17 : i1 to i32
    %cond3A_19 = arith.constant 0 : i32
    %cond3A_20 = arith.cmpi ne, %convert_element_type3A_18, %cond3A_19 : i32
    scf.if %cond3A_20 {
      %get3A = arith.constant 0 : index
      %get3A_21 = arith.constant 0 : index
      %get3A_22 = vector.load %arg8[%get3A, %get3A_21] : memref<448x128xf32, #tpu.memory_space<vmem>>, vector<448x128xf32>
      %get3A_23 = arith.constant 0 : index
      %get3A_24 = arith.constant 0 : index
      %get3A_25 = arith.constant 0 : index
      %get3A_26 = vector.load %arg4[%get3A_23, %get3A_24, %get3A_25] : memref<4x128x56xf32, #tpu.memory_space<vmem>>, vector<1x128x56xf32>
      %get3A_27 = vector.shape_cast %get3A_26 : vector<1x128x56xf32> to vector<128x56xf32>
      %dot_general3A = arith.constant dense<0.000000e+00> : vector<448x56xf32>
      %dot_general3A_28 = tpu.matmul %get3A_22, %get3A_27, %dot_general3A {dimension_numbers = #tpu.dot_dimension_numbers<[1], [0], [0], [1], [0, 0, 1, 1], [], []>, transpose_lhs_hint = false} : vector<448x128xf32>, vector<128x56xf32>, vector<448x56xf32> -> vector<448x56xf32>
      %reshape3A = vector.shape_cast %dot_general3A_28 : vector<448x56xf32> to vector<1x8x56x56xf32>
      %swap3A = arith.constant 0 : index
      %swap3A_29 = arith.constant 0 : index
      %swap3A_30 = arith.constant 0 : index
      %swap3A_31 = arith.constant 0 : index
      %swap3A_32 = vector.load %arg9[%swap3A, %swap3A_29, %swap3A_30, %swap3A_31] : memref<1x32x56x56xf32, #tpu.memory_space<vmem>>, vector<1x8x56x56xf32>
      tpu.vector_store %arg9[%swap3A, %swap3A_29, %swap3A_30, %swap3A_31], %reshape3A {strides = array<i32>} : memref<1x32x56x56xf32, #tpu.memory_space<vmem>>, vector<1x8x56x56xf32>,
      %get3A_33 = arith.constant 1 : index
      %get3A_34 = arith.constant 0 : index
      %get3A_35 = arith.constant 0 : index
      %get3A_36 = vector.load %arg4[%get3A_33, %get3A_34, %get3A_35] : memref<4x128x56xf32, #tpu.memory_space<vmem>>, vector<1x128x56xf32>
      %get3A_37 = vector.shape_cast %get3A_36 : vector<1x128x56xf32> to vector<128x56xf32>
      %dot_general3A_38 = arith.constant dense<0.000000e+00> : vector<448x56xf32>
      %dot_general3A_39 = tpu.matmul %get3A_22, %get3A_37, %dot_general3A_38 {dimension_numbers = #tpu.dot_dimension_numbers<[1], [0], [0], [1], [0, 0, 1, 1], [], []>, transpose_lhs_hint = false} : vector<448x128xf32>, vector<128x56xf32>, vector<448x56xf32> -> vector<448x56xf32>
      %reshape3A_40 = vector.shape_cast %dot_general3A_39 : vector<448x56xf32> to vector<1x8x56x56xf32>
      %swap3A_41 = arith.constant 0 : index
      %swap3A_42 = arith.constant 8 : index
      %swap3A_43 = arith.constant 0 : index
      %swap3A_44 = arith.constant 0 : index
      %swap3A_45 = vector.load %arg9[%swap3A_41, %swap3A_42, %swap3A_43, %swap3A_44] : memref<1x32x56x56xf32, #tpu.memory_space<vmem>>, vector<1x8x56x56xf32>
      tpu.vector_store %arg9[%swap3A_41, %swap3A_42, %swap3A_43, %swap3A_44], %reshape3A_40 {strides = array<i32>} : memref<1x32x56x56xf32, #tpu.memory_space<vmem>>, vector<1x8x56x56xf32>,
      %get3A_46 = arith.constant 2 : index
      %get3A_47 = arith.constant 0 : index
      %get3A_48 = arith.constant 0 : index
      %get3A_49 = vector.load %arg4[%get3A_46, %get3A_47, %get3A_48] : memref<4x128x56xf32, #tpu.memory_space<vmem>>, vector<1x128x56xf32>
      %get3A_50 = vector.shape_cast %get3A_49 : vector<1x128x56xf32> to vector<128x56xf32>
      %dot_general3A_51 = arith.constant dense<0.000000e+00> : vector<448x56xf32>
      %dot_general3A_52 = tpu.matmul %get3A_22, %get3A_50, %dot_general3A_51 {dimension_numbers = #tpu.dot_dimension_numbers<[1], [0], [0], [1], [0, 0, 1, 1], [], []>, transpose_lhs_hint = false} : vector<448x128xf32>, vector<128x56xf32>, vector<448x56xf32> -> vector<448x56xf32>
      %reshape3A_53 = vector.shape_cast %dot_general3A_52 : vector<448x56xf32> to vector<1x8x56x56xf32>
      %swap3A_54 = arith.constant 0 : index
      %swap3A_55 = arith.constant 16 : index
      %swap3A_56 = arith.constant 0 : index
      %swap3A_57 = arith.constant 0 : index
      %swap3A_58 = vector.load %arg9[%swap3A_54, %swap3A_55, %swap3A_56, %swap3A_57] : memref<1x32x56x56xf32, #tpu.memory_space<vmem>>, vector<1x8x56x56xf32>
      tpu.vector_store %arg9[%swap3A_54, %swap3A_55, %swap3A_56, %swap3A_57], %reshape3A_53 {strides = array<i32>} : memref<1x32x56x56xf32, #tpu.memory_space<vmem>>, vector<1x8x56x56xf32>,
      %get3A_59 = arith.constant 3 : index
      %get3A_60 = arith.constant 0 : index
      %get3A_61 = arith.constant 0 : index
      %get3A_62 = vector.load %arg4[%get3A_59, %get3A_60, %get3A_61] : memref<4x128x56xf32, #tpu.memory_space<vmem>>, vector<1x128x56xf32>
      %get3A_63 = vector.shape_cast %get3A_62 : vector<1x128x56xf32> to vector<128x56xf32>
      %dot_general3A_64 = arith.constant dense<0.000000e+00> : vector<448x56xf32>
      %dot_general3A_65 = tpu.matmul %get3A_22, %get3A_63, %dot_general3A_64 {dimension_numbers = #tpu.dot_dimension_numbers<[1], [0], [0], [1], [0, 0, 1, 1], [], []>, transpose_lhs_hint = false} : vector<448x128xf32>, vector<128x56xf32>, vector<448x56xf32> -> vector<448x56xf32>
      %reshape3A_66 = vector.shape_cast %dot_general3A_65 : vector<448x56xf32> to vector<1x8x56x56xf32>
      %swap3A_67 = arith.constant 0 : index
      %swap3A_68 = arith.constant 24 : index
      %swap3A_69 = arith.constant 0 : index
      %swap3A_70 = arith.constant 0 : index
      %swap3A_71 = vector.load %arg9[%swap3A_67, %swap3A_68, %swap3A_69, %swap3A_70] : memref<1x32x56x56xf32, #tpu.memory_space<vmem>>, vector<1x8x56x56xf32>
      tpu.vector_store %arg9[%swap3A_67, %swap3A_68, %swap3A_69, %swap3A_70], %reshape3A_66 {strides = array<i32>} : memref<1x32x56x56xf32, #tpu.memory_space<vmem>>, vector<1x8x56x56xf32>,
    } else {
    }
    return
  }
  func.func @transform_0(%arg0: i32, %arg1: i32) -> (i32, i32, i32) {
    %c0_i32 = arith.constant 0 : i32
    %c0_i32_0 = arith.constant 0 : i32
    %c0_i32_1 = arith.constant 0 : i32
    %c0_i32_2 = arith.constant 0 : i32
    return %c0_i32, %c0_i32_0, %c0_i32_1 : i32, i32, i32
  }
  func.func @transform_1(%arg0: i32, %arg1: i32) -> (i32, i32, i32) {
    %c0_i32 = arith.constant 0 : i32
    %c0_i32_0 = arith.constant 0 : i32
    %c0_i32_1 = arith.constant 0 : i32
    %c0_i32_2 = arith.constant 0 : i32
    return %c0_i32, %c0_i32_0, %c0_i32_1 : i32, i32, i32
  }
  func.func @transform_2(%arg0: i32, %arg1: i32) -> (i32, i32, i32) {
    %c0_i32 = arith.constant 0 : i32
    %c0_i32_0 = arith.constant 0 : i32
    %c0_i32_1 = arith.constant 0 : i32
    %c0_i32_2 = arith.constant 0 : i32
    return %c0_i32, %c0_i32_0, %c0_i32_1 : i32, i32, i32
  }
  func.func @transform_3(%arg0: i32, %arg1: i32) -> (i32, i32, i32, i32) {
    %min3A = arith.constant 2 : i32
    %min3A_0 = arith.minsi %arg1, %min3A : i32
    %c0_i32 = arith.constant 0 : i32
    %c0_i32_1 = arith.constant 0 : i32
    %c0_i32_2 = arith.constant 0 : i32
    return %arg0, %min3A_0, %c0_i32, %c0_i32_1 : i32, i32, i32, i32
  }
  func.func @transform_4(%arg0: i32, %arg1: i32) -> (i32, i32) {
    %mul3A = arith.constant 6 : i32
    %mul3A_0 = arith.muli %arg0, %mul3A : i32
    %sub3A = arith.constant 3 : i32
    %sub3A_1 = arith.subi %arg1, %sub3A : i32
    %jit3A = arith.constant 0 : i32
    %jit3A_2 = arith.constant 5 : i32
    %max3A = arith.maxsi %jit3A, %sub3A_1 : i32
    %min3A = arith.minsi %jit3A_2, %max3A : i32
    %add3A = arith.addi %mul3A_0, %min3A : i32
    %c0_i32 = arith.constant 0 : i32
    %c0_i32_3 = arith.constant 0 : i32
    return %add3A, %c0_i32 : i32, i32
  }
  func.func @transform_5(%arg0: i32, %arg1: i32) -> (i32, i32) {
    %mul3A = arith.constant 12 : i32
    %mul3A_0 = arith.muli %arg0, %mul3A : i32
    %sub3A = arith.constant 9 : i32
    %sub3A_1 = arith.subi %arg1, %sub3A : i32
    %jit3A = arith.constant 0 : i32
    %jit3A_2 = arith.constant 11 : i32
    %max3A = arith.maxsi %jit3A, %sub3A_1 : i32
    %min3A = arith.minsi %jit3A_2, %max3A : i32
    %add3A = arith.addi %mul3A_0, %min3A : i32
    %c0_i32 = arith.constant 0 : i32
    %c0_i32_3 = arith.constant 0 : i32
    return %add3A, %c0_i32 : i32, i32
  }
  func.func @transform_6(%arg0: i32, %arg1: i32) -> (i32, i32) {
    %mul3A = arith.constant 24 : i32
    %mul3A_0 = arith.muli %arg0, %mul3A : i32
    %sub3A = arith.constant 21 : i32
    %sub3A_1 = arith.subi %arg1, %sub3A : i32
    %jit3A = arith.constant 0 : i32
    %jit3A_2 = arith.constant 23 : i32
    %max3A = arith.maxsi %jit3A, %sub3A_1 : i32
    %min3A = arith.minsi %jit3A_2, %max3A : i32
    %add3A = arith.addi %mul3A_0, %min3A : i32
    %c0_i32 = arith.constant 0 : i32
    %c0_i32_3 = arith.constant 0 : i32
    return %add3A, %c0_i32 : i32, i32
  }
  func.func @transform_7(%arg0: i32, %arg1: i32) -> (i32, i32, i32, i32) {
    %c0_i32 = arith.constant 0 : i32
    %c0_i32_0 = arith.constant 0 : i32
    %c0_i32_1 = arith.constant 0 : i32
    return %arg0, %arg1, %c0_i32, %c0_i32_0 : i32, i32, i32, i32
  }
}

</mosaic_0001>

<sc_bundles>
// kernel: _hypercolumns.4.cloned.1.call-start
scs
__scs_entry_jumppad:
0x0: {  	(pc) =	sbr.rel $0x88, $3  }
0x1: {  	(tag) =	ssettag $0x0;
	lr =	simm.s32 $0x1  }
0x2: {  	[smem:$0x3F96] =	sst lr;
	_ =	strace $0xD0000000  }
0x3: {  	_ = 	snop  }
0x4: {  	_ = 	snop  }
0x5: {  	_ = 	snop  }
0x6: {  	_ = 	snop  }
0x7: {  	_ = 	snop  }
__scs_overlays_trampoline_lowered:
0x8: {  	[smem:$0x3FA5] =	sst s0  }
0x9: {  	[smem:$0x3FA6] =	sst s1  }
0xa: {  	[smem:$0x3FA7] =	sst s2  }
0xb: {  	[smem:$0x3FA8] =	sst s3  }
0xc: {  	[smem:$0x3FA9] =	sst s4  }
0xd: {  	[smem:$0x3FAA] =	sst s5  }
0xe: {  	[smem:$0x3FAB] =	sst s6  }
0xf: {  	[smem:$0x3FAC] =	sst s7  }
0x10: {  	[smem:$0x3FAD] =	sst s8  }
0x11: {  	[smem:$0x3FAE] =	sst s9;
	s0 =	simm.s32 @!p0 $0x0  }
0x12: {  	s1 =	sld [smem:$0x3F94];
	s0 =	simm.s32 @p0 $0x1  }
0x13: {  	[smem:$0x3FAF] =	sst s0;
	s0 =	simm.s32 @!p1 $0x0  }
0x14: {  	s2 =	sld [smem:$0x3F93];
	s0 =	simm.s32 @p1 $0x1  }
0x15: {  	[smem:$0x3FB0] =	sst s0;
	s0 =	simm.s32 @!p2 $0x0  }
0x16: {  	s3 =	sld [smem:$0x3FDB];
	s0 =	simm.s32 @p2 $0x1  }
0x17: {  	s4 =	simm.s32 $0x1BF5;
	[smem:$0x3FB2] =	sst s0  }
0x18: {  	s0 =	sld [smem:$0x3F95];
	_ =	swait.ge [sflag:s4], $0x0  }
0x19: {  	s7 =	sld [smem:$0x3F96]  }
0x1a: {  	s8 =	sadd.s32 $0xFFFFE003, lr  }
0x1b: {  	s9 =	sadd.s32 $0xFFFFFEF7, lr;
	s5 =	simm.s32 $0xFFFFFFFF;
	p2 =	slt.u32 s8, $0xFFFFF086  }
0x1c: {  	p1 =	slt.u32 s9, $0xF7A;
	s5 =	simm.s32 @!p2 $0x0  }
0x1d: {  	s5 =	simm.s32 @p1 $0x1;
	p0 =	seq.s32 s7, s2  }
0x1e: {  	s7 =	smul.u32 @!p0 $0xF7A, s2;
	p2 =	seq.s32 @!p0 s5, $0x0  }
0x1f: {  	s9 =	smul.u32 $0xF7A, s1;
	s8 =	simm.s32 @!p0 $0x1BF5;
	p2 =	por !p2, p0  }
0x20: {  	[sflag:s8] =	ssyncset.s32 @!p0 $0xFFFFF086;
	s6 =	sadd.s32 @!p0 s3, s7;
	s7 =	simm.s32 @!p0 $0x108  }
0x21: {  	s3 =	sadd.s32 s3, s9;
	s6 =	sadd.s32 @!p0 $0x88, s6;
	s7 =	simm.s32 @p2 $0x1082  }
0x22: {  	[simem:s7], [sflag:s8] =	dma.local @!p0 [hbm:s6], $0xF7A  }
0x23: {  	s9 =	sor.u32 $0xD0000000, s2;
	s6 =	simm.s32 $0x108;
	_ =	swait.ge @!p0 [sflag:s8], $0x0  }
0x24: {  	s3 =	sadd.s32 $0x88, s3;
	s6 =	simm.s32 @!p1 $0x1082;
	[sflag:s4] =	ssyncset.s32 $0xFFFFF086  }
0x25: {  	[simem:s6], [sflag:s4] =	dma.local [hbm:s3], $0xF7A  }
0x26: {  	[smem:$0x3F96] =	sst s1;
	(tag) =	ssettag s2;
	_ =	strace s9  }
0x27: {  	s1 =	sld [smem:$0x3FA6]  }
0x28: {  	s2 =	sld [smem:$0x3FA7]  }
0x29: {  	s4 =	sld [smem:$0x3FA9]  }
0x2a: {  	p0 =	seq.s32 s5, $0x0;
	s5 =	sld [smem:$0x3FAA]  }
0x2b: {  	s6 =	sld [smem:$0x3FAB]  }
0x2c: {  	s7 =	sld [smem:$0x3FAC]  }
0x2d: {  	s3 =	simm.s32 $0x108;
	s8 =	sld [smem:$0x3FAD]  }
0x2e: {  	s3 =	simm.s32 @!p0 $0x1082;
	s9 =	sld [smem:$0x3FAE]  }
0x2f: {  	lr =	sadd.s32 s0, s3;
	s0 =	sld [smem:$0x3FA5]  }
0x30: {  	s3 =	sld [smem:$0x3FA8]  }
0x31: {  	[smem:$0x3FB1] =	sst s10  }
0x32: {  	s10 =	sld [smem:$0x3FAF];
	_ =	sdelay $0x3  }
0x33: {  	p0 =	seq.s32 s10, $0x1;
	s10 =	sld [smem:$0x3FB1];
	_ =	sdelay $0x3  }
0x34: {  	[smem:$0x3FB1] =	sst s10  }
0x35: {  	s10 =	sld [smem:$0x3FB0];
	_ =	sdelay $0x3  }
0x36: {  	p1 =	seq.s32 s10, $0x1;
	s10 =	sld [smem:$0x3FB1];
	_ =	sdelay $0x3  }
0x37: {  	[smem:$0x3FB1] =	sst s10  }
0x38: {  	s10 =	sld [smem:$0x3FB2]  }
0x39: {  	_ = 	snop;
	(pc) =	sbr.ind lr, $3  }
0x3a: {  	_ = 	snop  }
0x3b: {  	_ = 	snop  }
0x3c: {  	p2 =	seq.s32 s10, $0x1;
	s10 =	sld [smem:$0x3FB1]  }
0x3d: {  	_ =	shalt  }
0x3e: {  	_ =	shalt  }
0x3f: {  	_ =	shalt  }
0x40: {  	_ =	shalt  }
0x41: {  	_ =	shalt  }
0x42: {  	_ =	shalt  }
0x43: {  	_ =	shalt  }
0x44: {  	_ =	shalt  }
0x45: {  	_ =	shalt  }
0x46: {  	_ =	shalt  }
0x47: {  	_ =	shalt  }
0x48: {  	_ =	shalt  }
0x49: {  	_ =	shalt  }
0x4a: {  	_ =	shalt  }
0x4b: {  	_ =	shalt  }
0x4c: {  	_ =	shalt  }
0x4d: {  	_ =	shalt  }
0x4e: {  	_ =	shalt  }
0x4f: {  	_ =	shalt  }
0x50: {  	_ =	shalt  }
0x51: {  	_ =	shalt  }
0x52: {  	_ =	shalt  }
0x53: {  	_ =	shalt  }
0x54: {  	_ =	shalt  }
0x55: {  	_ =	shalt  }
0x56: {  	_ =	shalt  }
0x57: {  	_ =	shalt  }
0x58: {  	_ =	shalt  }
0x59: {  	_ =	shalt  }
0x5a: {  	_ =	shalt  }
0x5b: {  	_ =	shalt  }
0x5c: {  	_ =	shalt  }
0x5d: {  	_ =	shalt  }
0x5e: {  	_ =	shalt  }
0x5f: {  	_ =	shalt  }
0x60: {  	_ =	shalt  }
0x61: {  	_ =	shalt  }
0x62: {  	_ =	shalt  }
0x63: {  	_ =	shalt  }
0x64: {  	_ =	shalt  }
0x65: {  	_ =	shalt  }
0x66: {  	_ =	shalt  }
0x67: {  	_ =	shalt  }
0x68: {  	_ =	shalt  }
0x69: {  	_ =	shalt  }
0x6a: {  	_ =	shalt  }
0x6b: {  	_ =	shalt  }
0x6c: {  	_ =	shalt  }
0x6d: {  	_ =	shalt  }
0x6e: {  	_ =	shalt  }
0x6f: {  	_ =	shalt  }
0x70: {  	_ =	shalt  }
0x71: {  	_ =	shalt  }
0x72: {  	_ =	shalt  }
0x73: {  	_ =	shalt  }
0x74: {  	_ =	shalt  }
0x75: {  	_ =	shalt  }
0x76: {  	_ =	shalt  }
0x77: {  	_ =	shalt  }
0x78: {  	_ =	shalt  }
0x79: {  	_ =	shalt  }
0x7a: {  	_ =	shalt  }
0x7b: {  	_ =	shalt  }
0x7c: {  	_ =	shalt  }
0x7d: {  	_ =	shalt  }
0x7e: {  	_ =	shalt  }
0x7f: {  	_ =	shalt  }
0x80: {  	_ =	shalt  }
0x81: {  	_ =	shalt  }
0x82: {  	_ =	shalt  }
0x83: {  	_ =	shalt  }
0x84: {  	_ =	shalt  }
0x85: {  	_ =	shalt  }
0x86: {  	_ =	shalt  }
0x87: {  	_ =	shalt  }
.Lfunc_end0:
.L_simem_size_0:
called_computation_lowered:
.L_overlay_start_0:
0x88: {  	s2 =	sld [smem:$0x3FD9]  }
0x89: {  	s3 =	sld [smem:$0x3FFE];
	_ =	sdelay $0x1  }
0x8a: {  	s1 =	srdreg.scid  }
0x8b: {  	s0 =	sand.u32 $0x1, s1  }
0x8c: {  	s17 =	sshll.u32 s0, $0xA;
	s2 =	sadd.s32 s3, s2  }
0x8d: {  	s2 =	sadd.s32 s2, s17  }
0x8e: {  	[smem:$0x3FBD] =	sst s2  }
0x8f: {  	_ = 	snop  }
0x90: {  	s2 =	sld [smem:$0x3FC8]  }
0x91: {  	s18 =	sld [smem:$0x3FC7]  }
0x92: {  	s4 =	sld [smem:$0x3FC6]  }
0x93: {  	s5 =	sld [smem:$0x3FC5]  }
0x94: {  	s6 =	sld [smem:$0x3FC4]  }
0x95: {  	s7 =	sld [smem:$0x3FC3]  }
0x96: {  	s8 =	sld [smem:$0x3FC2]  }
0x97: {  	s9 =	sld [smem:$0x3FD0];
	(tm) =	ssettm $0x1  }
0x98: {  	s10 =	sld [smem:$0x3FFB];
	_ =	sdelay $0x3  }
0x99: {  	_ =	strace s10  }
0x9a: {  	s10 =	sld [smem:$0x3FFC];
	_ =	sdelay $0x3  }
0x9b: {  	_ =	strace s10  }
0x9c: {  	s10 =	sld [smem:$0x3FFD];
	_ =	sdelay $0x3  }
0x9d: {  	_ =	strace s10  }
0x9e: {  	_ =	strace $0x8FFFFFFF  }
0x9f: {  	s19 =	sld [smem:$0x3FDB];
	_ =	sdelay $0x1  }
0xa0: {  	s11 =	simm.s32 $_scs_section_size  }
0xa1: {  	s12 =	simm.s32 $_size__tile_overlayer_lowered;
	s13 =	simm.s32 $_tile_overlayer_lowered  }
0xa2: {  	s22 =	simm.s32 $0x1BFF;
	s21 =	sshll.u32 s13, $0x1;
	s10 =	sadd.s32 s11, s19  }
0xa3: {  	s14 =	simm.s32 $0x0;
	s20 =	sshll.u32 s12, $0x1;
	s12 =	sadd.s32 s21, s10  }
0xa4: {  	[timem:s14], [sflag:s22] =	dma.local [hbm:s12], s20  }
0xa5: {  	_ =	swait.ge [sflag:s22], s20  }
0xa6: {  	s11 =	ssub.s32 $0x0, s20;
	[sflag:s22] =	ssyncset.done $0x0  }
0xa7: {  	[sflag:s22] =	ssyncadd.s32 s11;
	_ =	sdelay $0x1  }
0xa8: {  	s23 =	simm.s32 $0x1B8B  }
0xa9: {  	_ =	swait.ge [sflag:s23], $0x1  }
0xaa: {  	[sflag:s23] =	ssyncset.done $0x0  }
0xab: {  	s25 =	simm.s32 $0x1B8E;
	s24 =	sld [smem:$0x3FFE];
	[sflag:s23] =	ssyncadd.s32 $0xFFFFFFFF  }
0xac: {  	s26 =	simm.s32 $execute0_lowered;
	[smem:$0x3FD2] =	sst s25  }
0xad: {  	s12 =	sshll.u32 s26, $0x1;
	_ =	strace $0x80000046;
	[dreg:$0x1] =	wrdreg $0xFFFFFFFF  }
0xae: {  	s28 =	simm.s32 $_size_execute0_lowered;
	s10 =	sadd.s32 s10, s12;
	[dreg:$0x0] =	wrdreg $0x0  }
0xaf: {  	s12 =	sshll.u32 s28, $0x1;
	[dreg:$0x2] =	wrdreg s10  }
0xb0: {  	[dreg:$0x3] =	wrdreg s12  }
0xb1: {  	[dreg:$0x4] =	wrdreg $0xC0  }
0xb2: {  	_ =	task [dreg:s14], $0x5FFFF  }
0xb3: {  	[dreg:$0x1] =	wrdreg $0xFFFFFFFF  }
0xb4: {  	[dreg:$0x0] =	wrdreg $0x60  }
0xb5: {  	[dreg:$0x2] =	wrdreg s2  }
0xb6: {  	[dreg:$0x3] =	wrdreg s18  }
0xb7: {  	[dreg:$0x4] =	wrdreg s4  }
0xb8: {  	[dreg:$0x5] =	wrdreg s5  }
0xb9: {  	[dreg:$0x6] =	wrdreg s6  }
0xba: {  	[dreg:$0x7] =	wrdreg s7  }
0xbb: {  	[dreg:$0x8] =	wrdreg s8  }
0xbc: {  	[dreg:$0x9] =	wrdreg s24  }
0xbd: {  	[dreg:$0xa] =	wrdreg s9  }
0xbe: {  	[dreg:$0xb] =	wrdreg $0x9  }
0xbf: {  	_ =	task.clear_ibuf [dreg:s14], $0xCFFFF;
	_ =	strace $0x90000046  }
0xc0: {  	s29 =	simm.s32 $0x9;
	_ =	strace $0x80000048  }
0xc1: {  	_ =	swait.ge [sflag:s29], $0x1  }
0xc2: {  	[sflag:s29] =	ssyncadd.s32 $0xFFFFFFFF  }
0xc3: {  	_ =	strace $0x90000048  }
0xc4: {  	_ =	sfence  }
0xc5: {  	s30 =	sld [smem:$0x0];
	_ =	sdelay $0x2  }
0xc6: {  	s31 =	sshll.u32 s1, $0xD;
	s1 =	sshrl.u32 s1, $0x2  }
0xc7: {  	s3 =	sand.u32 $0x4000, s31;
	s1 =	sadd.s32 s1, s30  }
0xc8: {  	s0 =	sor.u32 s3, s0;
	s1 =	sshll.u32 s1, $0x11  }
0xc9: {  	s0 =	sor.u32 s1, s0  }
0xca: {  	s0 =	sadd.s32 $0x8F2B, s0  }
0xcb: {  	[sflag:s0] =	ssyncadd.remote.s32 $0x1  }
0xcc: {  	_ =	sfence.sel $0xFFFF  }
0xcd: {  	[dreg:$0x0] =	wrdreg $0xFFFFFFFF;
	(pc) =	sbr.abs _section_cstart, $3  }
0xce: {  	[dreg:$0x1] =	wrdreg $0xFFFFFFFF  }
0xcf: {  	_ =	task.clear_ibuf [dreg:s14], $0x2FFFF;
	_ =	strace $0x9FFFFFFF  }
0xd0: {  	(tm) =	ssettm $0x7FFFFFFF  }
0xd1: {  	_ =	shalt  }
tec
execute0_lowered:
.L_overlay_start_1:
0x0: {  	(tag) =	ssettag $0x1  }
0x1: {  	s16 =	rddreg [dreg:$0x0]  }
0x2: {  	s4 =	stileid.u32;
	s23 =	rddreg [dreg:$0x1]  }
0x3: {  	s0 =	srdreg.scid;
	s18 =	rddreg [dreg:$0x2];
	s5 =	sshrl.u32 s4, $0x1  }
0x4: {  	s8 =	rddreg [dreg:$0x7];
	s13 =	simm.s32 $0x0;
	s6 =	smul.u32 $0x4980, s5  }
0x5: {  	s0 =	sand.u32 $0x1, s0;
	s1 =	sshll.u32 s4, $0x1;
	s17 =	smul.u32 $0x12600, s5  }
0x6: {  	s28 =	simm.s32 $0x2B00;
	s1 =	sor.u32 s0, s1;
	s5 =	smul.u32 $0x9300, s5  }
0x7: {  	s29 =	simm.s32 $0x1;
	s30 =	simm.s32 $0x4380;
	s2 =	smul.u32 $0x402, s1  }
0x8: {  	s31 =	simm.s32 $0x6B50;
	[smem:$0x7FF] =	sst s13;
	s11 =	smul.u32 $0x6, s1  }
0x9: {  	s14 =	sadd.s32 $0x2000, s8;
	s3 =	smov.u32 s16;
	s7 =	smul.u32 $0x4008, s1  }
0xa: {  	_ =	strace $0x80000047;
	s0 =	ssub.s32 $0x2, s0;
	s19 =	smul.u32 $0xC, s1  }
0xb: {  	s20 =	smul.u32 $0x18, s1;
	s21 =	sshrl.u32 s0, $0x1;
	s2 =	sshrl.u32 s2, $0xC  }
0xc: {  	s0 =	ssub.s32 s0, s21;
	s7 =	sshrl.u32 s7, $0x10;
	s2 =	smul.u32 $0x18, s2  }
0xd: {  	s10 =	smov.u32 s11;
	s25 =	sadd.s32 $0x2, s11;
	s9 =	smul.u32 $0x30, s7  }
0xe: {  	s0 =	smax.u32 s0, $0x1;
	s7 =	smul.u32 $0x60, s7;
	[dreg:$0xb] =	wrdreg s25  }
0xf: {  	s12 =	smov.u32 s19;
	s21 =	sor.u32 $0x2, s20;
	[dreg:$0xe] =	wrdreg s0  }
0x10: {  	s0 =	simm.s32 $0x80;
	s2 =	ssub.s32 s11, s2;
	s7 =	ssub.s32 s20, s7  }
0x11: {  	s15 =	ssub.s32 s19, s9;
	s2 =	sand.u32 $0xFE, s2;
	s7 =	smul.u32 $0x188, s7  }
0x12: {  	s25 =	simm.s32 $0x6220;
	s1 =	sand.u32 $0xFFFC, s15;
	s2 =	smul.u32 $0x310, s2  }
0x13: {  	s19 =	sor.u32 $0x2, s19;
	s9 =	simm.s32 $0x20;
	s1 =	smul.u32 $0x620, s1  }
0x14: {  	s15 =	sadd.s32 $0x56000, s8;
	s8 =	simm.s32 $0x4;
	s22 =	sand.u32 $0xFFC0, s7  }
0x15: {  	s2 =	sadd.s32 s6, s2;
	s1 =	sadd.s32 s17, s1;
	s24 =	sadd.s32 s22, s5  }
0x16: {  	s17 =	smov.u32 s20;
	s5 =	simm.s32 $0x2;
	s6 =	simm.s32 $0xA350  }
0x17: {  	s2 =	sadd.s32 s16, s2;
	s1 =	sshrl.u32 s1, $0x3;
	s16 =	simm.s32 $0x69C8  }
0x18: {  	[dreg:$0xa] =	wrdreg s2;
	s2 =	sshrl.u32 s24, $0x3;
	s1 =	sadd.s32 s23, s1  }
0x19: {  	s24 =	simm.s32 $0x5C00;
	[dreg:$0xc] =	wrdreg s1;
	s26 =	sadd.s32 s18, s2  }
0x1a: {  	v0 =	vimm.f32 $0.0e+00;
	s2 =	simm.s32 $0x0;
	[dreg:$0xd] =	wrdreg s26;
	s26 =	simm.s32 $0x6840  }
.LBB2_1:
0x1b: {  	[dreg:$0xf] =	wrdreg s2  }
0x1c: {  	s1 =	rddreg [dreg:$0x3];
	s2 =	simm.s32 $0x5  }
0x1d: {  	[tilespmem:s13], [sflag:$0x5] =	stream.linear.gather [hbm4b:s1+s13], $0xAC0, $0x38;
	[tilespmem:$0xDB50] =	vst v63  }
0x1e: {  	_ =	swait.ge [sflag:s2], $0xAC0  }
0x1f: {  	[sflag:s2] =	ssyncset.done $0x0  }
0x20: {  	[sflag:s2] =	ssyncadd.s32 $0xFFFFF540  }
0x21: {  	s4 =	simm.s32 $0xAC0;
	s7 =	rddreg [dreg:$0x4]  }
0x22: {  	[tilespmem:s4], [sflag:$0x5] =	stream.linear.gather [hbm4b:s7+s13], $0xAC0, $0x38;
	[tilespmem:$0xDB50] =	vst v63  }
0x23: {  	_ =	swait.ge [sflag:s2], $0xAC0  }
0x24: {  	[sflag:s2] =	ssyncset.done $0x0  }
0x25: {  	[sflag:s2] =	ssyncadd.s32 $0xFFFFF540  }
0x26: {  	s18 =	simm.s32 $0x1580;
	s11 =	rddreg [dreg:$0x5]  }
0x27: {  	[tilespmem:s18], [sflag:$0x5] =	stream.linear.gather [hbm4b:s11+s13], $0xAC0, $0x38;
	[tilespmem:$0xDB50] =	vst v63  }
0x28: {  	_ =	swait.ge [sflag:s2], $0xAC0  }
0x29: {  	[sflag:s2] =	ssyncset.done $0x0  }
0x2a: {  	[sflag:s2] =	ssyncadd.s32 $0xFFFFF540  }
0x2b: {  	s22 =	simm.s32 $0x2040;
	s20 =	rddreg [dreg:$0x6]  }
0x2c: {  	[tilespmem:s22], [sflag:$0x5] =	stream.linear.gather [hbm4b:s20+s13], $0xAC0, $0x38;
	[tilespmem:$0xDB50] =	vst v63  }
0x2d: {  	_ =	swait.ge [sflag:s2], $0xAC0  }
0x2e: {  	[sflag:s2] =	ssyncset.done $0x0  }
0x2f: {  	s1 =	simm.s32 $0x0;
	[sflag:s2] =	ssyncadd.s32 $0xFFFFF540;
	s2 =	simm.s32 $0x0  }
.LBB2_2:
0x30: {  	p0 =	sne.s32 s2, $0xDFC0  }
.Ltmp0:
0x31: {  	_ = 	snop;
	(pc) =	sbr.rel @p0 .LBB2_2-.Ltmp0, $4  }
0x32: {  	s7 =	sand.u32 $0xFF80, s2  }
0x33: {  	s18 =	sand.u32 $0x10, s1;
	s7 =	sshrl.u32 s7, $0x2  }
0x34: {  	s7 =	sor.u32 s18, s7  }
0x35: {  	s1 =	sadd.s32 $0x10, s1;
	s2 =	sadd.s32 $0x40, s2;
	[tilespmem:s7+$0x6B50] =	vst v0  }
0x36: {  	s1 =	simm.s32 $0x0  }
0x37: {  	s2 =	sand.u32 $0xFF80, s1  }
0x38: {  	s7 =	sand.u32 $0x10, s1;
	s18 =	sshrl.u32 s2, $0x2  }
0x39: {  	s2 =	simm.s32 $0x40;
	s7 =	sor.u32 s7, s18  }
.LBB2_4:
0x3a: {  	p0 =	sne.s32 s2, $0xDFC0  }
0x3b: {  	[tilespmem:s7+$0xA350] =	vst v0;
	s1 =	sadd.s32 $0x10, s1;
	s7 =	smov.u32 s2;
	s2 =	sadd.s32 $0x40, s2  }
.Ltmp1:
0x3c: {  	(pc) =	sbr.rel @p0 .LBB2_4-.Ltmp1, $4  }
0x3d: {  	_ = 	snop  }
0x3e: {  	s7 =	sand.u32 $0xFF80, s7  }
0x3f: {  	s18 =	sand.u32 $0x10, s1;
	s7 =	sshrl.u32 s7, $0x2  }
0x40: {  	s7 =	sor.u32 s18, s7  }
0x41: {  	[tilespmem:s7+$0xA350] =	vst v0;
	s20 =	simm.s32 $0x0;
	s1 =	rddreg [dreg:$0xa]  }
0x42: {  	[tilespmem:s28], [sflag:$0x1] =	stream.linear.gather [hbm4b:s1+s20], $0x1880, $0x38;
	[tilespmem:$0xDB50] =	vst v63  }
.LBB2_6:
0x43: {  	s11 =	smov.u32 s23;
	s23 =	sshll.u32 s20, $0x1  }
0x44: {  	s1 =	sadd.s32 s10, s23  }
0x45: {  	s2 =	sadd.s32 $0x1, s1  }
0x46: {  	s7 =	smulhi.u32 $0x2AAAAAAB, s2;
	_ =	sdelay $0x1  }
0x47: {  	s7 =	sshrl.u32 s7, $0x2  }
0x48: {  	s18 =	smul.u32 $0x18, s7;
	_ =	sdelay $0x1  }
0x49: {  	s7 =	smul.u32 $0xC0, s7;
	s22 =	ssub.s32 s2, s18  }
0x4a: {  	s2 =	sshll.u32 s22, $0x3  }
0x4b: {  	s7 =	sadd.s32 s2, s7  }
0x4c: {  	_ =	swait.ge [sflag:s29], $0x1880;
	s2 =	smul.u32 $0x62, s7  }
0x4d: {  	[sflag:s29] =	ssyncset.done $0x0  }
0x4e: {  	p0 =	seq.s32 s20, $0x0;
	[sflag:s29] =	ssyncadd.s32 $0xFFFFE780;
	s2 =	sadd.s32 s3, s2  }
0x4f: {  	[tilespmem:s30], [sflag:$0x2] =	stream.linear.gather [hbm4b:s2+s13], $0x1880, $0x38;
	[tilespmem:$0xDB50] =	vst v63  }
0x50: {  	s2 =	simm.s32 @!p0 $0x3  }
0x51: {  	_ =	swait.ge @!p0 [sflag:s2], $0x3800  }
0x52: {  	[sflag:s2] =	ssyncset.done @!p0 $0x0  }
0x53: {  	s4 =	simm.s32 $0x0;
	[sflag:s2] =	ssyncadd.s32 @!p0 $0xFFFFC800  }
0x54: {  	v3 =	vld [tilespmem:s4+$0x0];
	_ =	sdelay $0x4  }
0x55: {  	v2 =	vadd.s32 $0x1C, v3  }
0x56: {  	v4 =	vld [tilespmem:s4+$0x2040]  }
0x57: {  	v5 =	vld [tilespmem:s4+$0x1580]  }
0x58: {  	v1 =	vld [tilespmem:s4+$0xAC0]  }
0x59: {  	v6 =	vld.idx.msk [tilespmem:v3+s28+$0x0], $0xffff  }
0x5a: {  	v7 =	vld.idx.msk [tilespmem:v2+s28+$0x0], $0xffff;
	_ =	sdelay $0x1  }
0x5b: {  	v8 =	vand.u32 $0xFFFFFFF8, v4;
	v5 =	vshll.u32 v5, $0x5  }
0x5c: {  	v4 =	vand.u32 $0x7, v4;
	v5 =	vadd.s32 v5, v8;
	v2 =	vsub.f32 $1.000000000e+00, v1  }
0x5d: {  	v5 =	vor.u32 v4, v5  }
0x5e: {  	v4 =	vmul.f32 v6, v2;
	v6 =	vmul.f32 v7, v1;
	v7 =	vadd.s32 $0x310, v3  }
0x5f: {  	v52 =	vadd.s32 $0x32C, v3  }
0x60: {  	v4 =	vadd.f32 v6, v4;
	_ =	sdelay $0x1  }
0x61: {  	[tilespmem:v5+s31+$0x0] =	vst.idx.msk $0xffff, v4  }
0x62: {  	v4 =	vld.idx.msk [tilespmem:v7+s28+$0x0], $0xffff  }
0x63: {  	v6 =	vld.idx.msk [tilespmem:v52+s28+$0x0], $0xffff;
	_ =	sdelay $0x3  }
0x64: {  	v7 =	vadd.s32 $0x700, v5  }
0x65: {  	v53 =	vadd.s32 $0x620, v3;
	v4 =	vmul.f32 v4, v2;
	v6 =	vmul.f32 v6, v1  }
0x66: {  	v9 =	vadd.s32 $0x63C, v3  }
0x67: {  	v4 =	vadd.f32 v6, v4;
	_ =	sdelay $0x1  }
0x68: {  	[tilespmem:v7+s31+$0x0] =	vst.idx.msk $0xffff, v4  }
0x69: {  	v4 =	vld.idx.msk [tilespmem:v53+s28+$0x0], $0xffff  }
0x6a: {  	v6 =	vld.idx.msk [tilespmem:v9+s28+$0x0], $0xffff;
	_ =	sdelay $0x3  }
0x6b: {  	v7 =	vadd.s32 $0xE00, v5  }
0x6c: {  	v54 =	vadd.s32 $0x930, v3;
	v4 =	vmul.f32 v4, v2;
	v6 =	vmul.f32 v6, v1  }
0x6d: {  	v55 =	vadd.s32 $0x94C, v3  }
0x6e: {  	v4 =	vadd.f32 v6, v4;
	_ =	sdelay $0x1  }
0x6f: {  	[tilespmem:v7+s31+$0x0] =	vst.idx.msk $0xffff, v4  }
0x70: {  	v4 =	vld.idx.msk [tilespmem:v54+s28+$0x0], $0xffff  }
0x71: {  	v6 =	vld.idx.msk [tilespmem:v55+s28+$0x0], $0xffff;
	_ =	sdelay $0x3  }
0x72: {  	v7 =	vadd.s32 $0x1500, v5  }
0x73: {  	v56 =	vadd.s32 $0xC40, v3;
	v4 =	vmul.f32 v4, v2;
	v6 =	vmul.f32 v6, v1  }
0x74: {  	v57 =	vadd.s32 $0xC5C, v3  }
0x75: {  	v4 =	vadd.f32 v6, v4;
	_ =	sdelay $0x1  }
0x76: {  	[tilespmem:v7+s31+$0x0] =	vst.idx.msk $0xffff, v4  }
0x77: {  	v4 =	vld.idx.msk [tilespmem:v56+s28+$0x0], $0xffff  }
0x78: {  	v6 =	vld.idx.msk [tilespmem:v57+s28+$0x0], $0xffff;
	_ =	sdelay $0x3  }
0x79: {  	v7 =	vadd.s32 $0x1C00, v5  }
0x7a: {  	v58 =	vadd.s32 $0xF50, v3;
	v4 =	vmul.f32 v4, v2;
	v6 =	vmul.f32 v6, v1  }
0x7b: {  	v59 =	vadd.s32 $0xF6C, v3  }
0x7c: {  	v4 =	vadd.f32 v6, v4;
	_ =	sdelay $0x1  }
0x7d: {  	[tilespmem:v7+s31+$0x0] =	vst.idx.msk $0xffff, v4  }
0x7e: {  	v4 =	vld.idx.msk [tilespmem:v58+s28+$0x0], $0xffff  }
0x7f: {  	v6 =	vld.idx.msk [tilespmem:v59+s28+$0x0], $0xffff;
	_ =	sdelay $0x3  }
0x80: {  	v7 =	vadd.s32 $0x2300, v5  }
0x81: {  	v60 =	vadd.s32 $0x1260, v3;
	v4 =	vmul.f32 v4, v2;
	v6 =	vmul.f32 v6, v1  }
0x82: {  	v61 =	vadd.s32 $0x127C, v3  }
0x83: {  	v4 =	vadd.f32 v6, v4;
	_ =	sdelay $0x1  }
0x84: {  	[tilespmem:v7+s31+$0x0] =	vst.idx.msk $0xffff, v4  }
0x85: {  	v4 =	vld.idx.msk [tilespmem:v60+s28+$0x0], $0xffff  }
0x86: {  	v6 =	vld.idx.msk [tilespmem:v61+s28+$0x0], $0xffff;
	_ =	sdelay $0x3  }
0x87: {  	s18 =	smulhi.u32 $0xAAAAAAAB, s1;
	v7 =	vadd.s32 $0x2A00, v5  }
0x88: {  	v62 =	vadd.s32 $0x1570, v3;
	v4 =	vmul.f32 v4, v2;
	v6 =	vmul.f32 v6, v1  }
0x89: {  	s2 =	sshrl.u32 s18, $0x4;
	v63 =	vadd.s32 $0x158C, v3  }
0x8a: {  	s4 =	smul.u32 $0x18, s2;
	v3 =	vadd.f32 v6, v4;
	_ =	sdelay $0x1  }
0x8b: {  	s2 =	smul.u32 $0xC0, s2;
	s1 =	ssub.s32 s1, s4;
	[tilespmem:v7+s31+$0x0] =	vst.idx.msk $0xffff, v3  }
0x8c: {  	s18 =	sshll.u32 s1, $0x3;
	v4 =	vld.idx.msk [tilespmem:v62+s28+$0x0], $0xffff  }
0x8d: {  	s1 =	sadd.s32 s18, s2;
	s2 =	simm.s32 $0x40;
	v3 =	vadd.s32 $0x3100, v5;
	v5 =	vld.idx.msk [tilespmem:v63+s28+$0x0], $0xffff  }
.LBB2_7:
0x8e: {  	_ = 	snop  }
0x8f: {  	p0 =	sne.s32 s2, $0x1840;
	s4 =	smov.u32 s2;
	s2 =	sadd.s32 $0x40, s2  }
0x90: {  	_ = 	snop  }
0x91: {  	v2 =	vmul.f32 v4, v2  }
0x92: {  	v1 =	vmul.f32 v5, v1;
	_ =	sdelay $0x1  }
0x93: {  	v1 =	vadd.f32 v1, v2;
	_ =	sdelay $0x1  }
0x94: {  	s4 =	sshra.s32 s4, $0x2;
	[tilespmem:v3+s31+$0x0] =	vst.idx.msk $0xffff, v1  }
0x95: {  	v3 =	vld [tilespmem:s4+$0x0];
	_ =	sdelay $0x4  }
0x96: {  	v2 =	vadd.s32 $0x1C, v3  }
0x97: {  	v1 =	vld [tilespmem:s4+$0xAC0]  }
0x98: {  	v4 =	vld [tilespmem:s4+$0x2040]  }
0x99: {  	v5 =	vld [tilespmem:s4+$0x1580]  }
0x9a: {  	v6 =	vld.idx.msk [tilespmem:v3+s28+$0x0], $0xffff  }
0x9b: {  	v7 =	vld.idx.msk [tilespmem:v2+s28+$0x0], $0xffff;
	_ =	sdelay $0x2  }
0x9c: {  	v8 =	vand.u32 $0xFFFFFFF8, v4;
	v5 =	vshll.u32 v5, $0x5  }
0x9d: {  	v2 =	vsub.f32 $1.000000000e+00, v1;
	v4 =	vand.u32 $0x7, v4;
	v5 =	vadd.s32 v5, v8  }
0x9e: {  	v4 =	vor.u32 v4, v5;
	v5 =	vadd.s32 $0x32C, v3  }
0x9f: {  	v6 =	vmul.f32 v6, v2;
	v8 =	vadd.s32 $0x310, v3;
	v7 =	vmul.f32 v7, v1;
	_ =	sdelay $0x1  }
0xa0: {  	v6 =	vadd.f32 v7, v6;
	_ =	sdelay $0x1  }
0xa1: {  	[tilespmem:v4+s31+$0x0] =	vst.idx.msk $0xffff, v6  }
0xa2: {  	v6 =	vld.idx.msk [tilespmem:v8+s28+$0x0], $0xffff  }
0xa3: {  	v5 =	vld.idx.msk [tilespmem:v5+s28+$0x0], $0xffff;
	_ =	sdelay $0x3  }
0xa4: {  	v7 =	vadd.s32 $0x700, v4  }
0xa5: {  	v6 =	vmul.f32 v6, v2  }
0xa6: {  	v9 =	vadd.s32 $0x63C, v3;
	v8 =	vadd.s32 $0x620, v3;
	v5 =	vmul.f32 v5, v1;
	_ =	sdelay $0x1  }
0xa7: {  	v5 =	vadd.f32 v5, v6;
	_ =	sdelay $0x1  }
0xa8: {  	[tilespmem:v7+s31+$0x0] =	vst.idx.msk $0xffff, v5  }
0xa9: {  	v5 =	vld.idx.msk [tilespmem:v8+s28+$0x0], $0xffff  }
0xaa: {  	v6 =	vld.idx.msk [tilespmem:v9+s28+$0x0], $0xffff;
	_ =	sdelay $0x2  }
0xab: {  	v7 =	vadd.s32 $0xE00, v4;
	_ =	sdelay $0x1  }
0xac: {  	v5 =	vmul.f32 v5, v2  }
0xad: {  	v8 =	vadd.s32 $0x930, v3;
	v9 =	vadd.s32 $0x94C, v3;
	v6 =	vmul.f32 v6, v1;
	_ =	sdelay $0x1  }
0xae: {  	v5 =	vadd.f32 v6, v5;
	_ =	sdelay $0x1  }
0xaf: {  	[tilespmem:v7+s31+$0x0] =	vst.idx.msk $0xffff, v5  }
0xb0: {  	v5 =	vld.idx.msk [tilespmem:v8+s28+$0x0], $0xffff  }
0xb1: {  	v6 =	vld.idx.msk [tilespmem:v9+s28+$0x0], $0xffff;
	_ =	sdelay $0x1  }
0xb2: {  	v7 =	vadd.s32 $0x1500, v4;
	_ =	sdelay $0x2  }
0xb3: {  	v5 =	vmul.f32 v5, v2  }
0xb4: {  	v8 =	vadd.s32 $0xC40, v3;
	v9 =	vadd.s32 $0xC5C, v3;
	v6 =	vmul.f32 v6, v1;
	_ =	sdelay $0x1  }
0xb5: {  	v5 =	vadd.f32 v6, v5;
	_ =	sdelay $0x1  }
0xb6: {  	[tilespmem:v7+s31+$0x0] =	vst.idx.msk $0xffff, v5  }
0xb7: {  	v5 =	vld.idx.msk [tilespmem:v8+s28+$0x0], $0xffff  }
0xb8: {  	v6 =	vld.idx.msk [tilespmem:v9+s28+$0x0], $0xffff  }
0xb9: {  	v7 =	vadd.s32 $0x1C00, v4;
	_ =	sdelay $0x3  }
0xba: {  	v5 =	vmul.f32 v5, v2  }
0xbb: {  	v8 =	vadd.s32 $0xF50, v3;
	v9 =	vadd.s32 $0xF6C, v3;
	v6 =	vmul.f32 v6, v1;
	_ =	sdelay $0x1  }
0xbc: {  	v5 =	vadd.f32 v6, v5;
	_ =	sdelay $0x1  }
0xbd: {  	[tilespmem:v7+s31+$0x0] =	vst.idx.msk $0xffff, v5  }
0xbe: {  	v5 =	vld.idx.msk [tilespmem:v8+s28+$0x0], $0xffff  }
0xbf: {  	v7 =	vadd.s32 $0x2300, v4;
	v6 =	vld.idx.msk [tilespmem:v9+s28+$0x0], $0xffff;
	_ =	sdelay $0x4  }
0xc0: {  	v5 =	vmul.f32 v5, v2  }
0xc1: {  	v8 =	vadd.s32 $0x1260, v3;
	v9 =	vadd.s32 $0x127C, v3;
	v6 =	vmul.f32 v6, v1;
	_ =	sdelay $0x1  }
0xc2: {  	v5 =	vadd.f32 v6, v5;
	_ =	sdelay $0x1  }
0xc3: {  	[tilespmem:v7+s31+$0x0] =	vst.idx.msk $0xffff, v5  }
0xc4: {  	v6 =	vadd.s32 $0x2A00, v4;
	v5 =	vld.idx.msk [tilespmem:v8+s28+$0x0], $0xffff  }
0xc5: {  	v7 =	vld.idx.msk [tilespmem:v9+s28+$0x0], $0xffff;
	_ =	sdelay $0x4  }
0xc6: {  	v5 =	vmul.f32 v5, v2  }
0xc7: {  	v8 =	vadd.s32 $0x1570, v3;
	v9 =	vadd.s32 $0x158C, v3;
	v7 =	vmul.f32 v7, v1;
	_ =	sdelay $0x1  }
.Ltmp2:
0xc8: {  	v3 =	vadd.f32 v7, v5;
	(pc) =	sbr.rel @p0 .LBB2_7-.Ltmp2, $4  }
0xc9: {  	_ = 	snop  }
0xca: {  	[tilespmem:v6+s31+$0x0] =	vst.idx.msk $0xffff, v3;
	v3 =	vadd.s32 $0x3100, v4  }
0xcb: {  	v4 =	vld.idx.msk [tilespmem:v8+s28+$0x0], $0xffff  }
0xcc: {  	v5 =	vld.idx.msk [tilespmem:v9+s28+$0x0], $0xffff  }
0xcd: {  	s2 =	sshrl.u32 s18, $0x4  }
0xce: {  	s2 =	sand.u32 $0x1, s2  }
0xcf: {  	p0 =	seq.s32 s1, $0x0;
	p1 =	seq.s32 s2, $0x1  }
0xd0: {  	p0 =	por !p0, !p1  }
0xd1: {  	s2 =	simm.s32 $0x1;
	p0 =	por !p0, !p0  }
0xd2: {  	s4 =	sshrl.u32 s1, $0x5;
	s2 =	simm.s32 @!p0 $0x0  }
0xd3: {  	p0 =	seq.s32 s20, $0x2;
	s1 =	ssub.s32 s4, s2;
	s4 =	rddreg [dreg:$0xb]  }
0xd4: {  	s18 =	sand.u32 $0x10, s18;
	v2 =	vmul.f32 v4, v2;
	v1 =	vmul.f32 v5, v1;
	s1 =	smul.u32 $0xE000, s1;
	s4 =	sadd.s32 @!p0 s23, s4  }
0xd5: {  	s2 =	sshll.u32 s18, $0x2;
	s18 =	smulhi.u32 @!p0 $0x2AAAAAAB, s4  }
0xd6: {  	v1 =	vadd.f32 v1, v2;
	s1 =	sor.u32 s2, s1  }
0xd7: {  	s1 =	sshrl.u32 s1, $0x3;
	s2 =	sshrl.u32 @!p0 s18, $0x2  }
0xd8: {  	[tilespmem:v3+s31+$0x0] =	vst.idx.msk $0xffff, v1;
	s1 =	sadd.s32 s14, s1;
	s18 =	smul.u32 @!p0 $0x18, s2  }
0xd9: {  	[hbm4b:s1+s9] =	stream.strided.scatter [tilespmem:s31], [sflag:$0x3], $0x3800, s0, s9, $0x38;
	[tilespmem:$0xDB50] =	vst v63  }
0xda: {  	s1 =	smul.u32 @!p0 $0x24C00, s2;
	s2 =	ssub.s32 @!p0 s4, s18  }
0xdb: {  	s2 =	smul.u32 @!p0 $0x1880, s2;
	_ =	sdelay $0x1  }
0xdc: {  	p1 =	seq.s32 @!p0 s20, $0x0;
	_ =	swait.ge [sflag:s5], $0x1880;
	s1 =	sadd.s32 @!p0 s2, s1  }
0xdd: {  	s4 =	simm.s32 @!p0 $0x2B00;
	[sflag:s5] =	ssyncset.done $0x0;
	s1 =	sshrl.u32 @!p0 s1, $0x3  }
0xde: {  	[sflag:s5] =	ssyncadd.s32 $0xFFFFE780;
	s2 =	simm.s32 @!p0 $0x0;
	s1 =	sadd.s32 @!p0 s3, s1  }
0xdf: {  	[tilespmem:s4], [sflag:$0x1] =	stream.linear.gather @!p0 [hbm4b:s1+s2], $0x1880, $0x38;
	[tilespmem:$0xDB50] =	vst v63  }
0xe0: {  	p0 =	por p0, !p1  }
0xe1: {  	_ =	swait.ge @p0 [sflag:s8], $0x3800  }
0xe2: {  	[sflag:s8] =	ssyncset.done @p0 $0x0  }
0xe3: {  	s23 =	simm.s32 $0x0;
	[sflag:s8] =	ssyncadd.s32 @p0 $0xFFFFC800  }
0xe4: {  	v3 =	vld [tilespmem:s23+$0x0];
	_ =	sdelay $0x4  }
0xe5: {  	v2 =	vadd.s32 $0x1C, v3  }
0xe6: {  	v4 =	vld [tilespmem:s23+$0x2040]  }
0xe7: {  	v5 =	vld [tilespmem:s23+$0x1580]  }
0xe8: {  	v1 =	vld [tilespmem:s23+$0xAC0]  }
0xe9: {  	v6 =	vld.idx.msk [tilespmem:v3+s30+$0x0], $0xffff  }
0xea: {  	v7 =	vld.idx.msk [tilespmem:v2+s30+$0x0], $0xffff;
	_ =	sdelay $0x1  }
0xeb: {  	v8 =	vand.u32 $0xFFFFFFF8, v4;
	v5 =	vshll.u32 v5, $0x5  }
0xec: {  	v4 =	vand.u32 $0x7, v4;
	v5 =	vadd.s32 v5, v8;
	v2 =	vsub.f32 $1.000000000e+00, v1  }
0xed: {  	v5 =	vor.u32 v4, v5  }
0xee: {  	v4 =	vmul.f32 v6, v2;
	v6 =	vmul.f32 v7, v1;
	v7 =	vadd.s32 $0x310, v3  }
0xef: {  	v52 =	vadd.s32 $0x32C, v3  }
0xf0: {  	v4 =	vadd.f32 v6, v4;
	_ =	sdelay $0x1  }
0xf1: {  	[tilespmem:v5+s6+$0x0] =	vst.idx.msk $0xffff, v4  }
0xf2: {  	v4 =	vld.idx.msk [tilespmem:v7+s30+$0x0], $0xffff  }
0xf3: {  	v6 =	vld.idx.msk [tilespmem:v52+s30+$0x0], $0xffff;
	_ =	sdelay $0x3  }
0xf4: {  	v7 =	vadd.s32 $0x700, v5  }
0xf5: {  	v53 =	vadd.s32 $0x620, v3;
	v4 =	vmul.f32 v4, v2;
	v6 =	vmul.f32 v6, v1  }
0xf6: {  	v9 =	vadd.s32 $0x63C, v3  }
0xf7: {  	v4 =	vadd.f32 v6, v4;
	_ =	sdelay $0x1  }
0xf8: {  	[tilespmem:v7+s6+$0x0] =	vst.idx.msk $0xffff, v4  }
0xf9: {  	v4 =	vld.idx.msk [tilespmem:v53+s30+$0x0], $0xffff  }
0xfa: {  	v6 =	vld.idx.msk [tilespmem:v9+s30+$0x0], $0xffff;
	_ =	sdelay $0x3  }
0xfb: {  	v7 =	vadd.s32 $0xE00, v5  }
0xfc: {  	v54 =	vadd.s32 $0x930, v3;
	v4 =	vmul.f32 v4, v2;
	v6 =	vmul.f32 v6, v1  }
0xfd: {  	v55 =	vadd.s32 $0x94C, v3  }
0xfe: {  	v4 =	vadd.f32 v6, v4;
	_ =	sdelay $0x1  }
0xff: {  	[tilespmem:v7+s6+$0x0] =	vst.idx.msk $0xffff, v4  }
0x100: {  	v4 =	vld.idx.msk [tilespmem:v54+s30+$0x0], $0xffff  }
0x101: {  	v6 =	vld.idx.msk [tilespmem:v55+s30+$0x0], $0xffff;
	_ =	sdelay $0x3  }
0x102: {  	v7 =	vadd.s32 $0x1500, v5  }
0x103: {  	v56 =	vadd.s32 $0xC40, v3;
	v4 =	vmul.f32 v4, v2;
	v6 =	vmul.f32 v6, v1  }
0x104: {  	v57 =	vadd.s32 $0xC5C, v3  }
0x105: {  	v4 =	vadd.f32 v6, v4;
	_ =	sdelay $0x1  }
0x106: {  	[tilespmem:v7+s6+$0x0] =	vst.idx.msk $0xffff, v4  }
0x107: {  	v4 =	vld.idx.msk [tilespmem:v56+s30+$0x0], $0xffff  }
0x108: {  	v6 =	vld.idx.msk [tilespmem:v57+s30+$0x0], $0xffff;
	_ =	sdelay $0x3  }
0x109: {  	v7 =	vadd.s32 $0x1C00, v5  }
0x10a: {  	v58 =	vadd.s32 $0xF50, v3;
	v4 =	vmul.f32 v4, v2;
	v6 =	vmul.f32 v6, v1  }
0x10b: {  	v59 =	vadd.s32 $0xF6C, v3  }
0x10c: {  	v4 =	vadd.f32 v6, v4;
	_ =	sdelay $0x1  }
0x10d: {  	[tilespmem:v7+s6+$0x0] =	vst.idx.msk $0xffff, v4  }
0x10e: {  	v4 =	vld.idx.msk [tilespmem:v58+s30+$0x0], $0xffff  }
0x10f: {  	v6 =	vld.idx.msk [tilespmem:v59+s30+$0x0], $0xffff;
	_ =	sdelay $0x3  }
0x110: {  	v7 =	vadd.s32 $0x2300, v5  }
0x111: {  	v60 =	vadd.s32 $0x1260, v3;
	v4 =	vmul.f32 v4, v2;
	v6 =	vmul.f32 v6, v1  }
0x112: {  	v61 =	vadd.s32 $0x127C, v3  }
0x113: {  	v4 =	vadd.f32 v6, v4;
	_ =	sdelay $0x1  }
0x114: {  	[tilespmem:v7+s6+$0x0] =	vst.idx.msk $0xffff, v4  }
0x115: {  	v4 =	vld.idx.msk [tilespmem:v60+s30+$0x0], $0xffff  }
0x116: {  	v6 =	vld.idx.msk [tilespmem:v61+s30+$0x0], $0xffff;
	_ =	sdelay $0x3  }
0x117: {  	v7 =	vadd.s32 $0x2A00, v5  }
0x118: {  	v62 =	vadd.s32 $0x1570, v3;
	v4 =	vmul.f32 v4, v2;
	v6 =	vmul.f32 v6, v1  }
0x119: {  	v63 =	vadd.s32 $0x158C, v3  }
0x11a: {  	v3 =	vadd.f32 v6, v4;
	_ =	sdelay $0x1  }
0x11b: {  	[tilespmem:v7+s6+$0x0] =	vst.idx.msk $0xffff, v3  }
0x11c: {  	v4 =	vld.idx.msk [tilespmem:v62+s30+$0x0], $0xffff  }
0x11d: {  	s1 =	simm.s32 $0x40;
	s23 =	smov.u32 s11;
	v3 =	vadd.s32 $0x3100, v5;
	v5 =	vld.idx.msk [tilespmem:v63+s30+$0x0], $0xffff  }
.LBB2_9:
0x11e: {  	_ = 	snop  }
0x11f: {  	p0 =	sne.s32 s1, $0x1840;
	s2 =	smov.u32 s1;
	s1 =	sadd.s32 $0x40, s1  }
0x120: {  	_ = 	snop  }
0x121: {  	v2 =	vmul.f32 v4, v2  }
0x122: {  	v1 =	vmul.f32 v5, v1;
	_ =	sdelay $0x1  }
0x123: {  	v1 =	vadd.f32 v1, v2;
	_ =	sdelay $0x1  }
0x124: {  	s2 =	sshra.s32 s2, $0x2;
	[tilespmem:v3+s6+$0x0] =	vst.idx.msk $0xffff, v1  }
0x125: {  	v3 =	vld [tilespmem:s2+$0x0];
	_ =	sdelay $0x4  }
0x126: {  	v2 =	vadd.s32 $0x1C, v3  }
0x127: {  	v1 =	vld [tilespmem:s2+$0xAC0]  }
0x128: {  	v4 =	vld [tilespmem:s2+$0x2040]  }
0x129: {  	v5 =	vld [tilespmem:s2+$0x1580]  }
0x12a: {  	v6 =	vld.idx.msk [tilespmem:v3+s30+$0x0], $0xffff  }
0x12b: {  	v7 =	vld.idx.msk [tilespmem:v2+s30+$0x0], $0xffff;
	_ =	sdelay $0x2  }
0x12c: {  	v8 =	vand.u32 $0xFFFFFFF8, v4;
	v5 =	vshll.u32 v5, $0x5  }
0x12d: {  	v2 =	vsub.f32 $1.000000000e+00, v1;
	v4 =	vand.u32 $0x7, v4;
	v5 =	vadd.s32 v5, v8  }
0x12e: {  	v4 =	vor.u32 v4, v5;
	v5 =	vadd.s32 $0x32C, v3  }
0x12f: {  	v6 =	vmul.f32 v6, v2;
	v8 =	vadd.s32 $0x310, v3;
	v7 =	vmul.f32 v7, v1;
	_ =	sdelay $0x1  }
0x130: {  	v6 =	vadd.f32 v7, v6;
	_ =	sdelay $0x1  }
0x131: {  	[tilespmem:v4+s6+$0x0] =	vst.idx.msk $0xffff, v6  }
0x132: {  	v6 =	vld.idx.msk [tilespmem:v8+s30+$0x0], $0xffff  }
0x133: {  	v5 =	vld.idx.msk [tilespmem:v5+s30+$0x0], $0xffff;
	_ =	sdelay $0x3  }
0x134: {  	v7 =	vadd.s32 $0x700, v4  }
0x135: {  	v6 =	vmul.f32 v6, v2  }
0x136: {  	v9 =	vadd.s32 $0x63C, v3;
	v8 =	vadd.s32 $0x620, v3;
	v5 =	vmul.f32 v5, v1;
	_ =	sdelay $0x1  }
0x137: {  	v5 =	vadd.f32 v5, v6;
	_ =	sdelay $0x1  }
0x138: {  	[tilespmem:v7+s6+$0x0] =	vst.idx.msk $0xffff, v5  }
0x139: {  	v5 =	vld.idx.msk [tilespmem:v8+s30+$0x0], $0xffff  }
0x13a: {  	v6 =	vld.idx.msk [tilespmem:v9+s30+$0x0], $0xffff;
	_ =	sdelay $0x2  }
0x13b: {  	v7 =	vadd.s32 $0xE00, v4;
	_ =	sdelay $0x1  }
0x13c: {  	v5 =	vmul.f32 v5, v2  }
0x13d: {  	v8 =	vadd.s32 $0x930, v3;
	v9 =	vadd.s32 $0x94C, v3;
	v6 =	vmul.f32 v6, v1;
	_ =	sdelay $0x1  }
0x13e: {  	v5 =	vadd.f32 v6, v5;
	_ =	sdelay $0x1  }
0x13f: {  	[tilespmem:v7+s6+$0x0] =	vst.idx.msk $0xffff, v5  }
0x140: {  	v5 =	vld.idx.msk [tilespmem:v8+s30+$0x0], $0xffff  }
0x141: {  	v6 =	vld.idx.msk [tilespmem:v9+s30+$0x0], $0xffff;
	_ =	sdelay $0x1  }
0x142: {  	v7 =	vadd.s32 $0x1500, v4;
	_ =	sdelay $0x2  }
0x143: {  	v5 =	vmul.f32 v5, v2  }
0x144: {  	v8 =	vadd.s32 $0xC40, v3;
	v9 =	vadd.s32 $0xC5C, v3;
	v6 =	vmul.f32 v6, v1;
	_ =	sdelay $0x1  }
0x145: {  	v5 =	vadd.f32 v6, v5;
	_ =	sdelay $0x1  }
0x146: {  	[tilespmem:v7+s6+$0x0] =	vst.idx.msk $0xffff, v5  }
0x147: {  	v5 =	vld.idx.msk [tilespmem:v8+s30+$0x0], $0xffff  }
0x148: {  	v6 =	vld.idx.msk [tilespmem:v9+s30+$0x0], $0xffff  }
0x149: {  	v7 =	vadd.s32 $0x1C00, v4;
	_ =	sdelay $0x3  }
0x14a: {  	v5 =	vmul.f32 v5, v2  }
0x14b: {  	v8 =	vadd.s32 $0xF50, v3;
	v9 =	vadd.s32 $0xF6C, v3;
	v6 =	vmul.f32 v6, v1;
	_ =	sdelay $0x1  }
0x14c: {  	v5 =	vadd.f32 v6, v5;
	_ =	sdelay $0x1  }
0x14d: {  	[tilespmem:v7+s6+$0x0] =	vst.idx.msk $0xffff, v5  }
0x14e: {  	v5 =	vld.idx.msk [tilespmem:v8+s30+$0x0], $0xffff  }
0x14f: {  	v7 =	vadd.s32 $0x2300, v4;
	v6 =	vld.idx.msk [tilespmem:v9+s30+$0x0], $0xffff;
	_ =	sdelay $0x4  }
0x150: {  	v5 =	vmul.f32 v5, v2  }
0x151: {  	v8 =	vadd.s32 $0x1260, v3;
	v9 =	vadd.s32 $0x127C, v3;
	v6 =	vmul.f32 v6, v1;
	_ =	sdelay $0x1  }
0x152: {  	v5 =	vadd.f32 v6, v5;
	_ =	sdelay $0x1  }
0x153: {  	[tilespmem:v7+s6+$0x0] =	vst.idx.msk $0xffff, v5  }
0x154: {  	v6 =	vadd.s32 $0x2A00, v4;
	v5 =	vld.idx.msk [tilespmem:v8+s30+$0x0], $0xffff  }
0x155: {  	v7 =	vld.idx.msk [tilespmem:v9+s30+$0x0], $0xffff;
	_ =	sdelay $0x4  }
0x156: {  	v5 =	vmul.f32 v5, v2  }
0x157: {  	v8 =	vadd.s32 $0x1570, v3;
	v9 =	vadd.s32 $0x158C, v3;
	v7 =	vmul.f32 v7, v1;
	_ =	sdelay $0x1  }
.Ltmp3:
0x158: {  	v3 =	vadd.f32 v7, v5;
	(pc) =	sbr.rel @p0 .LBB2_9-.Ltmp3, $4  }
0x159: {  	_ = 	snop  }
0x15a: {  	[tilespmem:v6+s6+$0x0] =	vst.idx.msk $0xffff, v3;
	v3 =	vadd.s32 $0x3100, v4  }
0x15b: {  	v4 =	vld.idx.msk [tilespmem:v8+s30+$0x0], $0xffff  }
0x15c: {  	v5 =	vld.idx.msk [tilespmem:v9+s30+$0x0], $0xffff  }
0x15d: {  	_ =	sdelay $0x2  }
0x15e: {  	s1 =	sshrl.u32 s7, $0x5;
	s20 =	sadd.s32 $0x1, s20  }
0x15f: {  	s2 =	sshll.u32 s22, $0x5;
	s1 =	smul.u32 $0xE000, s1;
	p0 =	sne.s32 s20, $0x3;
	v2 =	vmul.f32 v4, v2;
	v1 =	vmul.f32 v5, v1  }
.Ltmp4:
0x160: {  	s2 =	sand.u32 $0x60, s2;
	(pc) =	sbr.rel @p0 .LBB2_6-.Ltmp4, $4  }
0x161: {  	s1 =	sor.u32 s2, s1;
	v1 =	vadd.f32 v1, v2  }
0x162: {  	s1 =	sshrl.u32 s1, $0x3  }
0x163: {  	s1 =	sadd.s32 s14, s1;
	[tilespmem:v3+s6+$0x0] =	vst.idx.msk $0xffff, v1  }
0x164: {  	[hbm4b:s1+s9] =	stream.strided.scatter [tilespmem:s6], [sflag:$0x4], $0x3800, s0, s9, $0x38;
	[tilespmem:$0xDB50] =	vst v63  }
0x165: {  	s1 =	simm.s32 $0x3  }
0x166: {  	_ =	swait.ge [sflag:s1], $0x3800  }
0x167: {  	[sflag:s1] =	ssyncset.done $0x0  }
0x168: {  	[sflag:s1] =	ssyncadd.s32 $0xFFFFC800  }
0x169: {  	_ =	swait.ge [sflag:s8], $0x3800  }
0x16a: {  	[sflag:s8] =	ssyncset.done $0x0  }
0x16b: {  	s20 =	simm.s32 $0x0;
	s22 =	rddreg [dreg:$0xc];
	[sflag:s8] =	ssyncadd.s32 $0xFFFFC800  }
0x16c: {  	[tilespmem:s24], [sflag:$0x1] =	stream.linear.gather [hbm4b:s22+s20], $0x620, $0x38;
	[tilespmem:$0xDB50] =	vst v63  }
0x16d: {  	s11 =	rddreg [dreg:$0x2]  }
.LBB2_12:
0x16e: {  	s7 =	sshll.u32 s20, $0x1  }
0x16f: {  	s1 =	sadd.s32 s12, s7  }
0x170: {  	s2 =	sadd.s32 $0x1, s1  }
0x171: {  	s4 =	smulhi.u32 $0x2AAAAAAB, s2;
	_ =	sdelay $0x1  }
0x172: {  	s4 =	sshrl.u32 s4, $0x3  }
0x173: {  	s18 =	smul.u32 $0x30, s4;
	_ =	sdelay $0x1  }
0x174: {  	s4 =	smul.u32 $0x180, s4;
	s2 =	ssub.s32 s2, s18  }
0x175: {  	s2 =	sshll.u32 s2, $0x3  }
0x176: {  	s22 =	sadd.s32 s2, s4  }
0x177: {  	s2 =	smul.u32 $0xC4, s22  }
0x178: {  	_ =	swait.ge [sflag:s29], $0x620  }
0x179: {  	[sflag:s29] =	ssyncset.done $0x0;
	s2 =	sshrl.u32 s2, $0x3  }
0x17a: {  	p0 =	seq.s32 s20, $0x0;
	[sflag:s29] =	ssyncadd.s32 $0xFFFFF9E0;
	s2 =	sadd.s32 s23, s2  }
0x17b: {  	[tilespmem:s25], [sflag:$0x2] =	stream.linear.gather [hbm4b:s2+s13], $0x620, $0x38;
	[tilespmem:$0xDB50] =	vst v63  }
0x17c: {  	s2 =	simm.s32 @!p0 $0x3  }
0x17d: {  	_ =	swait.ge @!p0 [sflag:s2], $0x3800  }
0x17e: {  	[sflag:s2] =	ssyncset.done @!p0 $0x0  }
0x17f: {  	s18 =	simm.s32 $0x0;
	[sflag:s2] =	ssyncadd.s32 @!p0 $0xFFFFC800  }
0x180: {  	v3 =	vld [tilespmem:s18+$0x620];
	_ =	sdelay $0x4  }
0x181: {  	v2 =	vadd.s32 $0xE, v3  }
0x182: {  	v4 =	vld [tilespmem:s18+$0x2660]  }
0x183: {  	v5 =	vld [tilespmem:s18+$0x1BA0]  }
0x184: {  	v1 =	vld [tilespmem:s18+$0x10E0]  }
0x185: {  	v6 =	vld.idx.msk [tilespmem:v3+s24+$0x0], $0xffff  }
0x186: {  	v7 =	vld.idx.msk [tilespmem:v2+s24+$0x0], $0xffff;
	_ =	sdelay $0x1  }
0x187: {  	v8 =	vand.u32 $0xFFFFFFF8, v4;
	v5 =	vshll.u32 v5, $0x5  }
0x188: {  	v4 =	vand.u32 $0x7, v4;
	v5 =	vadd.s32 v5, v8;
	v2 =	vsub.f32 $1.000000000e+00, v1  }
0x189: {  	v5 =	vor.u32 v4, v5  }
0x18a: {  	v4 =	vmul.f32 v6, v2;
	v6 =	vmul.f32 v7, v1;
	v7 =	vadd.s32 $0xC4, v3  }
0x18b: {  	v52 =	vadd.s32 $0xD2, v3  }
0x18c: {  	v4 =	vadd.f32 v6, v4;
	_ =	sdelay $0x1  }
0x18d: {  	[tilespmem:v5+s31+$0x0] =	vst.idx.msk $0xffff, v4  }
0x18e: {  	v4 =	vld.idx.msk [tilespmem:v7+s24+$0x0], $0xffff  }
0x18f: {  	v6 =	vld.idx.msk [tilespmem:v52+s24+$0x0], $0xffff;
	_ =	sdelay $0x3  }
0x190: {  	v7 =	vadd.s32 $0x700, v5  }
0x191: {  	v53 =	vadd.s32 $0x188, v3;
	v4 =	vmul.f32 v4, v2;
	v6 =	vmul.f32 v6, v1  }
0x192: {  	v9 =	vadd.s32 $0x196, v3  }
0x193: {  	v4 =	vadd.f32 v6, v4;
	_ =	sdelay $0x1  }
0x194: {  	[tilespmem:v7+s31+$0x0] =	vst.idx.msk $0xffff, v4  }
0x195: {  	v4 =	vld.idx.msk [tilespmem:v53+s24+$0x0], $0xffff  }
0x196: {  	v6 =	vld.idx.msk [tilespmem:v9+s24+$0x0], $0xffff;
	_ =	sdelay $0x3  }
0x197: {  	v7 =	vadd.s32 $0xE00, v5  }
0x198: {  	v54 =	vadd.s32 $0x24C, v3;
	v4 =	vmul.f32 v4, v2;
	v6 =	vmul.f32 v6, v1  }
0x199: {  	v55 =	vadd.s32 $0x25A, v3  }
0x19a: {  	v4 =	vadd.f32 v6, v4;
	_ =	sdelay $0x1  }
0x19b: {  	[tilespmem:v7+s31+$0x0] =	vst.idx.msk $0xffff, v4  }
0x19c: {  	v4 =	vld.idx.msk [tilespmem:v54+s24+$0x0], $0xffff  }
0x19d: {  	v6 =	vld.idx.msk [tilespmem:v55+s24+$0x0], $0xffff;
	_ =	sdelay $0x3  }
0x19e: {  	v7 =	vadd.s32 $0x1500, v5  }
0x19f: {  	v56 =	vadd.s32 $0x310, v3;
	v4 =	vmul.f32 v4, v2;
	v6 =	vmul.f32 v6, v1  }
0x1a0: {  	v57 =	vadd.s32 $0x31E, v3  }
0x1a1: {  	v4 =	vadd.f32 v6, v4;
	_ =	sdelay $0x1  }
0x1a2: {  	[tilespmem:v7+s31+$0x0] =	vst.idx.msk $0xffff, v4  }
0x1a3: {  	v4 =	vld.idx.msk [tilespmem:v56+s24+$0x0], $0xffff  }
0x1a4: {  	v6 =	vld.idx.msk [tilespmem:v57+s24+$0x0], $0xffff;
	_ =	sdelay $0x3  }
0x1a5: {  	v7 =	vadd.s32 $0x1C00, v5  }
0x1a6: {  	v58 =	vadd.s32 $0x3D4, v3;
	v4 =	vmul.f32 v4, v2;
	v6 =	vmul.f32 v6, v1  }
0x1a7: {  	v59 =	vadd.s32 $0x3E2, v3  }
0x1a8: {  	v4 =	vadd.f32 v6, v4;
	_ =	sdelay $0x1  }
0x1a9: {  	[tilespmem:v7+s31+$0x0] =	vst.idx.msk $0xffff, v4  }
0x1aa: {  	v4 =	vld.idx.msk [tilespmem:v58+s24+$0x0], $0xffff  }
0x1ab: {  	v6 =	vld.idx.msk [tilespmem:v59+s24+$0x0], $0xffff;
	_ =	sdelay $0x3  }
0x1ac: {  	v7 =	vadd.s32 $0x2300, v5  }
0x1ad: {  	v60 =	vadd.s32 $0x498, v3;
	v4 =	vmul.f32 v4, v2;
	v6 =	vmul.f32 v6, v1  }
0x1ae: {  	v61 =	vadd.s32 $0x4A6, v3  }
0x1af: {  	v4 =	vadd.f32 v6, v4;
	_ =	sdelay $0x1  }
0x1b0: {  	[tilespmem:v7+s31+$0x0] =	vst.idx.msk $0xffff, v4  }
0x1b1: {  	v4 =	vld.idx.msk [tilespmem:v60+s24+$0x0], $0xffff  }
0x1b2: {  	v6 =	vld.idx.msk [tilespmem:v61+s24+$0x0], $0xffff;
	_ =	sdelay $0x3  }
0x1b3: {  	s4 =	smulhi.u32 $0xAAAAAAAB, s1;
	v7 =	vadd.s32 $0x2A00, v5  }
0x1b4: {  	v62 =	vadd.s32 $0x55C, v3;
	v4 =	vmul.f32 v4, v2;
	v6 =	vmul.f32 v6, v1  }
0x1b5: {  	s2 =	sshrl.u32 s4, $0x5;
	v63 =	vadd.s32 $0x56A, v3  }
0x1b6: {  	s18 =	smul.u32 $0x30, s2;
	v3 =	vadd.f32 v6, v4;
	_ =	sdelay $0x1  }
0x1b7: {  	s2 =	smul.u32 $0x180, s2;
	s1 =	ssub.s32 s1, s18;
	[tilespmem:v7+s31+$0x0] =	vst.idx.msk $0xffff, v3  }
0x1b8: {  	s1 =	sshll.u32 s1, $0x3;
	v4 =	vld.idx.msk [tilespmem:v62+s24+$0x0], $0xffff  }
0x1b9: {  	s18 =	sadd.s32 s1, s2;
	s1 =	simm.s32 $0x40;
	v3 =	vadd.s32 $0x3100, v5;
	v5 =	vld.idx.msk [tilespmem:v63+s24+$0x0], $0xffff  }
.LBB2_13:
0x1ba: {  	_ = 	snop  }
0x1bb: {  	p0 =	sne.s32 s1, $0xC00;
	s2 =	smov.u32 s1;
	s1 =	sadd.s32 $0x40, s1  }
0x1bc: {  	_ = 	snop  }
0x1bd: {  	v2 =	vmul.f32 v4, v2  }
0x1be: {  	v1 =	vmul.f32 v5, v1;
	_ =	sdelay $0x1  }
0x1bf: {  	v1 =	vadd.f32 v1, v2;
	_ =	sdelay $0x1  }
0x1c0: {  	s2 =	sshra.s32 s2, $0x2;
	[tilespmem:v3+s31+$0x0] =	vst.idx.msk $0xffff, v1  }
0x1c1: {  	v3 =	vld [tilespmem:s2+$0x620];
	_ =	sdelay $0x4  }
0x1c2: {  	v2 =	vadd.s32 $0xE, v3  }
0x1c3: {  	v1 =	vld [tilespmem:s2+$0x10E0]  }
0x1c4: {  	v4 =	vld [tilespmem:s2+$0x2660]  }
0x1c5: {  	v5 =	vld [tilespmem:s2+$0x1BA0]  }
0x1c6: {  	v6 =	vld.idx.msk [tilespmem:v3+s24+$0x0], $0xffff  }
0x1c7: {  	v7 =	vld.idx.msk [tilespmem:v2+s24+$0x0], $0xffff;
	_ =	sdelay $0x2  }
0x1c8: {  	v8 =	vand.u32 $0xFFFFFFF8, v4;
	v5 =	vshll.u32 v5, $0x5  }
0x1c9: {  	v2 =	vsub.f32 $1.000000000e+00, v1;
	v4 =	vand.u32 $0x7, v4;
	v5 =	vadd.s32 v5, v8  }
0x1ca: {  	v4 =	vor.u32 v4, v5;
	v5 =	vadd.s32 $0xD2, v3  }
0x1cb: {  	v6 =	vmul.f32 v6, v2;
	v8 =	vadd.s32 $0xC4, v3;
	v7 =	vmul.f32 v7, v1;
	_ =	sdelay $0x1  }
0x1cc: {  	v6 =	vadd.f32 v7, v6;
	_ =	sdelay $0x1  }
0x1cd: {  	[tilespmem:v4+s31+$0x0] =	vst.idx.msk $0xffff, v6  }
0x1ce: {  	v6 =	vld.idx.msk [tilespmem:v8+s24+$0x0], $0xffff  }
0x1cf: {  	v5 =	vld.idx.msk [tilespmem:v5+s24+$0x0], $0xffff;
	_ =	sdelay $0x3  }
0x1d0: {  	v7 =	vadd.s32 $0x700, v4  }
0x1d1: {  	v6 =	vmul.f32 v6, v2  }
0x1d2: {  	v9 =	vadd.s32 $0x196, v3;
	v8 =	vadd.s32 $0x188, v3;
	v5 =	vmul.f32 v5, v1;
	_ =	sdelay $0x1  }
0x1d3: {  	v5 =	vadd.f32 v5, v6;
	_ =	sdelay $0x1  }
0x1d4: {  	[tilespmem:v7+s31+$0x0] =	vst.idx.msk $0xffff, v5  }
0x1d5: {  	v5 =	vld.idx.msk [tilespmem:v8+s24+$0x0], $0xffff  }
0x1d6: {  	v6 =	vld.idx.msk [tilespmem:v9+s24+$0x0], $0xffff;
	_ =	sdelay $0x2  }
0x1d7: {  	v7 =	vadd.s32 $0xE00, v4;
	_ =	sdelay $0x1  }
0x1d8: {  	v5 =	vmul.f32 v5, v2  }
0x1d9: {  	v8 =	vadd.s32 $0x24C, v3;
	v9 =	vadd.s32 $0x25A, v3;
	v6 =	vmul.f32 v6, v1;
	_ =	sdelay $0x1  }
0x1da: {  	v5 =	vadd.f32 v6, v5;
	_ =	sdelay $0x1  }
0x1db: {  	[tilespmem:v7+s31+$0x0] =	vst.idx.msk $0xffff, v5  }
0x1dc: {  	v5 =	vld.idx.msk [tilespmem:v8+s24+$0x0], $0xffff  }
0x1dd: {  	v6 =	vld.idx.msk [tilespmem:v9+s24+$0x0], $0xffff;
	_ =	sdelay $0x1  }
0x1de: {  	v7 =	vadd.s32 $0x1500, v4;
	_ =	sdelay $0x2  }
0x1df: {  	v5 =	vmul.f32 v5, v2  }
0x1e0: {  	v8 =	vadd.s32 $0x310, v3;
	v9 =	vadd.s32 $0x31E, v3;
	v6 =	vmul.f32 v6, v1;
	_ =	sdelay $0x1  }
0x1e1: {  	v5 =	vadd.f32 v6, v5;
	_ =	sdelay $0x1  }
0x1e2: {  	[tilespmem:v7+s31+$0x0] =	vst.idx.msk $0xffff, v5  }
0x1e3: {  	v5 =	vld.idx.msk [tilespmem:v8+s24+$0x0], $0xffff  }
0x1e4: {  	v6 =	vld.idx.msk [tilespmem:v9+s24+$0x0], $0xffff  }
0x1e5: {  	v7 =	vadd.s32 $0x1C00, v4;
	_ =	sdelay $0x3  }
0x1e6: {  	v5 =	vmul.f32 v5, v2  }
0x1e7: {  	v8 =	vadd.s32 $0x3D4, v3;
	v9 =	vadd.s32 $0x3E2, v3;
	v6 =	vmul.f32 v6, v1;
	_ =	sdelay $0x1  }
0x1e8: {  	v5 =	vadd.f32 v6, v5;
	_ =	sdelay $0x1  }
0x1e9: {  	[tilespmem:v7+s31+$0x0] =	vst.idx.msk $0xffff, v5  }
0x1ea: {  	v5 =	vld.idx.msk [tilespmem:v8+s24+$0x0], $0xffff  }
0x1eb: {  	v7 =	vadd.s32 $0x2300, v4;
	v6 =	vld.idx.msk [tilespmem:v9+s24+$0x0], $0xffff;
	_ =	sdelay $0x4  }
0x1ec: {  	v5 =	vmul.f32 v5, v2  }
0x1ed: {  	v8 =	vadd.s32 $0x498, v3;
	v9 =	vadd.s32 $0x4A6, v3;
	v6 =	vmul.f32 v6, v1;
	_ =	sdelay $0x1  }
0x1ee: {  	v5 =	vadd.f32 v6, v5;
	_ =	sdelay $0x1  }
0x1ef: {  	[tilespmem:v7+s31+$0x0] =	vst.idx.msk $0xffff, v5  }
0x1f0: {  	v6 =	vadd.s32 $0x2A00, v4;
	v5 =	vld.idx.msk [tilespmem:v8+s24+$0x0], $0xffff  }
0x1f1: {  	v7 =	vld.idx.msk [tilespmem:v9+s24+$0x0], $0xffff;
	_ =	sdelay $0x4  }
0x1f2: {  	v5 =	vmul.f32 v5, v2  }
0x1f3: {  	v8 =	vadd.s32 $0x55C, v3;
	v9 =	vadd.s32 $0x56A, v3;
	v7 =	vmul.f32 v7, v1;
	_ =	sdelay $0x1  }
.Ltmp5:
0x1f4: {  	v3 =	vadd.f32 v7, v5;
	(pc) =	sbr.rel @p0 .LBB2_13-.Ltmp5, $4  }
0x1f5: {  	_ = 	snop  }
0x1f6: {  	[tilespmem:v6+s31+$0x0] =	vst.idx.msk $0xffff, v3;
	v3 =	vadd.s32 $0x3100, v4  }
0x1f7: {  	v4 =	vld.idx.msk [tilespmem:v8+s24+$0x0], $0xffff  }
0x1f8: {  	v5 =	vld.idx.msk [tilespmem:v9+s24+$0x0], $0xffff  }
0x1f9: {  	s1 =	sshra.s32 s18, $0x1F  }
0x1fa: {  	s1 =	sshrl.u32 s1, $0x1B  }
0x1fb: {  	s1 =	sadd.s32 s1, s18  }
0x1fc: {  	s2 =	sand.u32 $0xFFFFFFE0, s1  }
0x1fd: {  	p0 =	slt.s32 s18, $0x1;
	p1 =	sne.s32 s18, s2  }
0x1fe: {  	p0 =	por !p0, !p1  }
0x1ff: {  	s2 =	simm.s32 $0x1;
	p0 =	por !p0, !p0  }
0x200: {  	s1 =	sshrl.u32 s1, $0x5;
	s2 =	simm.s32 @!p0 $0x0  }
0x201: {  	s4 =	sshll.u32 s18, $0x2;
	p0 =	seq.s32 s20, $0x5;
	s1 =	ssub.s32 s1, s2  }
0x202: {  	v2 =	vmul.f32 v4, v2;
	v1 =	vmul.f32 v5, v1;
	s18 =	sadd.s32 $0x80, s4;
	s4 =	sadd.s32 @!p0 s7, s19;
	s1 =	smul.u32 $0xE000, s1  }
0x203: {  	s2 =	sand.u32 $0x60, s18;
	s7 =	smulhi.u32 @!p0 $0x2AAAAAAB, s4  }
0x204: {  	v1 =	vadd.f32 v1, v2;
	s1 =	sor.u32 s2, s1  }
0x205: {  	s2 =	sshrl.u32 @!p0 s7, $0x3;
	s1 =	sshrl.u32 s1, $0x3  }
0x206: {  	[tilespmem:v3+s31+$0x0] =	vst.idx.msk $0xffff, v1;
	s7 =	smul.u32 @!p0 $0x30, s2;
	s1 =	sadd.s32 s15, s1  }
0x207: {  	[hbm4b:s1+s9] =	stream.strided.scatter [tilespmem:s31], [sflag:$0x3], $0x3800, s0, s9, $0x38;
	[tilespmem:$0xDB50] =	vst v63  }
0x208: {  	s1 =	smul.u32 @!p0 $0x12600, s2;
	s2 =	ssub.s32 @!p0 s4, s7  }
0x209: {  	s2 =	smul.u32 @!p0 $0x620, s2;
	_ =	sdelay $0x1  }
0x20a: {  	p1 =	seq.s32 @!p0 s20, $0x0;
	_ =	swait.ge [sflag:s5], $0x620;
	s1 =	sadd.s32 @!p0 s2, s1  }
0x20b: {  	s4 =	simm.s32 @!p0 $0x5C00;
	[sflag:s5] =	ssyncset.done $0x0;
	s1 =	sshrl.u32 @!p0 s1, $0x3  }
0x20c: {  	[sflag:s5] =	ssyncadd.s32 $0xFFFFF9E0;
	s2 =	simm.s32 @!p0 $0x0;
	s1 =	sadd.s32 @!p0 s23, s1  }
0x20d: {  	[tilespmem:s4], [sflag:$0x1] =	stream.linear.gather @!p0 [hbm4b:s1+s2], $0x620, $0x38;
	[tilespmem:$0xDB50] =	vst v63  }
0x20e: {  	p0 =	por p0, !p1  }
0x20f: {  	_ =	swait.ge @p0 [sflag:s8], $0x3800  }
0x210: {  	[sflag:s8] =	ssyncset.done @p0 $0x0  }
0x211: {  	s18 =	simm.s32 $0x0;
	[sflag:s8] =	ssyncadd.s32 @p0 $0xFFFFC800  }
0x212: {  	v3 =	vld [tilespmem:s18+$0x620];
	_ =	sdelay $0x4  }
0x213: {  	v2 =	vadd.s32 $0xE, v3  }
0x214: {  	v4 =	vld [tilespmem:s18+$0x2660]  }
0x215: {  	v5 =	vld [tilespmem:s18+$0x1BA0]  }
0x216: {  	v1 =	vld [tilespmem:s18+$0x10E0]  }
0x217: {  	v6 =	vld.idx.msk [tilespmem:v3+s25+$0x0], $0xffff  }
0x218: {  	v7 =	vld.idx.msk [tilespmem:v2+s25+$0x0], $0xffff;
	_ =	sdelay $0x1  }
0x219: {  	v8 =	vand.u32 $0xFFFFFFF8, v4;
	v5 =	vshll.u32 v5, $0x5  }
0x21a: {  	v4 =	vand.u32 $0x7, v4;
	v5 =	vadd.s32 v5, v8;
	v2 =	vsub.f32 $1.000000000e+00, v1  }
0x21b: {  	v5 =	vor.u32 v4, v5  }
0x21c: {  	v4 =	vmul.f32 v6, v2;
	v6 =	vmul.f32 v7, v1;
	v7 =	vadd.s32 $0xC4, v3  }
0x21d: {  	v52 =	vadd.s32 $0xD2, v3  }
0x21e: {  	v4 =	vadd.f32 v6, v4;
	_ =	sdelay $0x1  }
0x21f: {  	[tilespmem:v5+s6+$0x0] =	vst.idx.msk $0xffff, v4  }
0x220: {  	v4 =	vld.idx.msk [tilespmem:v7+s25+$0x0], $0xffff  }
0x221: {  	v6 =	vld.idx.msk [tilespmem:v52+s25+$0x0], $0xffff;
	_ =	sdelay $0x3  }
0x222: {  	v7 =	vadd.s32 $0x700, v5  }
0x223: {  	v53 =	vadd.s32 $0x188, v3;
	v4 =	vmul.f32 v4, v2;
	v6 =	vmul.f32 v6, v1  }
0x224: {  	v9 =	vadd.s32 $0x196, v3  }
0x225: {  	v4 =	vadd.f32 v6, v4;
	_ =	sdelay $0x1  }
0x226: {  	[tilespmem:v7+s6+$0x0] =	vst.idx.msk $0xffff, v4  }
0x227: {  	v4 =	vld.idx.msk [tilespmem:v53+s25+$0x0], $0xffff  }
0x228: {  	v6 =	vld.idx.msk [tilespmem:v9+s25+$0x0], $0xffff;
	_ =	sdelay $0x3  }
0x229: {  	v7 =	vadd.s32 $0xE00, v5  }
0x22a: {  	v54 =	vadd.s32 $0x24C, v3;
	v4 =	vmul.f32 v4, v2;
	v6 =	vmul.f32 v6, v1  }
0x22b: {  	v55 =	vadd.s32 $0x25A, v3  }
0x22c: {  	v4 =	vadd.f32 v6, v4;
	_ =	sdelay $0x1  }
0x22d: {  	[tilespmem:v7+s6+$0x0] =	vst.idx.msk $0xffff, v4  }
0x22e: {  	v4 =	vld.idx.msk [tilespmem:v54+s25+$0x0], $0xffff  }
0x22f: {  	v6 =	vld.idx.msk [tilespmem:v55+s25+$0x0], $0xffff;
	_ =	sdelay $0x3  }
0x230: {  	v7 =	vadd.s32 $0x1500, v5  }
0x231: {  	v56 =	vadd.s32 $0x310, v3;
	v4 =	vmul.f32 v4, v2;
	v6 =	vmul.f32 v6, v1  }
0x232: {  	v57 =	vadd.s32 $0x31E, v3  }
0x233: {  	v4 =	vadd.f32 v6, v4;
	_ =	sdelay $0x1  }
0x234: {  	[tilespmem:v7+s6+$0x0] =	vst.idx.msk $0xffff, v4  }
0x235: {  	v4 =	vld.idx.msk [tilespmem:v56+s25+$0x0], $0xffff  }
0x236: {  	v6 =	vld.idx.msk [tilespmem:v57+s25+$0x0], $0xffff;
	_ =	sdelay $0x3  }
0x237: {  	v7 =	vadd.s32 $0x1C00, v5  }
0x238: {  	v58 =	vadd.s32 $0x3D4, v3;
	v4 =	vmul.f32 v4, v2;
	v6 =	vmul.f32 v6, v1  }
0x239: {  	v59 =	vadd.s32 $0x3E2, v3  }
0x23a: {  	v4 =	vadd.f32 v6, v4;
	_ =	sdelay $0x1  }
0x23b: {  	[tilespmem:v7+s6+$0x0] =	vst.idx.msk $0xffff, v4  }
0x23c: {  	v4 =	vld.idx.msk [tilespmem:v58+s25+$0x0], $0xffff  }
0x23d: {  	v6 =	vld.idx.msk [tilespmem:v59+s25+$0x0], $0xffff;
	_ =	sdelay $0x3  }
0x23e: {  	v7 =	vadd.s32 $0x2300, v5  }
0x23f: {  	v60 =	vadd.s32 $0x498, v3;
	v4 =	vmul.f32 v4, v2;
	v6 =	vmul.f32 v6, v1  }
0x240: {  	v61 =	vadd.s32 $0x4A6, v3  }
0x241: {  	v4 =	vadd.f32 v6, v4;
	_ =	sdelay $0x1  }
0x242: {  	[tilespmem:v7+s6+$0x0] =	vst.idx.msk $0xffff, v4  }
0x243: {  	v4 =	vld.idx.msk [tilespmem:v60+s25+$0x0], $0xffff  }
0x244: {  	v6 =	vld.idx.msk [tilespmem:v61+s25+$0x0], $0xffff;
	_ =	sdelay $0x3  }
0x245: {  	v7 =	vadd.s32 $0x2A00, v5  }
0x246: {  	v62 =	vadd.s32 $0x55C, v3;
	v4 =	vmul.f32 v4, v2;
	v6 =	vmul.f32 v6, v1  }
0x247: {  	v63 =	vadd.s32 $0x56A, v3  }
0x248: {  	v3 =	vadd.f32 v6, v4;
	_ =	sdelay $0x1  }
0x249: {  	[tilespmem:v7+s6+$0x0] =	vst.idx.msk $0xffff, v3  }
0x24a: {  	v4 =	vld.idx.msk [tilespmem:v62+s25+$0x0], $0xffff  }
0x24b: {  	s1 =	simm.s32 $0x40;
	v3 =	vadd.s32 $0x3100, v5;
	v5 =	vld.idx.msk [tilespmem:v63+s25+$0x0], $0xffff  }
.LBB2_15:
0x24c: {  	_ = 	snop  }
0x24d: {  	p0 =	sne.s32 s1, $0xC00;
	s2 =	smov.u32 s1;
	s1 =	sadd.s32 $0x40, s1  }
0x24e: {  	_ = 	snop  }
0x24f: {  	v2 =	vmul.f32 v4, v2  }
0x250: {  	v1 =	vmul.f32 v5, v1;
	_ =	sdelay $0x1  }
0x251: {  	v1 =	vadd.f32 v1, v2;
	_ =	sdelay $0x1  }
0x252: {  	s2 =	sshra.s32 s2, $0x2;
	[tilespmem:v3+s6+$0x0] =	vst.idx.msk $0xffff, v1  }
0x253: {  	v3 =	vld [tilespmem:s2+$0x620];
	_ =	sdelay $0x4  }
0x254: {  	v2 =	vadd.s32 $0xE, v3  }
0x255: {  	v1 =	vld [tilespmem:s2+$0x10E0]  }
0x256: {  	v4 =	vld [tilespmem:s2+$0x2660]  }
0x257: {  	v5 =	vld [tilespmem:s2+$0x1BA0]  }
0x258: {  	v6 =	vld.idx.msk [tilespmem:v3+s25+$0x0], $0xffff  }
0x259: {  	v7 =	vld.idx.msk [tilespmem:v2+s25+$0x0], $0xffff;
	_ =	sdelay $0x2  }
0x25a: {  	v8 =	vand.u32 $0xFFFFFFF8, v4;
	v5 =	vshll.u32 v5, $0x5  }
0x25b: {  	v2 =	vsub.f32 $1.000000000e+00, v1;
	v4 =	vand.u32 $0x7, v4;
	v5 =	vadd.s32 v5, v8  }
0x25c: {  	v4 =	vor.u32 v4, v5;
	v5 =	vadd.s32 $0xD2, v3  }
0x25d: {  	v6 =	vmul.f32 v6, v2;
	v8 =	vadd.s32 $0xC4, v3;
	v7 =	vmul.f32 v7, v1;
	_ =	sdelay $0x1  }
0x25e: {  	v6 =	vadd.f32 v7, v6;
	_ =	sdelay $0x1  }
0x25f: {  	[tilespmem:v4+s6+$0x0] =	vst.idx.msk $0xffff, v6  }
0x260: {  	v6 =	vld.idx.msk [tilespmem:v8+s25+$0x0], $0xffff  }
0x261: {  	v5 =	vld.idx.msk [tilespmem:v5+s25+$0x0], $0xffff;
	_ =	sdelay $0x3  }
0x262: {  	v7 =	vadd.s32 $0x700, v4  }
0x263: {  	v6 =	vmul.f32 v6, v2  }
0x264: {  	v9 =	vadd.s32 $0x196, v3;
	v8 =	vadd.s32 $0x188, v3;
	v5 =	vmul.f32 v5, v1;
	_ =	sdelay $0x1  }
0x265: {  	v5 =	vadd.f32 v5, v6;
	_ =	sdelay $0x1  }
0x266: {  	[tilespmem:v7+s6+$0x0] =	vst.idx.msk $0xffff, v5  }
0x267: {  	v5 =	vld.idx.msk [tilespmem:v8+s25+$0x0], $0xffff  }
0x268: {  	v6 =	vld.idx.msk [tilespmem:v9+s25+$0x0], $0xffff;
	_ =	sdelay $0x2  }
0x269: {  	v7 =	vadd.s32 $0xE00, v4;
	_ =	sdelay $0x1  }
0x26a: {  	v5 =	vmul.f32 v5, v2  }
0x26b: {  	v8 =	vadd.s32 $0x24C, v3;
	v9 =	vadd.s32 $0x25A, v3;
	v6 =	vmul.f32 v6, v1;
	_ =	sdelay $0x1  }
0x26c: {  	v5 =	vadd.f32 v6, v5;
	_ =	sdelay $0x1  }
0x26d: {  	[tilespmem:v7+s6+$0x0] =	vst.idx.msk $0xffff, v5  }
0x26e: {  	v5 =	vld.idx.msk [tilespmem:v8+s25+$0x0], $0xffff  }
0x26f: {  	v6 =	vld.idx.msk [tilespmem:v9+s25+$0x0], $0xffff;
	_ =	sdelay $0x1  }
0x270: {  	v7 =	vadd.s32 $0x1500, v4;
	_ =	sdelay $0x2  }
0x271: {  	v5 =	vmul.f32 v5, v2  }
0x272: {  	v8 =	vadd.s32 $0x310, v3;
	v9 =	vadd.s32 $0x31E, v3;
	v6 =	vmul.f32 v6, v1;
	_ =	sdelay $0x1  }
0x273: {  	v5 =	vadd.f32 v6, v5;
	_ =	sdelay $0x1  }
0x274: {  	[tilespmem:v7+s6+$0x0] =	vst.idx.msk $0xffff, v5  }
0x275: {  	v5 =	vld.idx.msk [tilespmem:v8+s25+$0x0], $0xffff  }
0x276: {  	v6 =	vld.idx.msk [tilespmem:v9+s25+$0x0], $0xffff  }
0x277: {  	v7 =	vadd.s32 $0x1C00, v4;
	_ =	sdelay $0x3  }
0x278: {  	v5 =	vmul.f32 v5, v2  }
0x279: {  	v8 =	vadd.s32 $0x3D4, v3;
	v9 =	vadd.s32 $0x3E2, v3;
	v6 =	vmul.f32 v6, v1;
	_ =	sdelay $0x1  }
0x27a: {  	v5 =	vadd.f32 v6, v5;
	_ =	sdelay $0x1  }
0x27b: {  	[tilespmem:v7+s6+$0x0] =	vst.idx.msk $0xffff, v5  }
0x27c: {  	v5 =	vld.idx.msk [tilespmem:v8+s25+$0x0], $0xffff  }
0x27d: {  	v7 =	vadd.s32 $0x2300, v4;
	v6 =	vld.idx.msk [tilespmem:v9+s25+$0x0], $0xffff;
	_ =	sdelay $0x4  }
0x27e: {  	v5 =	vmul.f32 v5, v2  }
0x27f: {  	v8 =	vadd.s32 $0x498, v3;
	v9 =	vadd.s32 $0x4A6, v3;
	v6 =	vmul.f32 v6, v1;
	_ =	sdelay $0x1  }
0x280: {  	v5 =	vadd.f32 v6, v5;
	_ =	sdelay $0x1  }
0x281: {  	[tilespmem:v7+s6+$0x0] =	vst.idx.msk $0xffff, v5  }
0x282: {  	v6 =	vadd.s32 $0x2A00, v4;
	v5 =	vld.idx.msk [tilespmem:v8+s25+$0x0], $0xffff  }
0x283: {  	v7 =	vld.idx.msk [tilespmem:v9+s25+$0x0], $0xffff;
	_ =	sdelay $0x4  }
0x284: {  	v5 =	vmul.f32 v5, v2  }
0x285: {  	v8 =	vadd.s32 $0x55C, v3;
	v9 =	vadd.s32 $0x56A, v3;
	v7 =	vmul.f32 v7, v1;
	_ =	sdelay $0x1  }
.Ltmp6:
0x286: {  	v3 =	vadd.f32 v7, v5;
	(pc) =	sbr.rel @p0 .LBB2_15-.Ltmp6, $4  }
0x287: {  	_ = 	snop  }
0x288: {  	[tilespmem:v6+s6+$0x0] =	vst.idx.msk $0xffff, v3;
	v3 =	vadd.s32 $0x3100, v4  }
0x289: {  	v4 =	vld.idx.msk [tilespmem:v8+s25+$0x0], $0xffff  }
0x28a: {  	v5 =	vld.idx.msk [tilespmem:v9+s25+$0x0], $0xffff  }
0x28b: {  	s1 =	sshra.s32 s22, $0x1F  }
0x28c: {  	s1 =	sshrl.u32 s1, $0x1B  }
0x28d: {  	p0 =	slt.s32 s22, $0x1;
	s2 =	simm.s32 $0x1;
	s1 =	sadd.s32 s1, s22  }
0x28e: {  	s2 =	simm.s32 @!p0 $0x0;
	s1 =	sshrl.u32 s1, $0x5  }
0x28f: {  	s20 =	sadd.s32 $0x1, s20;
	s1 =	ssub.s32 s1, s2  }
0x290: {  	p0 =	sne.s32 s20, $0x6;
	s22 =	sshll.u32 s22, $0x2;
	v2 =	vmul.f32 v4, v2;
	v1 =	vmul.f32 v5, v1;
	s1 =	smul.u32 $0xE000, s1  }
.Ltmp7:
0x291: {  	s2 =	sand.u32 $0x60, s22;
	(pc) =	sbr.rel @p0 .LBB2_12-.Ltmp7, $4  }
0x292: {  	v1 =	vadd.f32 v1, v2;
	s1 =	sor.u32 s2, s1  }
0x293: {  	s1 =	sshrl.u32 s1, $0x3  }
0x294: {  	[tilespmem:v3+s6+$0x0] =	vst.idx.msk $0xffff, v1;
	s1 =	sadd.s32 s15, s1  }
0x295: {  	[hbm4b:s1+s9] =	stream.strided.scatter [tilespmem:s6], [sflag:$0x4], $0x3800, s0, s9, $0x38;
	[tilespmem:$0xDB50] =	vst v63  }
0x296: {  	s1 =	simm.s32 $0x3  }
0x297: {  	_ =	swait.ge [sflag:s1], $0x3800  }
0x298: {  	[sflag:s1] =	ssyncset.done $0x0  }
0x299: {  	[sflag:s1] =	ssyncadd.s32 $0xFFFFC800  }
0x29a: {  	_ =	swait.ge [sflag:s8], $0x3800  }
0x29b: {  	[sflag:s8] =	ssyncset.done $0x0  }
0x29c: {  	s20 =	simm.s32 $0x0;
	s22 =	rddreg [dreg:$0xd];
	[sflag:s8] =	ssyncadd.s32 $0xFFFFC800  }
0x29d: {  	[tilespmem:s26], [sflag:$0x1] =	stream.linear.gather [hbm4b:s22+s20], $0x188, $0x38;
	[tilespmem:$0xDB50] =	vst v63  }
.LBB2_18:
0x29e: {  	s7 =	sshll.u32 s20, $0x1  }
0x29f: {  	s1 =	sadd.s32 s17, s7  }
0x2a0: {  	s2 =	sadd.s32 $0x1, s1  }
0x2a1: {  	s4 =	smulhi.u32 $0x2AAAAAAB, s2;
	_ =	sdelay $0x1  }
0x2a2: {  	s4 =	sshrl.u32 s4, $0x4  }
0x2a3: {  	s18 =	smul.u32 $0x60, s4;
	_ =	sdelay $0x1  }
0x2a4: {  	s4 =	smul.u32 $0x300, s4;
	s2 =	ssub.s32 s2, s18  }
0x2a5: {  	s2 =	sshll.u32 s2, $0x3  }
0x2a6: {  	s22 =	sadd.s32 s2, s4  }
0x2a7: {  	s2 =	smul.u32 $0x31, s22  }
0x2a8: {  	_ =	swait.ge [sflag:s29], $0x188  }
0x2a9: {  	[sflag:s29] =	ssyncset.done $0x0;
	s2 =	sshrl.u32 s2, $0x3  }
0x2aa: {  	p0 =	seq.s32 s20, $0x0;
	[sflag:s29] =	ssyncadd.s32 $0xFFFFFE78;
	s2 =	sadd.s32 s11, s2  }
0x2ab: {  	[tilespmem:s16], [sflag:$0x2] =	stream.linear.gather [hbm4b:s2+s13], $0x188, $0x38;
	[tilespmem:$0xDB50] =	vst v63  }
0x2ac: {  	s2 =	simm.s32 @!p0 $0x3  }
0x2ad: {  	_ =	swait.ge @!p0 [sflag:s2], $0x3800  }
0x2ae: {  	[sflag:s2] =	ssyncset.done @!p0 $0x0  }
0x2af: {  	s18 =	simm.s32 $0x0;
	[sflag:s2] =	ssyncadd.s32 @!p0 $0xFFFFC800  }
0x2b0: {  	v3 =	vld [tilespmem:s18+$0x930];
	_ =	sdelay $0x4  }
0x2b1: {  	v2 =	vadd.s32 $0x7, v3  }
0x2b2: {  	v4 =	vld [tilespmem:s18+$0x2970]  }
0x2b3: {  	v5 =	vld [tilespmem:s18+$0x1EB0]  }
0x2b4: {  	v1 =	vld [tilespmem:s18+$0x13F0]  }
0x2b5: {  	v6 =	vld.idx.msk [tilespmem:v3+s26+$0x0], $0xffff  }
0x2b6: {  	v7 =	vld.idx.msk [tilespmem:v2+s26+$0x0], $0xffff;
	_ =	sdelay $0x1  }
0x2b7: {  	v8 =	vand.u32 $0xFFFFFFF8, v4;
	v5 =	vshll.u32 v5, $0x5  }
0x2b8: {  	v4 =	vand.u32 $0x7, v4;
	v5 =	vadd.s32 v5, v8;
	v2 =	vsub.f32 $1.000000000e+00, v1  }
0x2b9: {  	v5 =	vor.u32 v4, v5  }
0x2ba: {  	v4 =	vmul.f32 v6, v2;
	v6 =	vmul.f32 v7, v1;
	v7 =	vadd.s32 $0x31, v3  }
0x2bb: {  	v52 =	vadd.s32 $0x38, v3  }
0x2bc: {  	v4 =	vadd.f32 v6, v4;
	_ =	sdelay $0x1  }
0x2bd: {  	[tilespmem:v5+s31+$0x0] =	vst.idx.msk $0xffff, v4  }
0x2be: {  	v4 =	vld.idx.msk [tilespmem:v7+s26+$0x0], $0xffff  }
0x2bf: {  	v6 =	vld.idx.msk [tilespmem:v52+s26+$0x0], $0xffff;
	_ =	sdelay $0x3  }
0x2c0: {  	v7 =	vadd.s32 $0x700, v5  }
0x2c1: {  	v53 =	vadd.s32 $0x62, v3;
	v4 =	vmul.f32 v4, v2;
	v6 =	vmul.f32 v6, v1  }
0x2c2: {  	v9 =	vadd.s32 $0x69, v3  }
0x2c3: {  	v4 =	vadd.f32 v6, v4;
	_ =	sdelay $0x1  }
0x2c4: {  	[tilespmem:v7+s31+$0x0] =	vst.idx.msk $0xffff, v4  }
0x2c5: {  	v4 =	vld.idx.msk [tilespmem:v53+s26+$0x0], $0xffff  }
0x2c6: {  	v6 =	vld.idx.msk [tilespmem:v9+s26+$0x0], $0xffff;
	_ =	sdelay $0x3  }
0x2c7: {  	v7 =	vadd.s32 $0xE00, v5  }
0x2c8: {  	v54 =	vadd.s32 $0x93, v3;
	v4 =	vmul.f32 v4, v2;
	v6 =	vmul.f32 v6, v1  }
0x2c9: {  	v55 =	vadd.s32 $0x9A, v3  }
0x2ca: {  	v4 =	vadd.f32 v6, v4;
	_ =	sdelay $0x1  }
0x2cb: {  	[tilespmem:v7+s31+$0x0] =	vst.idx.msk $0xffff, v4  }
0x2cc: {  	v4 =	vld.idx.msk [tilespmem:v54+s26+$0x0], $0xffff  }
0x2cd: {  	v6 =	vld.idx.msk [tilespmem:v55+s26+$0x0], $0xffff;
	_ =	sdelay $0x3  }
0x2ce: {  	v7 =	vadd.s32 $0x1500, v5  }
0x2cf: {  	v56 =	vadd.s32 $0xC4, v3;
	v4 =	vmul.f32 v4, v2;
	v6 =	vmul.f32 v6, v1  }
0x2d0: {  	v57 =	vadd.s32 $0xCB, v3  }
0x2d1: {  	v4 =	vadd.f32 v6, v4;
	_ =	sdelay $0x1  }
0x2d2: {  	[tilespmem:v7+s31+$0x0] =	vst.idx.msk $0xffff, v4  }
0x2d3: {  	v4 =	vld.idx.msk [tilespmem:v56+s26+$0x0], $0xffff  }
0x2d4: {  	v6 =	vld.idx.msk [tilespmem:v57+s26+$0x0], $0xffff;
	_ =	sdelay $0x3  }
0x2d5: {  	v7 =	vadd.s32 $0x1C00, v5  }
0x2d6: {  	v58 =	vadd.s32 $0xF5, v3;
	v4 =	vmul.f32 v4, v2;
	v6 =	vmul.f32 v6, v1  }
0x2d7: {  	v59 =	vadd.s32 $0xFC, v3  }
0x2d8: {  	v4 =	vadd.f32 v6, v4;
	_ =	sdelay $0x1  }
0x2d9: {  	[tilespmem:v7+s31+$0x0] =	vst.idx.msk $0xffff, v4  }
0x2da: {  	v4 =	vld.idx.msk [tilespmem:v58+s26+$0x0], $0xffff  }
0x2db: {  	v6 =	vld.idx.msk [tilespmem:v59+s26+$0x0], $0xffff;
	_ =	sdelay $0x3  }
0x2dc: {  	v7 =	vadd.s32 $0x2300, v5  }
0x2dd: {  	v60 =	vadd.s32 $0x126, v3;
	v4 =	vmul.f32 v4, v2;
	v6 =	vmul.f32 v6, v1  }
0x2de: {  	v61 =	vadd.s32 $0x12D, v3  }
0x2df: {  	v4 =	vadd.f32 v6, v4;
	_ =	sdelay $0x1  }
0x2e0: {  	[tilespmem:v7+s31+$0x0] =	vst.idx.msk $0xffff, v4  }
0x2e1: {  	v4 =	vld.idx.msk [tilespmem:v60+s26+$0x0], $0xffff  }
0x2e2: {  	v6 =	vld.idx.msk [tilespmem:v61+s26+$0x0], $0xffff;
	_ =	sdelay $0x3  }
0x2e3: {  	s4 =	smulhi.u32 $0xAAAAAAAB, s1;
	v7 =	vadd.s32 $0x2A00, v5  }
0x2e4: {  	v62 =	vadd.s32 $0x157, v3;
	v4 =	vmul.f32 v4, v2;
	v6 =	vmul.f32 v6, v1  }
0x2e5: {  	s2 =	sshrl.u32 s4, $0x6;
	v63 =	vadd.s32 $0x15E, v3  }
0x2e6: {  	s18 =	smul.u32 $0x60, s2;
	v3 =	vadd.f32 v6, v4;
	_ =	sdelay $0x1  }
0x2e7: {  	s2 =	smul.u32 $0x300, s2;
	s1 =	ssub.s32 s1, s18;
	[tilespmem:v7+s31+$0x0] =	vst.idx.msk $0xffff, v3  }
0x2e8: {  	s1 =	sshll.u32 s1, $0x3;
	v4 =	vld.idx.msk [tilespmem:v62+s26+$0x0], $0xffff  }
0x2e9: {  	s18 =	sadd.s32 s1, s2;
	s1 =	simm.s32 $0x40;
	v3 =	vadd.s32 $0x3100, v5;
	v5 =	vld.idx.msk [tilespmem:v63+s26+$0x0], $0xffff  }
.LBB2_19:
0x2ea: {  	_ = 	snop  }
0x2eb: {  	p0 =	sne.s32 s1, $0x600;
	s2 =	smov.u32 s1;
	s1 =	sadd.s32 $0x40, s1  }
0x2ec: {  	_ = 	snop  }
0x2ed: {  	v2 =	vmul.f32 v4, v2  }
0x2ee: {  	v1 =	vmul.f32 v5, v1;
	_ =	sdelay $0x1  }
0x2ef: {  	v1 =	vadd.f32 v1, v2;
	_ =	sdelay $0x1  }
0x2f0: {  	s2 =	sshra.s32 s2, $0x2;
	[tilespmem:v3+s31+$0x0] =	vst.idx.msk $0xffff, v1  }
0x2f1: {  	v3 =	vld [tilespmem:s2+$0x930];
	_ =	sdelay $0x4  }
0x2f2: {  	v2 =	vadd.s32 $0x7, v3  }
0x2f3: {  	v1 =	vld [tilespmem:s2+$0x13F0]  }
0x2f4: {  	v4 =	vld [tilespmem:s2+$0x2970]  }
0x2f5: {  	v5 =	vld [tilespmem:s2+$0x1EB0]  }
0x2f6: {  	v6 =	vld.idx.msk [tilespmem:v3+s26+$0x0], $0xffff  }
0x2f7: {  	v7 =	vld.idx.msk [tilespmem:v2+s26+$0x0], $0xffff;
	_ =	sdelay $0x2  }
0x2f8: {  	v8 =	vand.u32 $0xFFFFFFF8, v4;
	v5 =	vshll.u32 v5, $0x5  }
0x2f9: {  	v2 =	vsub.f32 $1.000000000e+00, v1;
	v4 =	vand.u32 $0x7, v4;
	v5 =	vadd.s32 v5, v8  }
0x2fa: {  	v4 =	vor.u32 v4, v5;
	v5 =	vadd.s32 $0x38, v3  }
0x2fb: {  	v6 =	vmul.f32 v6, v2;
	v8 =	vadd.s32 $0x31, v3;
	v7 =	vmul.f32 v7, v1;
	_ =	sdelay $0x1  }
0x2fc: {  	v6 =	vadd.f32 v7, v6;
	_ =	sdelay $0x1  }
0x2fd: {  	[tilespmem:v4+s31+$0x0] =	vst.idx.msk $0xffff, v6  }
0x2fe: {  	v6 =	vld.idx.msk [tilespmem:v8+s26+$0x0], $0xffff  }
0x2ff: {  	v5 =	vld.idx.msk [tilespmem:v5+s26+$0x0], $0xffff;
	_ =	sdelay $0x3  }
0x300: {  	v7 =	vadd.s32 $0x700, v4  }
0x301: {  	v6 =	vmul.f32 v6, v2  }
0x302: {  	v9 =	vadd.s32 $0x69, v3;
	v8 =	vadd.s32 $0x62, v3;
	v5 =	vmul.f32 v5, v1;
	_ =	sdelay $0x1  }
0x303: {  	v5 =	vadd.f32 v5, v6;
	_ =	sdelay $0x1  }
0x304: {  	[tilespmem:v7+s31+$0x0] =	vst.idx.msk $0xffff, v5  }
0x305: {  	v5 =	vld.idx.msk [tilespmem:v8+s26+$0x0], $0xffff  }
0x306: {  	v6 =	vld.idx.msk [tilespmem:v9+s26+$0x0], $0xffff;
	_ =	sdelay $0x2  }
0x307: {  	v7 =	vadd.s32 $0xE00, v4;
	_ =	sdelay $0x1  }
0x308: {  	v5 =	vmul.f32 v5, v2  }
0x309: {  	v8 =	vadd.s32 $0x93, v3;
	v9 =	vadd.s32 $0x9A, v3;
	v6 =	vmul.f32 v6, v1;
	_ =	sdelay $0x1  }
0x30a: {  	v5 =	vadd.f32 v6, v5;
	_ =	sdelay $0x1  }
0x30b: {  	[tilespmem:v7+s31+$0x0] =	vst.idx.msk $0xffff, v5  }
0x30c: {  	v5 =	vld.idx.msk [tilespmem:v8+s26+$0x0], $0xffff  }
0x30d: {  	v6 =	vld.idx.msk [tilespmem:v9+s26+$0x0], $0xffff;
	_ =	sdelay $0x1  }
0x30e: {  	v7 =	vadd.s32 $0x1500, v4;
	_ =	sdelay $0x2  }
0x30f: {  	v5 =	vmul.f32 v5, v2  }
0x310: {  	v8 =	vadd.s32 $0xC4, v3;
	v9 =	vadd.s32 $0xCB, v3;
	v6 =	vmul.f32 v6, v1;
	_ =	sdelay $0x1  }
0x311: {  	v5 =	vadd.f32 v6, v5;
	_ =	sdelay $0x1  }
0x312: {  	[tilespmem:v7+s31+$0x0] =	vst.idx.msk $0xffff, v5  }
0x313: {  	v5 =	vld.idx.msk [tilespmem:v8+s26+$0x0], $0xffff  }
0x314: {  	v6 =	vld.idx.msk [tilespmem:v9+s26+$0x0], $0xffff  }
0x315: {  	v7 =	vadd.s32 $0x1C00, v4;
	_ =	sdelay $0x3  }
0x316: {  	v5 =	vmul.f32 v5, v2  }
0x317: {  	v8 =	vadd.s32 $0xF5, v3;
	v9 =	vadd.s32 $0xFC, v3;
	v6 =	vmul.f32 v6, v1;
	_ =	sdelay $0x1  }
0x318: {  	v5 =	vadd.f32 v6, v5;
	_ =	sdelay $0x1  }
0x319: {  	[tilespmem:v7+s31+$0x0] =	vst.idx.msk $0xffff, v5  }
0x31a: {  	v5 =	vld.idx.msk [tilespmem:v8+s26+$0x0], $0xffff  }
0x31b: {  	v7 =	vadd.s32 $0x2300, v4;
	v6 =	vld.idx.msk [tilespmem:v9+s26+$0x0], $0xffff;
	_ =	sdelay $0x4  }
0x31c: {  	v5 =	vmul.f32 v5, v2  }
0x31d: {  	v8 =	vadd.s32 $0x126, v3;
	v9 =	vadd.s32 $0x12D, v3;
	v6 =	vmul.f32 v6, v1;
	_ =	sdelay $0x1  }
0x31e: {  	v5 =	vadd.f32 v6, v5;
	_ =	sdelay $0x1  }
0x31f: {  	[tilespmem:v7+s31+$0x0] =	vst.idx.msk $0xffff, v5  }
0x320: {  	v6 =	vadd.s32 $0x2A00, v4;
	v5 =	vld.idx.msk [tilespmem:v8+s26+$0x0], $0xffff  }
0x321: {  	v7 =	vld.idx.msk [tilespmem:v9+s26+$0x0], $0xffff;
	_ =	sdelay $0x4  }
0x322: {  	v5 =	vmul.f32 v5, v2  }
0x323: {  	v8 =	vadd.s32 $0x157, v3;
	v9 =	vadd.s32 $0x15E, v3;
	v7 =	vmul.f32 v7, v1;
	_ =	sdelay $0x1  }
.Ltmp8:
0x324: {  	v3 =	vadd.f32 v7, v5;
	(pc) =	sbr.rel @p0 .LBB2_19-.Ltmp8, $4  }
0x325: {  	_ = 	snop  }
0x326: {  	[tilespmem:v6+s31+$0x0] =	vst.idx.msk $0xffff, v3;
	v3 =	vadd.s32 $0x3100, v4  }
0x327: {  	v4 =	vld.idx.msk [tilespmem:v8+s26+$0x0], $0xffff  }
0x328: {  	v5 =	vld.idx.msk [tilespmem:v9+s26+$0x0], $0xffff  }
0x329: {  	s1 =	sshra.s32 s18, $0x1F  }
0x32a: {  	s1 =	sshrl.u32 s1, $0x1B  }
0x32b: {  	s1 =	sadd.s32 s1, s18  }
0x32c: {  	s2 =	sand.u32 $0xFFFFFFE0, s1  }
0x32d: {  	p0 =	slt.s32 s18, $0x1;
	p1 =	sne.s32 s18, s2  }
0x32e: {  	p0 =	por !p0, !p1  }
0x32f: {  	s2 =	simm.s32 $0x1;
	p0 =	por !p0, !p0  }
0x330: {  	s1 =	sshrl.u32 s1, $0x5;
	s2 =	simm.s32 @!p0 $0x0  }
0x331: {  	s4 =	sshll.u32 s18, $0x2;
	p0 =	seq.s32 s20, $0xB;
	s1 =	ssub.s32 s1, s2  }
0x332: {  	v2 =	vmul.f32 v4, v2;
	v1 =	vmul.f32 v5, v1;
	s18 =	sadd.s32 $0x80, s4;
	s4 =	sadd.s32 @!p0 s7, s21;
	s1 =	smul.u32 $0xE000, s1  }
0x333: {  	s2 =	sand.u32 $0x60, s18;
	s7 =	smulhi.u32 @!p0 $0x2AAAAAAB, s4  }
0x334: {  	v1 =	vadd.f32 v1, v2;
	s1 =	sor.u32 s2, s1  }
0x335: {  	s18 =	rddreg [dreg:$0x8];
	s2 =	sshrl.u32 @!p0 s7, $0x4;
	s1 =	sshrl.u32 s1, $0x3  }
0x336: {  	[tilespmem:v3+s31+$0x0] =	vst.idx.msk $0xffff, v1;
	s7 =	smul.u32 @!p0 $0x60, s2;
	s1 =	sadd.s32 s18, s1  }
0x337: {  	[hbm4b:s1+s9] =	stream.strided.scatter [tilespmem:s31], [sflag:$0x3], $0x3800, s0, s9, $0x38;
	[tilespmem:$0xDB50] =	vst v63  }
0x338: {  	s1 =	smul.u32 @!p0 $0x9300, s2;
	s2 =	ssub.s32 @!p0 s4, s7  }
0x339: {  	s2 =	smul.u32 @!p0 $0x188, s2;
	_ =	sdelay $0x1  }
0x33a: {  	p1 =	seq.s32 @!p0 s20, $0x0;
	_ =	swait.ge [sflag:s5], $0x188;
	s1 =	sadd.s32 @!p0 s2, s1  }
0x33b: {  	s4 =	simm.s32 @!p0 $0x6840;
	[sflag:s5] =	ssyncset.done $0x0;
	s1 =	sshrl.u32 @!p0 s1, $0x3  }
0x33c: {  	[sflag:s5] =	ssyncadd.s32 $0xFFFFFE78;
	s2 =	simm.s32 @!p0 $0x0;
	s1 =	sadd.s32 @!p0 s11, s1  }
0x33d: {  	[tilespmem:s4], [sflag:$0x1] =	stream.linear.gather @!p0 [hbm4b:s1+s2], $0x188, $0x38;
	[tilespmem:$0xDB50] =	vst v63  }
0x33e: {  	p0 =	por p0, !p1  }
0x33f: {  	_ =	swait.ge @p0 [sflag:s8], $0x3800  }
0x340: {  	[sflag:s8] =	ssyncset.done @p0 $0x0  }
0x341: {  	s18 =	simm.s32 $0x0;
	[sflag:s8] =	ssyncadd.s32 @p0 $0xFFFFC800  }
0x342: {  	v3 =	vld [tilespmem:s18+$0x930];
	_ =	sdelay $0x4  }
0x343: {  	v2 =	vadd.s32 $0x7, v3  }
0x344: {  	v4 =	vld [tilespmem:s18+$0x2970]  }
0x345: {  	v5 =	vld [tilespmem:s18+$0x1EB0]  }
0x346: {  	v1 =	vld [tilespmem:s18+$0x13F0]  }
0x347: {  	v6 =	vld.idx.msk [tilespmem:v3+s16+$0x0], $0xffff  }
0x348: {  	v7 =	vld.idx.msk [tilespmem:v2+s16+$0x0], $0xffff;
	_ =	sdelay $0x1  }
0x349: {  	v8 =	vand.u32 $0xFFFFFFF8, v4;
	v5 =	vshll.u32 v5, $0x5  }
0x34a: {  	v4 =	vand.u32 $0x7, v4;
	v5 =	vadd.s32 v5, v8;
	v2 =	vsub.f32 $1.000000000e+00, v1  }
0x34b: {  	v5 =	vor.u32 v4, v5  }
0x34c: {  	v4 =	vmul.f32 v6, v2;
	v6 =	vmul.f32 v7, v1;
	v7 =	vadd.s32 $0x31, v3  }
0x34d: {  	v52 =	vadd.s32 $0x38, v3  }
0x34e: {  	v4 =	vadd.f32 v6, v4;
	_ =	sdelay $0x1  }
0x34f: {  	[tilespmem:v5+s6+$0x0] =	vst.idx.msk $0xffff, v4  }
0x350: {  	v4 =	vld.idx.msk [tilespmem:v7+s16+$0x0], $0xffff  }
0x351: {  	v6 =	vld.idx.msk [tilespmem:v52+s16+$0x0], $0xffff;
	_ =	sdelay $0x3  }
0x352: {  	v7 =	vadd.s32 $0x700, v5  }
0x353: {  	v53 =	vadd.s32 $0x62, v3;
	v4 =	vmul.f32 v4, v2;
	v6 =	vmul.f32 v6, v1  }
0x354: {  	v9 =	vadd.s32 $0x69, v3  }
0x355: {  	v4 =	vadd.f32 v6, v4;
	_ =	sdelay $0x1  }
0x356: {  	[tilespmem:v7+s6+$0x0] =	vst.idx.msk $0xffff, v4  }
0x357: {  	v4 =	vld.idx.msk [tilespmem:v53+s16+$0x0], $0xffff  }
0x358: {  	v6 =	vld.idx.msk [tilespmem:v9+s16+$0x0], $0xffff;
	_ =	sdelay $0x3  }
0x359: {  	v7 =	vadd.s32 $0xE00, v5  }
0x35a: {  	v54 =	vadd.s32 $0x93, v3;
	v4 =	vmul.f32 v4, v2;
	v6 =	vmul.f32 v6, v1  }
0x35b: {  	v55 =	vadd.s32 $0x9A, v3  }
0x35c: {  	v4 =	vadd.f32 v6, v4;
	_ =	sdelay $0x1  }
0x35d: {  	[tilespmem:v7+s6+$0x0] =	vst.idx.msk $0xffff, v4  }
0x35e: {  	v4 =	vld.idx.msk [tilespmem:v54+s16+$0x0], $0xffff  }
0x35f: {  	v6 =	vld.idx.msk [tilespmem:v55+s16+$0x0], $0xffff;
	_ =	sdelay $0x3  }
0x360: {  	v7 =	vadd.s32 $0x1500, v5  }
0x361: {  	v56 =	vadd.s32 $0xC4, v3;
	v4 =	vmul.f32 v4, v2;
	v6 =	vmul.f32 v6, v1  }
0x362: {  	v57 =	vadd.s32 $0xCB, v3  }
0x363: {  	v4 =	vadd.f32 v6, v4;
	_ =	sdelay $0x1  }
0x364: {  	[tilespmem:v7+s6+$0x0] =	vst.idx.msk $0xffff, v4  }
0x365: {  	v4 =	vld.idx.msk [tilespmem:v56+s16+$0x0], $0xffff  }
0x366: {  	v6 =	vld.idx.msk [tilespmem:v57+s16+$0x0], $0xffff;
	_ =	sdelay $0x3  }
0x367: {  	v7 =	vadd.s32 $0x1C00, v5  }
0x368: {  	v58 =	vadd.s32 $0xF5, v3;
	v4 =	vmul.f32 v4, v2;
	v6 =	vmul.f32 v6, v1  }
0x369: {  	v59 =	vadd.s32 $0xFC, v3  }
0x36a: {  	v4 =	vadd.f32 v6, v4;
	_ =	sdelay $0x1  }
0x36b: {  	[tilespmem:v7+s6+$0x0] =	vst.idx.msk $0xffff, v4  }
0x36c: {  	v4 =	vld.idx.msk [tilespmem:v58+s16+$0x0], $0xffff  }
0x36d: {  	v6 =	vld.idx.msk [tilespmem:v59+s16+$0x0], $0xffff;
	_ =	sdelay $0x3  }
0x36e: {  	v7 =	vadd.s32 $0x2300, v5  }
0x36f: {  	v60 =	vadd.s32 $0x126, v3;
	v4 =	vmul.f32 v4, v2;
	v6 =	vmul.f32 v6, v1  }
0x370: {  	v61 =	vadd.s32 $0x12D, v3  }
0x371: {  	v4 =	vadd.f32 v6, v4;
	_ =	sdelay $0x1  }
0x372: {  	[tilespmem:v7+s6+$0x0] =	vst.idx.msk $0xffff, v4  }
0x373: {  	v4 =	vld.idx.msk [tilespmem:v60+s16+$0x0], $0xffff  }
0x374: {  	v6 =	vld.idx.msk [tilespmem:v61+s16+$0x0], $0xffff;
	_ =	sdelay $0x3  }
0x375: {  	v7 =	vadd.s32 $0x2A00, v5  }
0x376: {  	v62 =	vadd.s32 $0x157, v3;
	v4 =	vmul.f32 v4, v2;
	v6 =	vmul.f32 v6, v1  }
0x377: {  	v63 =	vadd.s32 $0x15E, v3  }
0x378: {  	v3 =	vadd.f32 v6, v4;
	_ =	sdelay $0x1  }
0x379: {  	[tilespmem:v7+s6+$0x0] =	vst.idx.msk $0xffff, v3  }
0x37a: {  	v4 =	vld.idx.msk [tilespmem:v62+s16+$0x0], $0xffff  }
0x37b: {  	s1 =	simm.s32 $0x40;
	v3 =	vadd.s32 $0x3100, v5;
	v5 =	vld.idx.msk [tilespmem:v63+s16+$0x0], $0xffff  }
.LBB2_21:
0x37c: {  	_ = 	snop  }
0x37d: {  	p0 =	sne.s32 s1, $0x600;
	s2 =	smov.u32 s1;
	s1 =	sadd.s32 $0x40, s1  }
0x37e: {  	_ = 	snop  }
0x37f: {  	v2 =	vmul.f32 v4, v2  }
0x380: {  	v1 =	vmul.f32 v5, v1;
	_ =	sdelay $0x1  }
0x381: {  	v1 =	vadd.f32 v1, v2;
	_ =	sdelay $0x1  }
0x382: {  	s2 =	sshra.s32 s2, $0x2;
	[tilespmem:v3+s6+$0x0] =	vst.idx.msk $0xffff, v1  }
0x383: {  	v3 =	vld [tilespmem:s2+$0x930];
	_ =	sdelay $0x4  }
0x384: {  	v2 =	vadd.s32 $0x7, v3  }
0x385: {  	v1 =	vld [tilespmem:s2+$0x13F0]  }
0x386: {  	v4 =	vld [tilespmem:s2+$0x2970]  }
0x387: {  	v5 =	vld [tilespmem:s2+$0x1EB0]  }
0x388: {  	v6 =	vld.idx.msk [tilespmem:v3+s16+$0x0], $0xffff  }
0x389: {  	v7 =	vld.idx.msk [tilespmem:v2+s16+$0x0], $0xffff;
	_ =	sdelay $0x2  }
0x38a: {  	v8 =	vand.u32 $0xFFFFFFF8, v4;
	v5 =	vshll.u32 v5, $0x5  }
0x38b: {  	v2 =	vsub.f32 $1.000000000e+00, v1;
	v4 =	vand.u32 $0x7, v4;
	v5 =	vadd.s32 v5, v8  }
0x38c: {  	v4 =	vor.u32 v4, v5;
	v5 =	vadd.s32 $0x38, v3  }
0x38d: {  	v6 =	vmul.f32 v6, v2;
	v8 =	vadd.s32 $0x31, v3;
	v7 =	vmul.f32 v7, v1;
	_ =	sdelay $0x1  }
0x38e: {  	v6 =	vadd.f32 v7, v6;
	_ =	sdelay $0x1  }
0x38f: {  	[tilespmem:v4+s6+$0x0] =	vst.idx.msk $0xffff, v6  }
0x390: {  	v6 =	vld.idx.msk [tilespmem:v8+s16+$0x0], $0xffff  }
0x391: {  	v5 =	vld.idx.msk [tilespmem:v5+s16+$0x0], $0xffff;
	_ =	sdelay $0x3  }
0x392: {  	v7 =	vadd.s32 $0x700, v4  }
0x393: {  	v6 =	vmul.f32 v6, v2  }
0x394: {  	v9 =	vadd.s32 $0x69, v3;
	v8 =	vadd.s32 $0x62, v3;
	v5 =	vmul.f32 v5, v1;
	_ =	sdelay $0x1  }
0x395: {  	v5 =	vadd.f32 v5, v6;
	_ =	sdelay $0x1  }
0x396: {  	[tilespmem:v7+s6+$0x0] =	vst.idx.msk $0xffff, v5  }
0x397: {  	v5 =	vld.idx.msk [tilespmem:v8+s16+$0x0], $0xffff  }
0x398: {  	v6 =	vld.idx.msk [tilespmem:v9+s16+$0x0], $0xffff;
	_ =	sdelay $0x2  }
0x399: {  	v7 =	vadd.s32 $0xE00, v4;
	_ =	sdelay $0x1  }
0x39a: {  	v5 =	vmul.f32 v5, v2  }
0x39b: {  	v8 =	vadd.s32 $0x93, v3;
	v9 =	vadd.s32 $0x9A, v3;
	v6 =	vmul.f32 v6, v1;
	_ =	sdelay $0x1  }
0x39c: {  	v5 =	vadd.f32 v6, v5;
	_ =	sdelay $0x1  }
0x39d: {  	[tilespmem:v7+s6+$0x0] =	vst.idx.msk $0xffff, v5  }
0x39e: {  	v5 =	vld.idx.msk [tilespmem:v8+s16+$0x0], $0xffff  }
0x39f: {  	v6 =	vld.idx.msk [tilespmem:v9+s16+$0x0], $0xffff;
	_ =	sdelay $0x1  }
0x3a0: {  	v7 =	vadd.s32 $0x1500, v4;
	_ =	sdelay $0x2  }
0x3a1: {  	v5 =	vmul.f32 v5, v2  }
0x3a2: {  	v8 =	vadd.s32 $0xC4, v3;
	v9 =	vadd.s32 $0xCB, v3;
	v6 =	vmul.f32 v6, v1;
	_ =	sdelay $0x1  }
0x3a3: {  	v5 =	vadd.f32 v6, v5;
	_ =	sdelay $0x1  }
0x3a4: {  	[tilespmem:v7+s6+$0x0] =	vst.idx.msk $0xffff, v5  }
0x3a5: {  	v5 =	vld.idx.msk [tilespmem:v8+s16+$0x0], $0xffff  }
0x3a6: {  	v6 =	vld.idx.msk [tilespmem:v9+s16+$0x0], $0xffff  }
0x3a7: {  	v7 =	vadd.s32 $0x1C00, v4;
	_ =	sdelay $0x3  }
0x3a8: {  	v5 =	vmul.f32 v5, v2  }
0x3a9: {  	v8 =	vadd.s32 $0xF5, v3;
	v9 =	vadd.s32 $0xFC, v3;
	v6 =	vmul.f32 v6, v1;
	_ =	sdelay $0x1  }
0x3aa: {  	v5 =	vadd.f32 v6, v5;
	_ =	sdelay $0x1  }
0x3ab: {  	[tilespmem:v7+s6+$0x0] =	vst.idx.msk $0xffff, v5  }
0x3ac: {  	v5 =	vld.idx.msk [tilespmem:v8+s16+$0x0], $0xffff  }
0x3ad: {  	v7 =	vadd.s32 $0x2300, v4;
	v6 =	vld.idx.msk [tilespmem:v9+s16+$0x0], $0xffff;
	_ =	sdelay $0x4  }
0x3ae: {  	v5 =	vmul.f32 v5, v2  }
0x3af: {  	v8 =	vadd.s32 $0x126, v3;
	v9 =	vadd.s32 $0x12D, v3;
	v6 =	vmul.f32 v6, v1;
	_ =	sdelay $0x1  }
0x3b0: {  	v5 =	vadd.f32 v6, v5;
	_ =	sdelay $0x1  }
0x3b1: {  	[tilespmem:v7+s6+$0x0] =	vst.idx.msk $0xffff, v5  }
0x3b2: {  	v6 =	vadd.s32 $0x2A00, v4;
	v5 =	vld.idx.msk [tilespmem:v8+s16+$0x0], $0xffff  }
0x3b3: {  	v7 =	vld.idx.msk [tilespmem:v9+s16+$0x0], $0xffff;
	_ =	sdelay $0x4  }
0x3b4: {  	v5 =	vmul.f32 v5, v2  }
0x3b5: {  	v8 =	vadd.s32 $0x157, v3;
	v9 =	vadd.s32 $0x15E, v3;
	v7 =	vmul.f32 v7, v1;
	_ =	sdelay $0x1  }
.Ltmp9:
0x3b6: {  	v3 =	vadd.f32 v7, v5;
	(pc) =	sbr.rel @p0 .LBB2_21-.Ltmp9, $4  }
0x3b7: {  	_ = 	snop  }
0x3b8: {  	[tilespmem:v6+s6+$0x0] =	vst.idx.msk $0xffff, v3;
	v3 =	vadd.s32 $0x3100, v4  }
0x3b9: {  	v4 =	vld.idx.msk [tilespmem:v8+s16+$0x0], $0xffff  }
0x3ba: {  	v5 =	vld.idx.msk [tilespmem:v9+s16+$0x0], $0xffff  }
0x3bb: {  	s1 =	sshra.s32 s22, $0x1F  }
0x3bc: {  	s1 =	sshrl.u32 s1, $0x1B  }
0x3bd: {  	p0 =	slt.s32 s22, $0x1;
	s2 =	simm.s32 $0x1;
	s1 =	sadd.s32 s1, s22  }
0x3be: {  	s2 =	simm.s32 @!p0 $0x0;
	s1 =	sshrl.u32 s1, $0x5  }
0x3bf: {  	s20 =	sadd.s32 $0x1, s20;
	s1 =	ssub.s32 s1, s2  }
0x3c0: {  	s18 =	sshll.u32 s22, $0x2;
	p0 =	sne.s32 s20, $0xC;
	v2 =	vmul.f32 v4, v2;
	v1 =	vmul.f32 v5, v1;
	s1 =	smul.u32 $0xE000, s1  }
.Ltmp10:
0x3c1: {  	s2 =	sand.u32 $0x60, s18;
	(pc) =	sbr.rel @p0 .LBB2_18-.Ltmp10, $4  }
0x3c2: {  	v1 =	vadd.f32 v1, v2;
	s1 =	sor.u32 s2, s1  }
0x3c3: {  	s22 =	rddreg [dreg:$0x8];
	s1 =	sshrl.u32 s1, $0x3  }
0x3c4: {  	[tilespmem:v3+s6+$0x0] =	vst.idx.msk $0xffff, v1;
	s1 =	sadd.s32 s22, s1  }
0x3c5: {  	[hbm4b:s1+s9] =	stream.strided.scatter [tilespmem:s6], [sflag:$0x4], $0x3800, s0, s9, $0x38;
	[tilespmem:$0xDB50] =	vst v63  }
0x3c6: {  	s1 =	simm.s32 $0x3  }
0x3c7: {  	_ =	swait.ge [sflag:s1], $0x3800  }
0x3c8: {  	[sflag:s1] =	ssyncset.done $0x0  }
0x3c9: {  	[sflag:s1] =	ssyncadd.s32 $0xFFFFC800  }
0x3ca: {  	_ =	swait.ge [sflag:s8], $0x3800  }
0x3cb: {  	s2 =	rddreg [dreg:$0xf]  }
0x3cc: {  	s22 =	rddreg [dreg:$0xe];
	s2 =	sadd.s32 $0x1, s2  }
0x3cd: {  	p0 =	sne.s32 s2, s22  }
.Ltmp11:
0x3ce: {  	_ = 	snop;
	(pc) =	sbr.rel @p0 .LBB2_1-.Ltmp11, $3  }
0x3cf: {  	_ =	sdelay $0x1  }
0x3d0: {  	[sflag:s8] =	ssyncset.done $0x0  }
0x3d1: {  	[sflag:s8] =	ssyncadd.s32 $0xFFFFC800  }
0x3d2: {  	_ =	sfence.sel $0x180000  }
0x3d3: {  	[bflag:$0x0] =	sbarrier.arrive $0xFFFF  }
0x3d4: {  	_ =	strace $0x90000047  }
0x3d5: {  	s0 =	stileid.u32;
	[bflag:$0x2] =	sbarrier.arrive $0xFFFF  }
0x3d6: {  	p0 =	sne.s32 s0, $0x0;
	s0 =	rddreg [dreg:$0x9]  }
0x3d7: {  	s0 =	sadd.s32 @!p0 $0x100000, s0  }
0x3d8: {  	[sflag:s0] =	ssyncadd.tile.s32 @!p0 $0x1;
	_ =	shalt  }
.Lfunc_end2:
_tile_overlayer_lowered:
.L_overlay_start_2:
0x3d9: {  	(tag) =	ssettag $0x2  }
0x3da: {  	s0 =	rddreg [dreg:$0x0];
	s2 =	stileid.u32  }
0x3db: {  	s1 =	rddreg [dreg:$0x1];
	p0 =	sne.s32 s2, $0x0  }
0x3dc: {  	s3 =	rddreg [dreg:$0x2];
	[bflag:$0x3] =	sbarrier.arrive $0xFFFF;
	s2 =	simm.s32 @!p0 $0x1C05  }
0x3dd: {  	[timem:s3], [sflag:s2] =	dma.local @!p0 [hbm:s0], s1  }
0x3de: {  	s0 =	simm.s32 @!p0 $0x5  }
0x3df: {  	_ =	swait.ge @!p0 [sflag:s0], s1  }
0x3e0: {  	s1 =	ssub.s32 @!p0 $0x0, s1;
	[sflag:s0] =	ssyncset.done @!p0 $0x0  }
0x3e1: {  	[sflag:s0] =	ssyncadd.s32 @!p0 s1  }
0x3e2: {  	[bflag:$0x3] =	sbarrier.arrive $0xFFFF  }
0x3e3: {  	_ =	shalt  }

</sc_bundles>
